<compile_context>
chip_gen: v7x
topology: tpu7x:2x2x1
jax: 0.10.2.dev20260603
libtpu: 0.0.44.dev20260713+nightly
codegen_flags: <defaults>
</compile_context>

<pallas_src>
import functools

import jax
import jax.numpy as jnp
from jax import lax
from jax.experimental import pallas as pl
from jax.experimental.pallas import tpu as pltpu
from jax.experimental.pallas import tpu_sc as plsc

NUM_MSG = 3
D = 128
_NW = 32
_SC_CHUNK = 512
_SCT_CHUNK = 256


def _mm(a, b):
    return lax.dot_general(a, b, (((1,), (0,)), ((), ())),
                           preferred_element_type=jnp.float32)


def _full(arr):
    return pl.BlockSpec(arr.shape, lambda i: (0,) * arr.ndim)


def _row(arr, nb):
    return pl.BlockSpec((nb, arr.shape[1]), lambda i: (i, 0))



def _slab_plan(rows2):
    slab = (-(-rows2 // _NW) + 7) // 8 * 8
    full = rows2 // slab
    rem = rows2 - full * slab
    return slab, full, rem


def _sc_gather(table, idx2):
    rows2 = idx2.shape[0]
    e = rows2 * 128
    slab, full, rem = _slab_plan(rows2)
    mesh = plsc.VectorSubcoreMesh(core_axis_name="c", subcore_axis_name="s")

    @functools.partial(
        pl.kernel,
        out_type=jax.ShapeDtypeStruct((e, D), jnp.float32),
        mesh=mesh,
        scratch_types=[
            pltpu.VMEM((slab, 128), jnp.int32),
            pltpu.VMEM((_SC_CHUNK, D), jnp.float32),
            pltpu.SemaphoreType.DMA,
        ],
    )
    def k(table_hbm, idx_hbm, out_hbm, idx_v, rows_v, sem):
        w = lax.axis_index("c") * 16 + lax.axis_index("s")

        @pl.when(w < full)
        def _():
            pltpu.sync_copy(idx_hbm.at[pl.ds(w * slab, slab)], idx_v)

        if rem:
            @pl.when(w == full)
            def _():
                pltpu.sync_copy(idx_hbm.at[pl.ds(full * slab, rem)],
                                idx_v.at[pl.ds(0, rem)])

        nch = jnp.where(w < full, slab // 4,
                        jnp.where(w == full, rem // 4, 0))

        def body(kk, carry):
            eb = w * slab * 128 + kk * _SC_CHUNK
            descs = [
                pltpu.async_copy(table_hbm.at[idx_v.at[kk * 4 + j]],
                                 rows_v.at[pl.ds(j * 128, 128)], sem)
                for j in range(4)
            ]
            for dsc in descs:
                dsc.wait()
            pltpu.sync_copy(rows_v, out_hbm.at[pl.ds(eb, _SC_CHUNK)])
            return carry

        lax.fori_loop(0, nch, body, 0)

    return k(table, idx2)


def _sc_scatter(vals, idx2, zeros):
    n = zeros.shape[0]
    rows2 = idx2.shape[0]
    slab, full, rem = _slab_plan(rows2)
    rpt = (n // 16) // 8 * 8
    tail = n - 16 * rpt
    mesh = plsc.VectorSubcoreMesh(core_axis_name="c", subcore_axis_name="s")

    @functools.partial(
        pl.kernel,
        out_type=jax.ShapeDtypeStruct((2 * n, D), jnp.float32),
        mesh=mesh,
        scratch_types=[
            pltpu.VMEM_SHARED((n, D), jnp.float32),
            pltpu.VMEM((slab, 128), jnp.int32),
            pltpu.VMEM((_SCT_CHUNK, D), jnp.float32),
        ],
    )
    def k(vals_hbm, idx_hbm, zeros_hbm, out_hbm, shared, idx_v, vals_v):
        c = lax.axis_index("c")
        s = lax.axis_index("s")
        w = c * 16 + s

        pltpu.sync_copy(zeros_hbm.at[pl.ds(s * rpt, rpt)],
                        shared.at[pl.ds(s * rpt, rpt)])
        if tail:
            @pl.when(s == 15)
            def _():
                pltpu.sync_copy(zeros_hbm.at[pl.ds(16 * rpt, tail)],
                                shared.at[pl.ds(16 * rpt, tail)])
        plsc.subcore_barrier()

        @pl.when(w < full)
        def _():
            pltpu.sync_copy(idx_hbm.at[pl.ds(w * slab, slab)], idx_v)

        if rem:
            @pl.when(w == full)
            def _():
                pltpu.sync_copy(idx_hbm.at[pl.ds(full * slab, rem)],
                                idx_v.at[pl.ds(0, rem)])

        nch = jnp.where(w < full, slab // 2,
                        jnp.where(w == full, rem // 2, 0))

        def body(kk, carry):
            eb = w * slab * 128 + kk * _SCT_CHUNK
            pltpu.sync_copy(vals_hbm.at[pl.ds(eb, _SCT_CHUNK)], vals_v)
            for j in range(2):
                pltpu.sync_copy(vals_v.at[pl.ds(j * 128, 128)],
                                shared.at[idx_v.at[kk * 2 + j]], add=True)
            return carry

        lax.fori_loop(0, nch, body, 0)
        plsc.subcore_barrier()

        pltpu.sync_copy(shared.at[pl.ds(s * rpt, rpt)],
                        out_hbm.at[pl.ds(c * n + s * rpt, rpt)])
        if tail:
            @pl.when(s == 15)
            def _():
                pltpu.sync_copy(shared.at[pl.ds(16 * rpt, tail)],
                                out_hbm.at[pl.ds(c * n + 16 * rpt, tail)])

    return k(vals, idx2, zeros)



def _encode_nodes(x, gf, p, nb):
    n = x.shape[0]

    def body(x_r, gf_r, w1_r, b1_r, w2_r, b2_r, gw1_r, gb1_r, gw2_r, gb2_r,
             xe_r):
        h = jnp.maximum(_mm(x_r[...], w1_r[...]) + b1_r[...], 0.0)
        h = jnp.maximum(_mm(h, w2_r[...]) + b2_r[...], 0.0)
        g = jnp.maximum(_mm(gf_r[...], gw1_r[...]) + gb1_r[...], 0.0)
        g = _mm(g, gw2_r[...]) + gb2_r[...]
        xe_r[...] = h + g

    args = (x, gf, p['ne_W1'], p['ne_b1'].reshape(1, -1), p['ne_W2'],
            p['ne_b2'].reshape(1, -1), p['ge_W1'], p['ge_b1'].reshape(1, -1),
            p['ge_W2'], p['ge_b2'].reshape(1, -1))
    specs = [_row(x, nb)] + [_full(a) for a in args[1:]]
    return pl.pallas_call(
        body, grid=(n // nb,), in_specs=specs,
        out_shape=jax.ShapeDtypeStruct((n, D), jnp.float32),
        out_specs=pl.BlockSpec((nb, D), lambda i: (i, 0)))(*args)


def _encode_edges(ef, p, be):
    e = ef.shape[0]

    def body(ef_r, w1_r, b1_r, w2_r, b2_r, out_r):
        h = jnp.maximum(_mm(ef_r[...], w1_r[...]) + b1_r[...], 0.0)
        out_r[...] = jnp.maximum(_mm(h, w2_r[...]) + b2_r[...], 0.0)

    args = (ef, p['ee_W1'], p['ee_b1'].reshape(1, -1), p['ee_W2'],
            p['ee_b2'].reshape(1, -1))
    specs = [_row(ef, be)] + [_full(a) for a in args[1:]]
    return pl.pallas_call(
        body, grid=(e // be,), in_specs=specs,
        out_shape=jax.ShapeDtypeStruct((e, D), jnp.float32),
        out_specs=pl.BlockSpec((be, D), lambda i: (i, 0)))(*args)


def _edge_msg(h_src, e_enc, w1, b1, w2, b2, be):
    e = h_src.shape[0]

    def body(g_r, e_r, w1_r, b1_r, w2_r, b2_r, out_r):
        cat = jnp.concatenate([g_r[...], e_r[...]], axis=1)
        h = jnp.maximum(_mm(cat, w1_r[...]) + b1_r[...], 0.0)
        out_r[...] = jnp.maximum(_mm(h, w2_r[...]) + b2_r[...], 0.0)

    args = (h_src, e_enc, w1, b1.reshape(1, -1), w2, b2.reshape(1, -1))
    specs = [_row(h_src, be), _row(e_enc, be)] + [_full(a) for a in args[2:]]
    return pl.pallas_call(
        body, grid=(e // be,), in_specs=specs,
        out_shape=jax.ShapeDtypeStruct((e, D), jnp.float32),
        out_specs=pl.BlockSpec((be, D), lambda i: (i, 0)))(*args)


def _update_nodes(xe, p0, p1, w1, b1, w2, b2, nb):
    n = xe.shape[0]

    def body(xe_r, p0_r, p1_r, w1_r, b1_r, w2_r, b2_r, xn_r):
        mv = p0_r[...] + p1_r[...]
        cat = jnp.concatenate([xe_r[...], mv], axis=1)
        h = jnp.maximum(_mm(cat, w1_r[...]) + b1_r[...], 0.0)
        h = jnp.maximum(_mm(h, w2_r[...]) + b2_r[...], 0.0)
        xn_r[...] = jnp.maximum(xe_r[...] + h, 0.0)

    args = (xe, p0, p1, w1, b1.reshape(1, -1), w2, b2.reshape(1, -1))
    specs = [_row(xe, nb), _row(p0, nb), _row(p1, nb)] + [_full(a) for a in args[3:]]
    return pl.pallas_call(
        body, grid=(n // nb,), in_specs=specs,
        out_shape=jax.ShapeDtypeStruct((n, D), jnp.float32),
        out_specs=pl.BlockSpec((nb, D), lambda i: (i, 0)))(*args)


def _gru_decode(xe, mem, p, nb):
    n = xe.shape[0]
    od = p['dec_W3'].shape[1]

    def body(xe_r, mem_r, wih_r, bih_r, whh_r, bhh_r, d1_r, db1_r, d2_r,
             db2_r, d3_r, db3_r, out_r, mem_out_r):
        gi = _mm(xe_r[...], wih_r[...]) + bih_r[...]
        gh = _mm(mem_r[...], whh_r[...]) + bhh_r[...]
        r = jax.nn.sigmoid(gi[:, :D] + gh[:, :D])
        z = jax.nn.sigmoid(gi[:, D:2 * D] + gh[:, D:2 * D])
        nn_ = jnp.tanh(gi[:, 2 * D:] + r * gh[:, 2 * D:])
        mem_new = (1.0 - z) * nn_ + z * mem_r[...]
        h = jnp.maximum(_mm(mem_new, d1_r[...]) + db1_r[...], 0.0)
        h = jnp.maximum(_mm(h, d2_r[...]) + db2_r[...], 0.0)
        out_r[...] = _mm(h, d3_r[...]) + db3_r[...]
        mem_out_r[...] = mem_new

    args = (xe, mem, p['gru_Wih'], p['gru_bih'].reshape(1, -1), p['gru_Whh'],
            p['gru_bhh'].reshape(1, -1), p['dec_W1'], p['dec_b1'].reshape(1, -1),
            p['dec_W2'], p['dec_b2'].reshape(1, -1), p['dec_W3'],
            p['dec_b3'].reshape(1, -1))
    specs = [_row(xe, nb), _row(mem, nb)] + [_full(a) for a in args[2:]]
    out_sh = (jax.ShapeDtypeStruct((n, od), jnp.float32),
              jax.ShapeDtypeStruct((n, D), jnp.float32))
    out_specs = (pl.BlockSpec((nb, od), lambda i: (i, 0)),
                 pl.BlockSpec((nb, D), lambda i: (i, 0)))
    return pl.pallas_call(body, grid=(n // nb,), in_specs=specs,
                          out_shape=out_sh, out_specs=out_specs)(*args)



def kernel(x, edge_index, edge_features, global_features, memory, params):
    p = params
    n = x.shape[0]
    e = edge_features.shape[0]
    nb = 2000 if n % 2000 == 0 else n
    be = 4000 if e % 4000 == 0 else e

    src2 = edge_index[0].astype(jnp.int32).reshape(e // 128, 128)
    tgt2 = edge_index[1].astype(jnp.int32).reshape(e // 128, 128)
    gf = global_features.reshape(1, -1)
    zeros = jnp.zeros((n, D), jnp.float32)

    xe = _encode_nodes(x, gf, p, nb)
    e_enc = _encode_edges(edge_features, p, be)

    for i in range(NUM_MSG):
        h_src = _sc_gather(xe, src2)
        m_ij = _edge_msg(h_src, e_enc, p['msg_W1'][i], p['msg_b1'][i],
                         p['msg_W2'][i], p['msg_b2'][i], be)
        partials = _sc_scatter(m_ij, tgt2, zeros)
        xe = _update_nodes(xe, partials[:n], partials[n:], p['upd_W1'][i],
                           p['upd_b1'][i], p['upd_W2'][i], p['upd_b2'][i], nb)

    return _gru_decode(xe, memory, p, nb)

# --- scband reference (transcript-rebuilt; emitter-appended) ---
"""Pipeline reference for scband-elasticity-tgn-mlp-76046690943359 (READ-ONLY COPY).

The authoritative reference and input builder live on the scoring server;
editing this copy changes nothing except your own understanding.
"""

import jax, jax.numpy as jnp
import numpy as np

N = 10000
E = 320000
D = 128
NUM_MSG = 3


def _lin_init(key, fan_in, fan_out):
    return jax.random.normal(key, (fan_in, fan_out), dtype=jnp.float32) / np.sqrt(fan_in)


def setup_inputs(seed: int = 0) -> dict:
    key = jax.random.key(seed)
    ks = jax.random.split(key, 40)
    x = jax.random.normal(ks[0], (N, 3), dtype=jnp.float32)
    edge_index = jax.random.randint(ks[1], (2, E), 0, N, dtype=jnp.int64)
    edge_features = jax.random.normal(ks[2], (E, 2), dtype=jnp.float32)
    global_features = jax.random.normal(ks[3], (3,), dtype=jnp.float32)
    memory = jax.random.normal(ks[4], (N, D), dtype=jnp.float32)
    params = {
        'ne_W1': _lin_init(ks[5], 3, D), 'ne_b1': jnp.zeros((D,), jnp.float32),
        'ne_W2': _lin_init(ks[6], D, D), 'ne_b2': jnp.zeros((D,), jnp.float32),
        'ee_W1': _lin_init(ks[7], 2, D), 'ee_b1': jnp.zeros((D,), jnp.float32),
        'ee_W2': _lin_init(ks[8], D, D), 'ee_b2': jnp.zeros((D,), jnp.float32),
        'ge_W1': _lin_init(ks[9], 3, D), 'ge_b1': jnp.zeros((D,), jnp.float32),
        'ge_W2': _lin_init(ks[10], D, D), 'ge_b2': jnp.zeros((D,), jnp.float32),
        'msg_W1': jnp.stack([_lin_init(ks[11 + i], 2 * D, D) for i in range(NUM_MSG)]),
        'msg_b1': jnp.zeros((NUM_MSG, D), jnp.float32),
        'msg_W2': jnp.stack([_lin_init(ks[14 + i], D, D) for i in range(NUM_MSG)]),
        'msg_b2': jnp.zeros((NUM_MSG, D), jnp.float32),
        'upd_W1': jnp.stack([_lin_init(ks[17 + i], 2 * D, D) for i in range(NUM_MSG)]),
        'upd_b1': jnp.zeros((NUM_MSG, D), jnp.float32),
        'upd_W2': jnp.stack([_lin_init(ks[20 + i], D, D) for i in range(NUM_MSG)]),
        'upd_b2': jnp.zeros((NUM_MSG, D), jnp.float32),
        'gru_Wih': _lin_init(ks[23], D, 3 * D), 'gru_Whh': _lin_init(ks[24], D, 3 * D),
        'gru_bih': jnp.zeros((3 * D,), jnp.float32), 'gru_bhh': jnp.zeros((3 * D,), jnp.float32),
        'dec_W1': _lin_init(ks[25], D, D), 'dec_b1': jnp.zeros((D,), jnp.float32),
        'dec_W2': _lin_init(ks[26], D, D), 'dec_b2': jnp.zeros((D,), jnp.float32),
        'dec_W3': _lin_init(ks[27], D, 3), 'dec_b3': jnp.zeros((3,), jnp.float32),
    }
    return {'x': x, 'edge_index': edge_index, 'edge_features': edge_features,
            'global_features': global_features, 'memory': memory, 'params': params}


def _mlp2(h, W1, b1, W2, b2):
    h = jax.nn.relu(h @ W1 + b1)
    h = jax.nn.relu(h @ W2 + b2)
    return h


def reference(x, edge_index, edge_features, global_features, memory, params):
    n = x.shape[0]
    p = params
    x_enc = _mlp2(x, p['ne_W1'], p['ne_b1'], p['ne_W2'], p['ne_b2'])
    g = jax.nn.relu(global_features.reshape(1, -1) @ p['ge_W1'] + p['ge_b1'])
    g = g @ p['ge_W2'] + p['ge_b2']
    x_enc = x_enc + jnp.broadcast_to(g, x_enc.shape)
    e_enc = _mlp2(edge_features, p['ee_W1'], p['ee_b1'], p['ee_W2'], p['ee_b2'])
    src = edge_index[0]
    tgt = edge_index[1]
    for i in range(NUM_MSG):
        h_src = x_enc[src]
        m_ij = _mlp2(jnp.concatenate([h_src, e_enc], axis=1),
                     p['msg_W1'][i], p['msg_b1'][i], p['msg_W2'][i], p['msg_b2'][i])
        m_v = jax.ops.segment_sum(m_ij, tgt, num_segments=n)
        h_v = x_enc + _mlp2(jnp.concatenate([x_enc, m_v], axis=1),
                            p['upd_W1'][i], p['upd_b1'][i], p['upd_W2'][i], p['upd_b2'][i])
        x_enc = jax.nn.relu(h_v)
    gi = x_enc @ p['gru_Wih'] + p['gru_bih']
    gh = memory @ p['gru_Whh'] + p['gru_bhh']
    i_r, i_z, i_n = jnp.split(gi, 3, axis=1)
    h_r, h_z, h_n = jnp.split(gh, 3, axis=1)
    r = jax.nn.sigmoid(i_r + h_r)
    z = jax.nn.sigmoid(i_z + h_z)
    nn_ = jnp.tanh(i_n + r * h_n)
    mem_new = (1.0 - z) * nn_ + z * memory
    h = jax.nn.relu(mem_new @ p['dec_W1'] + p['dec_b1'])
    h = jax.nn.relu(h @ p['dec_W2'] + p['dec_b2'])
    out = h @ p['dec_W3'] + p['dec_b3']
    return (out, mem_new)

if __name__ == "__main__":
    import jax
    _d = setup_inputs()
    print(jax.jit(kernel)(*tuple(_d.values())))

</pallas_src>

<mosaic_0001>
#map = affine_map<(d0, d1) -> (0, 0)>
module attributes {stable_mosaic.version = 14 : i64} {
  func.func @k(%arg0: i32, %arg1: i32, %arg2: memref<320000x128xf32, #tpu.memory_space<hbm>>, %arg3: memref<2500x128xi32, #tpu.memory_space<hbm>>, %arg4: memref<10000x128xf32, #tpu.memory_space<hbm>>, %arg5: memref<20000x128xf32, #tpu.memory_space<hbm>>, %arg6: memref<10000x128xf32, #tpu.memory_space<vmem_shared>>, %arg7: memref<80x128xi32, #tpu.memory_space<vmem>>, %arg8: memref<256x128xf32, #tpu.memory_space<vmem>>) attributes {dimension_semantics = [#tpu.dimension_semantics<core_parallel>, #tpu.dimension_semantics<subcore_parallel>], iteration_bounds = array<i64: 2, 16>, scalar_prefetch = 0 : i64, scratch_operands = 3 : i64, tpu.core_type = #tpu.core_type<sc_vector_subcore>, window_params = [{transform_indices = #map}, {transform_indices = #map}, {transform_indices = #map}, {transform_indices = #map}]} {
    %mul3A = arith.constant 16 : i32
    %mul3A_0 = arith.muli %arg0, %mul3A : i32
    %add3A = arith.addi %mul3A_0, %arg1 : i32
    %mul3A_1 = arith.constant 624 : i32
    %mul3A_2 = arith.muli %arg1, %mul3A_1 : i32
    %mul3A_3 = arith.constant 624 : i32
    %mul3A_4 = arith.muli %arg1, %mul3A_3 : i32
    "tpu.region"() ({
      %run_scoped3A = tpu.sem_alloc : memref<!tpu.dma_semaphore, #tpu.memory_space<semaphore_mem>>
      %dma_start3A = arith.constant 0 : i32
      %dma_start3A_45 = tpu.memref_slice %arg6[%mul3A_4, %dma_start3A] : memref<10000x128xf32, #tpu.memory_space<vmem_shared>> -> memref<624x128xf32, #tpu.memory_space<vmem_shared>>
      %dma_start3A_46 = arith.constant 0 : i32
      %dma_start3A_47 = tpu.memref_slice %arg4[%mul3A_2, %dma_start3A_46] : memref<10000x128xf32, #tpu.memory_space<hbm>> -> memref<624x128xf32, #tpu.memory_space<hbm>>
      tpu.enqueue_dma source(%dma_start3A_47 : memref<624x128xf32, #tpu.memory_space<hbm>>) target(%dma_start3A_45 : memref<624x128xf32, #tpu.memory_space<vmem_shared>>) target_semaphore(%run_scoped3A : memref<!tpu.dma_semaphore, #tpu.memory_space<semaphore_mem>>)
      %dma_wait3A = arith.constant 0 : i32
      %dma_wait3A_48 = tpu.memref_slice %arg6[%mul3A_4, %dma_wait3A] : memref<10000x128xf32, #tpu.memory_space<vmem_shared>> -> memref<624x128xf32, #tpu.memory_space<vmem_shared>>
      %dma_wait3A_49 = arith.constant 0 : i32
      %dma_wait3A_50 = tpu.memref_slice %arg4[%mul3A_2, %dma_wait3A_49] : memref<10000x128xf32, #tpu.memory_space<hbm>> -> memref<624x128xf32, #tpu.memory_space<hbm>>
      tpu.wait_dma2 semaphore(%run_scoped3A : memref<!tpu.dma_semaphore, #tpu.memory_space<semaphore_mem>>) src(%dma_wait3A_50 : memref<624x128xf32, #tpu.memory_space<hbm>>) dst(%dma_wait3A_48 : memref<624x128xf32, #tpu.memory_space<vmem_shared>>)
      tpu.yield
    }) : () -> ()
    %eq3A = arith.constant 15 : i32
    %eq3A_5 = arith.cmpi eq, %arg1, %eq3A : i32
    %convert_element_type3A = arith.extui %eq3A_5 : i1 to i32
    %cond3A = arith.constant 0 : i32
    %cond3A_6 = arith.cmpi ne, %convert_element_type3A, %cond3A : i32
    scf.if %cond3A_6 {
      "tpu.region"() ({
        %run_scoped3A = tpu.sem_alloc : memref<!tpu.dma_semaphore, #tpu.memory_space<semaphore_mem>>
        %dma_start3A = arith.constant 9984 : i32
        %dma_start3A_45 = arith.constant 0 : i32
        %dma_start3A_46 = tpu.memref_slice %arg6[%dma_start3A, %dma_start3A_45] : memref<10000x128xf32, #tpu.memory_space<vmem_shared>> -> memref<16x128xf32, #tpu.memory_space<vmem_shared>>
        %dma_start3A_47 = arith.constant 9984 : i32
        %dma_start3A_48 = arith.constant 0 : i32
        %dma_start3A_49 = tpu.memref_slice %arg4[%dma_start3A_47, %dma_start3A_48] : memref<10000x128xf32, #tpu.memory_space<hbm>> -> memref<16x128xf32, #tpu.memory_space<hbm>>
        tpu.enqueue_dma source(%dma_start3A_49 : memref<16x128xf32, #tpu.memory_space<hbm>>) target(%dma_start3A_46 : memref<16x128xf32, #tpu.memory_space<vmem_shared>>) target_semaphore(%run_scoped3A : memref<!tpu.dma_semaphore, #tpu.memory_space<semaphore_mem>>)
        %dma_wait3A = arith.constant 9984 : i32
        %dma_wait3A_50 = arith.constant 0 : i32
        %dma_wait3A_51 = tpu.memref_slice %arg6[%dma_wait3A, %dma_wait3A_50] : memref<10000x128xf32, #tpu.memory_space<vmem_shared>> -> memref<16x128xf32, #tpu.memory_space<vmem_shared>>
        %dma_wait3A_52 = arith.constant 9984 : i32
        %dma_wait3A_53 = arith.constant 0 : i32
        %dma_wait3A_54 = tpu.memref_slice %arg4[%dma_wait3A_52, %dma_wait3A_53] : memref<10000x128xf32, #tpu.memory_space<hbm>> -> memref<16x128xf32, #tpu.memory_space<hbm>>
        tpu.wait_dma2 semaphore(%run_scoped3A : memref<!tpu.dma_semaphore, #tpu.memory_space<semaphore_mem>>) src(%dma_wait3A_54 : memref<16x128xf32, #tpu.memory_space<hbm>>) dst(%dma_wait3A_51 : memref<16x128xf32, #tpu.memory_space<vmem_shared>>)
        tpu.yield
      }) : () -> ()
    } else {
    }
    %barrier3A = arith.constant 0 : index
    tpu.barrier barrier_id(%barrier3A)
    %lt3A = arith.constant 31 : i32
    %lt3A_7 = arith.cmpi slt, %add3A, %lt3A : i32
    %convert_element_type3A_8 = arith.extui %lt3A_7 : i1 to i32
    %cond3A_9 = arith.constant 0 : i32
    %cond3A_10 = arith.cmpi ne, %convert_element_type3A_8, %cond3A_9 : i32
    scf.if %cond3A_10 {
      %mul3A_45 = arith.constant 80 : i32
      %mul3A_46 = arith.muli %add3A, %mul3A_45 : i32
      "tpu.region"() ({
        %run_scoped3A = tpu.sem_alloc : memref<!tpu.dma_semaphore, #tpu.memory_space<semaphore_mem>>
        %dma_start3A = arith.constant 0 : i32
        %dma_start3A_47 = tpu.memref_slice %arg3[%mul3A_46, %dma_start3A] : memref<2500x128xi32, #tpu.memory_space<hbm>> -> memref<80x128xi32, #tpu.memory_space<hbm>>
        %dma_start3A_48 = arith.constant 0 : i32
        %dma_start3A_49 = tpu.memref_slice %arg3[%mul3A_46, %dma_start3A_48] : memref<2500x128xi32, #tpu.memory_space<hbm>> -> memref<80x128xi32, #tpu.memory_space<hbm>>
        tpu.enqueue_dma source(%dma_start3A_49 : memref<80x128xi32, #tpu.memory_space<hbm>>) target(%arg7 : memref<80x128xi32, #tpu.memory_space<vmem>>) target_semaphore(%run_scoped3A : memref<!tpu.dma_semaphore, #tpu.memory_space<semaphore_mem>>)
        %dma_wait3A = arith.constant 0 : i32
        %dma_wait3A_50 = tpu.memref_slice %arg3[%mul3A_46, %dma_wait3A] : memref<2500x128xi32, #tpu.memory_space<hbm>> -> memref<80x128xi32, #tpu.memory_space<hbm>>
        %dma_wait3A_51 = arith.constant 0 : i32
        %dma_wait3A_52 = tpu.memref_slice %arg3[%mul3A_46, %dma_wait3A_51] : memref<2500x128xi32, #tpu.memory_space<hbm>> -> memref<80x128xi32, #tpu.memory_space<hbm>>
        tpu.wait_dma2 semaphore(%run_scoped3A : memref<!tpu.dma_semaphore, #tpu.memory_space<semaphore_mem>>) src(%dma_wait3A_52 : memref<80x128xi32, #tpu.memory_space<hbm>>) dst(%arg7 : memref<80x128xi32, #tpu.memory_space<vmem>>)
        tpu.yield
      }) : () -> ()
    } else {
    }
    %eq3A_11 = arith.constant 31 : i32
    %eq3A_12 = arith.cmpi eq, %add3A, %eq3A_11 : i32
    %convert_element_type3A_13 = arith.extui %eq3A_12 : i1 to i32
    %cond3A_14 = arith.constant 0 : i32
    %cond3A_15 = arith.cmpi ne, %convert_element_type3A_13, %cond3A_14 : i32
    scf.if %cond3A_15 {
      "tpu.region"() ({
        %run_scoped3A = tpu.sem_alloc : memref<!tpu.dma_semaphore, #tpu.memory_space<semaphore_mem>>
        %dma_start3A = arith.constant 0 : i32
        %dma_start3A_45 = arith.constant 0 : i32
        %dma_start3A_46 = tpu.memref_slice %arg7[%dma_start3A, %dma_start3A_45] : memref<80x128xi32, #tpu.memory_space<vmem>> -> memref<20x128xi32, #tpu.memory_space<vmem>>
        %dma_start3A_47 = arith.constant 2480 : i32
        %dma_start3A_48 = arith.constant 0 : i32
        %dma_start3A_49 = tpu.memref_slice %arg3[%dma_start3A_47, %dma_start3A_48] : memref<2500x128xi32, #tpu.memory_space<hbm>> -> memref<20x128xi32, #tpu.memory_space<hbm>>
        %dma_start3A_50 = arith.constant 0 : i32
        %dma_start3A_51 = arith.constant 0 : i32
        %dma_start3A_52 = tpu.memref_slice %arg7[%dma_start3A_50, %dma_start3A_51] : memref<80x128xi32, #tpu.memory_space<vmem>> -> memref<20x128xi32, #tpu.memory_space<vmem>>
        %dma_start3A_53 = arith.constant 2480 : i32
        %dma_start3A_54 = arith.constant 0 : i32
        %dma_start3A_55 = tpu.memref_slice %arg3[%dma_start3A_53, %dma_start3A_54] : memref<2500x128xi32, #tpu.memory_space<hbm>> -> memref<20x128xi32, #tpu.memory_space<hbm>>
        tpu.enqueue_dma source(%dma_start3A_55 : memref<20x128xi32, #tpu.memory_space<hbm>>) target(%dma_start3A_52 : memref<20x128xi32, #tpu.memory_space<vmem>>) target_semaphore(%run_scoped3A : memref<!tpu.dma_semaphore, #tpu.memory_space<semaphore_mem>>)
        %dma_wait3A = arith.constant 0 : i32
        %dma_wait3A_56 = arith.constant 0 : i32
        %dma_wait3A_57 = tpu.memref_slice %arg7[%dma_wait3A, %dma_wait3A_56] : memref<80x128xi32, #tpu.memory_space<vmem>> -> memref<20x128xi32, #tpu.memory_space<vmem>>
        %dma_wait3A_58 = arith.constant 2480 : i32
        %dma_wait3A_59 = arith.constant 0 : i32
        %dma_wait3A_60 = tpu.memref_slice %arg3[%dma_wait3A_58, %dma_wait3A_59] : memref<2500x128xi32, #tpu.memory_space<hbm>> -> memref<20x128xi32, #tpu.memory_space<hbm>>
        %dma_wait3A_61 = arith.constant 0 : i32
        %dma_wait3A_62 = arith.constant 0 : i32
        %dma_wait3A_63 = tpu.memref_slice %arg7[%dma_wait3A_61, %dma_wait3A_62] : memref<80x128xi32, #tpu.memory_space<vmem>> -> memref<20x128xi32, #tpu.memory_space<vmem>>
        %dma_wait3A_64 = arith.constant 2480 : i32
        %dma_wait3A_65 = arith.constant 0 : i32
        %dma_wait3A_66 = tpu.memref_slice %arg3[%dma_wait3A_64, %dma_wait3A_65] : memref<2500x128xi32, #tpu.memory_space<hbm>> -> memref<20x128xi32, #tpu.memory_space<hbm>>
        tpu.wait_dma2 semaphore(%run_scoped3A : memref<!tpu.dma_semaphore, #tpu.memory_space<semaphore_mem>>) src(%dma_wait3A_66 : memref<20x128xi32, #tpu.memory_space<hbm>>) dst(%dma_wait3A_63 : memref<20x128xi32, #tpu.memory_space<vmem>>)
        tpu.yield
      }) : () -> ()
    } else {
    }
    %lt3A_16 = arith.constant 31 : i32
    %lt3A_17 = arith.cmpi slt, %add3A, %lt3A_16 : i32
    %eq3A_18 = arith.constant 31 : i32
    %eq3A_19 = arith.cmpi eq, %add3A, %eq3A_18 : i32
    %jit3A = arith.constant 10 : i32
    %jit3A_20 = arith.constant 0 : i32
    %select_n3A = arith.select %eq3A_19, %jit3A, %jit3A_20 : i32
    %jit3A_21 = arith.constant 40 : i32
    %select_n3A_22 = arith.select %lt3A_17, %jit3A_21, %select_n3A : i32
    %while3A = arith.constant 0 : i32
    %while3A_23 = arith.constant 0 : i32
    %while3A_24 = arith.subi %select_n3A_22, %while3A_23 : i32
    %while3A_25 = arith.addi %while3A_23, %while3A_24 : i32
    %while3A_26 = arith.constant 1 : i32
    %while3A_27 = arith.divsi %while3A_24, %while3A_26 : i32
    %while3A_28 = arith.muli %while3A_27, %while3A_26 : i32
    %while3A_29 = arith.addi %while3A_23, %while3A_28 : i32
    %while3A_30 = arith.constant 1 : i32
    scf.for %while3A_45 = %while3A_23 to %while3A_29 step %while3A_30  : i32 {
      %mul3A_46 = arith.constant 80 : i32
      %mul3A_47 = arith.muli %add3A, %mul3A_46 : i32
      %mul3A_48 = arith.constant 128 : i32
      %mul3A_49 = arith.muli %mul3A_47, %mul3A_48 : i32
      %mul3A_50 = arith.constant 256 : i32
      %mul3A_51 = arith.muli %while3A_45, %mul3A_50 : i32
      %add3A_52 = arith.addi %mul3A_49, %mul3A_51 : i32
      "tpu.region"() ({
        %run_scoped3A = tpu.sem_alloc : memref<!tpu.dma_semaphore, #tpu.memory_space<semaphore_mem>>
        %dma_start3A = arith.constant 0 : i32
        %dma_start3A_61 = tpu.memref_slice %arg2[%add3A_52, %dma_start3A] : memref<320000x128xf32, #tpu.memory_space<hbm>> -> memref<256x128xf32, #tpu.memory_space<hbm>>
        %dma_start3A_62 = arith.constant 0 : i32
        %dma_start3A_63 = tpu.memref_slice %arg2[%add3A_52, %dma_start3A_62] : memref<320000x128xf32, #tpu.memory_space<hbm>> -> memref<256x128xf32, #tpu.memory_space<hbm>>
        tpu.enqueue_dma source(%dma_start3A_63 : memref<256x128xf32, #tpu.memory_space<hbm>>) target(%arg8 : memref<256x128xf32, #tpu.memory_space<vmem>>) target_semaphore(%run_scoped3A : memref<!tpu.dma_semaphore, #tpu.memory_space<semaphore_mem>>)
        %dma_wait3A = arith.constant 0 : i32
        %dma_wait3A_64 = tpu.memref_slice %arg2[%add3A_52, %dma_wait3A] : memref<320000x128xf32, #tpu.memory_space<hbm>> -> memref<256x128xf32, #tpu.memory_space<hbm>>
        %dma_wait3A_65 = arith.constant 0 : i32
        %dma_wait3A_66 = tpu.memref_slice %arg2[%add3A_52, %dma_wait3A_65] : memref<320000x128xf32, #tpu.memory_space<hbm>> -> memref<256x128xf32, #tpu.memory_space<hbm>>
        tpu.wait_dma2 semaphore(%run_scoped3A : memref<!tpu.dma_semaphore, #tpu.memory_space<semaphore_mem>>) src(%dma_wait3A_66 : memref<256x128xf32, #tpu.memory_space<hbm>>) dst(%arg8 : memref<256x128xf32, #tpu.memory_space<vmem>>)
        tpu.yield
      }) : () -> ()
      %mul3A_53 = arith.constant 2 : i32
      %mul3A_54 = arith.muli %while3A_45, %mul3A_53 : i32
      %add3A_55 = arith.constant 0 : i32
      %add3A_56 = arith.addi %mul3A_54, %add3A_55 : i32
      "tpu.region"() ({
        %run_scoped3A = tpu.sem_alloc : memref<!tpu.dma_semaphore, #tpu.memory_space<semaphore_mem>>
        %dma_start3A = arith.constant 0 : i32
        %dma_start3A_61 = arith.constant 0 : i32
        %dma_start3A_62 = tpu.memref_slice %arg8[%dma_start3A, %dma_start3A_61] : memref<256x128xf32, #tpu.memory_space<vmem>> -> memref<128x128xf32, #tpu.memory_space<vmem>>
        %dma_start3A_63 = arith.constant 0 : i32
        %dma_start3A_64 = tpu.memref_slice %arg7[%add3A_56, %dma_start3A_63] : memref<80x128xi32, #tpu.memory_space<vmem>> -> memref<1x128xi32, #tpu.memory_space<vmem>>
        %dma_start3A_65 = tpu.memref_squeeze %dma_start3A_64 : memref<1x128xi32, #tpu.memory_space<vmem>> -> memref<128xi32, #tpu.memory_space<vmem>>
        %dma_start3A_66 = arith.constant 0 : i32
        %dma_start3A_67 = arith.constant 0 : i32
        %dma_start3A_68 = tpu.memref_slice %arg6[%dma_start3A_66, %dma_start3A_67] : memref<10000x128xf32, #tpu.memory_space<vmem_shared>> -> memref<10000x128xf32, #tpu.memory_space<vmem_shared>>
        tpu.enqueue_indirect_dma source(%dma_start3A_62 : memref<128x128xf32, #tpu.memory_space<vmem>>) target(%dma_start3A_68 : memref<10000x128xf32, #tpu.memory_space<vmem_shared>>) offsets(%dma_start3A_65 : memref<128xi32, #tpu.memory_space<vmem>>) semaphore(%run_scoped3A : memref<!tpu.dma_semaphore, #tpu.memory_space<semaphore_mem>>) {add = true}
        %dma_wait3A = arith.constant 0 : i32
        %dma_wait3A_69 = arith.constant 0 : i32
        %dma_wait3A_70 = tpu.memref_slice %arg8[%dma_wait3A, %dma_wait3A_69] : memref<256x128xf32, #tpu.memory_space<vmem>> -> memref<128x128xf32, #tpu.memory_space<vmem>>
        %dma_wait3A_71 = arith.constant 0 : i32
        %dma_wait3A_72 = tpu.memref_slice %arg7[%add3A_56, %dma_wait3A_71] : memref<80x128xi32, #tpu.memory_space<vmem>> -> memref<1x128xi32, #tpu.memory_space<vmem>>
        %dma_wait3A_73 = tpu.memref_squeeze %dma_wait3A_72 : memref<1x128xi32, #tpu.memory_space<vmem>> -> memref<128xi32, #tpu.memory_space<vmem>>
        %dma_wait3A_74 = arith.constant 0 : i32
        %dma_wait3A_75 = arith.constant 0 : i32
        %dma_wait3A_76 = tpu.memref_slice %arg6[%dma_wait3A_74, %dma_wait3A_75] : memref<10000x128xf32, #tpu.memory_space<vmem_shared>> -> memref<10000x128xf32, #tpu.memory_space<vmem_shared>>
        tpu.wait_indirect_dma semaphore(%run_scoped3A : memref<!tpu.dma_semaphore, #tpu.memory_space<semaphore_mem>>) src(%dma_wait3A_70 : memref<128x128xf32, #tpu.memory_space<vmem>>) dst(%dma_wait3A_76 : memref<10000x128xf32, #tpu.memory_space<vmem_shared>>)
        tpu.yield
      }) : () -> ()
      %mul3A_57 = arith.constant 2 : i32
      %mul3A_58 = arith.muli %while3A_45, %mul3A_57 : i32
      %add3A_59 = arith.constant 1 : i32
      %add3A_60 = arith.addi %mul3A_58, %add3A_59 : i32
      "tpu.region"() ({
        %run_scoped3A = tpu.sem_alloc : memref<!tpu.dma_semaphore, #tpu.memory_space<semaphore_mem>>
        %dma_start3A = arith.constant 128 : i32
        %dma_start3A_61 = arith.constant 0 : i32
        %dma_start3A_62 = tpu.memref_slice %arg8[%dma_start3A, %dma_start3A_61] : memref<256x128xf32, #tpu.memory_space<vmem>> -> memref<128x128xf32, #tpu.memory_space<vmem>>
        %dma_start3A_63 = arith.constant 0 : i32
        %dma_start3A_64 = tpu.memref_slice %arg7[%add3A_60, %dma_start3A_63] : memref<80x128xi32, #tpu.memory_space<vmem>> -> memref<1x128xi32, #tpu.memory_space<vmem>>
        %dma_start3A_65 = tpu.memref_squeeze %dma_start3A_64 : memref<1x128xi32, #tpu.memory_space<vmem>> -> memref<128xi32, #tpu.memory_space<vmem>>
        %dma_start3A_66 = arith.constant 0 : i32
        %dma_start3A_67 = arith.constant 0 : i32
        %dma_start3A_68 = tpu.memref_slice %arg6[%dma_start3A_66, %dma_start3A_67] : memref<10000x128xf32, #tpu.memory_space<vmem_shared>> -> memref<10000x128xf32, #tpu.memory_space<vmem_shared>>
        tpu.enqueue_indirect_dma source(%dma_start3A_62 : memref<128x128xf32, #tpu.memory_space<vmem>>) target(%dma_start3A_68 : memref<10000x128xf32, #tpu.memory_space<vmem_shared>>) offsets(%dma_start3A_65 : memref<128xi32, #tpu.memory_space<vmem>>) semaphore(%run_scoped3A : memref<!tpu.dma_semaphore, #tpu.memory_space<semaphore_mem>>) {add = true}
        %dma_wait3A = arith.constant 128 : i32
        %dma_wait3A_69 = arith.constant 0 : i32
        %dma_wait3A_70 = tpu.memref_slice %arg8[%dma_wait3A, %dma_wait3A_69] : memref<256x128xf32, #tpu.memory_space<vmem>> -> memref<128x128xf32, #tpu.memory_space<vmem>>
        %dma_wait3A_71 = arith.constant 0 : i32
        %dma_wait3A_72 = tpu.memref_slice %arg7[%add3A_60, %dma_wait3A_71] : memref<80x128xi32, #tpu.memory_space<vmem>> -> memref<1x128xi32, #tpu.memory_space<vmem>>
        %dma_wait3A_73 = tpu.memref_squeeze %dma_wait3A_72 : memref<1x128xi32, #tpu.memory_space<vmem>> -> memref<128xi32, #tpu.memory_space<vmem>>
        %dma_wait3A_74 = arith.constant 0 : i32
        %dma_wait3A_75 = arith.constant 0 : i32
        %dma_wait3A_76 = tpu.memref_slice %arg6[%dma_wait3A_74, %dma_wait3A_75] : memref<10000x128xf32, #tpu.memory_space<vmem_shared>> -> memref<10000x128xf32, #tpu.memory_space<vmem_shared>>
        tpu.wait_indirect_dma semaphore(%run_scoped3A : memref<!tpu.dma_semaphore, #tpu.memory_space<semaphore_mem>>) src(%dma_wait3A_70 : memref<128x128xf32, #tpu.memory_space<vmem>>) dst(%dma_wait3A_76 : memref<10000x128xf32, #tpu.memory_space<vmem_shared>>)
        tpu.yield
      }) : () -> ()
    }
    %while3A_31 = arith.constant 1 : i32
    scf.for %while3A_45 = %while3A_29 to %while3A_25 step %while3A_31  : i32 {
      %mul3A_46 = arith.constant 80 : i32
      %mul3A_47 = arith.muli %add3A, %mul3A_46 : i32
      %mul3A_48 = arith.constant 128 : i32
      %mul3A_49 = arith.muli %mul3A_47, %mul3A_48 : i32
      %mul3A_50 = arith.constant 256 : i32
      %mul3A_51 = arith.muli %while3A_45, %mul3A_50 : i32
      %add3A_52 = arith.addi %mul3A_49, %mul3A_51 : i32
      "tpu.region"() ({
        %run_scoped3A = tpu.sem_alloc : memref<!tpu.dma_semaphore, #tpu.memory_space<semaphore_mem>>
        %dma_start3A = arith.constant 0 : i32
        %dma_start3A_61 = tpu.memref_slice %arg2[%add3A_52, %dma_start3A] : memref<320000x128xf32, #tpu.memory_space<hbm>> -> memref<256x128xf32, #tpu.memory_space<hbm>>
        %dma_start3A_62 = arith.constant 0 : i32
        %dma_start3A_63 = tpu.memref_slice %arg2[%add3A_52, %dma_start3A_62] : memref<320000x128xf32, #tpu.memory_space<hbm>> -> memref<256x128xf32, #tpu.memory_space<hbm>>
        tpu.enqueue_dma source(%dma_start3A_63 : memref<256x128xf32, #tpu.memory_space<hbm>>) target(%arg8 : memref<256x128xf32, #tpu.memory_space<vmem>>) target_semaphore(%run_scoped3A : memref<!tpu.dma_semaphore, #tpu.memory_space<semaphore_mem>>)
        %dma_wait3A = arith.constant 0 : i32
        %dma_wait3A_64 = tpu.memref_slice %arg2[%add3A_52, %dma_wait3A] : memref<320000x128xf32, #tpu.memory_space<hbm>> -> memref<256x128xf32, #tpu.memory_space<hbm>>
        %dma_wait3A_65 = arith.constant 0 : i32
        %dma_wait3A_66 = tpu.memref_slice %arg2[%add3A_52, %dma_wait3A_65] : memref<320000x128xf32, #tpu.memory_space<hbm>> -> memref<256x128xf32, #tpu.memory_space<hbm>>
        tpu.wait_dma2 semaphore(%run_scoped3A : memref<!tpu.dma_semaphore, #tpu.memory_space<semaphore_mem>>) src(%dma_wait3A_66 : memref<256x128xf32, #tpu.memory_space<hbm>>) dst(%arg8 : memref<256x128xf32, #tpu.memory_space<vmem>>)
        tpu.yield
      }) : () -> ()
      %mul3A_53 = arith.constant 2 : i32
      %mul3A_54 = arith.muli %while3A_45, %mul3A_53 : i32
      %add3A_55 = arith.constant 0 : i32
      %add3A_56 = arith.addi %mul3A_54, %add3A_55 : i32
      "tpu.region"() ({
        %run_scoped3A = tpu.sem_alloc : memref<!tpu.dma_semaphore, #tpu.memory_space<semaphore_mem>>
        %dma_start3A = arith.constant 0 : i32
        %dma_start3A_61 = arith.constant 0 : i32
        %dma_start3A_62 = tpu.memref_slice %arg8[%dma_start3A, %dma_start3A_61] : memref<256x128xf32, #tpu.memory_space<vmem>> -> memref<128x128xf32, #tpu.memory_space<vmem>>
        %dma_start3A_63 = arith.constant 0 : i32
        %dma_start3A_64 = tpu.memref_slice %arg7[%add3A_56, %dma_start3A_63] : memref<80x128xi32, #tpu.memory_space<vmem>> -> memref<1x128xi32, #tpu.memory_space<vmem>>
        %dma_start3A_65 = tpu.memref_squeeze %dma_start3A_64 : memref<1x128xi32, #tpu.memory_space<vmem>> -> memref<128xi32, #tpu.memory_space<vmem>>
        %dma_start3A_66 = arith.constant 0 : i32
        %dma_start3A_67 = arith.constant 0 : i32
        %dma_start3A_68 = tpu.memref_slice %arg6[%dma_start3A_66, %dma_start3A_67] : memref<10000x128xf32, #tpu.memory_space<vmem_shared>> -> memref<10000x128xf32, #tpu.memory_space<vmem_shared>>
        tpu.enqueue_indirect_dma source(%dma_start3A_62 : memref<128x128xf32, #tpu.memory_space<vmem>>) target(%dma_start3A_68 : memref<10000x128xf32, #tpu.memory_space<vmem_shared>>) offsets(%dma_start3A_65 : memref<128xi32, #tpu.memory_space<vmem>>) semaphore(%run_scoped3A : memref<!tpu.dma_semaphore, #tpu.memory_space<semaphore_mem>>) {add = true}
        %dma_wait3A = arith.constant 0 : i32
        %dma_wait3A_69 = arith.constant 0 : i32
        %dma_wait3A_70 = tpu.memref_slice %arg8[%dma_wait3A, %dma_wait3A_69] : memref<256x128xf32, #tpu.memory_space<vmem>> -> memref<128x128xf32, #tpu.memory_space<vmem>>
        %dma_wait3A_71 = arith.constant 0 : i32
        %dma_wait3A_72 = tpu.memref_slice %arg7[%add3A_56, %dma_wait3A_71] : memref<80x128xi32, #tpu.memory_space<vmem>> -> memref<1x128xi32, #tpu.memory_space<vmem>>
        %dma_wait3A_73 = tpu.memref_squeeze %dma_wait3A_72 : memref<1x128xi32, #tpu.memory_space<vmem>> -> memref<128xi32, #tpu.memory_space<vmem>>
        %dma_wait3A_74 = arith.constant 0 : i32
        %dma_wait3A_75 = arith.constant 0 : i32
        %dma_wait3A_76 = tpu.memref_slice %arg6[%dma_wait3A_74, %dma_wait3A_75] : memref<10000x128xf32, #tpu.memory_space<vmem_shared>> -> memref<10000x128xf32, #tpu.memory_space<vmem_shared>>
        tpu.wait_indirect_dma semaphore(%run_scoped3A : memref<!tpu.dma_semaphore, #tpu.memory_space<semaphore_mem>>) src(%dma_wait3A_70 : memref<128x128xf32, #tpu.memory_space<vmem>>) dst(%dma_wait3A_76 : memref<10000x128xf32, #tpu.memory_space<vmem_shared>>)
        tpu.yield
      }) : () -> ()
      %mul3A_57 = arith.constant 2 : i32
      %mul3A_58 = arith.muli %while3A_45, %mul3A_57 : i32
      %add3A_59 = arith.constant 1 : i32
      %add3A_60 = arith.addi %mul3A_58, %add3A_59 : i32
      "tpu.region"() ({
        %run_scoped3A = tpu.sem_alloc : memref<!tpu.dma_semaphore, #tpu.memory_space<semaphore_mem>>
        %dma_start3A = arith.constant 128 : i32
        %dma_start3A_61 = arith.constant 0 : i32
        %dma_start3A_62 = tpu.memref_slice %arg8[%dma_start3A, %dma_start3A_61] : memref<256x128xf32, #tpu.memory_space<vmem>> -> memref<128x128xf32, #tpu.memory_space<vmem>>
        %dma_start3A_63 = arith.constant 0 : i32
        %dma_start3A_64 = tpu.memref_slice %arg7[%add3A_60, %dma_start3A_63] : memref<80x128xi32, #tpu.memory_space<vmem>> -> memref<1x128xi32, #tpu.memory_space<vmem>>
        %dma_start3A_65 = tpu.memref_squeeze %dma_start3A_64 : memref<1x128xi32, #tpu.memory_space<vmem>> -> memref<128xi32, #tpu.memory_space<vmem>>
        %dma_start3A_66 = arith.constant 0 : i32
        %dma_start3A_67 = arith.constant 0 : i32
        %dma_start3A_68 = tpu.memref_slice %arg6[%dma_start3A_66, %dma_start3A_67] : memref<10000x128xf32, #tpu.memory_space<vmem_shared>> -> memref<10000x128xf32, #tpu.memory_space<vmem_shared>>
        tpu.enqueue_indirect_dma source(%dma_start3A_62 : memref<128x128xf32, #tpu.memory_space<vmem>>) target(%dma_start3A_68 : memref<10000x128xf32, #tpu.memory_space<vmem_shared>>) offsets(%dma_start3A_65 : memref<128xi32, #tpu.memory_space<vmem>>) semaphore(%run_scoped3A : memref<!tpu.dma_semaphore, #tpu.memory_space<semaphore_mem>>) {add = true}
        %dma_wait3A = arith.constant 128 : i32
        %dma_wait3A_69 = arith.constant 0 : i32
        %dma_wait3A_70 = tpu.memref_slice %arg8[%dma_wait3A, %dma_wait3A_69] : memref<256x128xf32, #tpu.memory_space<vmem>> -> memref<128x128xf32, #tpu.memory_space<vmem>>
        %dma_wait3A_71 = arith.constant 0 : i32
        %dma_wait3A_72 = tpu.memref_slice %arg7[%add3A_60, %dma_wait3A_71] : memref<80x128xi32, #tpu.memory_space<vmem>> -> memref<1x128xi32, #tpu.memory_space<vmem>>
        %dma_wait3A_73 = tpu.memref_squeeze %dma_wait3A_72 : memref<1x128xi32, #tpu.memory_space<vmem>> -> memref<128xi32, #tpu.memory_space<vmem>>
        %dma_wait3A_74 = arith.constant 0 : i32
        %dma_wait3A_75 = arith.constant 0 : i32
        %dma_wait3A_76 = tpu.memref_slice %arg6[%dma_wait3A_74, %dma_wait3A_75] : memref<10000x128xf32, #tpu.memory_space<vmem_shared>> -> memref<10000x128xf32, #tpu.memory_space<vmem_shared>>
        tpu.wait_indirect_dma semaphore(%run_scoped3A : memref<!tpu.dma_semaphore, #tpu.memory_space<semaphore_mem>>) src(%dma_wait3A_70 : memref<128x128xf32, #tpu.memory_space<vmem>>) dst(%dma_wait3A_76 : memref<10000x128xf32, #tpu.memory_space<vmem_shared>>)
        tpu.yield
      }) : () -> ()
    }
    %barrier3A_32 = arith.constant 0 : index
    tpu.barrier barrier_id(%barrier3A_32)
    %mul3A_33 = arith.constant 624 : i32
    %mul3A_34 = arith.muli %arg1, %mul3A_33 : i32
    %mul3A_35 = arith.constant 10000 : i32
    %mul3A_36 = arith.muli %arg0, %mul3A_35 : i32
    %mul3A_37 = arith.constant 624 : i32
    %mul3A_38 = arith.muli %arg1, %mul3A_37 : i32
    %add3A_39 = arith.addi %mul3A_36, %mul3A_38 : i32
    "tpu.region"() ({
      %run_scoped3A = tpu.sem_alloc : memref<!tpu.dma_semaphore, #tpu.memory_space<semaphore_mem>>
      %dma_start3A = arith.constant 0 : i32
      %dma_start3A_45 = tpu.memref_slice %arg5[%add3A_39, %dma_start3A] : memref<20000x128xf32, #tpu.memory_space<hbm>> -> memref<624x128xf32, #tpu.memory_space<hbm>>
      %dma_start3A_46 = arith.constant 0 : i32
      %dma_start3A_47 = tpu.memref_slice %arg6[%mul3A_34, %dma_start3A_46] : memref<10000x128xf32, #tpu.memory_space<vmem_shared>> -> memref<624x128xf32, #tpu.memory_space<vmem_shared>>
      tpu.enqueue_dma source(%dma_start3A_47 : memref<624x128xf32, #tpu.memory_space<vmem_shared>>) target(%dma_start3A_45 : memref<624x128xf32, #tpu.memory_space<hbm>>) target_semaphore(%run_scoped3A : memref<!tpu.dma_semaphore, #tpu.memory_space<semaphore_mem>>)
      %dma_wait3A = arith.constant 0 : i32
      %dma_wait3A_48 = tpu.memref_slice %arg5[%add3A_39, %dma_wait3A] : memref<20000x128xf32, #tpu.memory_space<hbm>> -> memref<624x128xf32, #tpu.memory_space<hbm>>
      %dma_wait3A_49 = arith.constant 0 : i32
      %dma_wait3A_50 = tpu.memref_slice %arg6[%mul3A_34, %dma_wait3A_49] : memref<10000x128xf32, #tpu.memory_space<vmem_shared>> -> memref<624x128xf32, #tpu.memory_space<vmem_shared>>
      tpu.wait_dma2 semaphore(%run_scoped3A : memref<!tpu.dma_semaphore, #tpu.memory_space<semaphore_mem>>) src(%dma_wait3A_50 : memref<624x128xf32, #tpu.memory_space<vmem_shared>>) dst(%dma_wait3A_48 : memref<624x128xf32, #tpu.memory_space<hbm>>)
      tpu.yield
    }) : () -> ()
    %eq3A_40 = arith.constant 15 : i32
    %eq3A_41 = arith.cmpi eq, %arg1, %eq3A_40 : i32
    %convert_element_type3A_42 = arith.extui %eq3A_41 : i1 to i32
    %cond3A_43 = arith.constant 0 : i32
    %cond3A_44 = arith.cmpi ne, %convert_element_type3A_42, %cond3A_43 : i32
    scf.if %cond3A_44 {
      %mul3A_45 = arith.constant 10000 : i32
      %mul3A_46 = arith.muli %arg0, %mul3A_45 : i32
      %add3A_47 = arith.constant 9984 : i32
      %add3A_48 = arith.addi %mul3A_46, %add3A_47 : i32
      "tpu.region"() ({
        %run_scoped3A = tpu.sem_alloc : memref<!tpu.dma_semaphore, #tpu.memory_space<semaphore_mem>>
        %dma_start3A = arith.constant 0 : i32
        %dma_start3A_49 = tpu.memref_slice %arg5[%add3A_48, %dma_start3A] : memref<20000x128xf32, #tpu.memory_space<hbm>> -> memref<16x128xf32, #tpu.memory_space<hbm>>
        %dma_start3A_50 = arith.constant 9984 : i32
        %dma_start3A_51 = arith.constant 0 : i32
        %dma_start3A_52 = tpu.memref_slice %arg6[%dma_start3A_50, %dma_start3A_51] : memref<10000x128xf32, #tpu.memory_space<vmem_shared>> -> memref<16x128xf32, #tpu.memory_space<vmem_shared>>
        tpu.enqueue_dma source(%dma_start3A_52 : memref<16x128xf32, #tpu.memory_space<vmem_shared>>) target(%dma_start3A_49 : memref<16x128xf32, #tpu.memory_space<hbm>>) target_semaphore(%run_scoped3A : memref<!tpu.dma_semaphore, #tpu.memory_space<semaphore_mem>>)
        %dma_wait3A = arith.constant 0 : i32
        %dma_wait3A_53 = tpu.memref_slice %arg5[%add3A_48, %dma_wait3A] : memref<20000x128xf32, #tpu.memory_space<hbm>> -> memref<16x128xf32, #tpu.memory_space<hbm>>
        %dma_wait3A_54 = arith.constant 9984 : i32
        %dma_wait3A_55 = arith.constant 0 : i32
        %dma_wait3A_56 = tpu.memref_slice %arg6[%dma_wait3A_54, %dma_wait3A_55] : memref<10000x128xf32, #tpu.memory_space<vmem_shared>> -> memref<16x128xf32, #tpu.memory_space<vmem_shared>>
        tpu.wait_dma2 semaphore(%run_scoped3A : memref<!tpu.dma_semaphore, #tpu.memory_space<semaphore_mem>>) src(%dma_wait3A_56 : memref<16x128xf32, #tpu.memory_space<vmem_shared>>) dst(%dma_wait3A_53 : memref<16x128xf32, #tpu.memory_space<hbm>>)
        tpu.yield
      }) : () -> ()
    } else {
    }
    return
  }
}

#map = affine_map<(d0, d1) -> (0, 0)>
module attributes {stable_mosaic.version = 14 : i64} {
  func.func @k(%arg0: i32, %arg1: i32, %arg2: memref<320000x128xf32, #tpu.memory_space<hbm>>, %arg3: memref<2500x128xi32, #tpu.memory_space<hbm>>, %arg4: memref<10000x128xf32, #tpu.memory_space<hbm>>, %arg5: memref<20000x128xf32, #tpu.memory_space<hbm>>, %arg6: memref<10000x128xf32, #tpu.memory_space<vmem_shared>>, %arg7: memref<80x128xi32, #tpu.memory_space<vmem>>, %arg8: memref<256x128xf32, #tpu.memory_space<vmem>>) attributes {dimension_semantics = [#tpu.dimension_semantics<core_parallel>, #tpu.dimension_semantics<subcore_parallel>], iteration_bounds = array<i64: 2, 16>, scalar_prefetch = 0 : i64, scratch_operands = 3 : i64, tpu.core_type = #tpu.core_type<sc_vector_subcore>, window_params = [{transform_indices = #map}, {transform_indices = #map}, {transform_indices = #map}, {transform_indices = #map}]} {
    %mul3A = arith.constant 16 : i32
    %mul3A_0 = arith.muli %arg0, %mul3A : i32
    %add3A = arith.addi %mul3A_0, %arg1 : i32
    %mul3A_1 = arith.constant 624 : i32
    %mul3A_2 = arith.muli %arg1, %mul3A_1 : i32
    %mul3A_3 = arith.constant 624 : i32
    %mul3A_4 = arith.muli %arg1, %mul3A_3 : i32
    "tpu.region"() ({
      %run_scoped3A = tpu.sem_alloc : memref<!tpu.dma_semaphore, #tpu.memory_space<semaphore_mem>>
      %dma_start3A = arith.constant 0 : i32
      %dma_start3A_45 = tpu.memref_slice %arg6[%mul3A_4, %dma_start3A] : memref<10000x128xf32, #tpu.memory_space<vmem_shared>> -> memref<624x128xf32, #tpu.memory_space<vmem_shared>>
      %dma_start3A_46 = arith.constant 0 : i32
      %dma_start3A_47 = tpu.memref_slice %arg4[%mul3A_2, %dma_start3A_46] : memref<10000x128xf32, #tpu.memory_space<hbm>> -> memref<624x128xf32, #tpu.memory_space<hbm>>
      tpu.enqueue_dma source(%dma_start3A_47 : memref<624x128xf32, #tpu.memory_space<hbm>>) target(%dma_start3A_45 : memref<624x128xf32, #tpu.memory_space<vmem_shared>>) target_semaphore(%run_scoped3A : memref<!tpu.dma_semaphore, #tpu.memory_space<semaphore_mem>>)
      %dma_wait3A = arith.constant 0 : i32
      %dma_wait3A_48 = tpu.memref_slice %arg6[%mul3A_4, %dma_wait3A] : memref<10000x128xf32, #tpu.memory_space<vmem_shared>> -> memref<624x128xf32, #tpu.memory_space<vmem_shared>>
      %dma_wait3A_49 = arith.constant 0 : i32
      %dma_wait3A_50 = tpu.memref_slice %arg4[%mul3A_2, %dma_wait3A_49] : memref<10000x128xf32, #tpu.memory_space<hbm>> -> memref<624x128xf32, #tpu.memory_space<hbm>>
      tpu.wait_dma2 semaphore(%run_scoped3A : memref<!tpu.dma_semaphore, #tpu.memory_space<semaphore_mem>>) src(%dma_wait3A_50 : memref<624x128xf32, #tpu.memory_space<hbm>>) dst(%dma_wait3A_48 : memref<624x128xf32, #tpu.memory_space<vmem_shared>>)
      tpu.yield
    }) : () -> ()
    %eq3A = arith.constant 15 : i32
    %eq3A_5 = arith.cmpi eq, %arg1, %eq3A : i32
    %convert_element_type3A = arith.extui %eq3A_5 : i1 to i32
    %cond3A = arith.constant 0 : i32
    %cond3A_6 = arith.cmpi ne, %convert_element_type3A, %cond3A : i32
    scf.if %cond3A_6 {
      "tpu.region"() ({
        %run_scoped3A = tpu.sem_alloc : memref<!tpu.dma_semaphore, #tpu.memory_space<semaphore_mem>>
        %dma_start3A = arith.constant 9984 : i32
        %dma_start3A_45 = arith.constant 0 : i32
        %dma_start3A_46 = tpu.memref_slice %arg6[%dma_start3A, %dma_start3A_45] : memref<10000x128xf32, #tpu.memory_space<vmem_shared>> -> memref<16x128xf32, #tpu.memory_space<vmem_shared>>
        %dma_start3A_47 = arith.constant 9984 : i32
        %dma_start3A_48 = arith.constant 0 : i32
        %dma_start3A_49 = tpu.memref_slice %arg4[%dma_start3A_47, %dma_start3A_48] : memref<10000x128xf32, #tpu.memory_space<hbm>> -> memref<16x128xf32, #tpu.memory_space<hbm>>
        tpu.enqueue_dma source(%dma_start3A_49 : memref<16x128xf32, #tpu.memory_space<hbm>>) target(%dma_start3A_46 : memref<16x128xf32, #tpu.memory_space<vmem_shared>>) target_semaphore(%run_scoped3A : memref<!tpu.dma_semaphore, #tpu.memory_space<semaphore_mem>>)
        %dma_wait3A = arith.constant 9984 : i32
        %dma_wait3A_50 = arith.constant 0 : i32
        %dma_wait3A_51 = tpu.memref_slice %arg6[%dma_wait3A, %dma_wait3A_50] : memref<10000x128xf32, #tpu.memory_space<vmem_shared>> -> memref<16x128xf32, #tpu.memory_space<vmem_shared>>
        %dma_wait3A_52 = arith.constant 9984 : i32
        %dma_wait3A_53 = arith.constant 0 : i32
        %dma_wait3A_54 = tpu.memref_slice %arg4[%dma_wait3A_52, %dma_wait3A_53] : memref<10000x128xf32, #tpu.memory_space<hbm>> -> memref<16x128xf32, #tpu.memory_space<hbm>>
        tpu.wait_dma2 semaphore(%run_scoped3A : memref<!tpu.dma_semaphore, #tpu.memory_space<semaphore_mem>>) src(%dma_wait3A_54 : memref<16x128xf32, #tpu.memory_space<hbm>>) dst(%dma_wait3A_51 : memref<16x128xf32, #tpu.memory_space<vmem_shared>>)
        tpu.yield
      }) : () -> ()
    } else {
    }
    %barrier3A = arith.constant 0 : index
    tpu.barrier barrier_id(%barrier3A)
    %lt3A = arith.constant 31 : i32
    %lt3A_7 = arith.cmpi slt, %add3A, %lt3A : i32
    %convert_element_type3A_8 = arith.extui %lt3A_7 : i1 to i32
    %cond3A_9 = arith.constant 0 : i32
    %cond3A_10 = arith.cmpi ne, %convert_element_type3A_8, %cond3A_9 : i32
    scf.if %cond3A_10 {
      %mul3A_45 = arith.constant 80 : i32
      %mul3A_46 = arith.muli %add3A, %mul3A_45 : i32
      "tpu.region"() ({
        %run_scoped3A = tpu.sem_alloc : memref<!tpu.dma_semaphore, #tpu.memory_space<semaphore_mem>>
        %dma_start3A = arith.constant 0 : i32
        %dma_start3A_47 = tpu.memref_slice %arg3[%mul3A_46, %dma_start3A] : memref<2500x128xi32, #tpu.memory_space<hbm>> -> memref<80x128xi32, #tpu.memory_space<hbm>>
        %dma_start3A_48 = arith.constant 0 : i32
        %dma_start3A_49 = tpu.memref_slice %arg3[%mul3A_46, %dma_start3A_48] : memref<2500x128xi32, #tpu.memory_space<hbm>> -> memref<80x128xi32, #tpu.memory_space<hbm>>
        tpu.enqueue_dma source(%dma_start3A_49 : memref<80x128xi32, #tpu.memory_space<hbm>>) target(%arg7 : memref<80x128xi32, #tpu.memory_space<vmem>>) target_semaphore(%run_scoped3A : memref<!tpu.dma_semaphore, #tpu.memory_space<semaphore_mem>>)
        %dma_wait3A = arith.constant 0 : i32
        %dma_wait3A_50 = tpu.memref_slice %arg3[%mul3A_46, %dma_wait3A] : memref<2500x128xi32, #tpu.memory_space<hbm>> -> memref<80x128xi32, #tpu.memory_space<hbm>>
        %dma_wait3A_51 = arith.constant 0 : i32
        %dma_wait3A_52 = tpu.memref_slice %arg3[%mul3A_46, %dma_wait3A_51] : memref<2500x128xi32, #tpu.memory_space<hbm>> -> memref<80x128xi32, #tpu.memory_space<hbm>>
        tpu.wait_dma2 semaphore(%run_scoped3A : memref<!tpu.dma_semaphore, #tpu.memory_space<semaphore_mem>>) src(%dma_wait3A_52 : memref<80x128xi32, #tpu.memory_space<hbm>>) dst(%arg7 : memref<80x128xi32, #tpu.memory_space<vmem>>)
        tpu.yield
      }) : () -> ()
    } else {
    }
    %eq3A_11 = arith.constant 31 : i32
    %eq3A_12 = arith.cmpi eq, %add3A, %eq3A_11 : i32
    %convert_element_type3A_13 = arith.extui %eq3A_12 : i1 to i32
    %cond3A_14 = arith.constant 0 : i32
    %cond3A_15 = arith.cmpi ne, %convert_element_type3A_13, %cond3A_14 : i32
    scf.if %cond3A_15 {
      "tpu.region"() ({
        %run_scoped3A = tpu.sem_alloc : memref<!tpu.dma_semaphore, #tpu.memory_space<semaphore_mem>>
        %dma_start3A = arith.constant 0 : i32
        %dma_start3A_45 = arith.constant 0 : i32
        %dma_start3A_46 = tpu.memref_slice %arg7[%dma_start3A, %dma_start3A_45] : memref<80x128xi32, #tpu.memory_space<vmem>> -> memref<20x128xi32, #tpu.memory_space<vmem>>
        %dma_start3A_47 = arith.constant 2480 : i32
        %dma_start3A_48 = arith.constant 0 : i32
        %dma_start3A_49 = tpu.memref_slice %arg3[%dma_start3A_47, %dma_start3A_48] : memref<2500x128xi32, #tpu.memory_space<hbm>> -> memref<20x128xi32, #tpu.memory_space<hbm>>
        %dma_start3A_50 = arith.constant 0 : i32
        %dma_start3A_51 = arith.constant 0 : i32
        %dma_start3A_52 = tpu.memref_slice %arg7[%dma_start3A_50, %dma_start3A_51] : memref<80x128xi32, #tpu.memory_space<vmem>> -> memref<20x128xi32, #tpu.memory_space<vmem>>
        %dma_start3A_53 = arith.constant 2480 : i32
        %dma_start3A_54 = arith.constant 0 : i32
        %dma_start3A_55 = tpu.memref_slice %arg3[%dma_start3A_53, %dma_start3A_54] : memref<2500x128xi32, #tpu.memory_space<hbm>> -> memref<20x128xi32, #tpu.memory_space<hbm>>
        tpu.enqueue_dma source(%dma_start3A_55 : memref<20x128xi32, #tpu.memory_space<hbm>>) target(%dma_start3A_52 : memref<20x128xi32, #tpu.memory_space<vmem>>) target_semaphore(%run_scoped3A : memref<!tpu.dma_semaphore, #tpu.memory_space<semaphore_mem>>)
        %dma_wait3A = arith.constant 0 : i32
        %dma_wait3A_56 = arith.constant 0 : i32
        %dma_wait3A_57 = tpu.memref_slice %arg7[%dma_wait3A, %dma_wait3A_56] : memref<80x128xi32, #tpu.memory_space<vmem>> -> memref<20x128xi32, #tpu.memory_space<vmem>>
        %dma_wait3A_58 = arith.constant 2480 : i32
        %dma_wait3A_59 = arith.constant 0 : i32
        %dma_wait3A_60 = tpu.memref_slice %arg3[%dma_wait3A_58, %dma_wait3A_59] : memref<2500x128xi32, #tpu.memory_space<hbm>> -> memref<20x128xi32, #tpu.memory_space<hbm>>
        %dma_wait3A_61 = arith.constant 0 : i32
        %dma_wait3A_62 = arith.constant 0 : i32
        %dma_wait3A_63 = tpu.memref_slice %arg7[%dma_wait3A_61, %dma_wait3A_62] : memref<80x128xi32, #tpu.memory_space<vmem>> -> memref<20x128xi32, #tpu.memory_space<vmem>>
        %dma_wait3A_64 = arith.constant 2480 : i32
        %dma_wait3A_65 = arith.constant 0 : i32
        %dma_wait3A_66 = tpu.memref_slice %arg3[%dma_wait3A_64, %dma_wait3A_65] : memref<2500x128xi32, #tpu.memory_space<hbm>> -> memref<20x128xi32, #tpu.memory_space<hbm>>
        tpu.wait_dma2 semaphore(%run_scoped3A : memref<!tpu.dma_semaphore, #tpu.memory_space<semaphore_mem>>) src(%dma_wait3A_66 : memref<20x128xi32, #tpu.memory_space<hbm>>) dst(%dma_wait3A_63 : memref<20x128xi32, #tpu.memory_space<vmem>>)
        tpu.yield
      }) : () -> ()
    } else {
    }
    %lt3A_16 = arith.constant 31 : i32
    %lt3A_17 = arith.cmpi slt, %add3A, %lt3A_16 : i32
    %eq3A_18 = arith.constant 31 : i32
    %eq3A_19 = arith.cmpi eq, %add3A, %eq3A_18 : i32
    %jit3A = arith.constant 10 : i32
    %jit3A_20 = arith.constant 0 : i32
    %select_n3A = arith.select %eq3A_19, %jit3A, %jit3A_20 : i32
    %jit3A_21 = arith.constant 40 : i32
    %select_n3A_22 = arith.select %lt3A_17, %jit3A_21, %select_n3A : i32
    %while3A = arith.constant 0 : i32
    %while3A_23 = arith.constant 0 : i32
    %while3A_24 = arith.subi %select_n3A_22, %while3A_23 : i32
    %while3A_25 = arith.addi %while3A_23, %while3A_24 : i32
    %while3A_26 = arith.constant 1 : i32
    %while3A_27 = arith.divsi %while3A_24, %while3A_26 : i32
    %while3A_28 = arith.muli %while3A_27, %while3A_26 : i32
    %while3A_29 = arith.addi %while3A_23, %while3A_28 : i32
    %while3A_30 = arith.constant 1 : i32
    scf.for %while3A_45 = %while3A_23 to %while3A_29 step %while3A_30  : i32 {
      %mul3A_46 = arith.constant 80 : i32
      %mul3A_47 = arith.muli %add3A, %mul3A_46 : i32
      %mul3A_48 = arith.constant 128 : i32
      %mul3A_49 = arith.muli %mul3A_47, %mul3A_48 : i32
      %mul3A_50 = arith.constant 256 : i32
      %mul3A_51 = arith.muli %while3A_45, %mul3A_50 : i32
      %add3A_52 = arith.addi %mul3A_49, %mul3A_51 : i32
      "tpu.region"() ({
        %run_scoped3A = tpu.sem_alloc : memref<!tpu.dma_semaphore, #tpu.memory_space<semaphore_mem>>
        %dma_start3A = arith.constant 0 : i32
        %dma_start3A_61 = tpu.memref_slice %arg2[%add3A_52, %dma_start3A] : memref<320000x128xf32, #tpu.memory_space<hbm>> -> memref<256x128xf32, #tpu.memory_space<hbm>>
        %dma_start3A_62 = arith.constant 0 : i32
        %dma_start3A_63 = tpu.memref_slice %arg2[%add3A_52, %dma_start3A_62] : memref<320000x128xf32, #tpu.memory_space<hbm>> -> memref<256x128xf32, #tpu.memory_space<hbm>>
        tpu.enqueue_dma source(%dma_start3A_63 : memref<256x128xf32, #tpu.memory_space<hbm>>) target(%arg8 : memref<256x128xf32, #tpu.memory_space<vmem>>) target_semaphore(%run_scoped3A : memref<!tpu.dma_semaphore, #tpu.memory_space<semaphore_mem>>)
        %dma_wait3A = arith.constant 0 : i32
        %dma_wait3A_64 = tpu.memref_slice %arg2[%add3A_52, %dma_wait3A] : memref<320000x128xf32, #tpu.memory_space<hbm>> -> memref<256x128xf32, #tpu.memory_space<hbm>>
        %dma_wait3A_65 = arith.constant 0 : i32
        %dma_wait3A_66 = tpu.memref_slice %arg2[%add3A_52, %dma_wait3A_65] : memref<320000x128xf32, #tpu.memory_space<hbm>> -> memref<256x128xf32, #tpu.memory_space<hbm>>
        tpu.wait_dma2 semaphore(%run_scoped3A : memref<!tpu.dma_semaphore, #tpu.memory_space<semaphore_mem>>) src(%dma_wait3A_66 : memref<256x128xf32, #tpu.memory_space<hbm>>) dst(%arg8 : memref<256x128xf32, #tpu.memory_space<vmem>>)
        tpu.yield
      }) : () -> ()
      %mul3A_53 = arith.constant 2 : i32
      %mul3A_54 = arith.muli %while3A_45, %mul3A_53 : i32
      %add3A_55 = arith.constant 0 : i32
      %add3A_56 = arith.addi %mul3A_54, %add3A_55 : i32
      "tpu.region"() ({
        %run_scoped3A = tpu.sem_alloc : memref<!tpu.dma_semaphore, #tpu.memory_space<semaphore_mem>>
        %dma_start3A = arith.constant 0 : i32
        %dma_start3A_61 = arith.constant 0 : i32
        %dma_start3A_62 = tpu.memref_slice %arg8[%dma_start3A, %dma_start3A_61] : memref<256x128xf32, #tpu.memory_space<vmem>> -> memref<128x128xf32, #tpu.memory_space<vmem>>
        %dma_start3A_63 = arith.constant 0 : i32
        %dma_start3A_64 = tpu.memref_slice %arg7[%add3A_56, %dma_start3A_63] : memref<80x128xi32, #tpu.memory_space<vmem>> -> memref<1x128xi32, #tpu.memory_space<vmem>>
        %dma_start3A_65 = tpu.memref_squeeze %dma_start3A_64 : memref<1x128xi32, #tpu.memory_space<vmem>> -> memref<128xi32, #tpu.memory_space<vmem>>
        %dma_start3A_66 = arith.constant 0 : i32
        %dma_start3A_67 = arith.constant 0 : i32
        %dma_start3A_68 = tpu.memref_slice %arg6[%dma_start3A_66, %dma_start3A_67] : memref<10000x128xf32, #tpu.memory_space<vmem_shared>> -> memref<10000x128xf32, #tpu.memory_space<vmem_shared>>
        tpu.enqueue_indirect_dma source(%dma_start3A_62 : memref<128x128xf32, #tpu.memory_space<vmem>>) target(%dma_start3A_68 : memref<10000x128xf32, #tpu.memory_space<vmem_shared>>) offsets(%dma_start3A_65 : memref<128xi32, #tpu.memory_space<vmem>>) semaphore(%run_scoped3A : memref<!tpu.dma_semaphore, #tpu.memory_space<semaphore_mem>>) {add = true}
        %dma_wait3A = arith.constant 0 : i32
        %dma_wait3A_69 = arith.constant 0 : i32
        %dma_wait3A_70 = tpu.memref_slice %arg8[%dma_wait3A, %dma_wait3A_69] : memref<256x128xf32, #tpu.memory_space<vmem>> -> memref<128x128xf32, #tpu.memory_space<vmem>>
        %dma_wait3A_71 = arith.constant 0 : i32
        %dma_wait3A_72 = tpu.memref_slice %arg7[%add3A_56, %dma_wait3A_71] : memref<80x128xi32, #tpu.memory_space<vmem>> -> memref<1x128xi32, #tpu.memory_space<vmem>>
        %dma_wait3A_73 = tpu.memref_squeeze %dma_wait3A_72 : memref<1x128xi32, #tpu.memory_space<vmem>> -> memref<128xi32, #tpu.memory_space<vmem>>
        %dma_wait3A_74 = arith.constant 0 : i32
        %dma_wait3A_75 = arith.constant 0 : i32
        %dma_wait3A_76 = tpu.memref_slice %arg6[%dma_wait3A_74, %dma_wait3A_75] : memref<10000x128xf32, #tpu.memory_space<vmem_shared>> -> memref<10000x128xf32, #tpu.memory_space<vmem_shared>>
        tpu.wait_indirect_dma semaphore(%run_scoped3A : memref<!tpu.dma_semaphore, #tpu.memory_space<semaphore_mem>>) src(%dma_wait3A_70 : memref<128x128xf32, #tpu.memory_space<vmem>>) dst(%dma_wait3A_76 : memref<10000x128xf32, #tpu.memory_space<vmem_shared>>)
        tpu.yield
      }) : () -> ()
      %mul3A_57 = arith.constant 2 : i32
      %mul3A_58 = arith.muli %while3A_45, %mul3A_57 : i32
      %add3A_59 = arith.constant 1 : i32
      %add3A_60 = arith.addi %mul3A_58, %add3A_59 : i32
      "tpu.region"() ({
        %run_scoped3A = tpu.sem_alloc : memref<!tpu.dma_semaphore, #tpu.memory_space<semaphore_mem>>
        %dma_start3A = arith.constant 128 : i32
        %dma_start3A_61 = arith.constant 0 : i32
        %dma_start3A_62 = tpu.memref_slice %arg8[%dma_start3A, %dma_start3A_61] : memref<256x128xf32, #tpu.memory_space<vmem>> -> memref<128x128xf32, #tpu.memory_space<vmem>>
        %dma_start3A_63 = arith.constant 0 : i32
        %dma_start3A_64 = tpu.memref_slice %arg7[%add3A_60, %dma_start3A_63] : memref<80x128xi32, #tpu.memory_space<vmem>> -> memref<1x128xi32, #tpu.memory_space<vmem>>
        %dma_start3A_65 = tpu.memref_squeeze %dma_start3A_64 : memref<1x128xi32, #tpu.memory_space<vmem>> -> memref<128xi32, #tpu.memory_space<vmem>>
        %dma_start3A_66 = arith.constant 0 : i32
        %dma_start3A_67 = arith.constant 0 : i32
        %dma_start3A_68 = tpu.memref_slice %arg6[%dma_start3A_66, %dma_start3A_67] : memref<10000x128xf32, #tpu.memory_space<vmem_shared>> -> memref<10000x128xf32, #tpu.memory_space<vmem_shared>>
        tpu.enqueue_indirect_dma source(%dma_start3A_62 : memref<128x128xf32, #tpu.memory_space<vmem>>) target(%dma_start3A_68 : memref<10000x128xf32, #tpu.memory_space<vmem_shared>>) offsets(%dma_start3A_65 : memref<128xi32, #tpu.memory_space<vmem>>) semaphore(%run_scoped3A : memref<!tpu.dma_semaphore, #tpu.memory_space<semaphore_mem>>) {add = true}
        %dma_wait3A = arith.constant 128 : i32
        %dma_wait3A_69 = arith.constant 0 : i32
        %dma_wait3A_70 = tpu.memref_slice %arg8[%dma_wait3A, %dma_wait3A_69] : memref<256x128xf32, #tpu.memory_space<vmem>> -> memref<128x128xf32, #tpu.memory_space<vmem>>
        %dma_wait3A_71 = arith.constant 0 : i32
        %dma_wait3A_72 = tpu.memref_slice %arg7[%add3A_60, %dma_wait3A_71] : memref<80x128xi32, #tpu.memory_space<vmem>> -> memref<1x128xi32, #tpu.memory_space<vmem>>
        %dma_wait3A_73 = tpu.memref_squeeze %dma_wait3A_72 : memref<1x128xi32, #tpu.memory_space<vmem>> -> memref<128xi32, #tpu.memory_space<vmem>>
        %dma_wait3A_74 = arith.constant 0 : i32
        %dma_wait3A_75 = arith.constant 0 : i32
        %dma_wait3A_76 = tpu.memref_slice %arg6[%dma_wait3A_74, %dma_wait3A_75] : memref<10000x128xf32, #tpu.memory_space<vmem_shared>> -> memref<10000x128xf32, #tpu.memory_space<vmem_shared>>
        tpu.wait_indirect_dma semaphore(%run_scoped3A : memref<!tpu.dma_semaphore, #tpu.memory_space<semaphore_mem>>) src(%dma_wait3A_70 : memref<128x128xf32, #tpu.memory_space<vmem>>) dst(%dma_wait3A_76 : memref<10000x128xf32, #tpu.memory_space<vmem_shared>>)
        tpu.yield
      }) : () -> ()
    }
    %while3A_31 = arith.constant 1 : i32
    scf.for %while3A_45 = %while3A_29 to %while3A_25 step %while3A_31  : i32 {
      %mul3A_46 = arith.constant 80 : i32
      %mul3A_47 = arith.muli %add3A, %mul3A_46 : i32
      %mul3A_48 = arith.constant 128 : i32
      %mul3A_49 = arith.muli %mul3A_47, %mul3A_48 : i32
      %mul3A_50 = arith.constant 256 : i32
      %mul3A_51 = arith.muli %while3A_45, %mul3A_50 : i32
      %add3A_52 = arith.addi %mul3A_49, %mul3A_51 : i32
      "tpu.region"() ({
        %run_scoped3A = tpu.sem_alloc : memref<!tpu.dma_semaphore, #tpu.memory_space<semaphore_mem>>
        %dma_start3A = arith.constant 0 : i32
        %dma_start3A_61 = tpu.memref_slice %arg2[%add3A_52, %dma_start3A] : memref<320000x128xf32, #tpu.memory_space<hbm>> -> memref<256x128xf32, #tpu.memory_space<hbm>>
        %dma_start3A_62 = arith.constant 0 : i32
        %dma_start3A_63 = tpu.memref_slice %arg2[%add3A_52, %dma_start3A_62] : memref<320000x128xf32, #tpu.memory_space<hbm>> -> memref<256x128xf32, #tpu.memory_space<hbm>>
        tpu.enqueue_dma source(%dma_start3A_63 : memref<256x128xf32, #tpu.memory_space<hbm>>) target(%arg8 : memref<256x128xf32, #tpu.memory_space<vmem>>) target_semaphore(%run_scoped3A : memref<!tpu.dma_semaphore, #tpu.memory_space<semaphore_mem>>)
        %dma_wait3A = arith.constant 0 : i32
        %dma_wait3A_64 = tpu.memref_slice %arg2[%add3A_52, %dma_wait3A] : memref<320000x128xf32, #tpu.memory_space<hbm>> -> memref<256x128xf32, #tpu.memory_space<hbm>>
        %dma_wait3A_65 = arith.constant 0 : i32
        %dma_wait3A_66 = tpu.memref_slice %arg2[%add3A_52, %dma_wait3A_65] : memref<320000x128xf32, #tpu.memory_space<hbm>> -> memref<256x128xf32, #tpu.memory_space<hbm>>
        tpu.wait_dma2 semaphore(%run_scoped3A : memref<!tpu.dma_semaphore, #tpu.memory_space<semaphore_mem>>) src(%dma_wait3A_66 : memref<256x128xf32, #tpu.memory_space<hbm>>) dst(%arg8 : memref<256x128xf32, #tpu.memory_space<vmem>>)
        tpu.yield
      }) : () -> ()
      %mul3A_53 = arith.constant 2 : i32
      %mul3A_54 = arith.muli %while3A_45, %mul3A_53 : i32
      %add3A_55 = arith.constant 0 : i32
      %add3A_56 = arith.addi %mul3A_54, %add3A_55 : i32
      "tpu.region"() ({
        %run_scoped3A = tpu.sem_alloc : memref<!tpu.dma_semaphore, #tpu.memory_space<semaphore_mem>>
        %dma_start3A = arith.constant 0 : i32
        %dma_start3A_61 = arith.constant 0 : i32
        %dma_start3A_62 = tpu.memref_slice %arg8[%dma_start3A, %dma_start3A_61] : memref<256x128xf32, #tpu.memory_space<vmem>> -> memref<128x128xf32, #tpu.memory_space<vmem>>
        %dma_start3A_63 = arith.constant 0 : i32
        %dma_start3A_64 = tpu.memref_slice %arg7[%add3A_56, %dma_start3A_63] : memref<80x128xi32, #tpu.memory_space<vmem>> -> memref<1x128xi32, #tpu.memory_space<vmem>>
        %dma_start3A_65 = tpu.memref_squeeze %dma_start3A_64 : memref<1x128xi32, #tpu.memory_space<vmem>> -> memref<128xi32, #tpu.memory_space<vmem>>
        %dma_start3A_66 = arith.constant 0 : i32
        %dma_start3A_67 = arith.constant 0 : i32
        %dma_start3A_68 = tpu.memref_slice %arg6[%dma_start3A_66, %dma_start3A_67] : memref<10000x128xf32, #tpu.memory_space<vmem_shared>> -> memref<10000x128xf32, #tpu.memory_space<vmem_shared>>
        tpu.enqueue_indirect_dma source(%dma_start3A_62 : memref<128x128xf32, #tpu.memory_space<vmem>>) target(%dma_start3A_68 : memref<10000x128xf32, #tpu.memory_space<vmem_shared>>) offsets(%dma_start3A_65 : memref<128xi32, #tpu.memory_space<vmem>>) semaphore(%run_scoped3A : memref<!tpu.dma_semaphore, #tpu.memory_space<semaphore_mem>>) {add = true}
        %dma_wait3A = arith.constant 0 : i32
        %dma_wait3A_69 = arith.constant 0 : i32
        %dma_wait3A_70 = tpu.memref_slice %arg8[%dma_wait3A, %dma_wait3A_69] : memref<256x128xf32, #tpu.memory_space<vmem>> -> memref<128x128xf32, #tpu.memory_space<vmem>>
        %dma_wait3A_71 = arith.constant 0 : i32
        %dma_wait3A_72 = tpu.memref_slice %arg7[%add3A_56, %dma_wait3A_71] : memref<80x128xi32, #tpu.memory_space<vmem>> -> memref<1x128xi32, #tpu.memory_space<vmem>>
        %dma_wait3A_73 = tpu.memref_squeeze %dma_wait3A_72 : memref<1x128xi32, #tpu.memory_space<vmem>> -> memref<128xi32, #tpu.memory_space<vmem>>
        %dma_wait3A_74 = arith.constant 0 : i32
        %dma_wait3A_75 = arith.constant 0 : i32
        %dma_wait3A_76 = tpu.memref_slice %arg6[%dma_wait3A_74, %dma_wait3A_75] : memref<10000x128xf32, #tpu.memory_space<vmem_shared>> -> memref<10000x128xf32, #tpu.memory_space<vmem_shared>>
        tpu.wait_indirect_dma semaphore(%run_scoped3A : memref<!tpu.dma_semaphore, #tpu.memory_space<semaphore_mem>>) src(%dma_wait3A_70 : memref<128x128xf32, #tpu.memory_space<vmem>>) dst(%dma_wait3A_76 : memref<10000x128xf32, #tpu.memory_space<vmem_shared>>)
        tpu.yield
      }) : () -> ()
      %mul3A_57 = arith.constant 2 : i32
      %mul3A_58 = arith.muli %while3A_45, %mul3A_57 : i32
      %add3A_59 = arith.constant 1 : i32
      %add3A_60 = arith.addi %mul3A_58, %add3A_59 : i32
      "tpu.region"() ({
        %run_scoped3A = tpu.sem_alloc : memref<!tpu.dma_semaphore, #tpu.memory_space<semaphore_mem>>
        %dma_start3A = arith.constant 128 : i32
        %dma_start3A_61 = arith.constant 0 : i32
        %dma_start3A_62 = tpu.memref_slice %arg8[%dma_start3A, %dma_start3A_61] : memref<256x128xf32, #tpu.memory_space<vmem>> -> memref<128x128xf32, #tpu.memory_space<vmem>>
        %dma_start3A_63 = arith.constant 0 : i32
        %dma_start3A_64 = tpu.memref_slice %arg7[%add3A_60, %dma_start3A_63] : memref<80x128xi32, #tpu.memory_space<vmem>> -> memref<1x128xi32, #tpu.memory_space<vmem>>
        %dma_start3A_65 = tpu.memref_squeeze %dma_start3A_64 : memref<1x128xi32, #tpu.memory_space<vmem>> -> memref<128xi32, #tpu.memory_space<vmem>>
        %dma_start3A_66 = arith.constant 0 : i32
        %dma_start3A_67 = arith.constant 0 : i32
        %dma_start3A_68 = tpu.memref_slice %arg6[%dma_start3A_66, %dma_start3A_67] : memref<10000x128xf32, #tpu.memory_space<vmem_shared>> -> memref<10000x128xf32, #tpu.memory_space<vmem_shared>>
        tpu.enqueue_indirect_dma source(%dma_start3A_62 : memref<128x128xf32, #tpu.memory_space<vmem>>) target(%dma_start3A_68 : memref<10000x128xf32, #tpu.memory_space<vmem_shared>>) offsets(%dma_start3A_65 : memref<128xi32, #tpu.memory_space<vmem>>) semaphore(%run_scoped3A : memref<!tpu.dma_semaphore, #tpu.memory_space<semaphore_mem>>) {add = true}
        %dma_wait3A = arith.constant 128 : i32
        %dma_wait3A_69 = arith.constant 0 : i32
        %dma_wait3A_70 = tpu.memref_slice %arg8[%dma_wait3A, %dma_wait3A_69] : memref<256x128xf32, #tpu.memory_space<vmem>> -> memref<128x128xf32, #tpu.memory_space<vmem>>
        %dma_wait3A_71 = arith.constant 0 : i32
        %dma_wait3A_72 = tpu.memref_slice %arg7[%add3A_60, %dma_wait3A_71] : memref<80x128xi32, #tpu.memory_space<vmem>> -> memref<1x128xi32, #tpu.memory_space<vmem>>
        %dma_wait3A_73 = tpu.memref_squeeze %dma_wait3A_72 : memref<1x128xi32, #tpu.memory_space<vmem>> -> memref<128xi32, #tpu.memory_space<vmem>>
        %dma_wait3A_74 = arith.constant 0 : i32
        %dma_wait3A_75 = arith.constant 0 : i32
        %dma_wait3A_76 = tpu.memref_slice %arg6[%dma_wait3A_74, %dma_wait3A_75] : memref<10000x128xf32, #tpu.memory_space<vmem_shared>> -> memref<10000x128xf32, #tpu.memory_space<vmem_shared>>
        tpu.wait_indirect_dma semaphore(%run_scoped3A : memref<!tpu.dma_semaphore, #tpu.memory_space<semaphore_mem>>) src(%dma_wait3A_70 : memref<128x128xf32, #tpu.memory_space<vmem>>) dst(%dma_wait3A_76 : memref<10000x128xf32, #tpu.memory_space<vmem_shared>>)
        tpu.yield
      }) : () -> ()
    }
    %barrier3A_32 = arith.constant 0 : index
    tpu.barrier barrier_id(%barrier3A_32)
    %mul3A_33 = arith.constant 624 : i32
    %mul3A_34 = arith.muli %arg1, %mul3A_33 : i32
    %mul3A_35 = arith.constant 10000 : i32
    %mul3A_36 = arith.muli %arg0, %mul3A_35 : i32
    %mul3A_37 = arith.constant 624 : i32
    %mul3A_38 = arith.muli %arg1, %mul3A_37 : i32
    %add3A_39 = arith.addi %mul3A_36, %mul3A_38 : i32
    "tpu.region"() ({
      %run_scoped3A = tpu.sem_alloc : memref<!tpu.dma_semaphore, #tpu.memory_space<semaphore_mem>>
      %dma_start3A = arith.constant 0 : i32
      %dma_start3A_45 = tpu.memref_slice %arg5[%add3A_39, %dma_start3A] : memref<20000x128xf32, #tpu.memory_space<hbm>> -> memref<624x128xf32, #tpu.memory_space<hbm>>
      %dma_start3A_46 = arith.constant 0 : i32
      %dma_start3A_47 = tpu.memref_slice %arg6[%mul3A_34, %dma_start3A_46] : memref<10000x128xf32, #tpu.memory_space<vmem_shared>> -> memref<624x128xf32, #tpu.memory_space<vmem_shared>>
      tpu.enqueue_dma source(%dma_start3A_47 : memref<624x128xf32, #tpu.memory_space<vmem_shared>>) target(%dma_start3A_45 : memref<624x128xf32, #tpu.memory_space<hbm>>) target_semaphore(%run_scoped3A : memref<!tpu.dma_semaphore, #tpu.memory_space<semaphore_mem>>)
      %dma_wait3A = arith.constant 0 : i32
      %dma_wait3A_48 = tpu.memref_slice %arg5[%add3A_39, %dma_wait3A] : memref<20000x128xf32, #tpu.memory_space<hbm>> -> memref<624x128xf32, #tpu.memory_space<hbm>>
      %dma_wait3A_49 = arith.constant 0 : i32
      %dma_wait3A_50 = tpu.memref_slice %arg6[%mul3A_34, %dma_wait3A_49] : memref<10000x128xf32, #tpu.memory_space<vmem_shared>> -> memref<624x128xf32, #tpu.memory_space<vmem_shared>>
      tpu.wait_dma2 semaphore(%run_scoped3A : memref<!tpu.dma_semaphore, #tpu.memory_space<semaphore_mem>>) src(%dma_wait3A_50 : memref<624x128xf32, #tpu.memory_space<vmem_shared>>) dst(%dma_wait3A_48 : memref<624x128xf32, #tpu.memory_space<hbm>>)
      tpu.yield
    }) : () -> ()
    %eq3A_40 = arith.constant 15 : i32
    %eq3A_41 = arith.cmpi eq, %arg1, %eq3A_40 : i32
    %convert_element_type3A_42 = arith.extui %eq3A_41 : i1 to i32
    %cond3A_43 = arith.constant 0 : i32
    %cond3A_44 = arith.cmpi ne, %convert_element_type3A_42, %cond3A_43 : i32
    scf.if %cond3A_44 {
      %mul3A_45 = arith.constant 10000 : i32
      %mul3A_46 = arith.muli %arg0, %mul3A_45 : i32
      %add3A_47 = arith.constant 9984 : i32
      %add3A_48 = arith.addi %mul3A_46, %add3A_47 : i32
      "tpu.region"() ({
        %run_scoped3A = tpu.sem_alloc : memref<!tpu.dma_semaphore, #tpu.memory_space<semaphore_mem>>
        %dma_start3A = arith.constant 0 : i32
        %dma_start3A_49 = tpu.memref_slice %arg5[%add3A_48, %dma_start3A] : memref<20000x128xf32, #tpu.memory_space<hbm>> -> memref<16x128xf32, #tpu.memory_space<hbm>>
        %dma_start3A_50 = arith.constant 9984 : i32
        %dma_start3A_51 = arith.constant 0 : i32
        %dma_start3A_52 = tpu.memref_slice %arg6[%dma_start3A_50, %dma_start3A_51] : memref<10000x128xf32, #tpu.memory_space<vmem_shared>> -> memref<16x128xf32, #tpu.memory_space<vmem_shared>>
        tpu.enqueue_dma source(%dma_start3A_52 : memref<16x128xf32, #tpu.memory_space<vmem_shared>>) target(%dma_start3A_49 : memref<16x128xf32, #tpu.memory_space<hbm>>) target_semaphore(%run_scoped3A : memref<!tpu.dma_semaphore, #tpu.memory_space<semaphore_mem>>)
        %dma_wait3A = arith.constant 0 : i32
        %dma_wait3A_53 = tpu.memref_slice %arg5[%add3A_48, %dma_wait3A] : memref<20000x128xf32, #tpu.memory_space<hbm>> -> memref<16x128xf32, #tpu.memory_space<hbm>>
        %dma_wait3A_54 = arith.constant 9984 : i32
        %dma_wait3A_55 = arith.constant 0 : i32
        %dma_wait3A_56 = tpu.memref_slice %arg6[%dma_wait3A_54, %dma_wait3A_55] : memref<10000x128xf32, #tpu.memory_space<vmem_shared>> -> memref<16x128xf32, #tpu.memory_space<vmem_shared>>
        tpu.wait_dma2 semaphore(%run_scoped3A : memref<!tpu.dma_semaphore, #tpu.memory_space<semaphore_mem>>) src(%dma_wait3A_56 : memref<16x128xf32, #tpu.memory_space<vmem_shared>>) dst(%dma_wait3A_53 : memref<16x128xf32, #tpu.memory_space<hbm>>)
        tpu.yield
      }) : () -> ()
    } else {
    }
    return
  }
}

#map = affine_map<(d0, d1) -> (0, 0)>
module attributes {stable_mosaic.version = 14 : i64} {
  func.func @k(%arg0: i32, %arg1: i32, %arg2: memref<10000x128xf32, #tpu.memory_space<hbm>>, %arg3: memref<2500x128xi32, #tpu.memory_space<hbm>>, %arg4: memref<320000x128xf32, #tpu.memory_space<hbm>>, %arg5: memref<80x128xi32, #tpu.memory_space<vmem>>, %arg6: memref<512x128xf32, #tpu.memory_space<vmem>>, %arg7: memref<!tpu.dma_semaphore, #tpu.memory_space<semaphore_mem>>) attributes {dimension_semantics = [#tpu.dimension_semantics<core_parallel>, #tpu.dimension_semantics<subcore_parallel>], iteration_bounds = array<i64: 2, 16>, scalar_prefetch = 0 : i64, scratch_operands = 3 : i64, tpu.core_type = #tpu.core_type<sc_vector_subcore>, window_params = [{transform_indices = #map}, {transform_indices = #map}, {transform_indices = #map}]} {
    %mul3A = arith.constant 16 : i32
    %mul3A_0 = arith.muli %arg0, %mul3A : i32
    %add3A = arith.addi %mul3A_0, %arg1 : i32
    %lt3A = arith.constant 31 : i32
    %lt3A_1 = arith.cmpi slt, %add3A, %lt3A : i32
    %convert_element_type3A = arith.extui %lt3A_1 : i1 to i32
    %cond3A = arith.constant 0 : i32
    %cond3A_2 = arith.cmpi ne, %convert_element_type3A, %cond3A : i32
    scf.if %cond3A_2 {
      %mul3A_23 = arith.constant 80 : i32
      %mul3A_24 = arith.muli %add3A, %mul3A_23 : i32
      "tpu.region"() ({
        %run_scoped3A = tpu.sem_alloc : memref<!tpu.dma_semaphore, #tpu.memory_space<semaphore_mem>>
        %dma_start3A = arith.constant 0 : i32
        %dma_start3A_25 = tpu.memref_slice %arg3[%mul3A_24, %dma_start3A] : memref<2500x128xi32, #tpu.memory_space<hbm>> -> memref<80x128xi32, #tpu.memory_space<hbm>>
        %dma_start3A_26 = arith.constant 0 : i32
        %dma_start3A_27 = tpu.memref_slice %arg3[%mul3A_24, %dma_start3A_26] : memref<2500x128xi32, #tpu.memory_space<hbm>> -> memref<80x128xi32, #tpu.memory_space<hbm>>
        tpu.enqueue_dma source(%dma_start3A_27 : memref<80x128xi32, #tpu.memory_space<hbm>>) target(%arg5 : memref<80x128xi32, #tpu.memory_space<vmem>>) target_semaphore(%run_scoped3A : memref<!tpu.dma_semaphore, #tpu.memory_space<semaphore_mem>>)
        %dma_wait3A = arith.constant 0 : i32
        %dma_wait3A_28 = tpu.memref_slice %arg3[%mul3A_24, %dma_wait3A] : memref<2500x128xi32, #tpu.memory_space<hbm>> -> memref<80x128xi32, #tpu.memory_space<hbm>>
        %dma_wait3A_29 = arith.constant 0 : i32
        %dma_wait3A_30 = tpu.memref_slice %arg3[%mul3A_24, %dma_wait3A_29] : memref<2500x128xi32, #tpu.memory_space<hbm>> -> memref<80x128xi32, #tpu.memory_space<hbm>>
        tpu.wait_dma2 semaphore(%run_scoped3A : memref<!tpu.dma_semaphore, #tpu.memory_space<semaphore_mem>>) src(%dma_wait3A_30 : memref<80x128xi32, #tpu.memory_space<hbm>>) dst(%arg5 : memref<80x128xi32, #tpu.memory_space<vmem>>)
        tpu.yield
      }) : () -> ()
    } else {
    }
    %eq3A = arith.constant 31 : i32
    %eq3A_3 = arith.cmpi eq, %add3A, %eq3A : i32
    %convert_element_type3A_4 = arith.extui %eq3A_3 : i1 to i32
    %cond3A_5 = arith.constant 0 : i32
    %cond3A_6 = arith.cmpi ne, %convert_element_type3A_4, %cond3A_5 : i32
    scf.if %cond3A_6 {
      "tpu.region"() ({
        %run_scoped3A = tpu.sem_alloc : memref<!tpu.dma_semaphore, #tpu.memory_space<semaphore_mem>>
        %dma_start3A = arith.constant 0 : i32
        %dma_start3A_23 = arith.constant 0 : i32
        %dma_start3A_24 = tpu.memref_slice %arg5[%dma_start3A, %dma_start3A_23] : memref<80x128xi32, #tpu.memory_space<vmem>> -> memref<20x128xi32, #tpu.memory_space<vmem>>
        %dma_start3A_25 = arith.constant 2480 : i32
        %dma_start3A_26 = arith.constant 0 : i32
        %dma_start3A_27 = tpu.memref_slice %arg3[%dma_start3A_25, %dma_start3A_26] : memref<2500x128xi32, #tpu.memory_space<hbm>> -> memref<20x128xi32, #tpu.memory_space<hbm>>
        %dma_start3A_28 = arith.constant 0 : i32
        %dma_start3A_29 = arith.constant 0 : i32
        %dma_start3A_30 = tpu.memref_slice %arg5[%dma_start3A_28, %dma_start3A_29] : memref<80x128xi32, #tpu.memory_space<vmem>> -> memref<20x128xi32, #tpu.memory_space<vmem>>
        %dma_start3A_31 = arith.constant 2480 : i32
        %dma_start3A_32 = arith.constant 0 : i32
        %dma_start3A_33 = tpu.memref_slice %arg3[%dma_start3A_31, %dma_start3A_32] : memref<2500x128xi32, #tpu.memory_space<hbm>> -> memref<20x128xi32, #tpu.memory_space<hbm>>
        tpu.enqueue_dma source(%dma_start3A_33 : memref<20x128xi32, #tpu.memory_space<hbm>>) target(%dma_start3A_30 : memref<20x128xi32, #tpu.memory_space<vmem>>) target_semaphore(%run_scoped3A : memref<!tpu.dma_semaphore, #tpu.memory_space<semaphore_mem>>)
        %dma_wait3A = arith.constant 0 : i32
        %dma_wait3A_34 = arith.constant 0 : i32
        %dma_wait3A_35 = tpu.memref_slice %arg5[%dma_wait3A, %dma_wait3A_34] : memref<80x128xi32, #tpu.memory_space<vmem>> -> memref<20x128xi32, #tpu.memory_space<vmem>>
        %dma_wait3A_36 = arith.constant 2480 : i32
        %dma_wait3A_37 = arith.constant 0 : i32
        %dma_wait3A_38 = tpu.memref_slice %arg3[%dma_wait3A_36, %dma_wait3A_37] : memref<2500x128xi32, #tpu.memory_space<hbm>> -> memref<20x128xi32, #tpu.memory_space<hbm>>
        %dma_wait3A_39 = arith.constant 0 : i32
        %dma_wait3A_40 = arith.constant 0 : i32
        %dma_wait3A_41 = tpu.memref_slice %arg5[%dma_wait3A_39, %dma_wait3A_40] : memref<80x128xi32, #tpu.memory_space<vmem>> -> memref<20x128xi32, #tpu.memory_space<vmem>>
        %dma_wait3A_42 = arith.constant 2480 : i32
        %dma_wait3A_43 = arith.constant 0 : i32
        %dma_wait3A_44 = tpu.memref_slice %arg3[%dma_wait3A_42, %dma_wait3A_43] : memref<2500x128xi32, #tpu.memory_space<hbm>> -> memref<20x128xi32, #tpu.memory_space<hbm>>
        tpu.wait_dma2 semaphore(%run_scoped3A : memref<!tpu.dma_semaphore, #tpu.memory_space<semaphore_mem>>) src(%dma_wait3A_44 : memref<20x128xi32, #tpu.memory_space<hbm>>) dst(%dma_wait3A_41 : memref<20x128xi32, #tpu.memory_space<vmem>>)
        tpu.yield
      }) : () -> ()
    } else {
    }
    %lt3A_7 = arith.constant 31 : i32
    %lt3A_8 = arith.cmpi slt, %add3A, %lt3A_7 : i32
    %eq3A_9 = arith.constant 31 : i32
    %eq3A_10 = arith.cmpi eq, %add3A, %eq3A_9 : i32
    %jit3A = arith.constant 5 : i32
    %jit3A_11 = arith.constant 0 : i32
    %select_n3A = arith.select %eq3A_10, %jit3A, %jit3A_11 : i32
    %jit3A_12 = arith.constant 20 : i32
    %select_n3A_13 = arith.select %lt3A_8, %jit3A_12, %select_n3A : i32
    %while3A = arith.constant 0 : i32
    %while3A_14 = arith.constant 0 : i32
    %while3A_15 = arith.subi %select_n3A_13, %while3A_14 : i32
    %while3A_16 = arith.addi %while3A_14, %while3A_15 : i32
    %while3A_17 = arith.constant 1 : i32
    %while3A_18 = arith.divsi %while3A_15, %while3A_17 : i32
    %while3A_19 = arith.muli %while3A_18, %while3A_17 : i32
    %while3A_20 = arith.addi %while3A_14, %while3A_19 : i32
    %while3A_21 = arith.constant 1 : i32
    scf.for %while3A_23 = %while3A_14 to %while3A_20 step %while3A_21  : i32 {
      %mul3A_24 = arith.constant 80 : i32
      %mul3A_25 = arith.muli %add3A, %mul3A_24 : i32
      %mul3A_26 = arith.constant 128 : i32
      %mul3A_27 = arith.muli %mul3A_25, %mul3A_26 : i32
      %mul3A_28 = arith.constant 512 : i32
      %mul3A_29 = arith.muli %while3A_23, %mul3A_28 : i32
      %add3A_30 = arith.addi %mul3A_27, %mul3A_29 : i32
      %mul3A_31 = arith.constant 4 : i32
      %mul3A_32 = arith.muli %while3A_23, %mul3A_31 : i32
      %add3A_33 = arith.constant 0 : i32
      %add3A_34 = arith.addi %mul3A_32, %add3A_33 : i32
      %dma_start3A = arith.constant 0 : i32
      %dma_start3A_35 = arith.constant 0 : i32
      %dma_start3A_36 = tpu.memref_slice %arg6[%dma_start3A, %dma_start3A_35] : memref<512x128xf32, #tpu.memory_space<vmem>> -> memref<128x128xf32, #tpu.memory_space<vmem>>
      %dma_start3A_37 = arith.constant 0 : i32
      %dma_start3A_38 = tpu.memref_slice %arg5[%add3A_34, %dma_start3A_37] : memref<80x128xi32, #tpu.memory_space<vmem>> -> memref<1x128xi32, #tpu.memory_space<vmem>>
      %dma_start3A_39 = tpu.memref_squeeze %dma_start3A_38 : memref<1x128xi32, #tpu.memory_space<vmem>> -> memref<128xi32, #tpu.memory_space<vmem>>
      %dma_start3A_40 = arith.constant 0 : i32
      %dma_start3A_41 = arith.constant 0 : i32
      %dma_start3A_42 = tpu.memref_slice %arg2[%dma_start3A_40, %dma_start3A_41] : memref<10000x128xf32, #tpu.memory_space<hbm>> -> memref<10000x128xf32, #tpu.memory_space<hbm>>
      tpu.enqueue_indirect_dma source(%dma_start3A_42 : memref<10000x128xf32, #tpu.memory_space<hbm>>) target(%dma_start3A_36 : memref<128x128xf32, #tpu.memory_space<vmem>>) offsets(%dma_start3A_39 : memref<128xi32, #tpu.memory_space<vmem>>) semaphore(%arg7 : memref<!tpu.dma_semaphore, #tpu.memory_space<semaphore_mem>>)
      %mul3A_43 = arith.constant 4 : i32
      %mul3A_44 = arith.muli %while3A_23, %mul3A_43 : i32
      %add3A_45 = arith.constant 1 : i32
      %add3A_46 = arith.addi %mul3A_44, %add3A_45 : i32
      %dma_start3A_47 = arith.constant 128 : i32
      %dma_start3A_48 = arith.constant 0 : i32
      %dma_start3A_49 = tpu.memref_slice %arg6[%dma_start3A_47, %dma_start3A_48] : memref<512x128xf32, #tpu.memory_space<vmem>> -> memref<128x128xf32, #tpu.memory_space<vmem>>
      %dma_start3A_50 = arith.constant 0 : i32
      %dma_start3A_51 = tpu.memref_slice %arg5[%add3A_46, %dma_start3A_50] : memref<80x128xi32, #tpu.memory_space<vmem>> -> memref<1x128xi32, #tpu.memory_space<vmem>>
      %dma_start3A_52 = tpu.memref_squeeze %dma_start3A_51 : memref<1x128xi32, #tpu.memory_space<vmem>> -> memref<128xi32, #tpu.memory_space<vmem>>
      %dma_start3A_53 = arith.constant 0 : i32
      %dma_start3A_54 = arith.constant 0 : i32
      %dma_start3A_55 = tpu.memref_slice %arg2[%dma_start3A_53, %dma_start3A_54] : memref<10000x128xf32, #tpu.memory_space<hbm>> -> memref<10000x128xf32, #tpu.memory_space<hbm>>
      tpu.enqueue_indirect_dma source(%dma_start3A_55 : memref<10000x128xf32, #tpu.memory_space<hbm>>) target(%dma_start3A_49 : memref<128x128xf32, #tpu.memory_space<vmem>>) offsets(%dma_start3A_52 : memref<128xi32, #tpu.memory_space<vmem>>) semaphore(%arg7 : memref<!tpu.dma_semaphore, #tpu.memory_space<semaphore_mem>>)
      %mul3A_56 = arith.constant 4 : i32
      %mul3A_57 = arith.muli %while3A_23, %mul3A_56 : i32
      %add3A_58 = arith.constant 2 : i32
      %add3A_59 = arith.addi %mul3A_57, %add3A_58 : i32
      %dma_start3A_60 = arith.constant 256 : i32
      %dma_start3A_61 = arith.constant 0 : i32
      %dma_start3A_62 = tpu.memref_slice %arg6[%dma_start3A_60, %dma_start3A_61] : memref<512x128xf32, #tpu.memory_space<vmem>> -> memref<128x128xf32, #tpu.memory_space<vmem>>
      %dma_start3A_63 = arith.constant 0 : i32
      %dma_start3A_64 = tpu.memref_slice %arg5[%add3A_59, %dma_start3A_63] : memref<80x128xi32, #tpu.memory_space<vmem>> -> memref<1x128xi32, #tpu.memory_space<vmem>>
      %dma_start3A_65 = tpu.memref_squeeze %dma_start3A_64 : memref<1x128xi32, #tpu.memory_space<vmem>> -> memref<128xi32, #tpu.memory_space<vmem>>
      %dma_start3A_66 = arith.constant 0 : i32
      %dma_start3A_67 = arith.constant 0 : i32
      %dma_start3A_68 = tpu.memref_slice %arg2[%dma_start3A_66, %dma_start3A_67] : memref<10000x128xf32, #tpu.memory_space<hbm>> -> memref<10000x128xf32, #tpu.memory_space<hbm>>
      tpu.enqueue_indirect_dma source(%dma_start3A_68 : memref<10000x128xf32, #tpu.memory_space<hbm>>) target(%dma_start3A_62 : memref<128x128xf32, #tpu.memory_space<vmem>>) offsets(%dma_start3A_65 : memref<128xi32, #tpu.memory_space<vmem>>) semaphore(%arg7 : memref<!tpu.dma_semaphore, #tpu.memory_space<semaphore_mem>>)
      %mul3A_69 = arith.constant 4 : i32
      %mul3A_70 = arith.muli %while3A_23, %mul3A_69 : i32
      %add3A_71 = arith.constant 3 : i32
      %add3A_72 = arith.addi %mul3A_70, %add3A_71 : i32
      %dma_start3A_73 = arith.constant 384 : i32
      %dma_start3A_74 = arith.constant 0 : i32
      %dma_start3A_75 = tpu.memref_slice %arg6[%dma_start3A_73, %dma_start3A_74] : memref<512x128xf32, #tpu.memory_space<vmem>> -> memref<128x128xf32, #tpu.memory_space<vmem>>
      %dma_start3A_76 = arith.constant 0 : i32
      %dma_start3A_77 = tpu.memref_slice %arg5[%add3A_72, %dma_start3A_76] : memref<80x128xi32, #tpu.memory_space<vmem>> -> memref<1x128xi32, #tpu.memory_space<vmem>>
      %dma_start3A_78 = tpu.memref_squeeze %dma_start3A_77 : memref<1x128xi32, #tpu.memory_space<vmem>> -> memref<128xi32, #tpu.memory_space<vmem>>
      %dma_start3A_79 = arith.constant 0 : i32
      %dma_start3A_80 = arith.constant 0 : i32
      %dma_start3A_81 = tpu.memref_slice %arg2[%dma_start3A_79, %dma_start3A_80] : memref<10000x128xf32, #tpu.memory_space<hbm>> -> memref<10000x128xf32, #tpu.memory_space<hbm>>
      tpu.enqueue_indirect_dma source(%dma_start3A_81 : memref<10000x128xf32, #tpu.memory_space<hbm>>) target(%dma_start3A_75 : memref<128x128xf32, #tpu.memory_space<vmem>>) offsets(%dma_start3A_78 : memref<128xi32, #tpu.memory_space<vmem>>) semaphore(%arg7 : memref<!tpu.dma_semaphore, #tpu.memory_space<semaphore_mem>>)
      %dma_wait3A = arith.constant 0 : i32
      %dma_wait3A_82 = arith.constant 0 : i32
      %dma_wait3A_83 = tpu.memref_slice %arg6[%dma_wait3A, %dma_wait3A_82] : memref<512x128xf32, #tpu.memory_space<vmem>> -> memref<128x128xf32, #tpu.memory_space<vmem>>
      %dma_wait3A_84 = arith.constant 0 : i32
      %dma_wait3A_85 = tpu.memref_slice %arg5[%add3A_34, %dma_wait3A_84] : memref<80x128xi32, #tpu.memory_space<vmem>> -> memref<1x128xi32, #tpu.memory_space<vmem>>
      %dma_wait3A_86 = tpu.memref_squeeze %dma_wait3A_85 : memref<1x128xi32, #tpu.memory_space<vmem>> -> memref<128xi32, #tpu.memory_space<vmem>>
      %dma_wait3A_87 = arith.constant 0 : i32
      %dma_wait3A_88 = arith.constant 0 : i32
      %dma_wait3A_89 = tpu.memref_slice %arg2[%dma_wait3A_87, %dma_wait3A_88] : memref<10000x128xf32, #tpu.memory_space<hbm>> -> memref<10000x128xf32, #tpu.memory_space<hbm>>
      tpu.wait_indirect_dma semaphore(%arg7 : memref<!tpu.dma_semaphore, #tpu.memory_space<semaphore_mem>>) src(%dma_wait3A_89 : memref<10000x128xf32, #tpu.memory_space<hbm>>) dst(%dma_wait3A_83 : memref<128x128xf32, #tpu.memory_space<vmem>>)
      %dma_wait3A_90 = arith.constant 128 : i32
      %dma_wait3A_91 = arith.constant 0 : i32
      %dma_wait3A_92 = tpu.memref_slice %arg6[%dma_wait3A_90, %dma_wait3A_91] : memref<512x128xf32, #tpu.memory_space<vmem>> -> memref<128x128xf32, #tpu.memory_space<vmem>>
      %dma_wait3A_93 = arith.constant 0 : i32
      %dma_wait3A_94 = tpu.memref_slice %arg5[%add3A_46, %dma_wait3A_93] : memref<80x128xi32, #tpu.memory_space<vmem>> -> memref<1x128xi32, #tpu.memory_space<vmem>>
      %dma_wait3A_95 = tpu.memref_squeeze %dma_wait3A_94 : memref<1x128xi32, #tpu.memory_space<vmem>> -> memref<128xi32, #tpu.memory_space<vmem>>
      %dma_wait3A_96 = arith.constant 0 : i32
      %dma_wait3A_97 = arith.constant 0 : i32
      %dma_wait3A_98 = tpu.memref_slice %arg2[%dma_wait3A_96, %dma_wait3A_97] : memref<10000x128xf32, #tpu.memory_space<hbm>> -> memref<10000x128xf32, #tpu.memory_space<hbm>>
      tpu.wait_indirect_dma semaphore(%arg7 : memref<!tpu.dma_semaphore, #tpu.memory_space<semaphore_mem>>) src(%dma_wait3A_98 : memref<10000x128xf32, #tpu.memory_space<hbm>>) dst(%dma_wait3A_92 : memref<128x128xf32, #tpu.memory_space<vmem>>)
      %dma_wait3A_99 = arith.constant 256 : i32
      %dma_wait3A_100 = arith.constant 0 : i32
      %dma_wait3A_101 = tpu.memref_slice %arg6[%dma_wait3A_99, %dma_wait3A_100] : memref<512x128xf32, #tpu.memory_space<vmem>> -> memref<128x128xf32, #tpu.memory_space<vmem>>
      %dma_wait3A_102 = arith.constant 0 : i32
      %dma_wait3A_103 = tpu.memref_slice %arg5[%add3A_59, %dma_wait3A_102] : memref<80x128xi32, #tpu.memory_space<vmem>> -> memref<1x128xi32, #tpu.memory_space<vmem>>
      %dma_wait3A_104 = tpu.memref_squeeze %dma_wait3A_103 : memref<1x128xi32, #tpu.memory_space<vmem>> -> memref<128xi32, #tpu.memory_space<vmem>>
      %dma_wait3A_105 = arith.constant 0 : i32
      %dma_wait3A_106 = arith.constant 0 : i32
      %dma_wait3A_107 = tpu.memref_slice %arg2[%dma_wait3A_105, %dma_wait3A_106] : memref<10000x128xf32, #tpu.memory_space<hbm>> -> memref<10000x128xf32, #tpu.memory_space<hbm>>
      tpu.wait_indirect_dma semaphore(%arg7 : memref<!tpu.dma_semaphore, #tpu.memory_space<semaphore_mem>>) src(%dma_wait3A_107 : memref<10000x128xf32, #tpu.memory_space<hbm>>) dst(%dma_wait3A_101 : memref<128x128xf32, #tpu.memory_space<vmem>>)
      %dma_wait3A_108 = arith.constant 384 : i32
      %dma_wait3A_109 = arith.constant 0 : i32
      %dma_wait3A_110 = tpu.memref_slice %arg6[%dma_wait3A_108, %dma_wait3A_109] : memref<512x128xf32, #tpu.memory_space<vmem>> -> memref<128x128xf32, #tpu.memory_space<vmem>>
      %dma_wait3A_111 = arith.constant 0 : i32
      %dma_wait3A_112 = tpu.memref_slice %arg5[%add3A_72, %dma_wait3A_111] : memref<80x128xi32, #tpu.memory_space<vmem>> -> memref<1x128xi32, #tpu.memory_space<vmem>>
      %dma_wait3A_113 = tpu.memref_squeeze %dma_wait3A_112 : memref<1x128xi32, #tpu.memory_space<vmem>> -> memref<128xi32, #tpu.memory_space<vmem>>
      %dma_wait3A_114 = arith.constant 0 : i32
      %dma_wait3A_115 = arith.constant 0 : i32
      %dma_wait3A_116 = tpu.memref_slice %arg2[%dma_wait3A_114, %dma_wait3A_115] : memref<10000x128xf32, #tpu.memory_space<hbm>> -> memref<10000x128xf32, #tpu.memory_space<hbm>>
      tpu.wait_indirect_dma semaphore(%arg7 : memref<!tpu.dma_semaphore, #tpu.memory_space<semaphore_mem>>) src(%dma_wait3A_116 : memref<10000x128xf32, #tpu.memory_space<hbm>>) dst(%dma_wait3A_110 : memref<128x128xf32, #tpu.memory_space<vmem>>)
      "tpu.region"() ({
        %run_scoped3A = tpu.sem_alloc : memref<!tpu.dma_semaphore, #tpu.memory_space<semaphore_mem>>
        %dma_start3A_117 = arith.constant 0 : i32
        %dma_start3A_118 = tpu.memref_slice %arg4[%add3A_30, %dma_start3A_117] : memref<320000x128xf32, #tpu.memory_space<hbm>> -> memref<512x128xf32, #tpu.memory_space<hbm>>
        %dma_start3A_119 = arith.constant 0 : i32
        %dma_start3A_120 = tpu.memref_slice %arg4[%add3A_30, %dma_start3A_119] : memref<320000x128xf32, #tpu.memory_space<hbm>> -> memref<512x128xf32, #tpu.memory_space<hbm>>
        tpu.enqueue_dma source(%arg6 : memref<512x128xf32, #tpu.memory_space<vmem>>) target(%dma_start3A_120 : memref<512x128xf32, #tpu.memory_space<hbm>>) target_semaphore(%run_scoped3A : memref<!tpu.dma_semaphore, #tpu.memory_space<semaphore_mem>>)
        %dma_wait3A_121 = arith.constant 0 : i32
        %dma_wait3A_122 = tpu.memref_slice %arg4[%add3A_30, %dma_wait3A_121] : memref<320000x128xf32, #tpu.memory_space<hbm>> -> memref<512x128xf32, #tpu.memory_space<hbm>>
        %dma_wait3A_123 = arith.constant 0 : i32
        %dma_wait3A_124 = tpu.memref_slice %arg4[%add3A_30, %dma_wait3A_123] : memref<320000x128xf32, #tpu.memory_space<hbm>> -> memref<512x128xf32, #tpu.memory_space<hbm>>
        tpu.wait_dma2 semaphore(%run_scoped3A : memref<!tpu.dma_semaphore, #tpu.memory_space<semaphore_mem>>) src(%arg6 : memref<512x128xf32, #tpu.memory_space<vmem>>) dst(%dma_wait3A_124 : memref<512x128xf32, #tpu.memory_space<hbm>>)
        tpu.yield
      }) : () -> ()
    }
    %while3A_22 = arith.constant 1 : i32
    scf.for %while3A_23 = %while3A_20 to %while3A_16 step %while3A_22  : i32 {
      %mul3A_24 = arith.constant 80 : i32
      %mul3A_25 = arith.muli %add3A, %mul3A_24 : i32
      %mul3A_26 = arith.constant 128 : i32
      %mul3A_27 = arith.muli %mul3A_25, %mul3A_26 : i32
      %mul3A_28 = arith.constant 512 : i32
      %mul3A_29 = arith.muli %while3A_23, %mul3A_28 : i32
      %add3A_30 = arith.addi %mul3A_27, %mul3A_29 : i32
      %mul3A_31 = arith.constant 4 : i32
      %mul3A_32 = arith.muli %while3A_23, %mul3A_31 : i32
      %add3A_33 = arith.constant 0 : i32
      %add3A_34 = arith.addi %mul3A_32, %add3A_33 : i32
      %dma_start3A = arith.constant 0 : i32
      %dma_start3A_35 = arith.constant 0 : i32
      %dma_start3A_36 = tpu.memref_slice %arg6[%dma_start3A, %dma_start3A_35] : memref<512x128xf32, #tpu.memory_space<vmem>> -> memref<128x128xf32, #tpu.memory_space<vmem>>
      %dma_start3A_37 = arith.constant 0 : i32
      %dma_start3A_38 = tpu.memref_slice %arg5[%add3A_34, %dma_start3A_37] : memref<80x128xi32, #tpu.memory_space<vmem>> -> memref<1x128xi32, #tpu.memory_space<vmem>>
      %dma_start3A_39 = tpu.memref_squeeze %dma_start3A_38 : memref<1x128xi32, #tpu.memory_space<vmem>> -> memref<128xi32, #tpu.memory_space<vmem>>
      %dma_start3A_40 = arith.constant 0 : i32
      %dma_start3A_41 = arith.constant 0 : i32
      %dma_start3A_42 = tpu.memref_slice %arg2[%dma_start3A_40, %dma_start3A_41] : memref<10000x128xf32, #tpu.memory_space<hbm>> -> memref<10000x128xf32, #tpu.memory_space<hbm>>
      tpu.enqueue_indirect_dma source(%dma_start3A_42 : memref<10000x128xf32, #tpu.memory_space<hbm>>) target(%dma_start3A_36 : memref<128x128xf32, #tpu.memory_space<vmem>>) offsets(%dma_start3A_39 : memref<128xi32, #tpu.memory_space<vmem>>) semaphore(%arg7 : memref<!tpu.dma_semaphore, #tpu.memory_space<semaphore_mem>>)
      %mul3A_43 = arith.constant 4 : i32
      %mul3A_44 = arith.muli %while3A_23, %mul3A_43 : i32
      %add3A_45 = arith.constant 1 : i32
      %add3A_46 = arith.addi %mul3A_44, %add3A_45 : i32
      %dma_start3A_47 = arith.constant 128 : i32
      %dma_start3A_48 = arith.constant 0 : i32
      %dma_start3A_49 = tpu.memref_slice %arg6[%dma_start3A_47, %dma_start3A_48] : memref<512x128xf32, #tpu.memory_space<vmem>> -> memref<128x128xf32, #tpu.memory_space<vmem>>
      %dma_start3A_50 = arith.constant 0 : i32
      %dma_start3A_51 = tpu.memref_slice %arg5[%add3A_46, %dma_start3A_50] : memref<80x128xi32, #tpu.memory_space<vmem>> -> memref<1x128xi32, #tpu.memory_space<vmem>>
      %dma_start3A_52 = tpu.memref_squeeze %dma_start3A_51 : memref<1x128xi32, #tpu.memory_space<vmem>> -> memref<128xi32, #tpu.memory_space<vmem>>
      %dma_start3A_53 = arith.constant 0 : i32
      %dma_start3A_54 = arith.constant 0 : i32
      %dma_start3A_55 = tpu.memref_slice %arg2[%dma_start3A_53, %dma_start3A_54] : memref<10000x128xf32, #tpu.memory_space<hbm>> -> memref<10000x128xf32, #tpu.memory_space<hbm>>
      tpu.enqueue_indirect_dma source(%dma_start3A_55 : memref<10000x128xf32, #tpu.memory_space<hbm>>) target(%dma_start3A_49 : memref<128x128xf32, #tpu.memory_space<vmem>>) offsets(%dma_start3A_52 : memref<128xi32, #tpu.memory_space<vmem>>) semaphore(%arg7 : memref<!tpu.dma_semaphore, #tpu.memory_space<semaphore_mem>>)
      %mul3A_56 = arith.constant 4 : i32
      %mul3A_57 = arith.muli %while3A_23, %mul3A_56 : i32
      %add3A_58 = arith.constant 2 : i32
      %add3A_59 = arith.addi %mul3A_57, %add3A_58 : i32
      %dma_start3A_60 = arith.constant 256 : i32
      %dma_start3A_61 = arith.constant 0 : i32
      %dma_start3A_62 = tpu.memref_slice %arg6[%dma_start3A_60, %dma_start3A_61] : memref<512x128xf32, #tpu.memory_space<vmem>> -> memref<128x128xf32, #tpu.memory_space<vmem>>
      %dma_start3A_63 = arith.constant 0 : i32
      %dma_start3A_64 = tpu.memref_slice %arg5[%add3A_59, %dma_start3A_63] : memref<80x128xi32, #tpu.memory_space<vmem>> -> memref<1x128xi32, #tpu.memory_space<vmem>>
      %dma_start3A_65 = tpu.memref_squeeze %dma_start3A_64 : memref<1x128xi32, #tpu.memory_space<vmem>> -> memref<128xi32, #tpu.memory_space<vmem>>
      %dma_start3A_66 = arith.constant 0 : i32
      %dma_start3A_67 = arith.constant 0 : i32
      %dma_start3A_68 = tpu.memref_slice %arg2[%dma_start3A_66, %dma_start3A_67] : memref<10000x128xf32, #tpu.memory_space<hbm>> -> memref<10000x128xf32, #tpu.memory_space<hbm>>
      tpu.enqueue_indirect_dma source(%dma_start3A_68 : memref<10000x128xf32, #tpu.memory_space<hbm>>) target(%dma_start3A_62 : memref<128x128xf32, #tpu.memory_space<vmem>>) offsets(%dma_start3A_65 : memref<128xi32, #tpu.memory_space<vmem>>) semaphore(%arg7 : memref<!tpu.dma_semaphore, #tpu.memory_space<semaphore_mem>>)
      %mul3A_69 = arith.constant 4 : i32
      %mul3A_70 = arith.muli %while3A_23, %mul3A_69 : i32
      %add3A_71 = arith.constant 3 : i32
      %add3A_72 = arith.addi %mul3A_70, %add3A_71 : i32
      %dma_start3A_73 = arith.constant 384 : i32
      %dma_start3A_74 = arith.constant 0 : i32
      %dma_start3A_75 = tpu.memref_slice %arg6[%dma_start3A_73, %dma_start3A_74] : memref<512x128xf32, #tpu.memory_space<vmem>> -> memref<128x128xf32, #tpu.memory_space<vmem>>
      %dma_start3A_76 = arith.constant 0 : i32
      %dma_start3A_77 = tpu.memref_slice %arg5[%add3A_72, %dma_start3A_76] : memref<80x128xi32, #tpu.memory_space<vmem>> -> memref<1x128xi32, #tpu.memory_space<vmem>>
      %dma_start3A_78 = tpu.memref_squeeze %dma_start3A_77 : memref<1x128xi32, #tpu.memory_space<vmem>> -> memref<128xi32, #tpu.memory_space<vmem>>
      %dma_start3A_79 = arith.constant 0 : i32
      %dma_start3A_80 = arith.constant 0 : i32
      %dma_start3A_81 = tpu.memref_slice %arg2[%dma_start3A_79, %dma_start3A_80] : memref<10000x128xf32, #tpu.memory_space<hbm>> -> memref<10000x128xf32, #tpu.memory_space<hbm>>
      tpu.enqueue_indirect_dma source(%dma_start3A_81 : memref<10000x128xf32, #tpu.memory_space<hbm>>) target(%dma_start3A_75 : memref<128x128xf32, #tpu.memory_space<vmem>>) offsets(%dma_start3A_78 : memref<128xi32, #tpu.memory_space<vmem>>) semaphore(%arg7 : memref<!tpu.dma_semaphore, #tpu.memory_space<semaphore_mem>>)
      %dma_wait3A = arith.constant 0 : i32
      %dma_wait3A_82 = arith.constant 0 : i32
      %dma_wait3A_83 = tpu.memref_slice %arg6[%dma_wait3A, %dma_wait3A_82] : memref<512x128xf32, #tpu.memory_space<vmem>> -> memref<128x128xf32, #tpu.memory_space<vmem>>
      %dma_wait3A_84 = arith.constant 0 : i32
      %dma_wait3A_85 = tpu.memref_slice %arg5[%add3A_34, %dma_wait3A_84] : memref<80x128xi32, #tpu.memory_space<vmem>> -> memref<1x128xi32, #tpu.memory_space<vmem>>
      %dma_wait3A_86 = tpu.memref_squeeze %dma_wait3A_85 : memref<1x128xi32, #tpu.memory_space<vmem>> -> memref<128xi32, #tpu.memory_space<vmem>>
      %dma_wait3A_87 = arith.constant 0 : i32
      %dma_wait3A_88 = arith.constant 0 : i32
      %dma_wait3A_89 = tpu.memref_slice %arg2[%dma_wait3A_87, %dma_wait3A_88] : memref<10000x128xf32, #tpu.memory_space<hbm>> -> memref<10000x128xf32, #tpu.memory_space<hbm>>
      tpu.wait_indirect_dma semaphore(%arg7 : memref<!tpu.dma_semaphore, #tpu.memory_space<semaphore_mem>>) src(%dma_wait3A_89 : memref<10000x128xf32, #tpu.memory_space<hbm>>) dst(%dma_wait3A_83 : memref<128x128xf32, #tpu.memory_space<vmem>>)
      %dma_wait3A_90 = arith.constant 128 : i32
      %dma_wait3A_91 = arith.constant 0 : i32
      %dma_wait3A_92 = tpu.memref_slice %arg6[%dma_wait3A_90, %dma_wait3A_91] : memref<512x128xf32, #tpu.memory_space<vmem>> -> memref<128x128xf32, #tpu.memory_space<vmem>>
      %dma_wait3A_93 = arith.constant 0 : i32
      %dma_wait3A_94 = tpu.memref_slice %arg5[%add3A_46, %dma_wait3A_93] : memref<80x128xi32, #tpu.memory_space<vmem>> -> memref<1x128xi32, #tpu.memory_space<vmem>>
      %dma_wait3A_95 = tpu.memref_squeeze %dma_wait3A_94 : memref<1x128xi32, #tpu.memory_space<vmem>> -> memref<128xi32, #tpu.memory_space<vmem>>
      %dma_wait3A_96 = arith.constant 0 : i32
      %dma_wait3A_97 = arith.constant 0 : i32
      %dma_wait3A_98 = tpu.memref_slice %arg2[%dma_wait3A_96, %dma_wait3A_97] : memref<10000x128xf32, #tpu.memory_space<hbm>> -> memref<10000x128xf32, #tpu.memory_space<hbm>>
      tpu.wait_indirect_dma semaphore(%arg7 : memref<!tpu.dma_semaphore, #tpu.memory_space<semaphore_mem>>) src(%dma_wait3A_98 : memref<10000x128xf32, #tpu.memory_space<hbm>>) dst(%dma_wait3A_92 : memref<128x128xf32, #tpu.memory_space<vmem>>)
      %dma_wait3A_99 = arith.constant 256 : i32
      %dma_wait3A_100 = arith.constant 0 : i32
      %dma_wait3A_101 = tpu.memref_slice %arg6[%dma_wait3A_99, %dma_wait3A_100] : memref<512x128xf32, #tpu.memory_space<vmem>> -> memref<128x128xf32, #tpu.memory_space<vmem>>
      %dma_wait3A_102 = arith.constant 0 : i32
      %dma_wait3A_103 = tpu.memref_slice %arg5[%add3A_59, %dma_wait3A_102] : memref<80x128xi32, #tpu.memory_space<vmem>> -> memref<1x128xi32, #tpu.memory_space<vmem>>
      %dma_wait3A_104 = tpu.memref_squeeze %dma_wait3A_103 : memref<1x128xi32, #tpu.memory_space<vmem>> -> memref<128xi32, #tpu.memory_space<vmem>>
      %dma_wait3A_105 = arith.constant 0 : i32
      %dma_wait3A_106 = arith.constant 0 : i32
      %dma_wait3A_107 = tpu.memref_slice %arg2[%dma_wait3A_105, %dma_wait3A_106] : memref<10000x128xf32, #tpu.memory_space<hbm>> -> memref<10000x128xf32, #tpu.memory_space<hbm>>
      tpu.wait_indirect_dma semaphore(%arg7 : memref<!tpu.dma_semaphore, #tpu.memory_space<semaphore_mem>>) src(%dma_wait3A_107 : memref<10000x128xf32, #tpu.memory_space<hbm>>) dst(%dma_wait3A_101 : memref<128x128xf32, #tpu.memory_space<vmem>>)
      %dma_wait3A_108 = arith.constant 384 : i32
      %dma_wait3A_109 = arith.constant 0 : i32
      %dma_wait3A_110 = tpu.memref_slice %arg6[%dma_wait3A_108, %dma_wait3A_109] : memref<512x128xf32, #tpu.memory_space<vmem>> -> memref<128x128xf32, #tpu.memory_space<vmem>>
      %dma_wait3A_111 = arith.constant 0 : i32
      %dma_wait3A_112 = tpu.memref_slice %arg5[%add3A_72, %dma_wait3A_111] : memref<80x128xi32, #tpu.memory_space<vmem>> -> memref<1x128xi32, #tpu.memory_space<vmem>>
      %dma_wait3A_113 = tpu.memref_squeeze %dma_wait3A_112 : memref<1x128xi32, #tpu.memory_space<vmem>> -> memref<128xi32, #tpu.memory_space<vmem>>
      %dma_wait3A_114 = arith.constant 0 : i32
      %dma_wait3A_115 = arith.constant 0 : i32
      %dma_wait3A_116 = tpu.memref_slice %arg2[%dma_wait3A_114, %dma_wait3A_115] : memref<10000x128xf32, #tpu.memory_space<hbm>> -> memref<10000x128xf32, #tpu.memory_space<hbm>>
      tpu.wait_indirect_dma semaphore(%arg7 : memref<!tpu.dma_semaphore, #tpu.memory_space<semaphore_mem>>) src(%dma_wait3A_116 : memref<10000x128xf32, #tpu.memory_space<hbm>>) dst(%dma_wait3A_110 : memref<128x128xf32, #tpu.memory_space<vmem>>)
      "tpu.region"() ({
        %run_scoped3A = tpu.sem_alloc : memref<!tpu.dma_semaphore, #tpu.memory_space<semaphore_mem>>
        %dma_start3A_117 = arith.constant 0 : i32
        %dma_start3A_118 = tpu.memref_slice %arg4[%add3A_30, %dma_start3A_117] : memref<320000x128xf32, #tpu.memory_space<hbm>> -> memref<512x128xf32, #tpu.memory_space<hbm>>
        %dma_start3A_119 = arith.constant 0 : i32
        %dma_start3A_120 = tpu.memref_slice %arg4[%add3A_30, %dma_start3A_119] : memref<320000x128xf32, #tpu.memory_space<hbm>> -> memref<512x128xf32, #tpu.memory_space<hbm>>
        tpu.enqueue_dma source(%arg6 : memref<512x128xf32, #tpu.memory_space<vmem>>) target(%dma_start3A_120 : memref<512x128xf32, #tpu.memory_space<hbm>>) target_semaphore(%run_scoped3A : memref<!tpu.dma_semaphore, #tpu.memory_space<semaphore_mem>>)
        %dma_wait3A_121 = arith.constant 0 : i32
        %dma_wait3A_122 = tpu.memref_slice %arg4[%add3A_30, %dma_wait3A_121] : memref<320000x128xf32, #tpu.memory_space<hbm>> -> memref<512x128xf32, #tpu.memory_space<hbm>>
        %dma_wait3A_123 = arith.constant 0 : i32
        %dma_wait3A_124 = tpu.memref_slice %arg4[%add3A_30, %dma_wait3A_123] : memref<320000x128xf32, #tpu.memory_space<hbm>> -> memref<512x128xf32, #tpu.memory_space<hbm>>
        tpu.wait_dma2 semaphore(%run_scoped3A : memref<!tpu.dma_semaphore, #tpu.memory_space<semaphore_mem>>) src(%arg6 : memref<512x128xf32, #tpu.memory_space<vmem>>) dst(%dma_wait3A_124 : memref<512x128xf32, #tpu.memory_space<hbm>>)
        tpu.yield
      }) : () -> ()
    }
    return
  }
}

#map = affine_map<(d0, d1) -> (0, 0)>
module attributes {stable_mosaic.version = 14 : i64} {
  func.func @k(%arg0: i32, %arg1: i32, %arg2: memref<10000x128xf32, #tpu.memory_space<hbm>>, %arg3: memref<2500x128xi32, #tpu.memory_space<hbm>>, %arg4: memref<320000x128xf32, #tpu.memory_space<hbm>>, %arg5: memref<80x128xi32, #tpu.memory_space<vmem>>, %arg6: memref<512x128xf32, #tpu.memory_space<vmem>>, %arg7: memref<!tpu.dma_semaphore, #tpu.memory_space<semaphore_mem>>) attributes {dimension_semantics = [#tpu.dimension_semantics<core_parallel>, #tpu.dimension_semantics<subcore_parallel>], iteration_bounds = array<i64: 2, 16>, scalar_prefetch = 0 : i64, scratch_operands = 3 : i64, tpu.core_type = #tpu.core_type<sc_vector_subcore>, window_params = [{transform_indices = #map}, {transform_indices = #map}, {transform_indices = #map}]} {
    %mul3A = arith.constant 16 : i32
    %mul3A_0 = arith.muli %arg0, %mul3A : i32
    %add3A = arith.addi %mul3A_0, %arg1 : i32
    %lt3A = arith.constant 31 : i32
    %lt3A_1 = arith.cmpi slt, %add3A, %lt3A : i32
    %convert_element_type3A = arith.extui %lt3A_1 : i1 to i32
    %cond3A = arith.constant 0 : i32
    %cond3A_2 = arith.cmpi ne, %convert_element_type3A, %cond3A : i32
    scf.if %cond3A_2 {
      %mul3A_23 = arith.constant 80 : i32
      %mul3A_24 = arith.muli %add3A, %mul3A_23 : i32
      "tpu.region"() ({
        %run_scoped3A = tpu.sem_alloc : memref<!tpu.dma_semaphore, #tpu.memory_space<semaphore_mem>>
        %dma_start3A = arith.constant 0 : i32
        %dma_start3A_25 = tpu.memref_slice %arg3[%mul3A_24, %dma_start3A] : memref<2500x128xi32, #tpu.memory_space<hbm>> -> memref<80x128xi32, #tpu.memory_space<hbm>>
        %dma_start3A_26 = arith.constant 0 : i32
        %dma_start3A_27 = tpu.memref_slice %arg3[%mul3A_24, %dma_start3A_26] : memref<2500x128xi32, #tpu.memory_space<hbm>> -> memref<80x128xi32, #tpu.memory_space<hbm>>
        tpu.enqueue_dma source(%dma_start3A_27 : memref<80x128xi32, #tpu.memory_space<hbm>>) target(%arg5 : memref<80x128xi32, #tpu.memory_space<vmem>>) target_semaphore(%run_scoped3A : memref<!tpu.dma_semaphore, #tpu.memory_space<semaphore_mem>>)
        %dma_wait3A = arith.constant 0 : i32
        %dma_wait3A_28 = tpu.memref_slice %arg3[%mul3A_24, %dma_wait3A] : memref<2500x128xi32, #tpu.memory_space<hbm>> -> memref<80x128xi32, #tpu.memory_space<hbm>>
        %dma_wait3A_29 = arith.constant 0 : i32
        %dma_wait3A_30 = tpu.memref_slice %arg3[%mul3A_24, %dma_wait3A_29] : memref<2500x128xi32, #tpu.memory_space<hbm>> -> memref<80x128xi32, #tpu.memory_space<hbm>>
        tpu.wait_dma2 semaphore(%run_scoped3A : memref<!tpu.dma_semaphore, #tpu.memory_space<semaphore_mem>>) src(%dma_wait3A_30 : memref<80x128xi32, #tpu.memory_space<hbm>>) dst(%arg5 : memref<80x128xi32, #tpu.memory_space<vmem>>)
        tpu.yield
      }) : () -> ()
    } else {
    }
    %eq3A = arith.constant 31 : i32
    %eq3A_3 = arith.cmpi eq, %add3A, %eq3A : i32
    %convert_element_type3A_4 = arith.extui %eq3A_3 : i1 to i32
    %cond3A_5 = arith.constant 0 : i32
    %cond3A_6 = arith.cmpi ne, %convert_element_type3A_4, %cond3A_5 : i32
    scf.if %cond3A_6 {
      "tpu.region"() ({
        %run_scoped3A = tpu.sem_alloc : memref<!tpu.dma_semaphore, #tpu.memory_space<semaphore_mem>>
        %dma_start3A = arith.constant 0 : i32
        %dma_start3A_23 = arith.constant 0 : i32
        %dma_start3A_24 = tpu.memref_slice %arg5[%dma_start3A, %dma_start3A_23] : memref<80x128xi32, #tpu.memory_space<vmem>> -> memref<20x128xi32, #tpu.memory_space<vmem>>
        %dma_start3A_25 = arith.constant 2480 : i32
        %dma_start3A_26 = arith.constant 0 : i32
        %dma_start3A_27 = tpu.memref_slice %arg3[%dma_start3A_25, %dma_start3A_26] : memref<2500x128xi32, #tpu.memory_space<hbm>> -> memref<20x128xi32, #tpu.memory_space<hbm>>
        %dma_start3A_28 = arith.constant 0 : i32
        %dma_start3A_29 = arith.constant 0 : i32
        %dma_start3A_30 = tpu.memref_slice %arg5[%dma_start3A_28, %dma_start3A_29] : memref<80x128xi32, #tpu.memory_space<vmem>> -> memref<20x128xi32, #tpu.memory_space<vmem>>
        %dma_start3A_31 = arith.constant 2480 : i32
        %dma_start3A_32 = arith.constant 0 : i32
        %dma_start3A_33 = tpu.memref_slice %arg3[%dma_start3A_31, %dma_start3A_32] : memref<2500x128xi32, #tpu.memory_space<hbm>> -> memref<20x128xi32, #tpu.memory_space<hbm>>
        tpu.enqueue_dma source(%dma_start3A_33 : memref<20x128xi32, #tpu.memory_space<hbm>>) target(%dma_start3A_30 : memref<20x128xi32, #tpu.memory_space<vmem>>) target_semaphore(%run_scoped3A : memref<!tpu.dma_semaphore, #tpu.memory_space<semaphore_mem>>)
        %dma_wait3A = arith.constant 0 : i32
        %dma_wait3A_34 = arith.constant 0 : i32
        %dma_wait3A_35 = tpu.memref_slice %arg5[%dma_wait3A, %dma_wait3A_34] : memref<80x128xi32, #tpu.memory_space<vmem>> -> memref<20x128xi32, #tpu.memory_space<vmem>>
        %dma_wait3A_36 = arith.constant 2480 : i32
        %dma_wait3A_37 = arith.constant 0 : i32
        %dma_wait3A_38 = tpu.memref_slice %arg3[%dma_wait3A_36, %dma_wait3A_37] : memref<2500x128xi32, #tpu.memory_space<hbm>> -> memref<20x128xi32, #tpu.memory_space<hbm>>
        %dma_wait3A_39 = arith.constant 0 : i32
        %dma_wait3A_40 = arith.constant 0 : i32
        %dma_wait3A_41 = tpu.memref_slice %arg5[%dma_wait3A_39, %dma_wait3A_40] : memref<80x128xi32, #tpu.memory_space<vmem>> -> memref<20x128xi32, #tpu.memory_space<vmem>>
        %dma_wait3A_42 = arith.constant 2480 : i32
        %dma_wait3A_43 = arith.constant 0 : i32
        %dma_wait3A_44 = tpu.memref_slice %arg3[%dma_wait3A_42, %dma_wait3A_43] : memref<2500x128xi32, #tpu.memory_space<hbm>> -> memref<20x128xi32, #tpu.memory_space<hbm>>
        tpu.wait_dma2 semaphore(%run_scoped3A : memref<!tpu.dma_semaphore, #tpu.memory_space<semaphore_mem>>) src(%dma_wait3A_44 : memref<20x128xi32, #tpu.memory_space<hbm>>) dst(%dma_wait3A_41 : memref<20x128xi32, #tpu.memory_space<vmem>>)
        tpu.yield
      }) : () -> ()
    } else {
    }
    %lt3A_7 = arith.constant 31 : i32
    %lt3A_8 = arith.cmpi slt, %add3A, %lt3A_7 : i32
    %eq3A_9 = arith.constant 31 : i32
    %eq3A_10 = arith.cmpi eq, %add3A, %eq3A_9 : i32
    %jit3A = arith.constant 5 : i32
    %jit3A_11 = arith.constant 0 : i32
    %select_n3A = arith.select %eq3A_10, %jit3A, %jit3A_11 : i32
    %jit3A_12 = arith.constant 20 : i32
    %select_n3A_13 = arith.select %lt3A_8, %jit3A_12, %select_n3A : i32
    %while3A = arith.constant 0 : i32
    %while3A_14 = arith.constant 0 : i32
    %while3A_15 = arith.subi %select_n3A_13, %while3A_14 : i32
    %while3A_16 = arith.addi %while3A_14, %while3A_15 : i32
    %while3A_17 = arith.constant 1 : i32
    %while3A_18 = arith.divsi %while3A_15, %while3A_17 : i32
    %while3A_19 = arith.muli %while3A_18, %while3A_17 : i32
    %while3A_20 = arith.addi %while3A_14, %while3A_19 : i32
    %while3A_21 = arith.constant 1 : i32
    scf.for %while3A_23 = %while3A_14 to %while3A_20 step %while3A_21  : i32 {
      %mul3A_24 = arith.constant 80 : i32
      %mul3A_25 = arith.muli %add3A, %mul3A_24 : i32
      %mul3A_26 = arith.constant 128 : i32
      %mul3A_27 = arith.muli %mul3A_25, %mul3A_26 : i32
      %mul3A_28 = arith.constant 512 : i32
      %mul3A_29 = arith.muli %while3A_23, %mul3A_28 : i32
      %add3A_30 = arith.addi %mul3A_27, %mul3A_29 : i32
      %mul3A_31 = arith.constant 4 : i32
      %mul3A_32 = arith.muli %while3A_23, %mul3A_31 : i32
      %add3A_33 = arith.constant 0 : i32
      %add3A_34 = arith.addi %mul3A_32, %add3A_33 : i32
      %dma_start3A = arith.constant 0 : i32
      %dma_start3A_35 = arith.constant 0 : i32
      %dma_start3A_36 = tpu.memref_slice %arg6[%dma_start3A, %dma_start3A_35] : memref<512x128xf32, #tpu.memory_space<vmem>> -> memref<128x128xf32, #tpu.memory_space<vmem>>
      %dma_start3A_37 = arith.constant 0 : i32
      %dma_start3A_38 = tpu.memref_slice %arg5[%add3A_34, %dma_start3A_37] : memref<80x128xi32, #tpu.memory_space<vmem>> -> memref<1x128xi32, #tpu.memory_space<vmem>>
      %dma_start3A_39 = tpu.memref_squeeze %dma_start3A_38 : memref<1x128xi32, #tpu.memory_space<vmem>> -> memref<128xi32, #tpu.memory_space<vmem>>
      %dma_start3A_40 = arith.constant 0 : i32
      %dma_start3A_41 = arith.constant 0 : i32
      %dma_start3A_42 = tpu.memref_slice %arg2[%dma_start3A_40, %dma_start3A_41] : memref<10000x128xf32, #tpu.memory_space<hbm>> -> memref<10000x128xf32, #tpu.memory_space<hbm>>
      tpu.enqueue_indirect_dma source(%dma_start3A_42 : memref<10000x128xf32, #tpu.memory_space<hbm>>) target(%dma_start3A_36 : memref<128x128xf32, #tpu.memory_space<vmem>>) offsets(%dma_start3A_39 : memref<128xi32, #tpu.memory_space<vmem>>) semaphore(%arg7 : memref<!tpu.dma_semaphore, #tpu.memory_space<semaphore_mem>>)
      %mul3A_43 = arith.constant 4 : i32
      %mul3A_44 = arith.muli %while3A_23, %mul3A_43 : i32
      %add3A_45 = arith.constant 1 : i32
      %add3A_46 = arith.addi %mul3A_44, %add3A_45 : i32
      %dma_start3A_47 = arith.constant 128 : i32
      %dma_start3A_48 = arith.constant 0 : i32
      %dma_start3A_49 = tpu.memref_slice %arg6[%dma_start3A_47, %dma_start3A_48] : memref<512x128xf32, #tpu.memory_space<vmem>> -> memref<128x128xf32, #tpu.memory_space<vmem>>
      %dma_start3A_50 = arith.constant 0 : i32
      %dma_start3A_51 = tpu.memref_slice %arg5[%add3A_46, %dma_start3A_50] : memref<80x128xi32, #tpu.memory_space<vmem>> -> memref<1x128xi32, #tpu.memory_space<vmem>>
      %dma_start3A_52 = tpu.memref_squeeze %dma_start3A_51 : memref<1x128xi32, #tpu.memory_space<vmem>> -> memref<128xi32, #tpu.memory_space<vmem>>
      %dma_start3A_53 = arith.constant 0 : i32
      %dma_start3A_54 = arith.constant 0 : i32
      %dma_start3A_55 = tpu.memref_slice %arg2[%dma_start3A_53, %dma_start3A_54] : memref<10000x128xf32, #tpu.memory_space<hbm>> -> memref<10000x128xf32, #tpu.memory_space<hbm>>
      tpu.enqueue_indirect_dma source(%dma_start3A_55 : memref<10000x128xf32, #tpu.memory_space<hbm>>) target(%dma_start3A_49 : memref<128x128xf32, #tpu.memory_space<vmem>>) offsets(%dma_start3A_52 : memref<128xi32, #tpu.memory_space<vmem>>) semaphore(%arg7 : memref<!tpu.dma_semaphore, #tpu.memory_space<semaphore_mem>>)
      %mul3A_56 = arith.constant 4 : i32
      %mul3A_57 = arith.muli %while3A_23, %mul3A_56 : i32
      %add3A_58 = arith.constant 2 : i32
      %add3A_59 = arith.addi %mul3A_57, %add3A_58 : i32
      %dma_start3A_60 = arith.constant 256 : i32
      %dma_start3A_61 = arith.constant 0 : i32
      %dma_start3A_62 = tpu.memref_slice %arg6[%dma_start3A_60, %dma_start3A_61] : memref<512x128xf32, #tpu.memory_space<vmem>> -> memref<128x128xf32, #tpu.memory_space<vmem>>
      %dma_start3A_63 = arith.constant 0 : i32
      %dma_start3A_64 = tpu.memref_slice %arg5[%add3A_59, %dma_start3A_63] : memref<80x128xi32, #tpu.memory_space<vmem>> -> memref<1x128xi32, #tpu.memory_space<vmem>>
      %dma_start3A_65 = tpu.memref_squeeze %dma_start3A_64 : memref<1x128xi32, #tpu.memory_space<vmem>> -> memref<128xi32, #tpu.memory_space<vmem>>
      %dma_start3A_66 = arith.constant 0 : i32
      %dma_start3A_67 = arith.constant 0 : i32
      %dma_start3A_68 = tpu.memref_slice %arg2[%dma_start3A_66, %dma_start3A_67] : memref<10000x128xf32, #tpu.memory_space<hbm>> -> memref<10000x128xf32, #tpu.memory_space<hbm>>
      tpu.enqueue_indirect_dma source(%dma_start3A_68 : memref<10000x128xf32, #tpu.memory_space<hbm>>) target(%dma_start3A_62 : memref<128x128xf32, #tpu.memory_space<vmem>>) offsets(%dma_start3A_65 : memref<128xi32, #tpu.memory_space<vmem>>) semaphore(%arg7 : memref<!tpu.dma_semaphore, #tpu.memory_space<semaphore_mem>>)
      %mul3A_69 = arith.constant 4 : i32
      %mul3A_70 = arith.muli %while3A_23, %mul3A_69 : i32
      %add3A_71 = arith.constant 3 : i32
      %add3A_72 = arith.addi %mul3A_70, %add3A_71 : i32
      %dma_start3A_73 = arith.constant 384 : i32
      %dma_start3A_74 = arith.constant 0 : i32
      %dma_start3A_75 = tpu.memref_slice %arg6[%dma_start3A_73, %dma_start3A_74] : memref<512x128xf32, #tpu.memory_space<vmem>> -> memref<128x128xf32, #tpu.memory_space<vmem>>
      %dma_start3A_76 = arith.constant 0 : i32
      %dma_start3A_77 = tpu.memref_slice %arg5[%add3A_72, %dma_start3A_76] : memref<80x128xi32, #tpu.memory_space<vmem>> -> memref<1x128xi32, #tpu.memory_space<vmem>>
      %dma_start3A_78 = tpu.memref_squeeze %dma_start3A_77 : memref<1x128xi32, #tpu.memory_space<vmem>> -> memref<128xi32, #tpu.memory_space<vmem>>
      %dma_start3A_79 = arith.constant 0 : i32
      %dma_start3A_80 = arith.constant 0 : i32
      %dma_start3A_81 = tpu.memref_slice %arg2[%dma_start3A_79, %dma_start3A_80] : memref<10000x128xf32, #tpu.memory_space<hbm>> -> memref<10000x128xf32, #tpu.memory_space<hbm>>
      tpu.enqueue_indirect_dma source(%dma_start3A_81 : memref<10000x128xf32, #tpu.memory_space<hbm>>) target(%dma_start3A_75 : memref<128x128xf32, #tpu.memory_space<vmem>>) offsets(%dma_start3A_78 : memref<128xi32, #tpu.memory_space<vmem>>) semaphore(%arg7 : memref<!tpu.dma_semaphore, #tpu.memory_space<semaphore_mem>>)
      %dma_wait3A = arith.constant 0 : i32
      %dma_wait3A_82 = arith.constant 0 : i32
      %dma_wait3A_83 = tpu.memref_slice %arg6[%dma_wait3A, %dma_wait3A_82] : memref<512x128xf32, #tpu.memory_space<vmem>> -> memref<128x128xf32, #tpu.memory_space<vmem>>
      %dma_wait3A_84 = arith.constant 0 : i32
      %dma_wait3A_85 = tpu.memref_slice %arg5[%add3A_34, %dma_wait3A_84] : memref<80x128xi32, #tpu.memory_space<vmem>> -> memref<1x128xi32, #tpu.memory_space<vmem>>
      %dma_wait3A_86 = tpu.memref_squeeze %dma_wait3A_85 : memref<1x128xi32, #tpu.memory_space<vmem>> -> memref<128xi32, #tpu.memory_space<vmem>>
      %dma_wait3A_87 = arith.constant 0 : i32
      %dma_wait3A_88 = arith.constant 0 : i32
      %dma_wait3A_89 = tpu.memref_slice %arg2[%dma_wait3A_87, %dma_wait3A_88] : memref<10000x128xf32, #tpu.memory_space<hbm>> -> memref<10000x128xf32, #tpu.memory_space<hbm>>
      tpu.wait_indirect_dma semaphore(%arg7 : memref<!tpu.dma_semaphore, #tpu.memory_space<semaphore_mem>>) src(%dma_wait3A_89 : memref<10000x128xf32, #tpu.memory_space<hbm>>) dst(%dma_wait3A_83 : memref<128x128xf32, #tpu.memory_space<vmem>>)
      %dma_wait3A_90 = arith.constant 128 : i32
      %dma_wait3A_91 = arith.constant 0 : i32
      %dma_wait3A_92 = tpu.memref_slice %arg6[%dma_wait3A_90, %dma_wait3A_91] : memref<512x128xf32, #tpu.memory_space<vmem>> -> memref<128x128xf32, #tpu.memory_space<vmem>>
      %dma_wait3A_93 = arith.constant 0 : i32
      %dma_wait3A_94 = tpu.memref_slice %arg5[%add3A_46, %dma_wait3A_93] : memref<80x128xi32, #tpu.memory_space<vmem>> -> memref<1x128xi32, #tpu.memory_space<vmem>>
      %dma_wait3A_95 = tpu.memref_squeeze %dma_wait3A_94 : memref<1x128xi32, #tpu.memory_space<vmem>> -> memref<128xi32, #tpu.memory_space<vmem>>
      %dma_wait3A_96 = arith.constant 0 : i32
      %dma_wait3A_97 = arith.constant 0 : i32
      %dma_wait3A_98 = tpu.memref_slice %arg2[%dma_wait3A_96, %dma_wait3A_97] : memref<10000x128xf32, #tpu.memory_space<hbm>> -> memref<10000x128xf32, #tpu.memory_space<hbm>>
      tpu.wait_indirect_dma semaphore(%arg7 : memref<!tpu.dma_semaphore, #tpu.memory_space<semaphore_mem>>) src(%dma_wait3A_98 : memref<10000x128xf32, #tpu.memory_space<hbm>>) dst(%dma_wait3A_92 : memref<128x128xf32, #tpu.memory_space<vmem>>)
      %dma_wait3A_99 = arith.constant 256 : i32
      %dma_wait3A_100 = arith.constant 0 : i32
      %dma_wait3A_101 = tpu.memref_slice %arg6[%dma_wait3A_99, %dma_wait3A_100] : memref<512x128xf32, #tpu.memory_space<vmem>> -> memref<128x128xf32, #tpu.memory_space<vmem>>
      %dma_wait3A_102 = arith.constant 0 : i32
      %dma_wait3A_103 = tpu.memref_slice %arg5[%add3A_59, %dma_wait3A_102] : memref<80x128xi32, #tpu.memory_space<vmem>> -> memref<1x128xi32, #tpu.memory_space<vmem>>
      %dma_wait3A_104 = tpu.memref_squeeze %dma_wait3A_103 : memref<1x128xi32, #tpu.memory_space<vmem>> -> memref<128xi32, #tpu.memory_space<vmem>>
      %dma_wait3A_105 = arith.constant 0 : i32
      %dma_wait3A_106 = arith.constant 0 : i32
      %dma_wait3A_107 = tpu.memref_slice %arg2[%dma_wait3A_105, %dma_wait3A_106] : memref<10000x128xf32, #tpu.memory_space<hbm>> -> memref<10000x128xf32, #tpu.memory_space<hbm>>
      tpu.wait_indirect_dma semaphore(%arg7 : memref<!tpu.dma_semaphore, #tpu.memory_space<semaphore_mem>>) src(%dma_wait3A_107 : memref<10000x128xf32, #tpu.memory_space<hbm>>) dst(%dma_wait3A_101 : memref<128x128xf32, #tpu.memory_space<vmem>>)
      %dma_wait3A_108 = arith.constant 384 : i32
      %dma_wait3A_109 = arith.constant 0 : i32
      %dma_wait3A_110 = tpu.memref_slice %arg6[%dma_wait3A_108, %dma_wait3A_109] : memref<512x128xf32, #tpu.memory_space<vmem>> -> memref<128x128xf32, #tpu.memory_space<vmem>>
      %dma_wait3A_111 = arith.constant 0 : i32
      %dma_wait3A_112 = tpu.memref_slice %arg5[%add3A_72, %dma_wait3A_111] : memref<80x128xi32, #tpu.memory_space<vmem>> -> memref<1x128xi32, #tpu.memory_space<vmem>>
      %dma_wait3A_113 = tpu.memref_squeeze %dma_wait3A_112 : memref<1x128xi32, #tpu.memory_space<vmem>> -> memref<128xi32, #tpu.memory_space<vmem>>
      %dma_wait3A_114 = arith.constant 0 : i32
      %dma_wait3A_115 = arith.constant 0 : i32
      %dma_wait3A_116 = tpu.memref_slice %arg2[%dma_wait3A_114, %dma_wait3A_115] : memref<10000x128xf32, #tpu.memory_space<hbm>> -> memref<10000x128xf32, #tpu.memory_space<hbm>>
      tpu.wait_indirect_dma semaphore(%arg7 : memref<!tpu.dma_semaphore, #tpu.memory_space<semaphore_mem>>) src(%dma_wait3A_116 : memref<10000x128xf32, #tpu.memory_space<hbm>>) dst(%dma_wait3A_110 : memref<128x128xf32, #tpu.memory_space<vmem>>)
      "tpu.region"() ({
        %run_scoped3A = tpu.sem_alloc : memref<!tpu.dma_semaphore, #tpu.memory_space<semaphore_mem>>
        %dma_start3A_117 = arith.constant 0 : i32
        %dma_start3A_118 = tpu.memref_slice %arg4[%add3A_30, %dma_start3A_117] : memref<320000x128xf32, #tpu.memory_space<hbm>> -> memref<512x128xf32, #tpu.memory_space<hbm>>
        %dma_start3A_119 = arith.constant 0 : i32
        %dma_start3A_120 = tpu.memref_slice %arg4[%add3A_30, %dma_start3A_119] : memref<320000x128xf32, #tpu.memory_space<hbm>> -> memref<512x128xf32, #tpu.memory_space<hbm>>
        tpu.enqueue_dma source(%arg6 : memref<512x128xf32, #tpu.memory_space<vmem>>) target(%dma_start3A_120 : memref<512x128xf32, #tpu.memory_space<hbm>>) target_semaphore(%run_scoped3A : memref<!tpu.dma_semaphore, #tpu.memory_space<semaphore_mem>>)
        %dma_wait3A_121 = arith.constant 0 : i32
        %dma_wait3A_122 = tpu.memref_slice %arg4[%add3A_30, %dma_wait3A_121] : memref<320000x128xf32, #tpu.memory_space<hbm>> -> memref<512x128xf32, #tpu.memory_space<hbm>>
        %dma_wait3A_123 = arith.constant 0 : i32
        %dma_wait3A_124 = tpu.memref_slice %arg4[%add3A_30, %dma_wait3A_123] : memref<320000x128xf32, #tpu.memory_space<hbm>> -> memref<512x128xf32, #tpu.memory_space<hbm>>
        tpu.wait_dma2 semaphore(%run_scoped3A : memref<!tpu.dma_semaphore, #tpu.memory_space<semaphore_mem>>) src(%arg6 : memref<512x128xf32, #tpu.memory_space<vmem>>) dst(%dma_wait3A_124 : memref<512x128xf32, #tpu.memory_space<hbm>>)
        tpu.yield
      }) : () -> ()
    }
    %while3A_22 = arith.constant 1 : i32
    scf.for %while3A_23 = %while3A_20 to %while3A_16 step %while3A_22  : i32 {
      %mul3A_24 = arith.constant 80 : i32
      %mul3A_25 = arith.muli %add3A, %mul3A_24 : i32
      %mul3A_26 = arith.constant 128 : i32
      %mul3A_27 = arith.muli %mul3A_25, %mul3A_26 : i32
      %mul3A_28 = arith.constant 512 : i32
      %mul3A_29 = arith.muli %while3A_23, %mul3A_28 : i32
      %add3A_30 = arith.addi %mul3A_27, %mul3A_29 : i32
      %mul3A_31 = arith.constant 4 : i32
      %mul3A_32 = arith.muli %while3A_23, %mul3A_31 : i32
      %add3A_33 = arith.constant 0 : i32
      %add3A_34 = arith.addi %mul3A_32, %add3A_33 : i32
      %dma_start3A = arith.constant 0 : i32
      %dma_start3A_35 = arith.constant 0 : i32
      %dma_start3A_36 = tpu.memref_slice %arg6[%dma_start3A, %dma_start3A_35] : memref<512x128xf32, #tpu.memory_space<vmem>> -> memref<128x128xf32, #tpu.memory_space<vmem>>
      %dma_start3A_37 = arith.constant 0 : i32
      %dma_start3A_38 = tpu.memref_slice %arg5[%add3A_34, %dma_start3A_37] : memref<80x128xi32, #tpu.memory_space<vmem>> -> memref<1x128xi32, #tpu.memory_space<vmem>>
      %dma_start3A_39 = tpu.memref_squeeze %dma_start3A_38 : memref<1x128xi32, #tpu.memory_space<vmem>> -> memref<128xi32, #tpu.memory_space<vmem>>
      %dma_start3A_40 = arith.constant 0 : i32
      %dma_start3A_41 = arith.constant 0 : i32
      %dma_start3A_42 = tpu.memref_slice %arg2[%dma_start3A_40, %dma_start3A_41] : memref<10000x128xf32, #tpu.memory_space<hbm>> -> memref<10000x128xf32, #tpu.memory_space<hbm>>
      tpu.enqueue_indirect_dma source(%dma_start3A_42 : memref<10000x128xf32, #tpu.memory_space<hbm>>) target(%dma_start3A_36 : memref<128x128xf32, #tpu.memory_space<vmem>>) offsets(%dma_start3A_39 : memref<128xi32, #tpu.memory_space<vmem>>) semaphore(%arg7 : memref<!tpu.dma_semaphore, #tpu.memory_space<semaphore_mem>>)
      %mul3A_43 = arith.constant 4 : i32
      %mul3A_44 = arith.muli %while3A_23, %mul3A_43 : i32
      %add3A_45 = arith.constant 1 : i32
      %add3A_46 = arith.addi %mul3A_44, %add3A_45 : i32
      %dma_start3A_47 = arith.constant 128 : i32
      %dma_start3A_48 = arith.constant 0 : i32
      %dma_start3A_49 = tpu.memref_slice %arg6[%dma_start3A_47, %dma_start3A_48] : memref<512x128xf32, #tpu.memory_space<vmem>> -> memref<128x128xf32, #tpu.memory_space<vmem>>
      %dma_start3A_50 = arith.constant 0 : i32
      %dma_start3A_51 = tpu.memref_slice %arg5[%add3A_46, %dma_start3A_50] : memref<80x128xi32, #tpu.memory_space<vmem>> -> memref<1x128xi32, #tpu.memory_space<vmem>>
      %dma_start3A_52 = tpu.memref_squeeze %dma_start3A_51 : memref<1x128xi32, #tpu.memory_space<vmem>> -> memref<128xi32, #tpu.memory_space<vmem>>
      %dma_start3A_53 = arith.constant 0 : i32
      %dma_start3A_54 = arith.constant 0 : i32
      %dma_start3A_55 = tpu.memref_slice %arg2[%dma_start3A_53, %dma_start3A_54] : memref<10000x128xf32, #tpu.memory_space<hbm>> -> memref<10000x128xf32, #tpu.memory_space<hbm>>
      tpu.enqueue_indirect_dma source(%dma_start3A_55 : memref<10000x128xf32, #tpu.memory_space<hbm>>) target(%dma_start3A_49 : memref<128x128xf32, #tpu.memory_space<vmem>>) offsets(%dma_start3A_52 : memref<128xi32, #tpu.memory_space<vmem>>) semaphore(%arg7 : memref<!tpu.dma_semaphore, #tpu.memory_space<semaphore_mem>>)
      %mul3A_56 = arith.constant 4 : i32
      %mul3A_57 = arith.muli %while3A_23, %mul3A_56 : i32
      %add3A_58 = arith.constant 2 : i32
      %add3A_59 = arith.addi %mul3A_57, %add3A_58 : i32
      %dma_start3A_60 = arith.constant 256 : i32
      %dma_start3A_61 = arith.constant 0 : i32
      %dma_start3A_62 = tpu.memref_slice %arg6[%dma_start3A_60, %dma_start3A_61] : memref<512x128xf32, #tpu.memory_space<vmem>> -> memref<128x128xf32, #tpu.memory_space<vmem>>
      %dma_start3A_63 = arith.constant 0 : i32
      %dma_start3A_64 = tpu.memref_slice %arg5[%add3A_59, %dma_start3A_63] : memref<80x128xi32, #tpu.memory_space<vmem>> -> memref<1x128xi32, #tpu.memory_space<vmem>>
      %dma_start3A_65 = tpu.memref_squeeze %dma_start3A_64 : memref<1x128xi32, #tpu.memory_space<vmem>> -> memref<128xi32, #tpu.memory_space<vmem>>
      %dma_start3A_66 = arith.constant 0 : i32
      %dma_start3A_67 = arith.constant 0 : i32
      %dma_start3A_68 = tpu.memref_slice %arg2[%dma_start3A_66, %dma_start3A_67] : memref<10000x128xf32, #tpu.memory_space<hbm>> -> memref<10000x128xf32, #tpu.memory_space<hbm>>
      tpu.enqueue_indirect_dma source(%dma_start3A_68 : memref<10000x128xf32, #tpu.memory_space<hbm>>) target(%dma_start3A_62 : memref<128x128xf32, #tpu.memory_space<vmem>>) offsets(%dma_start3A_65 : memref<128xi32, #tpu.memory_space<vmem>>) semaphore(%arg7 : memref<!tpu.dma_semaphore, #tpu.memory_space<semaphore_mem>>)
      %mul3A_69 = arith.constant 4 : i32
      %mul3A_70 = arith.muli %while3A_23, %mul3A_69 : i32
      %add3A_71 = arith.constant 3 : i32
      %add3A_72 = arith.addi %mul3A_70, %add3A_71 : i32
      %dma_start3A_73 = arith.constant 384 : i32
      %dma_start3A_74 = arith.constant 0 : i32
      %dma_start3A_75 = tpu.memref_slice %arg6[%dma_start3A_73, %dma_start3A_74] : memref<512x128xf32, #tpu.memory_space<vmem>> -> memref<128x128xf32, #tpu.memory_space<vmem>>
      %dma_start3A_76 = arith.constant 0 : i32
      %dma_start3A_77 = tpu.memref_slice %arg5[%add3A_72, %dma_start3A_76] : memref<80x128xi32, #tpu.memory_space<vmem>> -> memref<1x128xi32, #tpu.memory_space<vmem>>
      %dma_start3A_78 = tpu.memref_squeeze %dma_start3A_77 : memref<1x128xi32, #tpu.memory_space<vmem>> -> memref<128xi32, #tpu.memory_space<vmem>>
      %dma_start3A_79 = arith.constant 0 : i32
      %dma_start3A_80 = arith.constant 0 : i32
      %dma_start3A_81 = tpu.memref_slice %arg2[%dma_start3A_79, %dma_start3A_80] : memref<10000x128xf32, #tpu.memory_space<hbm>> -> memref<10000x128xf32, #tpu.memory_space<hbm>>
      tpu.enqueue_indirect_dma source(%dma_start3A_81 : memref<10000x128xf32, #tpu.memory_space<hbm>>) target(%dma_start3A_75 : memref<128x128xf32, #tpu.memory_space<vmem>>) offsets(%dma_start3A_78 : memref<128xi32, #tpu.memory_space<vmem>>) semaphore(%arg7 : memref<!tpu.dma_semaphore, #tpu.memory_space<semaphore_mem>>)
      %dma_wait3A = arith.constant 0 : i32
      %dma_wait3A_82 = arith.constant 0 : i32
      %dma_wait3A_83 = tpu.memref_slice %arg6[%dma_wait3A, %dma_wait3A_82] : memref<512x128xf32, #tpu.memory_space<vmem>> -> memref<128x128xf32, #tpu.memory_space<vmem>>
      %dma_wait3A_84 = arith.constant 0 : i32
      %dma_wait3A_85 = tpu.memref_slice %arg5[%add3A_34, %dma_wait3A_84] : memref<80x128xi32, #tpu.memory_space<vmem>> -> memref<1x128xi32, #tpu.memory_space<vmem>>
      %dma_wait3A_86 = tpu.memref_squeeze %dma_wait3A_85 : memref<1x128xi32, #tpu.memory_space<vmem>> -> memref<128xi32, #tpu.memory_space<vmem>>
      %dma_wait3A_87 = arith.constant 0 : i32
      %dma_wait3A_88 = arith.constant 0 : i32
      %dma_wait3A_89 = tpu.memref_slice %arg2[%dma_wait3A_87, %dma_wait3A_88] : memref<10000x128xf32, #tpu.memory_space<hbm>> -> memref<10000x128xf32, #tpu.memory_space<hbm>>
      tpu.wait_indirect_dma semaphore(%arg7 : memref<!tpu.dma_semaphore, #tpu.memory_space<semaphore_mem>>) src(%dma_wait3A_89 : memref<10000x128xf32, #tpu.memory_space<hbm>>) dst(%dma_wait3A_83 : memref<128x128xf32, #tpu.memory_space<vmem>>)
      %dma_wait3A_90 = arith.constant 128 : i32
      %dma_wait3A_91 = arith.constant 0 : i32
      %dma_wait3A_92 = tpu.memref_slice %arg6[%dma_wait3A_90, %dma_wait3A_91] : memref<512x128xf32, #tpu.memory_space<vmem>> -> memref<128x128xf32, #tpu.memory_space<vmem>>
      %dma_wait3A_93 = arith.constant 0 : i32
      %dma_wait3A_94 = tpu.memref_slice %arg5[%add3A_46, %dma_wait3A_93] : memref<80x128xi32, #tpu.memory_space<vmem>> -> memref<1x128xi32, #tpu.memory_space<vmem>>
      %dma_wait3A_95 = tpu.memref_squeeze %dma_wait3A_94 : memref<1x128xi32, #tpu.memory_space<vmem>> -> memref<128xi32, #tpu.memory_space<vmem>>
      %dma_wait3A_96 = arith.constant 0 : i32
      %dma_wait3A_97 = arith.constant 0 : i32
      %dma_wait3A_98 = tpu.memref_slice %arg2[%dma_wait3A_96, %dma_wait3A_97] : memref<10000x128xf32, #tpu.memory_space<hbm>> -> memref<10000x128xf32, #tpu.memory_space<hbm>>
      tpu.wait_indirect_dma semaphore(%arg7 : memref<!tpu.dma_semaphore, #tpu.memory_space<semaphore_mem>>) src(%dma_wait3A_98 : memref<10000x128xf32, #tpu.memory_space<hbm>>) dst(%dma_wait3A_92 : memref<128x128xf32, #tpu.memory_space<vmem>>)
      %dma_wait3A_99 = arith.constant 256 : i32
      %dma_wait3A_100 = arith.constant 0 : i32
      %dma_wait3A_101 = tpu.memref_slice %arg6[%dma_wait3A_99, %dma_wait3A_100] : memref<512x128xf32, #tpu.memory_space<vmem>> -> memref<128x128xf32, #tpu.memory_space<vmem>>
      %dma_wait3A_102 = arith.constant 0 : i32
      %dma_wait3A_103 = tpu.memref_slice %arg5[%add3A_59, %dma_wait3A_102] : memref<80x128xi32, #tpu.memory_space<vmem>> -> memref<1x128xi32, #tpu.memory_space<vmem>>
      %dma_wait3A_104 = tpu.memref_squeeze %dma_wait3A_103 : memref<1x128xi32, #tpu.memory_space<vmem>> -> memref<128xi32, #tpu.memory_space<vmem>>
      %dma_wait3A_105 = arith.constant 0 : i32
      %dma_wait3A_106 = arith.constant 0 : i32
      %dma_wait3A_107 = tpu.memref_slice %arg2[%dma_wait3A_105, %dma_wait3A_106] : memref<10000x128xf32, #tpu.memory_space<hbm>> -> memref<10000x128xf32, #tpu.memory_space<hbm>>
      tpu.wait_indirect_dma semaphore(%arg7 : memref<!tpu.dma_semaphore, #tpu.memory_space<semaphore_mem>>) src(%dma_wait3A_107 : memref<10000x128xf32, #tpu.memory_space<hbm>>) dst(%dma_wait3A_101 : memref<128x128xf32, #tpu.memory_space<vmem>>)
      %dma_wait3A_108 = arith.constant 384 : i32
      %dma_wait3A_109 = arith.constant 0 : i32
      %dma_wait3A_110 = tpu.memref_slice %arg6[%dma_wait3A_108, %dma_wait3A_109] : memref<512x128xf32, #tpu.memory_space<vmem>> -> memref<128x128xf32, #tpu.memory_space<vmem>>
      %dma_wait3A_111 = arith.constant 0 : i32
      %dma_wait3A_112 = tpu.memref_slice %arg5[%add3A_72, %dma_wait3A_111] : memref<80x128xi32, #tpu.memory_space<vmem>> -> memref<1x128xi32, #tpu.memory_space<vmem>>
      %dma_wait3A_113 = tpu.memref_squeeze %dma_wait3A_112 : memref<1x128xi32, #tpu.memory_space<vmem>> -> memref<128xi32, #tpu.memory_space<vmem>>
      %dma_wait3A_114 = arith.constant 0 : i32
      %dma_wait3A_115 = arith.constant 0 : i32
      %dma_wait3A_116 = tpu.memref_slice %arg2[%dma_wait3A_114, %dma_wait3A_115] : memref<10000x128xf32, #tpu.memory_space<hbm>> -> memref<10000x128xf32, #tpu.memory_space<hbm>>
      tpu.wait_indirect_dma semaphore(%arg7 : memref<!tpu.dma_semaphore, #tpu.memory_space<semaphore_mem>>) src(%dma_wait3A_116 : memref<10000x128xf32, #tpu.memory_space<hbm>>) dst(%dma_wait3A_110 : memref<128x128xf32, #tpu.memory_space<vmem>>)
      "tpu.region"() ({
        %run_scoped3A = tpu.sem_alloc : memref<!tpu.dma_semaphore, #tpu.memory_space<semaphore_mem>>
        %dma_start3A_117 = arith.constant 0 : i32
        %dma_start3A_118 = tpu.memref_slice %arg4[%add3A_30, %dma_start3A_117] : memref<320000x128xf32, #tpu.memory_space<hbm>> -> memref<512x128xf32, #tpu.memory_space<hbm>>
        %dma_start3A_119 = arith.constant 0 : i32
        %dma_start3A_120 = tpu.memref_slice %arg4[%add3A_30, %dma_start3A_119] : memref<320000x128xf32, #tpu.memory_space<hbm>> -> memref<512x128xf32, #tpu.memory_space<hbm>>
        tpu.enqueue_dma source(%arg6 : memref<512x128xf32, #tpu.memory_space<vmem>>) target(%dma_start3A_120 : memref<512x128xf32, #tpu.memory_space<hbm>>) target_semaphore(%run_scoped3A : memref<!tpu.dma_semaphore, #tpu.memory_space<semaphore_mem>>)
        %dma_wait3A_121 = arith.constant 0 : i32
        %dma_wait3A_122 = tpu.memref_slice %arg4[%add3A_30, %dma_wait3A_121] : memref<320000x128xf32, #tpu.memory_space<hbm>> -> memref<512x128xf32, #tpu.memory_space<hbm>>
        %dma_wait3A_123 = arith.constant 0 : i32
        %dma_wait3A_124 = tpu.memref_slice %arg4[%add3A_30, %dma_wait3A_123] : memref<320000x128xf32, #tpu.memory_space<hbm>> -> memref<512x128xf32, #tpu.memory_space<hbm>>
        tpu.wait_dma2 semaphore(%run_scoped3A : memref<!tpu.dma_semaphore, #tpu.memory_space<semaphore_mem>>) src(%arg6 : memref<512x128xf32, #tpu.memory_space<vmem>>) dst(%dma_wait3A_124 : memref<512x128xf32, #tpu.memory_space<hbm>>)
        tpu.yield
      }) : () -> ()
    }
    return
  }
}

#map = affine_map<(d0, d1) -> (0, 0)>
module attributes {stable_mosaic.version = 14 : i64} {
  func.func @k(%arg0: i32, %arg1: i32, %arg2: memref<10000x128xf32, #tpu.memory_space<hbm>>, %arg3: memref<2500x128xi32, #tpu.memory_space<hbm>>, %arg4: memref<320000x128xf32, #tpu.memory_space<hbm>>, %arg5: memref<80x128xi32, #tpu.memory_space<vmem>>, %arg6: memref<512x128xf32, #tpu.memory_space<vmem>>, %arg7: memref<!tpu.dma_semaphore, #tpu.memory_space<semaphore_mem>>) attributes {dimension_semantics = [#tpu.dimension_semantics<core_parallel>, #tpu.dimension_semantics<subcore_parallel>], iteration_bounds = array<i64: 2, 16>, scalar_prefetch = 0 : i64, scratch_operands = 3 : i64, tpu.core_type = #tpu.core_type<sc_vector_subcore>, window_params = [{transform_indices = #map}, {transform_indices = #map}, {transform_indices = #map}]} {
    %mul3A = arith.constant 16 : i32
    %mul3A_0 = arith.muli %arg0, %mul3A : i32
    %add3A = arith.addi %mul3A_0, %arg1 : i32
    %lt3A = arith.constant 31 : i32
    %lt3A_1 = arith.cmpi slt, %add3A, %lt3A : i32
    %convert_element_type3A = arith.extui %lt3A_1 : i1 to i32
    %cond3A = arith.constant 0 : i32
    %cond3A_2 = arith.cmpi ne, %convert_element_type3A, %cond3A : i32
    scf.if %cond3A_2 {
      %mul3A_23 = arith.constant 80 : i32
      %mul3A_24 = arith.muli %add3A, %mul3A_23 : i32
      "tpu.region"() ({
        %run_scoped3A = tpu.sem_alloc : memref<!tpu.dma_semaphore, #tpu.memory_space<semaphore_mem>>
        %dma_start3A = arith.constant 0 : i32
        %dma_start3A_25 = tpu.memref_slice %arg3[%mul3A_24, %dma_start3A] : memref<2500x128xi32, #tpu.memory_space<hbm>> -> memref<80x128xi32, #tpu.memory_space<hbm>>
        %dma_start3A_26 = arith.constant 0 : i32
        %dma_start3A_27 = tpu.memref_slice %arg3[%mul3A_24, %dma_start3A_26] : memref<2500x128xi32, #tpu.memory_space<hbm>> -> memref<80x128xi32, #tpu.memory_space<hbm>>
        tpu.enqueue_dma source(%dma_start3A_27 : memref<80x128xi32, #tpu.memory_space<hbm>>) target(%arg5 : memref<80x128xi32, #tpu.memory_space<vmem>>) target_semaphore(%run_scoped3A : memref<!tpu.dma_semaphore, #tpu.memory_space<semaphore_mem>>)
        %dma_wait3A = arith.constant 0 : i32
        %dma_wait3A_28 = tpu.memref_slice %arg3[%mul3A_24, %dma_wait3A] : memref<2500x128xi32, #tpu.memory_space<hbm>> -> memref<80x128xi32, #tpu.memory_space<hbm>>
        %dma_wait3A_29 = arith.constant 0 : i32
        %dma_wait3A_30 = tpu.memref_slice %arg3[%mul3A_24, %dma_wait3A_29] : memref<2500x128xi32, #tpu.memory_space<hbm>> -> memref<80x128xi32, #tpu.memory_space<hbm>>
        tpu.wait_dma2 semaphore(%run_scoped3A : memref<!tpu.dma_semaphore, #tpu.memory_space<semaphore_mem>>) src(%dma_wait3A_30 : memref<80x128xi32, #tpu.memory_space<hbm>>) dst(%arg5 : memref<80x128xi32, #tpu.memory_space<vmem>>)
        tpu.yield
      }) : () -> ()
    } else {
    }
    %eq3A = arith.constant 31 : i32
    %eq3A_3 = arith.cmpi eq, %add3A, %eq3A : i32
    %convert_element_type3A_4 = arith.extui %eq3A_3 : i1 to i32
    %cond3A_5 = arith.constant 0 : i32
    %cond3A_6 = arith.cmpi ne, %convert_element_type3A_4, %cond3A_5 : i32
    scf.if %cond3A_6 {
      "tpu.region"() ({
        %run_scoped3A = tpu.sem_alloc : memref<!tpu.dma_semaphore, #tpu.memory_space<semaphore_mem>>
        %dma_start3A = arith.constant 0 : i32
        %dma_start3A_23 = arith.constant 0 : i32
        %dma_start3A_24 = tpu.memref_slice %arg5[%dma_start3A, %dma_start3A_23] : memref<80x128xi32, #tpu.memory_space<vmem>> -> memref<20x128xi32, #tpu.memory_space<vmem>>
        %dma_start3A_25 = arith.constant 2480 : i32
        %dma_start3A_26 = arith.constant 0 : i32
        %dma_start3A_27 = tpu.memref_slice %arg3[%dma_start3A_25, %dma_start3A_26] : memref<2500x128xi32, #tpu.memory_space<hbm>> -> memref<20x128xi32, #tpu.memory_space<hbm>>
        %dma_start3A_28 = arith.constant 0 : i32
        %dma_start3A_29 = arith.constant 0 : i32
        %dma_start3A_30 = tpu.memref_slice %arg5[%dma_start3A_28, %dma_start3A_29] : memref<80x128xi32, #tpu.memory_space<vmem>> -> memref<20x128xi32, #tpu.memory_space<vmem>>
        %dma_start3A_31 = arith.constant 2480 : i32
        %dma_start3A_32 = arith.constant 0 : i32
        %dma_start3A_33 = tpu.memref_slice %arg3[%dma_start3A_31, %dma_start3A_32] : memref<2500x128xi32, #tpu.memory_space<hbm>> -> memref<20x128xi32, #tpu.memory_space<hbm>>
        tpu.enqueue_dma source(%dma_start3A_33 : memref<20x128xi32, #tpu.memory_space<hbm>>) target(%dma_start3A_30 : memref<20x128xi32, #tpu.memory_space<vmem>>) target_semaphore(%run_scoped3A : memref<!tpu.dma_semaphore, #tpu.memory_space<semaphore_mem>>)
        %dma_wait3A = arith.constant 0 : i32
        %dma_wait3A_34 = arith.constant 0 : i32
        %dma_wait3A_35 = tpu.memref_slice %arg5[%dma_wait3A, %dma_wait3A_34] : memref<80x128xi32, #tpu.memory_space<vmem>> -> memref<20x128xi32, #tpu.memory_space<vmem>>
        %dma_wait3A_36 = arith.constant 2480 : i32
        %dma_wait3A_37 = arith.constant 0 : i32
        %dma_wait3A_38 = tpu.memref_slice %arg3[%dma_wait3A_36, %dma_wait3A_37] : memref<2500x128xi32, #tpu.memory_space<hbm>> -> memref<20x128xi32, #tpu.memory_space<hbm>>
        %dma_wait3A_39 = arith.constant 0 : i32
        %dma_wait3A_40 = arith.constant 0 : i32
        %dma_wait3A_41 = tpu.memref_slice %arg5[%dma_wait3A_39, %dma_wait3A_40] : memref<80x128xi32, #tpu.memory_space<vmem>> -> memref<20x128xi32, #tpu.memory_space<vmem>>
        %dma_wait3A_42 = arith.constant 2480 : i32
        %dma_wait3A_43 = arith.constant 0 : i32
        %dma_wait3A_44 = tpu.memref_slice %arg3[%dma_wait3A_42, %dma_wait3A_43] : memref<2500x128xi32, #tpu.memory_space<hbm>> -> memref<20x128xi32, #tpu.memory_space<hbm>>
        tpu.wait_dma2 semaphore(%run_scoped3A : memref<!tpu.dma_semaphore, #tpu.memory_space<semaphore_mem>>) src(%dma_wait3A_44 : memref<20x128xi32, #tpu.memory_space<hbm>>) dst(%dma_wait3A_41 : memref<20x128xi32, #tpu.memory_space<vmem>>)
        tpu.yield
      }) : () -> ()
    } else {
    }
    %lt3A_7 = arith.constant 31 : i32
    %lt3A_8 = arith.cmpi slt, %add3A, %lt3A_7 : i32
    %eq3A_9 = arith.constant 31 : i32
    %eq3A_10 = arith.cmpi eq, %add3A, %eq3A_9 : i32
    %jit3A = arith.constant 5 : i32
    %jit3A_11 = arith.constant 0 : i32
    %select_n3A = arith.select %eq3A_10, %jit3A, %jit3A_11 : i32
    %jit3A_12 = arith.constant 20 : i32
    %select_n3A_13 = arith.select %lt3A_8, %jit3A_12, %select_n3A : i32
    %while3A = arith.constant 0 : i32
    %while3A_14 = arith.constant 0 : i32
    %while3A_15 = arith.subi %select_n3A_13, %while3A_14 : i32
    %while3A_16 = arith.addi %while3A_14, %while3A_15 : i32
    %while3A_17 = arith.constant 1 : i32
    %while3A_18 = arith.divsi %while3A_15, %while3A_17 : i32
    %while3A_19 = arith.muli %while3A_18, %while3A_17 : i32
    %while3A_20 = arith.addi %while3A_14, %while3A_19 : i32
    %while3A_21 = arith.constant 1 : i32
    scf.for %while3A_23 = %while3A_14 to %while3A_20 step %while3A_21  : i32 {
      %mul3A_24 = arith.constant 80 : i32
      %mul3A_25 = arith.muli %add3A, %mul3A_24 : i32
      %mul3A_26 = arith.constant 128 : i32
      %mul3A_27 = arith.muli %mul3A_25, %mul3A_26 : i32
      %mul3A_28 = arith.constant 512 : i32
      %mul3A_29 = arith.muli %while3A_23, %mul3A_28 : i32
      %add3A_30 = arith.addi %mul3A_27, %mul3A_29 : i32
      %mul3A_31 = arith.constant 4 : i32
      %mul3A_32 = arith.muli %while3A_23, %mul3A_31 : i32
      %add3A_33 = arith.constant 0 : i32
      %add3A_34 = arith.addi %mul3A_32, %add3A_33 : i32
      %dma_start3A = arith.constant 0 : i32
      %dma_start3A_35 = arith.constant 0 : i32
      %dma_start3A_36 = tpu.memref_slice %arg6[%dma_start3A, %dma_start3A_35] : memref<512x128xf32, #tpu.memory_space<vmem>> -> memref<128x128xf32, #tpu.memory_space<vmem>>
      %dma_start3A_37 = arith.constant 0 : i32
      %dma_start3A_38 = tpu.memref_slice %arg5[%add3A_34, %dma_start3A_37] : memref<80x128xi32, #tpu.memory_space<vmem>> -> memref<1x128xi32, #tpu.memory_space<vmem>>
      %dma_start3A_39 = tpu.memref_squeeze %dma_start3A_38 : memref<1x128xi32, #tpu.memory_space<vmem>> -> memref<128xi32, #tpu.memory_space<vmem>>
      %dma_start3A_40 = arith.constant 0 : i32
      %dma_start3A_41 = arith.constant 0 : i32
      %dma_start3A_42 = tpu.memref_slice %arg2[%dma_start3A_40, %dma_start3A_41] : memref<10000x128xf32, #tpu.memory_space<hbm>> -> memref<10000x128xf32, #tpu.memory_space<hbm>>
      tpu.enqueue_indirect_dma source(%dma_start3A_42 : memref<10000x128xf32, #tpu.memory_space<hbm>>) target(%dma_start3A_36 : memref<128x128xf32, #tpu.memory_space<vmem>>) offsets(%dma_start3A_39 : memref<128xi32, #tpu.memory_space<vmem>>) semaphore(%arg7 : memref<!tpu.dma_semaphore, #tpu.memory_space<semaphore_mem>>)
      %mul3A_43 = arith.constant 4 : i32
      %mul3A_44 = arith.muli %while3A_23, %mul3A_43 : i32
      %add3A_45 = arith.constant 1 : i32
      %add3A_46 = arith.addi %mul3A_44, %add3A_45 : i32
      %dma_start3A_47 = arith.constant 128 : i32
      %dma_start3A_48 = arith.constant 0 : i32
      %dma_start3A_49 = tpu.memref_slice %arg6[%dma_start3A_47, %dma_start3A_48] : memref<512x128xf32, #tpu.memory_space<vmem>> -> memref<128x128xf32, #tpu.memory_space<vmem>>
      %dma_start3A_50 = arith.constant 0 : i32
      %dma_start3A_51 = tpu.memref_slice %arg5[%add3A_46, %dma_start3A_50] : memref<80x128xi32, #tpu.memory_space<vmem>> -> memref<1x128xi32, #tpu.memory_space<vmem>>
      %dma_start3A_52 = tpu.memref_squeeze %dma_start3A_51 : memref<1x128xi32, #tpu.memory_space<vmem>> -> memref<128xi32, #tpu.memory_space<vmem>>
      %dma_start3A_53 = arith.constant 0 : i32
      %dma_start3A_54 = arith.constant 0 : i32
      %dma_start3A_55 = tpu.memref_slice %arg2[%dma_start3A_53, %dma_start3A_54] : memref<10000x128xf32, #tpu.memory_space<hbm>> -> memref<10000x128xf32, #tpu.memory_space<hbm>>
      tpu.enqueue_indirect_dma source(%dma_start3A_55 : memref<10000x128xf32, #tpu.memory_space<hbm>>) target(%dma_start3A_49 : memref<128x128xf32, #tpu.memory_space<vmem>>) offsets(%dma_start3A_52 : memref<128xi32, #tpu.memory_space<vmem>>) semaphore(%arg7 : memref<!tpu.dma_semaphore, #tpu.memory_space<semaphore_mem>>)
      %mul3A_56 = arith.constant 4 : i32
      %mul3A_57 = arith.muli %while3A_23, %mul3A_56 : i32
      %add3A_58 = arith.constant 2 : i32
      %add3A_59 = arith.addi %mul3A_57, %add3A_58 : i32
      %dma_start3A_60 = arith.constant 256 : i32
      %dma_start3A_61 = arith.constant 0 : i32
      %dma_start3A_62 = tpu.memref_slice %arg6[%dma_start3A_60, %dma_start3A_61] : memref<512x128xf32, #tpu.memory_space<vmem>> -> memref<128x128xf32, #tpu.memory_space<vmem>>
      %dma_start3A_63 = arith.constant 0 : i32
      %dma_start3A_64 = tpu.memref_slice %arg5[%add3A_59, %dma_start3A_63] : memref<80x128xi32, #tpu.memory_space<vmem>> -> memref<1x128xi32, #tpu.memory_space<vmem>>
      %dma_start3A_65 = tpu.memref_squeeze %dma_start3A_64 : memref<1x128xi32, #tpu.memory_space<vmem>> -> memref<128xi32, #tpu.memory_space<vmem>>
      %dma_start3A_66 = arith.constant 0 : i32
      %dma_start3A_67 = arith.constant 0 : i32
      %dma_start3A_68 = tpu.memref_slice %arg2[%dma_start3A_66, %dma_start3A_67] : memref<10000x128xf32, #tpu.memory_space<hbm>> -> memref<10000x128xf32, #tpu.memory_space<hbm>>
      tpu.enqueue_indirect_dma source(%dma_start3A_68 : memref<10000x128xf32, #tpu.memory_space<hbm>>) target(%dma_start3A_62 : memref<128x128xf32, #tpu.memory_space<vmem>>) offsets(%dma_start3A_65 : memref<128xi32, #tpu.memory_space<vmem>>) semaphore(%arg7 : memref<!tpu.dma_semaphore, #tpu.memory_space<semaphore_mem>>)
      %mul3A_69 = arith.constant 4 : i32
      %mul3A_70 = arith.muli %while3A_23, %mul3A_69 : i32
      %add3A_71 = arith.constant 3 : i32
      %add3A_72 = arith.addi %mul3A_70, %add3A_71 : i32
      %dma_start3A_73 = arith.constant 384 : i32
      %dma_start3A_74 = arith.constant 0 : i32
      %dma_start3A_75 = tpu.memref_slice %arg6[%dma_start3A_73, %dma_start3A_74] : memref<512x128xf32, #tpu.memory_space<vmem>> -> memref<128x128xf32, #tpu.memory_space<vmem>>
      %dma_start3A_76 = arith.constant 0 : i32
      %dma_start3A_77 = tpu.memref_slice %arg5[%add3A_72, %dma_start3A_76] : memref<80x128xi32, #tpu.memory_space<vmem>> -> memref<1x128xi32, #tpu.memory_space<vmem>>
      %dma_start3A_78 = tpu.memref_squeeze %dma_start3A_77 : memref<1x128xi32, #tpu.memory_space<vmem>> -> memref<128xi32, #tpu.memory_space<vmem>>
      %dma_start3A_79 = arith.constant 0 : i32
      %dma_start3A_80 = arith.constant 0 : i32
      %dma_start3A_81 = tpu.memref_slice %arg2[%dma_start3A_79, %dma_start3A_80] : memref<10000x128xf32, #tpu.memory_space<hbm>> -> memref<10000x128xf32, #tpu.memory_space<hbm>>
      tpu.enqueue_indirect_dma source(%dma_start3A_81 : memref<10000x128xf32, #tpu.memory_space<hbm>>) target(%dma_start3A_75 : memref<128x128xf32, #tpu.memory_space<vmem>>) offsets(%dma_start3A_78 : memref<128xi32, #tpu.memory_space<vmem>>) semaphore(%arg7 : memref<!tpu.dma_semaphore, #tpu.memory_space<semaphore_mem>>)
      %dma_wait3A = arith.constant 0 : i32
      %dma_wait3A_82 = arith.constant 0 : i32
      %dma_wait3A_83 = tpu.memref_slice %arg6[%dma_wait3A, %dma_wait3A_82] : memref<512x128xf32, #tpu.memory_space<vmem>> -> memref<128x128xf32, #tpu.memory_space<vmem>>
      %dma_wait3A_84 = arith.constant 0 : i32
      %dma_wait3A_85 = tpu.memref_slice %arg5[%add3A_34, %dma_wait3A_84] : memref<80x128xi32, #tpu.memory_space<vmem>> -> memref<1x128xi32, #tpu.memory_space<vmem>>
      %dma_wait3A_86 = tpu.memref_squeeze %dma_wait3A_85 : memref<1x128xi32, #tpu.memory_space<vmem>> -> memref<128xi32, #tpu.memory_space<vmem>>
      %dma_wait3A_87 = arith.constant 0 : i32
      %dma_wait3A_88 = arith.constant 0 : i32
      %dma_wait3A_89 = tpu.memref_slice %arg2[%dma_wait3A_87, %dma_wait3A_88] : memref<10000x128xf32, #tpu.memory_space<hbm>> -> memref<10000x128xf32, #tpu.memory_space<hbm>>
      tpu.wait_indirect_dma semaphore(%arg7 : memref<!tpu.dma_semaphore, #tpu.memory_space<semaphore_mem>>) src(%dma_wait3A_89 : memref<10000x128xf32, #tpu.memory_space<hbm>>) dst(%dma_wait3A_83 : memref<128x128xf32, #tpu.memory_space<vmem>>)
      %dma_wait3A_90 = arith.constant 128 : i32
      %dma_wait3A_91 = arith.constant 0 : i32
      %dma_wait3A_92 = tpu.memref_slice %arg6[%dma_wait3A_90, %dma_wait3A_91] : memref<512x128xf32, #tpu.memory_space<vmem>> -> memref<128x128xf32, #tpu.memory_space<vmem>>
      %dma_wait3A_93 = arith.constant 0 : i32
      %dma_wait3A_94 = tpu.memref_slice %arg5[%add3A_46, %dma_wait3A_93] : memref<80x128xi32, #tpu.memory_space<vmem>> -> memref<1x128xi32, #tpu.memory_space<vmem>>
      %dma_wait3A_95 = tpu.memref_squeeze %dma_wait3A_94 : memref<1x128xi32, #tpu.memory_space<vmem>> -> memref<128xi32, #tpu.memory_space<vmem>>
      %dma_wait3A_96 = arith.constant 0 : i32
      %dma_wait3A_97 = arith.constant 0 : i32
      %dma_wait3A_98 = tpu.memref_slice %arg2[%dma_wait3A_96, %dma_wait3A_97] : memref<10000x128xf32, #tpu.memory_space<hbm>> -> memref<10000x128xf32, #tpu.memory_space<hbm>>
      tpu.wait_indirect_dma semaphore(%arg7 : memref<!tpu.dma_semaphore, #tpu.memory_space<semaphore_mem>>) src(%dma_wait3A_98 : memref<10000x128xf32, #tpu.memory_space<hbm>>) dst(%dma_wait3A_92 : memref<128x128xf32, #tpu.memory_space<vmem>>)
      %dma_wait3A_99 = arith.constant 256 : i32
      %dma_wait3A_100 = arith.constant 0 : i32
      %dma_wait3A_101 = tpu.memref_slice %arg6[%dma_wait3A_99, %dma_wait3A_100] : memref<512x128xf32, #tpu.memory_space<vmem>> -> memref<128x128xf32, #tpu.memory_space<vmem>>
      %dma_wait3A_102 = arith.constant 0 : i32
      %dma_wait3A_103 = tpu.memref_slice %arg5[%add3A_59, %dma_wait3A_102] : memref<80x128xi32, #tpu.memory_space<vmem>> -> memref<1x128xi32, #tpu.memory_space<vmem>>
      %dma_wait3A_104 = tpu.memref_squeeze %dma_wait3A_103 : memref<1x128xi32, #tpu.memory_space<vmem>> -> memref<128xi32, #tpu.memory_space<vmem>>
      %dma_wait3A_105 = arith.constant 0 : i32
      %dma_wait3A_106 = arith.constant 0 : i32
      %dma_wait3A_107 = tpu.memref_slice %arg2[%dma_wait3A_105, %dma_wait3A_106] : memref<10000x128xf32, #tpu.memory_space<hbm>> -> memref<10000x128xf32, #tpu.memory_space<hbm>>
      tpu.wait_indirect_dma semaphore(%arg7 : memref<!tpu.dma_semaphore, #tpu.memory_space<semaphore_mem>>) src(%dma_wait3A_107 : memref<10000x128xf32, #tpu.memory_space<hbm>>) dst(%dma_wait3A_101 : memref<128x128xf32, #tpu.memory_space<vmem>>)
      %dma_wait3A_108 = arith.constant 384 : i32
      %dma_wait3A_109 = arith.constant 0 : i32
      %dma_wait3A_110 = tpu.memref_slice %arg6[%dma_wait3A_108, %dma_wait3A_109] : memref<512x128xf32, #tpu.memory_space<vmem>> -> memref<128x128xf32, #tpu.memory_space<vmem>>
      %dma_wait3A_111 = arith.constant 0 : i32
      %dma_wait3A_112 = tpu.memref_slice %arg5[%add3A_72, %dma_wait3A_111] : memref<80x128xi32, #tpu.memory_space<vmem>> -> memref<1x128xi32, #tpu.memory_space<vmem>>
      %dma_wait3A_113 = tpu.memref_squeeze %dma_wait3A_112 : memref<1x128xi32, #tpu.memory_space<vmem>> -> memref<128xi32, #tpu.memory_space<vmem>>
      %dma_wait3A_114 = arith.constant 0 : i32
      %dma_wait3A_115 = arith.constant 0 : i32
      %dma_wait3A_116 = tpu.memref_slice %arg2[%dma_wait3A_114, %dma_wait3A_115] : memref<10000x128xf32, #tpu.memory_space<hbm>> -> memref<10000x128xf32, #tpu.memory_space<hbm>>
      tpu.wait_indirect_dma semaphore(%arg7 : memref<!tpu.dma_semaphore, #tpu.memory_space<semaphore_mem>>) src(%dma_wait3A_116 : memref<10000x128xf32, #tpu.memory_space<hbm>>) dst(%dma_wait3A_110 : memref<128x128xf32, #tpu.memory_space<vmem>>)
      "tpu.region"() ({
        %run_scoped3A = tpu.sem_alloc : memref<!tpu.dma_semaphore, #tpu.memory_space<semaphore_mem>>
        %dma_start3A_117 = arith.constant 0 : i32
        %dma_start3A_118 = tpu.memref_slice %arg4[%add3A_30, %dma_start3A_117] : memref<320000x128xf32, #tpu.memory_space<hbm>> -> memref<512x128xf32, #tpu.memory_space<hbm>>
        %dma_start3A_119 = arith.constant 0 : i32
        %dma_start3A_120 = tpu.memref_slice %arg4[%add3A_30, %dma_start3A_119] : memref<320000x128xf32, #tpu.memory_space<hbm>> -> memref<512x128xf32, #tpu.memory_space<hbm>>
        tpu.enqueue_dma source(%arg6 : memref<512x128xf32, #tpu.memory_space<vmem>>) target(%dma_start3A_120 : memref<512x128xf32, #tpu.memory_space<hbm>>) target_semaphore(%run_scoped3A : memref<!tpu.dma_semaphore, #tpu.memory_space<semaphore_mem>>)
        %dma_wait3A_121 = arith.constant 0 : i32
        %dma_wait3A_122 = tpu.memref_slice %arg4[%add3A_30, %dma_wait3A_121] : memref<320000x128xf32, #tpu.memory_space<hbm>> -> memref<512x128xf32, #tpu.memory_space<hbm>>
        %dma_wait3A_123 = arith.constant 0 : i32
        %dma_wait3A_124 = tpu.memref_slice %arg4[%add3A_30, %dma_wait3A_123] : memref<320000x128xf32, #tpu.memory_space<hbm>> -> memref<512x128xf32, #tpu.memory_space<hbm>>
        tpu.wait_dma2 semaphore(%run_scoped3A : memref<!tpu.dma_semaphore, #tpu.memory_space<semaphore_mem>>) src(%arg6 : memref<512x128xf32, #tpu.memory_space<vmem>>) dst(%dma_wait3A_124 : memref<512x128xf32, #tpu.memory_space<hbm>>)
        tpu.yield
      }) : () -> ()
    }
    %while3A_22 = arith.constant 1 : i32
    scf.for %while3A_23 = %while3A_20 to %while3A_16 step %while3A_22  : i32 {
      %mul3A_24 = arith.constant 80 : i32
      %mul3A_25 = arith.muli %add3A, %mul3A_24 : i32
      %mul3A_26 = arith.constant 128 : i32
      %mul3A_27 = arith.muli %mul3A_25, %mul3A_26 : i32
      %mul3A_28 = arith.constant 512 : i32
      %mul3A_29 = arith.muli %while3A_23, %mul3A_28 : i32
      %add3A_30 = arith.addi %mul3A_27, %mul3A_29 : i32
      %mul3A_31 = arith.constant 4 : i32
      %mul3A_32 = arith.muli %while3A_23, %mul3A_31 : i32
      %add3A_33 = arith.constant 0 : i32
      %add3A_34 = arith.addi %mul3A_32, %add3A_33 : i32
      %dma_start3A = arith.constant 0 : i32
      %dma_start3A_35 = arith.constant 0 : i32
      %dma_start3A_36 = tpu.memref_slice %arg6[%dma_start3A, %dma_start3A_35] : memref<512x128xf32, #tpu.memory_space<vmem>> -> memref<128x128xf32, #tpu.memory_space<vmem>>
      %dma_start3A_37 = arith.constant 0 : i32
      %dma_start3A_38 = tpu.memref_slice %arg5[%add3A_34, %dma_start3A_37] : memref<80x128xi32, #tpu.memory_space<vmem>> -> memref<1x128xi32, #tpu.memory_space<vmem>>
      %dma_start3A_39 = tpu.memref_squeeze %dma_start3A_38 : memref<1x128xi32, #tpu.memory_space<vmem>> -> memref<128xi32, #tpu.memory_space<vmem>>
      %dma_start3A_40 = arith.constant 0 : i32
      %dma_start3A_41 = arith.constant 0 : i32
      %dma_start3A_42 = tpu.memref_slice %arg2[%dma_start3A_40, %dma_start3A_41] : memref<10000x128xf32, #tpu.memory_space<hbm>> -> memref<10000x128xf32, #tpu.memory_space<hbm>>
      tpu.enqueue_indirect_dma source(%dma_start3A_42 : memref<10000x128xf32, #tpu.memory_space<hbm>>) target(%dma_start3A_36 : memref<128x128xf32, #tpu.memory_space<vmem>>) offsets(%dma_start3A_39 : memref<128xi32, #tpu.memory_space<vmem>>) semaphore(%arg7 : memref<!tpu.dma_semaphore, #tpu.memory_space<semaphore_mem>>)
      %mul3A_43 = arith.constant 4 : i32
      %mul3A_44 = arith.muli %while3A_23, %mul3A_43 : i32
      %add3A_45 = arith.constant 1 : i32
      %add3A_46 = arith.addi %mul3A_44, %add3A_45 : i32
      %dma_start3A_47 = arith.constant 128 : i32
      %dma_start3A_48 = arith.constant 0 : i32
      %dma_start3A_49 = tpu.memref_slice %arg6[%dma_start3A_47, %dma_start3A_48] : memref<512x128xf32, #tpu.memory_space<vmem>> -> memref<128x128xf32, #tpu.memory_space<vmem>>
      %dma_start3A_50 = arith.constant 0 : i32
      %dma_start3A_51 = tpu.memref_slice %arg5[%add3A_46, %dma_start3A_50] : memref<80x128xi32, #tpu.memory_space<vmem>> -> memref<1x128xi32, #tpu.memory_space<vmem>>
      %dma_start3A_52 = tpu.memref_squeeze %dma_start3A_51 : memref<1x128xi32, #tpu.memory_space<vmem>> -> memref<128xi32, #tpu.memory_space<vmem>>
      %dma_start3A_53 = arith.constant 0 : i32
      %dma_start3A_54 = arith.constant 0 : i32
      %dma_start3A_55 = tpu.memref_slice %arg2[%dma_start3A_53, %dma_start3A_54] : memref<10000x128xf32, #tpu.memory_space<hbm>> -> memref<10000x128xf32, #tpu.memory_space<hbm>>
      tpu.enqueue_indirect_dma source(%dma_start3A_55 : memref<10000x128xf32, #tpu.memory_space<hbm>>) target(%dma_start3A_49 : memref<128x128xf32, #tpu.memory_space<vmem>>) offsets(%dma_start3A_52 : memref<128xi32, #tpu.memory_space<vmem>>) semaphore(%arg7 : memref<!tpu.dma_semaphore, #tpu.memory_space<semaphore_mem>>)
      %mul3A_56 = arith.constant 4 : i32
      %mul3A_57 = arith.muli %while3A_23, %mul3A_56 : i32
      %add3A_58 = arith.constant 2 : i32
      %add3A_59 = arith.addi %mul3A_57, %add3A_58 : i32
      %dma_start3A_60 = arith.constant 256 : i32
      %dma_start3A_61 = arith.constant 0 : i32
      %dma_start3A_62 = tpu.memref_slice %arg6[%dma_start3A_60, %dma_start3A_61] : memref<512x128xf32, #tpu.memory_space<vmem>> -> memref<128x128xf32, #tpu.memory_space<vmem>>
      %dma_start3A_63 = arith.constant 0 : i32
      %dma_start3A_64 = tpu.memref_slice %arg5[%add3A_59, %dma_start3A_63] : memref<80x128xi32, #tpu.memory_space<vmem>> -> memref<1x128xi32, #tpu.memory_space<vmem>>
      %dma_start3A_65 = tpu.memref_squeeze %dma_start3A_64 : memref<1x128xi32, #tpu.memory_space<vmem>> -> memref<128xi32, #tpu.memory_space<vmem>>
      %dma_start3A_66 = arith.constant 0 : i32
      %dma_start3A_67 = arith.constant 0 : i32
      %dma_start3A_68 = tpu.memref_slice %arg2[%dma_start3A_66, %dma_start3A_67] : memref<10000x128xf32, #tpu.memory_space<hbm>> -> memref<10000x128xf32, #tpu.memory_space<hbm>>
      tpu.enqueue_indirect_dma source(%dma_start3A_68 : memref<10000x128xf32, #tpu.memory_space<hbm>>) target(%dma_start3A_62 : memref<128x128xf32, #tpu.memory_space<vmem>>) offsets(%dma_start3A_65 : memref<128xi32, #tpu.memory_space<vmem>>) semaphore(%arg7 : memref<!tpu.dma_semaphore, #tpu.memory_space<semaphore_mem>>)
      %mul3A_69 = arith.constant 4 : i32
      %mul3A_70 = arith.muli %while3A_23, %mul3A_69 : i32
      %add3A_71 = arith.constant 3 : i32
      %add3A_72 = arith.addi %mul3A_70, %add3A_71 : i32
      %dma_start3A_73 = arith.constant 384 : i32
      %dma_start3A_74 = arith.constant 0 : i32
      %dma_start3A_75 = tpu.memref_slice %arg6[%dma_start3A_73, %dma_start3A_74] : memref<512x128xf32, #tpu.memory_space<vmem>> -> memref<128x128xf32, #tpu.memory_space<vmem>>
      %dma_start3A_76 = arith.constant 0 : i32
      %dma_start3A_77 = tpu.memref_slice %arg5[%add3A_72, %dma_start3A_76] : memref<80x128xi32, #tpu.memory_space<vmem>> -> memref<1x128xi32, #tpu.memory_space<vmem>>
      %dma_start3A_78 = tpu.memref_squeeze %dma_start3A_77 : memref<1x128xi32, #tpu.memory_space<vmem>> -> memref<128xi32, #tpu.memory_space<vmem>>
      %dma_start3A_79 = arith.constant 0 : i32
      %dma_start3A_80 = arith.constant 0 : i32
      %dma_start3A_81 = tpu.memref_slice %arg2[%dma_start3A_79, %dma_start3A_80] : memref<10000x128xf32, #tpu.memory_space<hbm>> -> memref<10000x128xf32, #tpu.memory_space<hbm>>
      tpu.enqueue_indirect_dma source(%dma_start3A_81 : memref<10000x128xf32, #tpu.memory_space<hbm>>) target(%dma_start3A_75 : memref<128x128xf32, #tpu.memory_space<vmem>>) offsets(%dma_start3A_78 : memref<128xi32, #tpu.memory_space<vmem>>) semaphore(%arg7 : memref<!tpu.dma_semaphore, #tpu.memory_space<semaphore_mem>>)
      %dma_wait3A = arith.constant 0 : i32
      %dma_wait3A_82 = arith.constant 0 : i32
      %dma_wait3A_83 = tpu.memref_slice %arg6[%dma_wait3A, %dma_wait3A_82] : memref<512x128xf32, #tpu.memory_space<vmem>> -> memref<128x128xf32, #tpu.memory_space<vmem>>
      %dma_wait3A_84 = arith.constant 0 : i32
      %dma_wait3A_85 = tpu.memref_slice %arg5[%add3A_34, %dma_wait3A_84] : memref<80x128xi32, #tpu.memory_space<vmem>> -> memref<1x128xi32, #tpu.memory_space<vmem>>
      %dma_wait3A_86 = tpu.memref_squeeze %dma_wait3A_85 : memref<1x128xi32, #tpu.memory_space<vmem>> -> memref<128xi32, #tpu.memory_space<vmem>>
      %dma_wait3A_87 = arith.constant 0 : i32
      %dma_wait3A_88 = arith.constant 0 : i32
      %dma_wait3A_89 = tpu.memref_slice %arg2[%dma_wait3A_87, %dma_wait3A_88] : memref<10000x128xf32, #tpu.memory_space<hbm>> -> memref<10000x128xf32, #tpu.memory_space<hbm>>
      tpu.wait_indirect_dma semaphore(%arg7 : memref<!tpu.dma_semaphore, #tpu.memory_space<semaphore_mem>>) src(%dma_wait3A_89 : memref<10000x128xf32, #tpu.memory_space<hbm>>) dst(%dma_wait3A_83 : memref<128x128xf32, #tpu.memory_space<vmem>>)
      %dma_wait3A_90 = arith.constant 128 : i32
      %dma_wait3A_91 = arith.constant 0 : i32
      %dma_wait3A_92 = tpu.memref_slice %arg6[%dma_wait3A_90, %dma_wait3A_91] : memref<512x128xf32, #tpu.memory_space<vmem>> -> memref<128x128xf32, #tpu.memory_space<vmem>>
      %dma_wait3A_93 = arith.constant 0 : i32
      %dma_wait3A_94 = tpu.memref_slice %arg5[%add3A_46, %dma_wait3A_93] : memref<80x128xi32, #tpu.memory_space<vmem>> -> memref<1x128xi32, #tpu.memory_space<vmem>>
      %dma_wait3A_95 = tpu.memref_squeeze %dma_wait3A_94 : memref<1x128xi32, #tpu.memory_space<vmem>> -> memref<128xi32, #tpu.memory_space<vmem>>
      %dma_wait3A_96 = arith.constant 0 : i32
      %dma_wait3A_97 = arith.constant 0 : i32
      %dma_wait3A_98 = tpu.memref_slice %arg2[%dma_wait3A_96, %dma_wait3A_97] : memref<10000x128xf32, #tpu.memory_space<hbm>> -> memref<10000x128xf32, #tpu.memory_space<hbm>>
      tpu.wait_indirect_dma semaphore(%arg7 : memref<!tpu.dma_semaphore, #tpu.memory_space<semaphore_mem>>) src(%dma_wait3A_98 : memref<10000x128xf32, #tpu.memory_space<hbm>>) dst(%dma_wait3A_92 : memref<128x128xf32, #tpu.memory_space<vmem>>)
      %dma_wait3A_99 = arith.constant 256 : i32
      %dma_wait3A_100 = arith.constant 0 : i32
      %dma_wait3A_101 = tpu.memref_slice %arg6[%dma_wait3A_99, %dma_wait3A_100] : memref<512x128xf32, #tpu.memory_space<vmem>> -> memref<128x128xf32, #tpu.memory_space<vmem>>
      %dma_wait3A_102 = arith.constant 0 : i32
      %dma_wait3A_103 = tpu.memref_slice %arg5[%add3A_59, %dma_wait3A_102] : memref<80x128xi32, #tpu.memory_space<vmem>> -> memref<1x128xi32, #tpu.memory_space<vmem>>
      %dma_wait3A_104 = tpu.memref_squeeze %dma_wait3A_103 : memref<1x128xi32, #tpu.memory_space<vmem>> -> memref<128xi32, #tpu.memory_space<vmem>>
      %dma_wait3A_105 = arith.constant 0 : i32
      %dma_wait3A_106 = arith.constant 0 : i32
      %dma_wait3A_107 = tpu.memref_slice %arg2[%dma_wait3A_105, %dma_wait3A_106] : memref<10000x128xf32, #tpu.memory_space<hbm>> -> memref<10000x128xf32, #tpu.memory_space<hbm>>
      tpu.wait_indirect_dma semaphore(%arg7 : memref<!tpu.dma_semaphore, #tpu.memory_space<semaphore_mem>>) src(%dma_wait3A_107 : memref<10000x128xf32, #tpu.memory_space<hbm>>) dst(%dma_wait3A_101 : memref<128x128xf32, #tpu.memory_space<vmem>>)
      %dma_wait3A_108 = arith.constant 384 : i32
      %dma_wait3A_109 = arith.constant 0 : i32
      %dma_wait3A_110 = tpu.memref_slice %arg6[%dma_wait3A_108, %dma_wait3A_109] : memref<512x128xf32, #tpu.memory_space<vmem>> -> memref<128x128xf32, #tpu.memory_space<vmem>>
      %dma_wait3A_111 = arith.constant 0 : i32
      %dma_wait3A_112 = tpu.memref_slice %arg5[%add3A_72, %dma_wait3A_111] : memref<80x128xi32, #tpu.memory_space<vmem>> -> memref<1x128xi32, #tpu.memory_space<vmem>>
      %dma_wait3A_113 = tpu.memref_squeeze %dma_wait3A_112 : memref<1x128xi32, #tpu.memory_space<vmem>> -> memref<128xi32, #tpu.memory_space<vmem>>
      %dma_wait3A_114 = arith.constant 0 : i32
      %dma_wait3A_115 = arith.constant 0 : i32
      %dma_wait3A_116 = tpu.memref_slice %arg2[%dma_wait3A_114, %dma_wait3A_115] : memref<10000x128xf32, #tpu.memory_space<hbm>> -> memref<10000x128xf32, #tpu.memory_space<hbm>>
      tpu.wait_indirect_dma semaphore(%arg7 : memref<!tpu.dma_semaphore, #tpu.memory_space<semaphore_mem>>) src(%dma_wait3A_116 : memref<10000x128xf32, #tpu.memory_space<hbm>>) dst(%dma_wait3A_110 : memref<128x128xf32, #tpu.memory_space<vmem>>)
      "tpu.region"() ({
        %run_scoped3A = tpu.sem_alloc : memref<!tpu.dma_semaphore, #tpu.memory_space<semaphore_mem>>
        %dma_start3A_117 = arith.constant 0 : i32
        %dma_start3A_118 = tpu.memref_slice %arg4[%add3A_30, %dma_start3A_117] : memref<320000x128xf32, #tpu.memory_space<hbm>> -> memref<512x128xf32, #tpu.memory_space<hbm>>
        %dma_start3A_119 = arith.constant 0 : i32
        %dma_start3A_120 = tpu.memref_slice %arg4[%add3A_30, %dma_start3A_119] : memref<320000x128xf32, #tpu.memory_space<hbm>> -> memref<512x128xf32, #tpu.memory_space<hbm>>
        tpu.enqueue_dma source(%arg6 : memref<512x128xf32, #tpu.memory_space<vmem>>) target(%dma_start3A_120 : memref<512x128xf32, #tpu.memory_space<hbm>>) target_semaphore(%run_scoped3A : memref<!tpu.dma_semaphore, #tpu.memory_space<semaphore_mem>>)
        %dma_wait3A_121 = arith.constant 0 : i32
        %dma_wait3A_122 = tpu.memref_slice %arg4[%add3A_30, %dma_wait3A_121] : memref<320000x128xf32, #tpu.memory_space<hbm>> -> memref<512x128xf32, #tpu.memory_space<hbm>>
        %dma_wait3A_123 = arith.constant 0 : i32
        %dma_wait3A_124 = tpu.memref_slice %arg4[%add3A_30, %dma_wait3A_123] : memref<320000x128xf32, #tpu.memory_space<hbm>> -> memref<512x128xf32, #tpu.memory_space<hbm>>
        tpu.wait_dma2 semaphore(%run_scoped3A : memref<!tpu.dma_semaphore, #tpu.memory_space<semaphore_mem>>) src(%arg6 : memref<512x128xf32, #tpu.memory_space<vmem>>) dst(%dma_wait3A_124 : memref<512x128xf32, #tpu.memory_space<hbm>>)
        tpu.yield
      }) : () -> ()
    }
    return
  }
}

#map = affine_map<(d0, d1) -> (0, 0)>
module attributes {stable_mosaic.version = 14 : i64} {
  func.func @k(%arg0: i32, %arg1: i32, %arg2: memref<320000x128xf32, #tpu.memory_space<hbm>>, %arg3: memref<2500x128xi32, #tpu.memory_space<hbm>>, %arg4: memref<10000x128xf32, #tpu.memory_space<hbm>>, %arg5: memref<20000x128xf32, #tpu.memory_space<hbm>>, %arg6: memref<10000x128xf32, #tpu.memory_space<vmem_shared>>, %arg7: memref<80x128xi32, #tpu.memory_space<vmem>>, %arg8: memref<256x128xf32, #tpu.memory_space<vmem>>) attributes {dimension_semantics = [#tpu.dimension_semantics<core_parallel>, #tpu.dimension_semantics<subcore_parallel>], iteration_bounds = array<i64: 2, 16>, scalar_prefetch = 0 : i64, scratch_operands = 3 : i64, tpu.core_type = #tpu.core_type<sc_vector_subcore>, window_params = [{transform_indices = #map}, {transform_indices = #map}, {transform_indices = #map}, {transform_indices = #map}]} {
    %mul3A = arith.constant 16 : i32
    %mul3A_0 = arith.muli %arg0, %mul3A : i32
    %add3A = arith.addi %mul3A_0, %arg1 : i32
    %mul3A_1 = arith.constant 624 : i32
    %mul3A_2 = arith.muli %arg1, %mul3A_1 : i32
    %mul3A_3 = arith.constant 624 : i32
    %mul3A_4 = arith.muli %arg1, %mul3A_3 : i32
    "tpu.region"() ({
      %run_scoped3A = tpu.sem_alloc : memref<!tpu.dma_semaphore, #tpu.memory_space<semaphore_mem>>
      %dma_start3A = arith.constant 0 : i32
      %dma_start3A_45 = tpu.memref_slice %arg6[%mul3A_4, %dma_start3A] : memref<10000x128xf32, #tpu.memory_space<vmem_shared>> -> memref<624x128xf32, #tpu.memory_space<vmem_shared>>
      %dma_start3A_46 = arith.constant 0 : i32
      %dma_start3A_47 = tpu.memref_slice %arg4[%mul3A_2, %dma_start3A_46] : memref<10000x128xf32, #tpu.memory_space<hbm>> -> memref<624x128xf32, #tpu.memory_space<hbm>>
      tpu.enqueue_dma source(%dma_start3A_47 : memref<624x128xf32, #tpu.memory_space<hbm>>) target(%dma_start3A_45 : memref<624x128xf32, #tpu.memory_space<vmem_shared>>) target_semaphore(%run_scoped3A : memref<!tpu.dma_semaphore, #tpu.memory_space<semaphore_mem>>)
      %dma_wait3A = arith.constant 0 : i32
      %dma_wait3A_48 = tpu.memref_slice %arg6[%mul3A_4, %dma_wait3A] : memref<10000x128xf32, #tpu.memory_space<vmem_shared>> -> memref<624x128xf32, #tpu.memory_space<vmem_shared>>
      %dma_wait3A_49 = arith.constant 0 : i32
      %dma_wait3A_50 = tpu.memref_slice %arg4[%mul3A_2, %dma_wait3A_49] : memref<10000x128xf32, #tpu.memory_space<hbm>> -> memref<624x128xf32, #tpu.memory_space<hbm>>
      tpu.wait_dma2 semaphore(%run_scoped3A : memref<!tpu.dma_semaphore, #tpu.memory_space<semaphore_mem>>) src(%dma_wait3A_50 : memref<624x128xf32, #tpu.memory_space<hbm>>) dst(%dma_wait3A_48 : memref<624x128xf32, #tpu.memory_space<vmem_shared>>)
      tpu.yield
    }) : () -> ()
    %eq3A = arith.constant 15 : i32
    %eq3A_5 = arith.cmpi eq, %arg1, %eq3A : i32
    %convert_element_type3A = arith.extui %eq3A_5 : i1 to i32
    %cond3A = arith.constant 0 : i32
    %cond3A_6 = arith.cmpi ne, %convert_element_type3A, %cond3A : i32
    scf.if %cond3A_6 {
      "tpu.region"() ({
        %run_scoped3A = tpu.sem_alloc : memref<!tpu.dma_semaphore, #tpu.memory_space<semaphore_mem>>
        %dma_start3A = arith.constant 9984 : i32
        %dma_start3A_45 = arith.constant 0 : i32
        %dma_start3A_46 = tpu.memref_slice %arg6[%dma_start3A, %dma_start3A_45] : memref<10000x128xf32, #tpu.memory_space<vmem_shared>> -> memref<16x128xf32, #tpu.memory_space<vmem_shared>>
        %dma_start3A_47 = arith.constant 9984 : i32
        %dma_start3A_48 = arith.constant 0 : i32
        %dma_start3A_49 = tpu.memref_slice %arg4[%dma_start3A_47, %dma_start3A_48] : memref<10000x128xf32, #tpu.memory_space<hbm>> -> memref<16x128xf32, #tpu.memory_space<hbm>>
        tpu.enqueue_dma source(%dma_start3A_49 : memref<16x128xf32, #tpu.memory_space<hbm>>) target(%dma_start3A_46 : memref<16x128xf32, #tpu.memory_space<vmem_shared>>) target_semaphore(%run_scoped3A : memref<!tpu.dma_semaphore, #tpu.memory_space<semaphore_mem>>)
        %dma_wait3A = arith.constant 9984 : i32
        %dma_wait3A_50 = arith.constant 0 : i32
        %dma_wait3A_51 = tpu.memref_slice %arg6[%dma_wait3A, %dma_wait3A_50] : memref<10000x128xf32, #tpu.memory_space<vmem_shared>> -> memref<16x128xf32, #tpu.memory_space<vmem_shared>>
        %dma_wait3A_52 = arith.constant 9984 : i32
        %dma_wait3A_53 = arith.constant 0 : i32
        %dma_wait3A_54 = tpu.memref_slice %arg4[%dma_wait3A_52, %dma_wait3A_53] : memref<10000x128xf32, #tpu.memory_space<hbm>> -> memref<16x128xf32, #tpu.memory_space<hbm>>
        tpu.wait_dma2 semaphore(%run_scoped3A : memref<!tpu.dma_semaphore, #tpu.memory_space<semaphore_mem>>) src(%dma_wait3A_54 : memref<16x128xf32, #tpu.memory_space<hbm>>) dst(%dma_wait3A_51 : memref<16x128xf32, #tpu.memory_space<vmem_shared>>)
        tpu.yield
      }) : () -> ()
    } else {
    }
    %barrier3A = arith.constant 0 : index
    tpu.barrier barrier_id(%barrier3A)
    %lt3A = arith.constant 31 : i32
    %lt3A_7 = arith.cmpi slt, %add3A, %lt3A : i32
    %convert_element_type3A_8 = arith.extui %lt3A_7 : i1 to i32
    %cond3A_9 = arith.constant 0 : i32
    %cond3A_10 = arith.cmpi ne, %convert_element_type3A_8, %cond3A_9 : i32
    scf.if %cond3A_10 {
      %mul3A_45 = arith.constant 80 : i32
      %mul3A_46 = arith.muli %add3A, %mul3A_45 : i32
      "tpu.region"() ({
        %run_scoped3A = tpu.sem_alloc : memref<!tpu.dma_semaphore, #tpu.memory_space<semaphore_mem>>
        %dma_start3A = arith.constant 0 : i32
        %dma_start3A_47 = tpu.memref_slice %arg3[%mul3A_46, %dma_start3A] : memref<2500x128xi32, #tpu.memory_space<hbm>> -> memref<80x128xi32, #tpu.memory_space<hbm>>
        %dma_start3A_48 = arith.constant 0 : i32
        %dma_start3A_49 = tpu.memref_slice %arg3[%mul3A_46, %dma_start3A_48] : memref<2500x128xi32, #tpu.memory_space<hbm>> -> memref<80x128xi32, #tpu.memory_space<hbm>>
        tpu.enqueue_dma source(%dma_start3A_49 : memref<80x128xi32, #tpu.memory_space<hbm>>) target(%arg7 : memref<80x128xi32, #tpu.memory_space<vmem>>) target_semaphore(%run_scoped3A : memref<!tpu.dma_semaphore, #tpu.memory_space<semaphore_mem>>)
        %dma_wait3A = arith.constant 0 : i32
        %dma_wait3A_50 = tpu.memref_slice %arg3[%mul3A_46, %dma_wait3A] : memref<2500x128xi32, #tpu.memory_space<hbm>> -> memref<80x128xi32, #tpu.memory_space<hbm>>
        %dma_wait3A_51 = arith.constant 0 : i32
        %dma_wait3A_52 = tpu.memref_slice %arg3[%mul3A_46, %dma_wait3A_51] : memref<2500x128xi32, #tpu.memory_space<hbm>> -> memref<80x128xi32, #tpu.memory_space<hbm>>
        tpu.wait_dma2 semaphore(%run_scoped3A : memref<!tpu.dma_semaphore, #tpu.memory_space<semaphore_mem>>) src(%dma_wait3A_52 : memref<80x128xi32, #tpu.memory_space<hbm>>) dst(%arg7 : memref<80x128xi32, #tpu.memory_space<vmem>>)
        tpu.yield
      }) : () -> ()
    } else {
    }
    %eq3A_11 = arith.constant 31 : i32
    %eq3A_12 = arith.cmpi eq, %add3A, %eq3A_11 : i32
    %convert_element_type3A_13 = arith.extui %eq3A_12 : i1 to i32
    %cond3A_14 = arith.constant 0 : i32
    %cond3A_15 = arith.cmpi ne, %convert_element_type3A_13, %cond3A_14 : i32
    scf.if %cond3A_15 {
      "tpu.region"() ({
        %run_scoped3A = tpu.sem_alloc : memref<!tpu.dma_semaphore, #tpu.memory_space<semaphore_mem>>
        %dma_start3A = arith.constant 0 : i32
        %dma_start3A_45 = arith.constant 0 : i32
        %dma_start3A_46 = tpu.memref_slice %arg7[%dma_start3A, %dma_start3A_45] : memref<80x128xi32, #tpu.memory_space<vmem>> -> memref<20x128xi32, #tpu.memory_space<vmem>>
        %dma_start3A_47 = arith.constant 2480 : i32
        %dma_start3A_48 = arith.constant 0 : i32
        %dma_start3A_49 = tpu.memref_slice %arg3[%dma_start3A_47, %dma_start3A_48] : memref<2500x128xi32, #tpu.memory_space<hbm>> -> memref<20x128xi32, #tpu.memory_space<hbm>>
        %dma_start3A_50 = arith.constant 0 : i32
        %dma_start3A_51 = arith.constant 0 : i32
        %dma_start3A_52 = tpu.memref_slice %arg7[%dma_start3A_50, %dma_start3A_51] : memref<80x128xi32, #tpu.memory_space<vmem>> -> memref<20x128xi32, #tpu.memory_space<vmem>>
        %dma_start3A_53 = arith.constant 2480 : i32
        %dma_start3A_54 = arith.constant 0 : i32
        %dma_start3A_55 = tpu.memref_slice %arg3[%dma_start3A_53, %dma_start3A_54] : memref<2500x128xi32, #tpu.memory_space<hbm>> -> memref<20x128xi32, #tpu.memory_space<hbm>>
        tpu.enqueue_dma source(%dma_start3A_55 : memref<20x128xi32, #tpu.memory_space<hbm>>) target(%dma_start3A_52 : memref<20x128xi32, #tpu.memory_space<vmem>>) target_semaphore(%run_scoped3A : memref<!tpu.dma_semaphore, #tpu.memory_space<semaphore_mem>>)
        %dma_wait3A = arith.constant 0 : i32
        %dma_wait3A_56 = arith.constant 0 : i32
        %dma_wait3A_57 = tpu.memref_slice %arg7[%dma_wait3A, %dma_wait3A_56] : memref<80x128xi32, #tpu.memory_space<vmem>> -> memref<20x128xi32, #tpu.memory_space<vmem>>
        %dma_wait3A_58 = arith.constant 2480 : i32
        %dma_wait3A_59 = arith.constant 0 : i32
        %dma_wait3A_60 = tpu.memref_slice %arg3[%dma_wait3A_58, %dma_wait3A_59] : memref<2500x128xi32, #tpu.memory_space<hbm>> -> memref<20x128xi32, #tpu.memory_space<hbm>>
        %dma_wait3A_61 = arith.constant 0 : i32
        %dma_wait3A_62 = arith.constant 0 : i32
        %dma_wait3A_63 = tpu.memref_slice %arg7[%dma_wait3A_61, %dma_wait3A_62] : memref<80x128xi32, #tpu.memory_space<vmem>> -> memref<20x128xi32, #tpu.memory_space<vmem>>
        %dma_wait3A_64 = arith.constant 2480 : i32
        %dma_wait3A_65 = arith.constant 0 : i32
        %dma_wait3A_66 = tpu.memref_slice %arg3[%dma_wait3A_64, %dma_wait3A_65] : memref<2500x128xi32, #tpu.memory_space<hbm>> -> memref<20x128xi32, #tpu.memory_space<hbm>>
        tpu.wait_dma2 semaphore(%run_scoped3A : memref<!tpu.dma_semaphore, #tpu.memory_space<semaphore_mem>>) src(%dma_wait3A_66 : memref<20x128xi32, #tpu.memory_space<hbm>>) dst(%dma_wait3A_63 : memref<20x128xi32, #tpu.memory_space<vmem>>)
        tpu.yield
      }) : () -> ()
    } else {
    }
    %lt3A_16 = arith.constant 31 : i32
    %lt3A_17 = arith.cmpi slt, %add3A, %lt3A_16 : i32
    %eq3A_18 = arith.constant 31 : i32
    %eq3A_19 = arith.cmpi eq, %add3A, %eq3A_18 : i32
    %jit3A = arith.constant 10 : i32
    %jit3A_20 = arith.constant 0 : i32
    %select_n3A = arith.select %eq3A_19, %jit3A, %jit3A_20 : i32
    %jit3A_21 = arith.constant 40 : i32
    %select_n3A_22 = arith.select %lt3A_17, %jit3A_21, %select_n3A : i32
    %while3A = arith.constant 0 : i32
    %while3A_23 = arith.constant 0 : i32
    %while3A_24 = arith.subi %select_n3A_22, %while3A_23 : i32
    %while3A_25 = arith.addi %while3A_23, %while3A_24 : i32
    %while3A_26 = arith.constant 1 : i32
    %while3A_27 = arith.divsi %while3A_24, %while3A_26 : i32
    %while3A_28 = arith.muli %while3A_27, %while3A_26 : i32
    %while3A_29 = arith.addi %while3A_23, %while3A_28 : i32
    %while3A_30 = arith.constant 1 : i32
    scf.for %while3A_45 = %while3A_23 to %while3A_29 step %while3A_30  : i32 {
      %mul3A_46 = arith.constant 80 : i32
      %mul3A_47 = arith.muli %add3A, %mul3A_46 : i32
      %mul3A_48 = arith.constant 128 : i32
      %mul3A_49 = arith.muli %mul3A_47, %mul3A_48 : i32
      %mul3A_50 = arith.constant 256 : i32
      %mul3A_51 = arith.muli %while3A_45, %mul3A_50 : i32
      %add3A_52 = arith.addi %mul3A_49, %mul3A_51 : i32
      "tpu.region"() ({
        %run_scoped3A = tpu.sem_alloc : memref<!tpu.dma_semaphore, #tpu.memory_space<semaphore_mem>>
        %dma_start3A = arith.constant 0 : i32
        %dma_start3A_61 = tpu.memref_slice %arg2[%add3A_52, %dma_start3A] : memref<320000x128xf32, #tpu.memory_space<hbm>> -> memref<256x128xf32, #tpu.memory_space<hbm>>
        %dma_start3A_62 = arith.constant 0 : i32
        %dma_start3A_63 = tpu.memref_slice %arg2[%add3A_52, %dma_start3A_62] : memref<320000x128xf32, #tpu.memory_space<hbm>> -> memref<256x128xf32, #tpu.memory_space<hbm>>
        tpu.enqueue_dma source(%dma_start3A_63 : memref<256x128xf32, #tpu.memory_space<hbm>>) target(%arg8 : memref<256x128xf32, #tpu.memory_space<vmem>>) target_semaphore(%run_scoped3A : memref<!tpu.dma_semaphore, #tpu.memory_space<semaphore_mem>>)
        %dma_wait3A = arith.constant 0 : i32
        %dma_wait3A_64 = tpu.memref_slice %arg2[%add3A_52, %dma_wait3A] : memref<320000x128xf32, #tpu.memory_space<hbm>> -> memref<256x128xf32, #tpu.memory_space<hbm>>
        %dma_wait3A_65 = arith.constant 0 : i32
        %dma_wait3A_66 = tpu.memref_slice %arg2[%add3A_52, %dma_wait3A_65] : memref<320000x128xf32, #tpu.memory_space<hbm>> -> memref<256x128xf32, #tpu.memory_space<hbm>>
        tpu.wait_dma2 semaphore(%run_scoped3A : memref<!tpu.dma_semaphore, #tpu.memory_space<semaphore_mem>>) src(%dma_wait3A_66 : memref<256x128xf32, #tpu.memory_space<hbm>>) dst(%arg8 : memref<256x128xf32, #tpu.memory_space<vmem>>)
        tpu.yield
      }) : () -> ()
      %mul3A_53 = arith.constant 2 : i32
      %mul3A_54 = arith.muli %while3A_45, %mul3A_53 : i32
      %add3A_55 = arith.constant 0 : i32
      %add3A_56 = arith.addi %mul3A_54, %add3A_55 : i32
      "tpu.region"() ({
        %run_scoped3A = tpu.sem_alloc : memref<!tpu.dma_semaphore, #tpu.memory_space<semaphore_mem>>
        %dma_start3A = arith.constant 0 : i32
        %dma_start3A_61 = arith.constant 0 : i32
        %dma_start3A_62 = tpu.memref_slice %arg8[%dma_start3A, %dma_start3A_61] : memref<256x128xf32, #tpu.memory_space<vmem>> -> memref<128x128xf32, #tpu.memory_space<vmem>>
        %dma_start3A_63 = arith.constant 0 : i32
        %dma_start3A_64 = tpu.memref_slice %arg7[%add3A_56, %dma_start3A_63] : memref<80x128xi32, #tpu.memory_space<vmem>> -> memref<1x128xi32, #tpu.memory_space<vmem>>
        %dma_start3A_65 = tpu.memref_squeeze %dma_start3A_64 : memref<1x128xi32, #tpu.memory_space<vmem>> -> memref<128xi32, #tpu.memory_space<vmem>>
        %dma_start3A_66 = arith.constant 0 : i32
        %dma_start3A_67 = arith.constant 0 : i32
        %dma_start3A_68 = tpu.memref_slice %arg6[%dma_start3A_66, %dma_start3A_67] : memref<10000x128xf32, #tpu.memory_space<vmem_shared>> -> memref<10000x128xf32, #tpu.memory_space<vmem_shared>>
        tpu.enqueue_indirect_dma source(%dma_start3A_62 : memref<128x128xf32, #tpu.memory_space<vmem>>) target(%dma_start3A_68 : memref<10000x128xf32, #tpu.memory_space<vmem_shared>>) offsets(%dma_start3A_65 : memref<128xi32, #tpu.memory_space<vmem>>) semaphore(%run_scoped3A : memref<!tpu.dma_semaphore, #tpu.memory_space<semaphore_mem>>) {add = true}
        %dma_wait3A = arith.constant 0 : i32
        %dma_wait3A_69 = arith.constant 0 : i32
        %dma_wait3A_70 = tpu.memref_slice %arg8[%dma_wait3A, %dma_wait3A_69] : memref<256x128xf32, #tpu.memory_space<vmem>> -> memref<128x128xf32, #tpu.memory_space<vmem>>
        %dma_wait3A_71 = arith.constant 0 : i32
        %dma_wait3A_72 = tpu.memref_slice %arg7[%add3A_56, %dma_wait3A_71] : memref<80x128xi32, #tpu.memory_space<vmem>> -> memref<1x128xi32, #tpu.memory_space<vmem>>
        %dma_wait3A_73 = tpu.memref_squeeze %dma_wait3A_72 : memref<1x128xi32, #tpu.memory_space<vmem>> -> memref<128xi32, #tpu.memory_space<vmem>>
        %dma_wait3A_74 = arith.constant 0 : i32
        %dma_wait3A_75 = arith.constant 0 : i32
        %dma_wait3A_76 = tpu.memref_slice %arg6[%dma_wait3A_74, %dma_wait3A_75] : memref<10000x128xf32, #tpu.memory_space<vmem_shared>> -> memref<10000x128xf32, #tpu.memory_space<vmem_shared>>
        tpu.wait_indirect_dma semaphore(%run_scoped3A : memref<!tpu.dma_semaphore, #tpu.memory_space<semaphore_mem>>) src(%dma_wait3A_70 : memref<128x128xf32, #tpu.memory_space<vmem>>) dst(%dma_wait3A_76 : memref<10000x128xf32, #tpu.memory_space<vmem_shared>>)
        tpu.yield
      }) : () -> ()
      %mul3A_57 = arith.constant 2 : i32
      %mul3A_58 = arith.muli %while3A_45, %mul3A_57 : i32
      %add3A_59 = arith.constant 1 : i32
      %add3A_60 = arith.addi %mul3A_58, %add3A_59 : i32
      "tpu.region"() ({
        %run_scoped3A = tpu.sem_alloc : memref<!tpu.dma_semaphore, #tpu.memory_space<semaphore_mem>>
        %dma_start3A = arith.constant 128 : i32
        %dma_start3A_61 = arith.constant 0 : i32
        %dma_start3A_62 = tpu.memref_slice %arg8[%dma_start3A, %dma_start3A_61] : memref<256x128xf32, #tpu.memory_space<vmem>> -> memref<128x128xf32, #tpu.memory_space<vmem>>
        %dma_start3A_63 = arith.constant 0 : i32
        %dma_start3A_64 = tpu.memref_slice %arg7[%add3A_60, %dma_start3A_63] : memref<80x128xi32, #tpu.memory_space<vmem>> -> memref<1x128xi32, #tpu.memory_space<vmem>>
        %dma_start3A_65 = tpu.memref_squeeze %dma_start3A_64 : memref<1x128xi32, #tpu.memory_space<vmem>> -> memref<128xi32, #tpu.memory_space<vmem>>
        %dma_start3A_66 = arith.constant 0 : i32
        %dma_start3A_67 = arith.constant 0 : i32
        %dma_start3A_68 = tpu.memref_slice %arg6[%dma_start3A_66, %dma_start3A_67] : memref<10000x128xf32, #tpu.memory_space<vmem_shared>> -> memref<10000x128xf32, #tpu.memory_space<vmem_shared>>
        tpu.enqueue_indirect_dma source(%dma_start3A_62 : memref<128x128xf32, #tpu.memory_space<vmem>>) target(%dma_start3A_68 : memref<10000x128xf32, #tpu.memory_space<vmem_shared>>) offsets(%dma_start3A_65 : memref<128xi32, #tpu.memory_space<vmem>>) semaphore(%run_scoped3A : memref<!tpu.dma_semaphore, #tpu.memory_space<semaphore_mem>>) {add = true}
        %dma_wait3A = arith.constant 128 : i32
        %dma_wait3A_69 = arith.constant 0 : i32
        %dma_wait3A_70 = tpu.memref_slice %arg8[%dma_wait3A, %dma_wait3A_69] : memref<256x128xf32, #tpu.memory_space<vmem>> -> memref<128x128xf32, #tpu.memory_space<vmem>>
        %dma_wait3A_71 = arith.constant 0 : i32
        %dma_wait3A_72 = tpu.memref_slice %arg7[%add3A_60, %dma_wait3A_71] : memref<80x128xi32, #tpu.memory_space<vmem>> -> memref<1x128xi32, #tpu.memory_space<vmem>>
        %dma_wait3A_73 = tpu.memref_squeeze %dma_wait3A_72 : memref<1x128xi32, #tpu.memory_space<vmem>> -> memref<128xi32, #tpu.memory_space<vmem>>
        %dma_wait3A_74 = arith.constant 0 : i32
        %dma_wait3A_75 = arith.constant 0 : i32
        %dma_wait3A_76 = tpu.memref_slice %arg6[%dma_wait3A_74, %dma_wait3A_75] : memref<10000x128xf32, #tpu.memory_space<vmem_shared>> -> memref<10000x128xf32, #tpu.memory_space<vmem_shared>>
        tpu.wait_indirect_dma semaphore(%run_scoped3A : memref<!tpu.dma_semaphore, #tpu.memory_space<semaphore_mem>>) src(%dma_wait3A_70 : memref<128x128xf32, #tpu.memory_space<vmem>>) dst(%dma_wait3A_76 : memref<10000x128xf32, #tpu.memory_space<vmem_shared>>)
        tpu.yield
      }) : () -> ()
    }
    %while3A_31 = arith.constant 1 : i32
    scf.for %while3A_45 = %while3A_29 to %while3A_25 step %while3A_31  : i32 {
      %mul3A_46 = arith.constant 80 : i32
      %mul3A_47 = arith.muli %add3A, %mul3A_46 : i32
      %mul3A_48 = arith.constant 128 : i32
      %mul3A_49 = arith.muli %mul3A_47, %mul3A_48 : i32
      %mul3A_50 = arith.constant 256 : i32
      %mul3A_51 = arith.muli %while3A_45, %mul3A_50 : i32
      %add3A_52 = arith.addi %mul3A_49, %mul3A_51 : i32
      "tpu.region"() ({
        %run_scoped3A = tpu.sem_alloc : memref<!tpu.dma_semaphore, #tpu.memory_space<semaphore_mem>>
        %dma_start3A = arith.constant 0 : i32
        %dma_start3A_61 = tpu.memref_slice %arg2[%add3A_52, %dma_start3A] : memref<320000x128xf32, #tpu.memory_space<hbm>> -> memref<256x128xf32, #tpu.memory_space<hbm>>
        %dma_start3A_62 = arith.constant 0 : i32
        %dma_start3A_63 = tpu.memref_slice %arg2[%add3A_52, %dma_start3A_62] : memref<320000x128xf32, #tpu.memory_space<hbm>> -> memref<256x128xf32, #tpu.memory_space<hbm>>
        tpu.enqueue_dma source(%dma_start3A_63 : memref<256x128xf32, #tpu.memory_space<hbm>>) target(%arg8 : memref<256x128xf32, #tpu.memory_space<vmem>>) target_semaphore(%run_scoped3A : memref<!tpu.dma_semaphore, #tpu.memory_space<semaphore_mem>>)
        %dma_wait3A = arith.constant 0 : i32
        %dma_wait3A_64 = tpu.memref_slice %arg2[%add3A_52, %dma_wait3A] : memref<320000x128xf32, #tpu.memory_space<hbm>> -> memref<256x128xf32, #tpu.memory_space<hbm>>
        %dma_wait3A_65 = arith.constant 0 : i32
        %dma_wait3A_66 = tpu.memref_slice %arg2[%add3A_52, %dma_wait3A_65] : memref<320000x128xf32, #tpu.memory_space<hbm>> -> memref<256x128xf32, #tpu.memory_space<hbm>>
        tpu.wait_dma2 semaphore(%run_scoped3A : memref<!tpu.dma_semaphore, #tpu.memory_space<semaphore_mem>>) src(%dma_wait3A_66 : memref<256x128xf32, #tpu.memory_space<hbm>>) dst(%arg8 : memref<256x128xf32, #tpu.memory_space<vmem>>)
        tpu.yield
      }) : () -> ()
      %mul3A_53 = arith.constant 2 : i32
      %mul3A_54 = arith.muli %while3A_45, %mul3A_53 : i32
      %add3A_55 = arith.constant 0 : i32
      %add3A_56 = arith.addi %mul3A_54, %add3A_55 : i32
      "tpu.region"() ({
        %run_scoped3A = tpu.sem_alloc : memref<!tpu.dma_semaphore, #tpu.memory_space<semaphore_mem>>
        %dma_start3A = arith.constant 0 : i32
        %dma_start3A_61 = arith.constant 0 : i32
        %dma_start3A_62 = tpu.memref_slice %arg8[%dma_start3A, %dma_start3A_61] : memref<256x128xf32, #tpu.memory_space<vmem>> -> memref<128x128xf32, #tpu.memory_space<vmem>>
        %dma_start3A_63 = arith.constant 0 : i32
        %dma_start3A_64 = tpu.memref_slice %arg7[%add3A_56, %dma_start3A_63] : memref<80x128xi32, #tpu.memory_space<vmem>> -> memref<1x128xi32, #tpu.memory_space<vmem>>
        %dma_start3A_65 = tpu.memref_squeeze %dma_start3A_64 : memref<1x128xi32, #tpu.memory_space<vmem>> -> memref<128xi32, #tpu.memory_space<vmem>>
        %dma_start3A_66 = arith.constant 0 : i32
        %dma_start3A_67 = arith.constant 0 : i32
        %dma_start3A_68 = tpu.memref_slice %arg6[%dma_start3A_66, %dma_start3A_67] : memref<10000x128xf32, #tpu.memory_space<vmem_shared>> -> memref<10000x128xf32, #tpu.memory_space<vmem_shared>>
        tpu.enqueue_indirect_dma source(%dma_start3A_62 : memref<128x128xf32, #tpu.memory_space<vmem>>) target(%dma_start3A_68 : memref<10000x128xf32, #tpu.memory_space<vmem_shared>>) offsets(%dma_start3A_65 : memref<128xi32, #tpu.memory_space<vmem>>) semaphore(%run_scoped3A : memref<!tpu.dma_semaphore, #tpu.memory_space<semaphore_mem>>) {add = true}
        %dma_wait3A = arith.constant 0 : i32
        %dma_wait3A_69 = arith.constant 0 : i32
        %dma_wait3A_70 = tpu.memref_slice %arg8[%dma_wait3A, %dma_wait3A_69] : memref<256x128xf32, #tpu.memory_space<vmem>> -> memref<128x128xf32, #tpu.memory_space<vmem>>
        %dma_wait3A_71 = arith.constant 0 : i32
        %dma_wait3A_72 = tpu.memref_slice %arg7[%add3A_56, %dma_wait3A_71] : memref<80x128xi32, #tpu.memory_space<vmem>> -> memref<1x128xi32, #tpu.memory_space<vmem>>
        %dma_wait3A_73 = tpu.memref_squeeze %dma_wait3A_72 : memref<1x128xi32, #tpu.memory_space<vmem>> -> memref<128xi32, #tpu.memory_space<vmem>>
        %dma_wait3A_74 = arith.constant 0 : i32
        %dma_wait3A_75 = arith.constant 0 : i32
        %dma_wait3A_76 = tpu.memref_slice %arg6[%dma_wait3A_74, %dma_wait3A_75] : memref<10000x128xf32, #tpu.memory_space<vmem_shared>> -> memref<10000x128xf32, #tpu.memory_space<vmem_shared>>
        tpu.wait_indirect_dma semaphore(%run_scoped3A : memref<!tpu.dma_semaphore, #tpu.memory_space<semaphore_mem>>) src(%dma_wait3A_70 : memref<128x128xf32, #tpu.memory_space<vmem>>) dst(%dma_wait3A_76 : memref<10000x128xf32, #tpu.memory_space<vmem_shared>>)
        tpu.yield
      }) : () -> ()
      %mul3A_57 = arith.constant 2 : i32
      %mul3A_58 = arith.muli %while3A_45, %mul3A_57 : i32
      %add3A_59 = arith.constant 1 : i32
      %add3A_60 = arith.addi %mul3A_58, %add3A_59 : i32
      "tpu.region"() ({
        %run_scoped3A = tpu.sem_alloc : memref<!tpu.dma_semaphore, #tpu.memory_space<semaphore_mem>>
        %dma_start3A = arith.constant 128 : i32
        %dma_start3A_61 = arith.constant 0 : i32
        %dma_start3A_62 = tpu.memref_slice %arg8[%dma_start3A, %dma_start3A_61] : memref<256x128xf32, #tpu.memory_space<vmem>> -> memref<128x128xf32, #tpu.memory_space<vmem>>
        %dma_start3A_63 = arith.constant 0 : i32
        %dma_start3A_64 = tpu.memref_slice %arg7[%add3A_60, %dma_start3A_63] : memref<80x128xi32, #tpu.memory_space<vmem>> -> memref<1x128xi32, #tpu.memory_space<vmem>>
        %dma_start3A_65 = tpu.memref_squeeze %dma_start3A_64 : memref<1x128xi32, #tpu.memory_space<vmem>> -> memref<128xi32, #tpu.memory_space<vmem>>
        %dma_start3A_66 = arith.constant 0 : i32
        %dma_start3A_67 = arith.constant 0 : i32
        %dma_start3A_68 = tpu.memref_slice %arg6[%dma_start3A_66, %dma_start3A_67] : memref<10000x128xf32, #tpu.memory_space<vmem_shared>> -> memref<10000x128xf32, #tpu.memory_space<vmem_shared>>
        tpu.enqueue_indirect_dma source(%dma_start3A_62 : memref<128x128xf32, #tpu.memory_space<vmem>>) target(%dma_start3A_68 : memref<10000x128xf32, #tpu.memory_space<vmem_shared>>) offsets(%dma_start3A_65 : memref<128xi32, #tpu.memory_space<vmem>>) semaphore(%run_scoped3A : memref<!tpu.dma_semaphore, #tpu.memory_space<semaphore_mem>>) {add = true}
        %dma_wait3A = arith.constant 128 : i32
        %dma_wait3A_69 = arith.constant 0 : i32
        %dma_wait3A_70 = tpu.memref_slice %arg8[%dma_wait3A, %dma_wait3A_69] : memref<256x128xf32, #tpu.memory_space<vmem>> -> memref<128x128xf32, #tpu.memory_space<vmem>>
        %dma_wait3A_71 = arith.constant 0 : i32
        %dma_wait3A_72 = tpu.memref_slice %arg7[%add3A_60, %dma_wait3A_71] : memref<80x128xi32, #tpu.memory_space<vmem>> -> memref<1x128xi32, #tpu.memory_space<vmem>>
        %dma_wait3A_73 = tpu.memref_squeeze %dma_wait3A_72 : memref<1x128xi32, #tpu.memory_space<vmem>> -> memref<128xi32, #tpu.memory_space<vmem>>
        %dma_wait3A_74 = arith.constant 0 : i32
        %dma_wait3A_75 = arith.constant 0 : i32
        %dma_wait3A_76 = tpu.memref_slice %arg6[%dma_wait3A_74, %dma_wait3A_75] : memref<10000x128xf32, #tpu.memory_space<vmem_shared>> -> memref<10000x128xf32, #tpu.memory_space<vmem_shared>>
        tpu.wait_indirect_dma semaphore(%run_scoped3A : memref<!tpu.dma_semaphore, #tpu.memory_space<semaphore_mem>>) src(%dma_wait3A_70 : memref<128x128xf32, #tpu.memory_space<vmem>>) dst(%dma_wait3A_76 : memref<10000x128xf32, #tpu.memory_space<vmem_shared>>)
        tpu.yield
      }) : () -> ()
    }
    %barrier3A_32 = arith.constant 0 : index
    tpu.barrier barrier_id(%barrier3A_32)
    %mul3A_33 = arith.constant 624 : i32
    %mul3A_34 = arith.muli %arg1, %mul3A_33 : i32
    %mul3A_35 = arith.constant 10000 : i32
    %mul3A_36 = arith.muli %arg0, %mul3A_35 : i32
    %mul3A_37 = arith.constant 624 : i32
    %mul3A_38 = arith.muli %arg1, %mul3A_37 : i32
    %add3A_39 = arith.addi %mul3A_36, %mul3A_38 : i32
    "tpu.region"() ({
      %run_scoped3A = tpu.sem_alloc : memref<!tpu.dma_semaphore, #tpu.memory_space<semaphore_mem>>
      %dma_start3A = arith.constant 0 : i32
      %dma_start3A_45 = tpu.memref_slice %arg5[%add3A_39, %dma_start3A] : memref<20000x128xf32, #tpu.memory_space<hbm>> -> memref<624x128xf32, #tpu.memory_space<hbm>>
      %dma_start3A_46 = arith.constant 0 : i32
      %dma_start3A_47 = tpu.memref_slice %arg6[%mul3A_34, %dma_start3A_46] : memref<10000x128xf32, #tpu.memory_space<vmem_shared>> -> memref<624x128xf32, #tpu.memory_space<vmem_shared>>
      tpu.enqueue_dma source(%dma_start3A_47 : memref<624x128xf32, #tpu.memory_space<vmem_shared>>) target(%dma_start3A_45 : memref<624x128xf32, #tpu.memory_space<hbm>>) target_semaphore(%run_scoped3A : memref<!tpu.dma_semaphore, #tpu.memory_space<semaphore_mem>>)
      %dma_wait3A = arith.constant 0 : i32
      %dma_wait3A_48 = tpu.memref_slice %arg5[%add3A_39, %dma_wait3A] : memref<20000x128xf32, #tpu.memory_space<hbm>> -> memref<624x128xf32, #tpu.memory_space<hbm>>
      %dma_wait3A_49 = arith.constant 0 : i32
      %dma_wait3A_50 = tpu.memref_slice %arg6[%mul3A_34, %dma_wait3A_49] : memref<10000x128xf32, #tpu.memory_space<vmem_shared>> -> memref<624x128xf32, #tpu.memory_space<vmem_shared>>
      tpu.wait_dma2 semaphore(%run_scoped3A : memref<!tpu.dma_semaphore, #tpu.memory_space<semaphore_mem>>) src(%dma_wait3A_50 : memref<624x128xf32, #tpu.memory_space<vmem_shared>>) dst(%dma_wait3A_48 : memref<624x128xf32, #tpu.memory_space<hbm>>)
      tpu.yield
    }) : () -> ()
    %eq3A_40 = arith.constant 15 : i32
    %eq3A_41 = arith.cmpi eq, %arg1, %eq3A_40 : i32
    %convert_element_type3A_42 = arith.extui %eq3A_41 : i1 to i32
    %cond3A_43 = arith.constant 0 : i32
    %cond3A_44 = arith.cmpi ne, %convert_element_type3A_42, %cond3A_43 : i32
    scf.if %cond3A_44 {
      %mul3A_45 = arith.constant 10000 : i32
      %mul3A_46 = arith.muli %arg0, %mul3A_45 : i32
      %add3A_47 = arith.constant 9984 : i32
      %add3A_48 = arith.addi %mul3A_46, %add3A_47 : i32
      "tpu.region"() ({
        %run_scoped3A = tpu.sem_alloc : memref<!tpu.dma_semaphore, #tpu.memory_space<semaphore_mem>>
        %dma_start3A = arith.constant 0 : i32
        %dma_start3A_49 = tpu.memref_slice %arg5[%add3A_48, %dma_start3A] : memref<20000x128xf32, #tpu.memory_space<hbm>> -> memref<16x128xf32, #tpu.memory_space<hbm>>
        %dma_start3A_50 = arith.constant 9984 : i32
        %dma_start3A_51 = arith.constant 0 : i32
        %dma_start3A_52 = tpu.memref_slice %arg6[%dma_start3A_50, %dma_start3A_51] : memref<10000x128xf32, #tpu.memory_space<vmem_shared>> -> memref<16x128xf32, #tpu.memory_space<vmem_shared>>
        tpu.enqueue_dma source(%dma_start3A_52 : memref<16x128xf32, #tpu.memory_space<vmem_shared>>) target(%dma_start3A_49 : memref<16x128xf32, #tpu.memory_space<hbm>>) target_semaphore(%run_scoped3A : memref<!tpu.dma_semaphore, #tpu.memory_space<semaphore_mem>>)
        %dma_wait3A = arith.constant 0 : i32
        %dma_wait3A_53 = tpu.memref_slice %arg5[%add3A_48, %dma_wait3A] : memref<20000x128xf32, #tpu.memory_space<hbm>> -> memref<16x128xf32, #tpu.memory_space<hbm>>
        %dma_wait3A_54 = arith.constant 9984 : i32
        %dma_wait3A_55 = arith.constant 0 : i32
        %dma_wait3A_56 = tpu.memref_slice %arg6[%dma_wait3A_54, %dma_wait3A_55] : memref<10000x128xf32, #tpu.memory_space<vmem_shared>> -> memref<16x128xf32, #tpu.memory_space<vmem_shared>>
        tpu.wait_dma2 semaphore(%run_scoped3A : memref<!tpu.dma_semaphore, #tpu.memory_space<semaphore_mem>>) src(%dma_wait3A_56 : memref<16x128xf32, #tpu.memory_space<vmem_shared>>) dst(%dma_wait3A_53 : memref<16x128xf32, #tpu.memory_space<hbm>>)
        tpu.yield
      }) : () -> ()
    } else {
    }
    return
  }
}

module attributes {stable_mosaic.version = 14 : i64} {
  func.func @body(%arg0: i32, %arg1: memref<2000x3xf32, #tpu.memory_space<vmem>>, %arg2: memref<1x3xf32, #tpu.memory_space<vmem>>, %arg3: memref<3x128xf32, #tpu.memory_space<vmem>>, %arg4: memref<1x128xf32, #tpu.memory_space<vmem>>, %arg5: memref<128x128xf32, #tpu.memory_space<vmem>>, %arg6: memref<1x128xf32, #tpu.memory_space<vmem>>, %arg7: memref<3x128xf32, #tpu.memory_space<vmem>>, %arg8: memref<1x128xf32, #tpu.memory_space<vmem>>, %arg9: memref<128x128xf32, #tpu.memory_space<vmem>>, %arg10: memref<1x128xf32, #tpu.memory_space<vmem>>, %arg11: memref<2000x128xf32, #tpu.memory_space<vmem>>) attributes {dimension_semantics = [#tpu.dimension_semantics<arbitrary>], iteration_bounds = array<i64: 5>, scalar_prefetch = 0 : i64, scratch_operands = 0 : i64, tpu.core_type = #tpu.core_type<tc>, window_params = [{transform_indices = @transform_0, window_bounds = array<i64: 2000, 3>}, {pipeline_mode = #tpu.pipeline_mode<synchronous>, transform_indices = @transform_1, window_bounds = array<i64: 1, 3>}, {pipeline_mode = #tpu.pipeline_mode<synchronous>, transform_indices = @transform_2, window_bounds = array<i64: 3, 128>}, {pipeline_mode = #tpu.pipeline_mode<synchronous>, transform_indices = @transform_3, window_bounds = array<i64: 1, 128>}, {pipeline_mode = #tpu.pipeline_mode<synchronous>, transform_indices = @transform_4, window_bounds = array<i64: 128, 128>}, {pipeline_mode = #tpu.pipeline_mode<synchronous>, transform_indices = @transform_5, window_bounds = array<i64: 1, 128>}, {pipeline_mode = #tpu.pipeline_mode<synchronous>, transform_indices = @transform_6, window_bounds = array<i64: 3, 128>}, {pipeline_mode = #tpu.pipeline_mode<synchronous>, transform_indices = @transform_7, window_bounds = array<i64: 1, 128>}, {pipeline_mode = #tpu.pipeline_mode<synchronous>, transform_indices = @transform_8, window_bounds = array<i64: 128, 128>}, {pipeline_mode = #tpu.pipeline_mode<synchronous>, transform_indices = @transform_9, window_bounds = array<i64: 1, 128>}, {transform_indices = @transform_10, window_bounds = array<i64: 2000, 128>}]} {
    %get3A = arith.constant 0 : index
    %get3A_0 = arith.constant 0 : index
    %get3A_1 = vector.load %arg1[%get3A, %get3A_0] : memref<2000x3xf32, #tpu.memory_space<vmem>>, vector<2000x3xf32>
    %get3A_2 = arith.constant 0 : index
    %get3A_3 = arith.constant 0 : index
    %get3A_4 = vector.load %arg3[%get3A_2, %get3A_3] : memref<3x128xf32, #tpu.memory_space<vmem>>, vector<3x128xf32>
    %dot_general3A = arith.constant dense<0.000000e+00> : vector<2000x128xf32>
    %dot_general3A_5 = tpu.matmul %get3A_1, %get3A_4, %dot_general3A {dimension_numbers = #tpu.dot_dimension_numbers<[1], [0], [0], [1], [0, 0, 1, 1], [], []>, transpose_lhs_hint = false} : vector<2000x3xf32>, vector<3x128xf32>, vector<2000x128xf32> -> vector<2000x128xf32>
    %get3A_6 = arith.constant 0 : index
    %get3A_7 = arith.constant 0 : index
    %get3A_8 = vector.load %arg4[%get3A_6, %get3A_7] : memref<1x128xf32, #tpu.memory_space<vmem>>, vector<1x128xf32>
    %add3A = vector.broadcast %get3A_8 : vector<1x128xf32> to vector<2000x128xf32>
    %add3A_9 = arith.addf %dot_general3A_5, %add3A : vector<2000x128xf32>
    %max3A = arith.constant 0.000000e+00 : f32
    %max3A_10 = vector.broadcast %max3A : f32 to vector<2000x128xf32>
    %max3A_11 = arith.maximumf %add3A_9, %max3A_10 : vector<2000x128xf32>
    %get3A_12 = arith.constant 0 : index
    %get3A_13 = arith.constant 0 : index
    %get3A_14 = vector.load %arg5[%get3A_12, %get3A_13] : memref<128x128xf32, #tpu.memory_space<vmem>>, vector<128x128xf32>
    %dot_general3A_15 = arith.constant dense<0.000000e+00> : vector<2000x128xf32>
    %dot_general3A_16 = tpu.matmul %max3A_11, %get3A_14, %dot_general3A_15 {dimension_numbers = #tpu.dot_dimension_numbers<[1], [0], [0], [1], [0, 0, 1, 1], [], []>, transpose_lhs_hint = false} : vector<2000x128xf32>, vector<128x128xf32>, vector<2000x128xf32> -> vector<2000x128xf32>
    %get3A_17 = arith.constant 0 : index
    %get3A_18 = arith.constant 0 : index
    %get3A_19 = vector.load %arg6[%get3A_17, %get3A_18] : memref<1x128xf32, #tpu.memory_space<vmem>>, vector<1x128xf32>
    %add3A_20 = vector.broadcast %get3A_19 : vector<1x128xf32> to vector<2000x128xf32>
    %add3A_21 = arith.addf %dot_general3A_16, %add3A_20 : vector<2000x128xf32>
    %max3A_22 = arith.constant 0.000000e+00 : f32
    %max3A_23 = vector.broadcast %max3A_22 : f32 to vector<2000x128xf32>
    %max3A_24 = arith.maximumf %add3A_21, %max3A_23 : vector<2000x128xf32>
    %get3A_25 = arith.constant 0 : index
    %get3A_26 = arith.constant 0 : index
    %get3A_27 = vector.load %arg2[%get3A_25, %get3A_26] : memref<1x3xf32, #tpu.memory_space<vmem>>, vector<1x3xf32>
    %get3A_28 = arith.constant 0 : index
    %get3A_29 = arith.constant 0 : index
    %get3A_30 = vector.load %arg7[%get3A_28, %get3A_29] : memref<3x128xf32, #tpu.memory_space<vmem>>, vector<3x128xf32>
    %dot_general3A_31 = arith.constant dense<0.000000e+00> : vector<1x128xf32>
    %dot_general3A_32 = tpu.matmul %get3A_27, %get3A_30, %dot_general3A_31 {dimension_numbers = #tpu.dot_dimension_numbers<[1], [0], [0], [1], [0, 0, 1, 1], [], []>, transpose_lhs_hint = false} : vector<1x3xf32>, vector<3x128xf32>, vector<1x128xf32> -> vector<1x128xf32>
    %get3A_33 = arith.constant 0 : index
    %get3A_34 = arith.constant 0 : index
    %get3A_35 = vector.load %arg8[%get3A_33, %get3A_34] : memref<1x128xf32, #tpu.memory_space<vmem>>, vector<1x128xf32>
    %add3A_36 = arith.addf %dot_general3A_32, %get3A_35 : vector<1x128xf32>
    %max3A_37 = arith.constant 0.000000e+00 : f32
    %max3A_38 = vector.broadcast %max3A_37 : f32 to vector<1x128xf32>
    %max3A_39 = arith.maximumf %add3A_36, %max3A_38 : vector<1x128xf32>
    %get3A_40 = arith.constant 0 : index
    %get3A_41 = arith.constant 0 : index
    %get3A_42 = vector.load %arg9[%get3A_40, %get3A_41] : memref<128x128xf32, #tpu.memory_space<vmem>>, vector<128x128xf32>
    %dot_general3A_43 = arith.constant dense<0.000000e+00> : vector<1x128xf32>
    %dot_general3A_44 = tpu.matmul %max3A_39, %get3A_42, %dot_general3A_43 {dimension_numbers = #tpu.dot_dimension_numbers<[1], [0], [0], [1], [0, 0, 1, 1], [], []>, transpose_lhs_hint = false} : vector<1x128xf32>, vector<128x128xf32>, vector<1x128xf32> -> vector<1x128xf32>
    %get3A_45 = arith.constant 0 : index
    %get3A_46 = arith.constant 0 : index
    %get3A_47 = vector.load %arg10[%get3A_45, %get3A_46] : memref<1x128xf32, #tpu.memory_space<vmem>>, vector<1x128xf32>
    %add3A_48 = arith.addf %dot_general3A_44, %get3A_47 : vector<1x128xf32>
    %add3A_49 = vector.broadcast %add3A_48 : vector<1x128xf32> to vector<2000x128xf32>
    %add3A_50 = arith.addf %max3A_24, %add3A_49 : vector<2000x128xf32>
    %swap3A = arith.constant 0 : index
    %swap3A_51 = arith.constant 0 : index
    %swap3A_52 = vector.load %arg11[%swap3A, %swap3A_51] : memref<2000x128xf32, #tpu.memory_space<vmem>>, vector<2000x128xf32>
    tpu.vector_store %arg11[%swap3A, %swap3A_51], %add3A_50 {strides = array<i32>} : memref<2000x128xf32, #tpu.memory_space<vmem>>, vector<2000x128xf32>,
    return
  }
  func.func @transform_0(%arg0: i32) -> (i32, i32) {
    %c0_i32 = arith.constant 0 : i32
    %c0_i32_0 = arith.constant 0 : i32
    return %arg0, %c0_i32 : i32, i32
  }
  func.func @transform_1(%arg0: i32) -> (i32, i32) {
    %c0_i32 = arith.constant 0 : i32
    %c0_i32_0 = arith.constant 0 : i32
    %c0_i32_1 = arith.constant 0 : i32
    return %c0_i32, %c0_i32_0 : i32, i32
  }
  func.func @transform_2(%arg0: i32) -> (i32, i32) {
    %c0_i32 = arith.constant 0 : i32
    %c0_i32_0 = arith.constant 0 : i32
    %c0_i32_1 = arith.constant 0 : i32
    return %c0_i32, %c0_i32_0 : i32, i32
  }
  func.func @transform_3(%arg0: i32) -> (i32, i32) {
    %c0_i32 = arith.constant 0 : i32
    %c0_i32_0 = arith.constant 0 : i32
    %c0_i32_1 = arith.constant 0 : i32
    return %c0_i32, %c0_i32_0 : i32, i32
  }
  func.func @transform_4(%arg0: i32) -> (i32, i32) {
    %c0_i32 = arith.constant 0 : i32
    %c0_i32_0 = arith.constant 0 : i32
    %c0_i32_1 = arith.constant 0 : i32
    return %c0_i32, %c0_i32_0 : i32, i32
  }
  func.func @transform_5(%arg0: i32) -> (i32, i32) {
    %c0_i32 = arith.constant 0 : i32
    %c0_i32_0 = arith.constant 0 : i32
    %c0_i32_1 = arith.constant 0 : i32
    return %c0_i32, %c0_i32_0 : i32, i32
  }
  func.func @transform_6(%arg0: i32) -> (i32, i32) {
    %c0_i32 = arith.constant 0 : i32
    %c0_i32_0 = arith.constant 0 : i32
    %c0_i32_1 = arith.constant 0 : i32
    return %c0_i32, %c0_i32_0 : i32, i32
  }
  func.func @transform_7(%arg0: i32) -> (i32, i32) {
    %c0_i32 = arith.constant 0 : i32
    %c0_i32_0 = arith.constant 0 : i32
    %c0_i32_1 = arith.constant 0 : i32
    return %c0_i32, %c0_i32_0 : i32, i32
  }
  func.func @transform_8(%arg0: i32) -> (i32, i32) {
    %c0_i32 = arith.constant 0 : i32
    %c0_i32_0 = arith.constant 0 : i32
    %c0_i32_1 = arith.constant 0 : i32
    return %c0_i32, %c0_i32_0 : i32, i32
  }
  func.func @transform_9(%arg0: i32) -> (i32, i32) {
    %c0_i32 = arith.constant 0 : i32
    %c0_i32_0 = arith.constant 0 : i32
    %c0_i32_1 = arith.constant 0 : i32
    return %c0_i32, %c0_i32_0 : i32, i32
  }
  func.func @transform_10(%arg0: i32) -> (i32, i32) {
    %c0_i32 = arith.constant 0 : i32
    %c0_i32_0 = arith.constant 0 : i32
    return %arg0, %c0_i32 : i32, i32
  }
}

module attributes {stable_mosaic.version = 14 : i64} {
  func.func @body(%arg0: i32, %arg1: memref<4000x2xf32, #tpu.memory_space<vmem>>, %arg2: memref<2x128xf32, #tpu.memory_space<vmem>>, %arg3: memref<1x128xf32, #tpu.memory_space<vmem>>, %arg4: memref<128x128xf32, #tpu.memory_space<vmem>>, %arg5: memref<1x128xf32, #tpu.memory_space<vmem>>, %arg6: memref<4000x128xf32, #tpu.memory_space<vmem>>) attributes {dimension_semantics = [#tpu.dimension_semantics<arbitrary>], iteration_bounds = array<i64: 80>, scalar_prefetch = 0 : i64, scratch_operands = 0 : i64, tpu.core_type = #tpu.core_type<tc>, window_params = [{transform_indices = @transform_0, window_bounds = array<i64: 4000, 2>}, {pipeline_mode = #tpu.pipeline_mode<synchronous>, transform_indices = @transform_1, window_bounds = array<i64: 2, 128>}, {pipeline_mode = #tpu.pipeline_mode<synchronous>, transform_indices = @transform_2, window_bounds = array<i64: 1, 128>}, {pipeline_mode = #tpu.pipeline_mode<synchronous>, transform_indices = @transform_3, window_bounds = array<i64: 128, 128>}, {pipeline_mode = #tpu.pipeline_mode<synchronous>, transform_indices = @transform_4, window_bounds = array<i64: 1, 128>}, {transform_indices = @transform_5, window_bounds = array<i64: 4000, 128>}]} {
    %get3A = arith.constant 0 : index
    %get3A_0 = arith.constant 0 : index
    %get3A_1 = vector.load %arg1[%get3A, %get3A_0] : memref<4000x2xf32, #tpu.memory_space<vmem>>, vector<4000x2xf32>
    %get3A_2 = arith.constant 0 : index
    %get3A_3 = arith.constant 0 : index
    %get3A_4 = vector.load %arg2[%get3A_2, %get3A_3] : memref<2x128xf32, #tpu.memory_space<vmem>>, vector<2x128xf32>
    %dot_general3A = arith.constant dense<0.000000e+00> : vector<4000x128xf32>
    %dot_general3A_5 = tpu.matmul %get3A_1, %get3A_4, %dot_general3A {dimension_numbers = #tpu.dot_dimension_numbers<[1], [0], [0], [1], [0, 0, 1, 1], [], []>, transpose_lhs_hint = false} : vector<4000x2xf32>, vector<2x128xf32>, vector<4000x128xf32> -> vector<4000x128xf32>
    %get3A_6 = arith.constant 0 : index
    %get3A_7 = arith.constant 0 : index
    %get3A_8 = vector.load %arg3[%get3A_6, %get3A_7] : memref<1x128xf32, #tpu.memory_space<vmem>>, vector<1x128xf32>
    %add3A = vector.broadcast %get3A_8 : vector<1x128xf32> to vector<4000x128xf32>
    %add3A_9 = arith.addf %dot_general3A_5, %add3A : vector<4000x128xf32>
    %max3A = arith.constant 0.000000e+00 : f32
    %max3A_10 = vector.broadcast %max3A : f32 to vector<4000x128xf32>
    %max3A_11 = arith.maximumf %add3A_9, %max3A_10 : vector<4000x128xf32>
    %get3A_12 = arith.constant 0 : index
    %get3A_13 = arith.constant 0 : index
    %get3A_14 = vector.load %arg4[%get3A_12, %get3A_13] : memref<128x128xf32, #tpu.memory_space<vmem>>, vector<128x128xf32>
    %dot_general3A_15 = arith.constant dense<0.000000e+00> : vector<4000x128xf32>
    %dot_general3A_16 = tpu.matmul %max3A_11, %get3A_14, %dot_general3A_15 {dimension_numbers = #tpu.dot_dimension_numbers<[1], [0], [0], [1], [0, 0, 1, 1], [], []>, transpose_lhs_hint = false} : vector<4000x128xf32>, vector<128x128xf32>, vector<4000x128xf32> -> vector<4000x128xf32>
    %get3A_17 = arith.constant 0 : index
    %get3A_18 = arith.constant 0 : index
    %get3A_19 = vector.load %arg5[%get3A_17, %get3A_18] : memref<1x128xf32, #tpu.memory_space<vmem>>, vector<1x128xf32>
    %add3A_20 = vector.broadcast %get3A_19 : vector<1x128xf32> to vector<4000x128xf32>
    %add3A_21 = arith.addf %dot_general3A_16, %add3A_20 : vector<4000x128xf32>
    %max3A_22 = arith.constant 0.000000e+00 : f32
    %max3A_23 = vector.broadcast %max3A_22 : f32 to vector<4000x128xf32>
    %max3A_24 = arith.maximumf %add3A_21, %max3A_23 : vector<4000x128xf32>
    %swap3A = arith.constant 0 : index
    %swap3A_25 = arith.constant 0 : index
    %swap3A_26 = vector.load %arg6[%swap3A, %swap3A_25] : memref<4000x128xf32, #tpu.memory_space<vmem>>, vector<4000x128xf32>
    tpu.vector_store %arg6[%swap3A, %swap3A_25], %max3A_24 {strides = array<i32>} : memref<4000x128xf32, #tpu.memory_space<vmem>>, vector<4000x128xf32>,
    return
  }
  func.func @transform_0(%arg0: i32) -> (i32, i32) {
    %c0_i32 = arith.constant 0 : i32
    %c0_i32_0 = arith.constant 0 : i32
    return %arg0, %c0_i32 : i32, i32
  }
  func.func @transform_1(%arg0: i32) -> (i32, i32) {
    %c0_i32 = arith.constant 0 : i32
    %c0_i32_0 = arith.constant 0 : i32
    %c0_i32_1 = arith.constant 0 : i32
    return %c0_i32, %c0_i32_0 : i32, i32
  }
  func.func @transform_2(%arg0: i32) -> (i32, i32) {
    %c0_i32 = arith.constant 0 : i32
    %c0_i32_0 = arith.constant 0 : i32
    %c0_i32_1 = arith.constant 0 : i32
    return %c0_i32, %c0_i32_0 : i32, i32
  }
  func.func @transform_3(%arg0: i32) -> (i32, i32) {
    %c0_i32 = arith.constant 0 : i32
    %c0_i32_0 = arith.constant 0 : i32
    %c0_i32_1 = arith.constant 0 : i32
    return %c0_i32, %c0_i32_0 : i32, i32
  }
  func.func @transform_4(%arg0: i32) -> (i32, i32) {
    %c0_i32 = arith.constant 0 : i32
    %c0_i32_0 = arith.constant 0 : i32
    %c0_i32_1 = arith.constant 0 : i32
    return %c0_i32, %c0_i32_0 : i32, i32
  }
  func.func @transform_5(%arg0: i32) -> (i32, i32) {
    %c0_i32 = arith.constant 0 : i32
    %c0_i32_0 = arith.constant 0 : i32
    return %arg0, %c0_i32 : i32, i32
  }
}

module attributes {stable_mosaic.version = 14 : i64} {
  func.func @body(%arg0: i32, %arg1: memref<4000x128xf32, #tpu.memory_space<vmem>>, %arg2: memref<4000x128xf32, #tpu.memory_space<vmem>>, %arg3: memref<256x128xf32, #tpu.memory_space<vmem>>, %arg4: memref<1x128xf32, #tpu.memory_space<vmem>>, %arg5: memref<128x128xf32, #tpu.memory_space<vmem>>, %arg6: memref<1x128xf32, #tpu.memory_space<vmem>>, %arg7: memref<4000x128xf32, #tpu.memory_space<vmem>>) attributes {dimension_semantics = [#tpu.dimension_semantics<arbitrary>], iteration_bounds = array<i64: 80>, scalar_prefetch = 0 : i64, scratch_operands = 0 : i64, tpu.core_type = #tpu.core_type<tc>, window_params = [{transform_indices = @transform_0, window_bounds = array<i64: 4000, 128>}, {transform_indices = @transform_1, window_bounds = array<i64: 4000, 128>}, {pipeline_mode = #tpu.pipeline_mode<synchronous>, transform_indices = @transform_2, window_bounds = array<i64: 256, 128>}, {pipeline_mode = #tpu.pipeline_mode<synchronous>, transform_indices = @transform_3, window_bounds = array<i64: 1, 128>}, {pipeline_mode = #tpu.pipeline_mode<synchronous>, transform_indices = @transform_4, window_bounds = array<i64: 128, 128>}, {pipeline_mode = #tpu.pipeline_mode<synchronous>, transform_indices = @transform_5, window_bounds = array<i64: 1, 128>}, {transform_indices = @transform_6, window_bounds = array<i64: 4000, 128>}]} {
    %get3A = arith.constant 0 : index
    %get3A_0 = arith.constant 0 : index
    %get3A_1 = vector.load %arg1[%get3A, %get3A_0] : memref<4000x128xf32, #tpu.memory_space<vmem>>, vector<4000x128xf32>
    %get3A_2 = arith.constant 0 : index
    %get3A_3 = arith.constant 0 : index
    %get3A_4 = vector.load %arg2[%get3A_2, %get3A_3] : memref<4000x128xf32, #tpu.memory_space<vmem>>, vector<4000x128xf32>
    %concatenate3A = tpu.concatenate %get3A_1, %get3A_4 in 1 : vector<4000x128xf32>, vector<4000x128xf32> -> vector<4000x256xf32>
    %get3A_5 = arith.constant 0 : index
    %get3A_6 = arith.constant 0 : index
    %get3A_7 = vector.load %arg3[%get3A_5, %get3A_6] : memref<256x128xf32, #tpu.memory_space<vmem>>, vector<256x128xf32>
    %dot_general3A = arith.constant dense<0.000000e+00> : vector<4000x128xf32>
    %dot_general3A_8 = tpu.matmul %concatenate3A, %get3A_7, %dot_general3A {dimension_numbers = #tpu.dot_dimension_numbers<[1], [0], [0], [1], [0, 0, 1, 1], [], []>, transpose_lhs_hint = false} : vector<4000x256xf32>, vector<256x128xf32>, vector<4000x128xf32> -> vector<4000x128xf32>
    %get3A_9 = arith.constant 0 : index
    %get3A_10 = arith.constant 0 : index
    %get3A_11 = vector.load %arg4[%get3A_9, %get3A_10] : memref<1x128xf32, #tpu.memory_space<vmem>>, vector<1x128xf32>
    %add3A = vector.broadcast %get3A_11 : vector<1x128xf32> to vector<4000x128xf32>
    %add3A_12 = arith.addf %dot_general3A_8, %add3A : vector<4000x128xf32>
    %max3A = arith.constant 0.000000e+00 : f32
    %max3A_13 = vector.broadcast %max3A : f32 to vector<4000x128xf32>
    %max3A_14 = arith.maximumf %add3A_12, %max3A_13 : vector<4000x128xf32>
    %get3A_15 = arith.constant 0 : index
    %get3A_16 = arith.constant 0 : index
    %get3A_17 = vector.load %arg5[%get3A_15, %get3A_16] : memref<128x128xf32, #tpu.memory_space<vmem>>, vector<128x128xf32>
    %dot_general3A_18 = arith.constant dense<0.000000e+00> : vector<4000x128xf32>
    %dot_general3A_19 = tpu.matmul %max3A_14, %get3A_17, %dot_general3A_18 {dimension_numbers = #tpu.dot_dimension_numbers<[1], [0], [0], [1], [0, 0, 1, 1], [], []>, transpose_lhs_hint = false} : vector<4000x128xf32>, vector<128x128xf32>, vector<4000x128xf32> -> vector<4000x128xf32>
    %get3A_20 = arith.constant 0 : index
    %get3A_21 = arith.constant 0 : index
    %get3A_22 = vector.load %arg6[%get3A_20, %get3A_21] : memref<1x128xf32, #tpu.memory_space<vmem>>, vector<1x128xf32>
    %add3A_23 = vector.broadcast %get3A_22 : vector<1x128xf32> to vector<4000x128xf32>
    %add3A_24 = arith.addf %dot_general3A_19, %add3A_23 : vector<4000x128xf32>
    %max3A_25 = arith.constant 0.000000e+00 : f32
    %max3A_26 = vector.broadcast %max3A_25 : f32 to vector<4000x128xf32>
    %max3A_27 = arith.maximumf %add3A_24, %max3A_26 : vector<4000x128xf32>
    %swap3A = arith.constant 0 : index
    %swap3A_28 = arith.constant 0 : index
    %swap3A_29 = vector.load %arg7[%swap3A, %swap3A_28] : memref<4000x128xf32, #tpu.memory_space<vmem>>, vector<4000x128xf32>
    tpu.vector_store %arg7[%swap3A, %swap3A_28], %max3A_27 {strides = array<i32>} : memref<4000x128xf32, #tpu.memory_space<vmem>>, vector<4000x128xf32>,
    return
  }
  func.func @transform_0(%arg0: i32) -> (i32, i32) {
    %c0_i32 = arith.constant 0 : i32
    %c0_i32_0 = arith.constant 0 : i32
    return %arg0, %c0_i32 : i32, i32
  }
  func.func @transform_1(%arg0: i32) -> (i32, i32) {
    %c0_i32 = arith.constant 0 : i32
    %c0_i32_0 = arith.constant 0 : i32
    return %arg0, %c0_i32 : i32, i32
  }
  func.func @transform_2(%arg0: i32) -> (i32, i32) {
    %c0_i32 = arith.constant 0 : i32
    %c0_i32_0 = arith.constant 0 : i32
    %c0_i32_1 = arith.constant 0 : i32
    return %c0_i32, %c0_i32_0 : i32, i32
  }
  func.func @transform_3(%arg0: i32) -> (i32, i32) {
    %c0_i32 = arith.constant 0 : i32
    %c0_i32_0 = arith.constant 0 : i32
    %c0_i32_1 = arith.constant 0 : i32
    return %c0_i32, %c0_i32_0 : i32, i32
  }
  func.func @transform_4(%arg0: i32) -> (i32, i32) {
    %c0_i32 = arith.constant 0 : i32
    %c0_i32_0 = arith.constant 0 : i32
    %c0_i32_1 = arith.constant 0 : i32
    return %c0_i32, %c0_i32_0 : i32, i32
  }
  func.func @transform_5(%arg0: i32) -> (i32, i32) {
    %c0_i32 = arith.constant 0 : i32
    %c0_i32_0 = arith.constant 0 : i32
    %c0_i32_1 = arith.constant 0 : i32
    return %c0_i32, %c0_i32_0 : i32, i32
  }
  func.func @transform_6(%arg0: i32) -> (i32, i32) {
    %c0_i32 = arith.constant 0 : i32
    %c0_i32_0 = arith.constant 0 : i32
    return %arg0, %c0_i32 : i32, i32
  }
}

module attributes {stable_mosaic.version = 14 : i64} {
  func.func @body(%arg0: i32, %arg1: memref<2000x128xf32, #tpu.memory_space<vmem>>, %arg2: memref<2000x128xf32, #tpu.memory_space<vmem>>, %arg3: memref<2000x128xf32, #tpu.memory_space<vmem>>, %arg4: memref<256x128xf32, #tpu.memory_space<vmem>>, %arg5: memref<1x128xf32, #tpu.memory_space<vmem>>, %arg6: memref<128x128xf32, #tpu.memory_space<vmem>>, %arg7: memref<1x128xf32, #tpu.memory_space<vmem>>, %arg8: memref<2000x128xf32, #tpu.memory_space<vmem>>) attributes {dimension_semantics = [#tpu.dimension_semantics<arbitrary>], iteration_bounds = array<i64: 5>, scalar_prefetch = 0 : i64, scratch_operands = 0 : i64, tpu.core_type = #tpu.core_type<tc>, window_params = [{transform_indices = @transform_0, window_bounds = array<i64: 2000, 128>}, {transform_indices = @transform_1, window_bounds = array<i64: 2000, 128>}, {transform_indices = @transform_2, window_bounds = array<i64: 2000, 128>}, {pipeline_mode = #tpu.pipeline_mode<synchronous>, transform_indices = @transform_3, window_bounds = array<i64: 256, 128>}, {pipeline_mode = #tpu.pipeline_mode<synchronous>, transform_indices = @transform_4, window_bounds = array<i64: 1, 128>}, {pipeline_mode = #tpu.pipeline_mode<synchronous>, transform_indices = @transform_5, window_bounds = array<i64: 128, 128>}, {pipeline_mode = #tpu.pipeline_mode<synchronous>, transform_indices = @transform_6, window_bounds = array<i64: 1, 128>}, {transform_indices = @transform_7, window_bounds = array<i64: 2000, 128>}]} {
    %get3A = arith.constant 0 : index
    %get3A_0 = arith.constant 0 : index
    %get3A_1 = vector.load %arg2[%get3A, %get3A_0] : memref<2000x128xf32, #tpu.memory_space<vmem>>, vector<2000x128xf32>
    %get3A_2 = arith.constant 0 : index
    %get3A_3 = arith.constant 0 : index
    %get3A_4 = vector.load %arg3[%get3A_2, %get3A_3] : memref<2000x128xf32, #tpu.memory_space<vmem>>, vector<2000x128xf32>
    %add3A = arith.addf %get3A_1, %get3A_4 : vector<2000x128xf32>
    %get3A_5 = arith.constant 0 : index
    %get3A_6 = arith.constant 0 : index
    %get3A_7 = vector.load %arg1[%get3A_5, %get3A_6] : memref<2000x128xf32, #tpu.memory_space<vmem>>, vector<2000x128xf32>
    %concatenate3A = tpu.concatenate %get3A_7, %add3A in 1 : vector<2000x128xf32>, vector<2000x128xf32> -> vector<2000x256xf32>
    %get3A_8 = arith.constant 0 : index
    %get3A_9 = arith.constant 0 : index
    %get3A_10 = vector.load %arg4[%get3A_8, %get3A_9] : memref<256x128xf32, #tpu.memory_space<vmem>>, vector<256x128xf32>
    %dot_general3A = arith.constant dense<0.000000e+00> : vector<2000x128xf32>
    %dot_general3A_11 = tpu.matmul %concatenate3A, %get3A_10, %dot_general3A {dimension_numbers = #tpu.dot_dimension_numbers<[1], [0], [0], [1], [0, 0, 1, 1], [], []>, transpose_lhs_hint = false} : vector<2000x256xf32>, vector<256x128xf32>, vector<2000x128xf32> -> vector<2000x128xf32>
    %get3A_12 = arith.constant 0 : index
    %get3A_13 = arith.constant 0 : index
    %get3A_14 = vector.load %arg5[%get3A_12, %get3A_13] : memref<1x128xf32, #tpu.memory_space<vmem>>, vector<1x128xf32>
    %add3A_15 = vector.broadcast %get3A_14 : vector<1x128xf32> to vector<2000x128xf32>
    %add3A_16 = arith.addf %dot_general3A_11, %add3A_15 : vector<2000x128xf32>
    %max3A = arith.constant 0.000000e+00 : f32
    %max3A_17 = vector.broadcast %max3A : f32 to vector<2000x128xf32>
    %max3A_18 = arith.maximumf %add3A_16, %max3A_17 : vector<2000x128xf32>
    %get3A_19 = arith.constant 0 : index
    %get3A_20 = arith.constant 0 : index
    %get3A_21 = vector.load %arg6[%get3A_19, %get3A_20] : memref<128x128xf32, #tpu.memory_space<vmem>>, vector<128x128xf32>
    %dot_general3A_22 = arith.constant dense<0.000000e+00> : vector<2000x128xf32>
    %dot_general3A_23 = tpu.matmul %max3A_18, %get3A_21, %dot_general3A_22 {dimension_numbers = #tpu.dot_dimension_numbers<[1], [0], [0], [1], [0, 0, 1, 1], [], []>, transpose_lhs_hint = false} : vector<2000x128xf32>, vector<128x128xf32>, vector<2000x128xf32> -> vector<2000x128xf32>
    %get3A_24 = arith.constant 0 : index
    %get3A_25 = arith.constant 0 : index
    %get3A_26 = vector.load %arg7[%get3A_24, %get3A_25] : memref<1x128xf32, #tpu.memory_space<vmem>>, vector<1x128xf32>
    %add3A_27 = vector.broadcast %get3A_26 : vector<1x128xf32> to vector<2000x128xf32>
    %add3A_28 = arith.addf %dot_general3A_23, %add3A_27 : vector<2000x128xf32>
    %max3A_29 = arith.constant 0.000000e+00 : f32
    %max3A_30 = vector.broadcast %max3A_29 : f32 to vector<2000x128xf32>
    %max3A_31 = arith.maximumf %add3A_28, %max3A_30 : vector<2000x128xf32>
    %get3A_32 = arith.constant 0 : index
    %get3A_33 = arith.constant 0 : index
    %get3A_34 = vector.load %arg1[%get3A_32, %get3A_33] : memref<2000x128xf32, #tpu.memory_space<vmem>>, vector<2000x128xf32>
    %add3A_35 = arith.addf %get3A_34, %max3A_31 : vector<2000x128xf32>
    %max3A_36 = arith.constant 0.000000e+00 : f32
    %max3A_37 = vector.broadcast %max3A_36 : f32 to vector<2000x128xf32>
    %max3A_38 = arith.maximumf %add3A_35, %max3A_37 : vector<2000x128xf32>
    %swap3A = arith.constant 0 : index
    %swap3A_39 = arith.constant 0 : index
    %swap3A_40 = vector.load %arg8[%swap3A, %swap3A_39] : memref<2000x128xf32, #tpu.memory_space<vmem>>, vector<2000x128xf32>
    tpu.vector_store %arg8[%swap3A, %swap3A_39], %max3A_38 {strides = array<i32>} : memref<2000x128xf32, #tpu.memory_space<vmem>>, vector<2000x128xf32>,
    return
  }
  func.func @transform_0(%arg0: i32) -> (i32, i32) {
    %c0_i32 = arith.constant 0 : i32
    %c0_i32_0 = arith.constant 0 : i32
    return %arg0, %c0_i32 : i32, i32
  }
  func.func @transform_1(%arg0: i32) -> (i32, i32) {
    %c0_i32 = arith.constant 0 : i32
    %c0_i32_0 = arith.constant 0 : i32
    return %arg0, %c0_i32 : i32, i32
  }
  func.func @transform_2(%arg0: i32) -> (i32, i32) {
    %c0_i32 = arith.constant 0 : i32
    %c0_i32_0 = arith.constant 0 : i32
    return %arg0, %c0_i32 : i32, i32
  }
  func.func @transform_3(%arg0: i32) -> (i32, i32) {
    %c0_i32 = arith.constant 0 : i32
    %c0_i32_0 = arith.constant 0 : i32
    %c0_i32_1 = arith.constant 0 : i32
    return %c0_i32, %c0_i32_0 : i32, i32
  }
  func.func @transform_4(%arg0: i32) -> (i32, i32) {
    %c0_i32 = arith.constant 0 : i32
    %c0_i32_0 = arith.constant 0 : i32
    %c0_i32_1 = arith.constant 0 : i32
    return %c0_i32, %c0_i32_0 : i32, i32
  }
  func.func @transform_5(%arg0: i32) -> (i32, i32) {
    %c0_i32 = arith.constant 0 : i32
    %c0_i32_0 = arith.constant 0 : i32
    %c0_i32_1 = arith.constant 0 : i32
    return %c0_i32, %c0_i32_0 : i32, i32
  }
  func.func @transform_6(%arg0: i32) -> (i32, i32) {
    %c0_i32 = arith.constant 0 : i32
    %c0_i32_0 = arith.constant 0 : i32
    %c0_i32_1 = arith.constant 0 : i32
    return %c0_i32, %c0_i32_0 : i32, i32
  }
  func.func @transform_7(%arg0: i32) -> (i32, i32) {
    %c0_i32 = arith.constant 0 : i32
    %c0_i32_0 = arith.constant 0 : i32
    return %arg0, %c0_i32 : i32, i32
  }
}

module attributes {stable_mosaic.version = 14 : i64} {
  func.func @body(%arg0: i32, %arg1: memref<2000x128xf32, #tpu.memory_space<vmem>>, %arg2: memref<2000x128xf32, #tpu.memory_space<vmem>>, %arg3: memref<128x384xf32, #tpu.memory_space<vmem>>, %arg4: memref<1x384xf32, #tpu.memory_space<vmem>>, %arg5: memref<128x384xf32, #tpu.memory_space<vmem>>, %arg6: memref<1x384xf32, #tpu.memory_space<vmem>>, %arg7: memref<128x128xf32, #tpu.memory_space<vmem>>, %arg8: memref<1x128xf32, #tpu.memory_space<vmem>>, %arg9: memref<128x128xf32, #tpu.memory_space<vmem>>, %arg10: memref<1x128xf32, #tpu.memory_space<vmem>>, %arg11: memref<128x3xf32, #tpu.memory_space<vmem>>, %arg12: memref<1x3xf32, #tpu.memory_space<vmem>>, %arg13: memref<2000x3xf32, #tpu.memory_space<vmem>>, %arg14: memref<2000x128xf32, #tpu.memory_space<vmem>>) attributes {dimension_semantics = [#tpu.dimension_semantics<arbitrary>], iteration_bounds = array<i64: 5>, scalar_prefetch = 0 : i64, scratch_operands = 0 : i64, tpu.core_type = #tpu.core_type<tc>, window_params = [{transform_indices = @transform_0, window_bounds = array<i64: 2000, 128>}, {transform_indices = @transform_1, window_bounds = array<i64: 2000, 128>}, {pipeline_mode = #tpu.pipeline_mode<synchronous>, transform_indices = @transform_2, window_bounds = array<i64: 128, 384>}, {pipeline_mode = #tpu.pipeline_mode<synchronous>, transform_indices = @transform_3, window_bounds = array<i64: 1, 384>}, {pipeline_mode = #tpu.pipeline_mode<synchronous>, transform_indices = @transform_4, window_bounds = array<i64: 128, 384>}, {pipeline_mode = #tpu.pipeline_mode<synchronous>, transform_indices = @transform_5, window_bounds = array<i64: 1, 384>}, {pipeline_mode = #tpu.pipeline_mode<synchronous>, transform_indices = @transform_6, window_bounds = array<i64: 128, 128>}, {pipeline_mode = #tpu.pipeline_mode<synchronous>, transform_indices = @transform_7, window_bounds = array<i64: 1, 128>}, {pipeline_mode = #tpu.pipeline_mode<synchronous>, transform_indices = @transform_8, window_bounds = array<i64: 128, 128>}, {pipeline_mode = #tpu.pipeline_mode<synchronous>, transform_indices = @transform_9, window_bounds = array<i64: 1, 128>}, {pipeline_mode = #tpu.pipeline_mode<synchronous>, transform_indices = @transform_10, window_bounds = array<i64: 128, 3>}, {pipeline_mode = #tpu.pipeline_mode<synchronous>, transform_indices = @transform_11, window_bounds = array<i64: 1, 3>}, {transform_indices = @transform_12, window_bounds = array<i64: 2000, 3>}, {transform_indices = @transform_13, window_bounds = array<i64: 2000, 128>}]} {
    %get3A = arith.constant 0 : index
    %get3A_0 = arith.constant 0 : index
    %get3A_1 = vector.load %arg1[%get3A, %get3A_0] : memref<2000x128xf32, #tpu.memory_space<vmem>>, vector<2000x128xf32>
    %get3A_2 = arith.constant 0 : index
    %get3A_3 = arith.constant 0 : index
    %get3A_4 = vector.load %arg3[%get3A_2, %get3A_3] : memref<128x384xf32, #tpu.memory_space<vmem>>, vector<128x384xf32>
    %dot_general3A = arith.constant dense<0.000000e+00> : vector<2000x384xf32>
    %dot_general3A_5 = tpu.matmul %get3A_1, %get3A_4, %dot_general3A {dimension_numbers = #tpu.dot_dimension_numbers<[1], [0], [0], [1], [0, 0, 1, 1], [], []>, transpose_lhs_hint = false} : vector<2000x128xf32>, vector<128x384xf32>, vector<2000x384xf32> -> vector<2000x384xf32>
    %get3A_6 = arith.constant 0 : index
    %get3A_7 = arith.constant 0 : index
    %get3A_8 = vector.load %arg4[%get3A_6, %get3A_7] : memref<1x384xf32, #tpu.memory_space<vmem>>, vector<1x384xf32>
    %add3A = vector.broadcast %get3A_8 : vector<1x384xf32> to vector<2000x384xf32>
    %add3A_9 = arith.addf %dot_general3A_5, %add3A : vector<2000x384xf32>
    %get3A_10 = arith.constant 0 : index
    %get3A_11 = arith.constant 0 : index
    %get3A_12 = vector.load %arg2[%get3A_10, %get3A_11] : memref<2000x128xf32, #tpu.memory_space<vmem>>, vector<2000x128xf32>
    %get3A_13 = arith.constant 0 : index
    %get3A_14 = arith.constant 0 : index
    %get3A_15 = vector.load %arg5[%get3A_13, %get3A_14] : memref<128x384xf32, #tpu.memory_space<vmem>>, vector<128x384xf32>
    %dot_general3A_16 = arith.constant dense<0.000000e+00> : vector<2000x384xf32>
    %dot_general3A_17 = tpu.matmul %get3A_12, %get3A_15, %dot_general3A_16 {dimension_numbers = #tpu.dot_dimension_numbers<[1], [0], [0], [1], [0, 0, 1, 1], [], []>, transpose_lhs_hint = false} : vector<2000x128xf32>, vector<128x384xf32>, vector<2000x384xf32> -> vector<2000x384xf32>
    %get3A_18 = arith.constant 0 : index
    %get3A_19 = arith.constant 0 : index
    %get3A_20 = vector.load %arg6[%get3A_18, %get3A_19] : memref<1x384xf32, #tpu.memory_space<vmem>>, vector<1x384xf32>
    %add3A_21 = vector.broadcast %get3A_20 : vector<1x384xf32> to vector<2000x384xf32>
    %add3A_22 = arith.addf %dot_general3A_17, %add3A_21 : vector<2000x384xf32>
    %slice3A = vector.extract_strided_slice %add3A_9 {offsets = [0, 0], sizes = [2000, 128], strides = [1, 1]} : vector<2000x384xf32> to vector<2000x128xf32>
    %slice3A_23 = vector.extract_strided_slice %add3A_22 {offsets = [0, 0], sizes = [2000, 128], strides = [1, 1]} : vector<2000x384xf32> to vector<2000x128xf32>
    %add3A_24 = arith.addf %slice3A, %slice3A_23 : vector<2000x128xf32>
    %logistic3A = arith.negf %add3A_24 : vector<2000x128xf32>
    %logistic3A_25 = math.exp %logistic3A : vector<2000x128xf32>
    %logistic3A_26 = arith.constant 1.000000e+00 : f32
    %logistic3A_27 = vector.broadcast %logistic3A_26 : f32 to vector<2000x128xf32>
    %logistic3A_28 = arith.addf %logistic3A_27, %logistic3A_25 : vector<2000x128xf32>
    %logistic3A_29 = arith.divf %logistic3A_27, %logistic3A_28 : vector<2000x128xf32>
    %slice3A_30 = vector.extract_strided_slice %add3A_9 {offsets = [0, 128], sizes = [2000, 128], strides = [1, 1]} : vector<2000x384xf32> to vector<2000x128xf32>
    %slice3A_31 = vector.extract_strided_slice %add3A_22 {offsets = [0, 128], sizes = [2000, 128], strides = [1, 1]} : vector<2000x384xf32> to vector<2000x128xf32>
    %add3A_32 = arith.addf %slice3A_30, %slice3A_31 : vector<2000x128xf32>
    %logistic3A_33 = arith.negf %add3A_32 : vector<2000x128xf32>
    %logistic3A_34 = math.exp %logistic3A_33 : vector<2000x128xf32>
    %logistic3A_35 = arith.constant 1.000000e+00 : f32
    %logistic3A_36 = vector.broadcast %logistic3A_35 : f32 to vector<2000x128xf32>
    %logistic3A_37 = arith.addf %logistic3A_36, %logistic3A_34 : vector<2000x128xf32>
    %logistic3A_38 = arith.divf %logistic3A_36, %logistic3A_37 : vector<2000x128xf32>
    %slice3A_39 = vector.extract_strided_slice %add3A_9 {offsets = [0, 256], sizes = [2000, 128], strides = [1, 1]} : vector<2000x384xf32> to vector<2000x128xf32>
    %slice3A_40 = vector.extract_strided_slice %add3A_22 {offsets = [0, 256], sizes = [2000, 128], strides = [1, 1]} : vector<2000x384xf32> to vector<2000x128xf32>
    %mul3A = arith.mulf %logistic3A_29, %slice3A_40 : vector<2000x128xf32>
    %add3A_41 = arith.addf %slice3A_39, %mul3A : vector<2000x128xf32>
    %tanh3A = math.tanh %add3A_41 : vector<2000x128xf32>
    %sub3A = arith.constant 1.000000e+00 : f32
    %sub3A_42 = vector.broadcast %sub3A : f32 to vector<2000x128xf32>
    %sub3A_43 = arith.subf %sub3A_42, %logistic3A_38 : vector<2000x128xf32>
    %mul3A_44 = arith.mulf %sub3A_43, %tanh3A : vector<2000x128xf32>
    %get3A_45 = arith.constant 0 : index
    %get3A_46 = arith.constant 0 : index
    %get3A_47 = vector.load %arg2[%get3A_45, %get3A_46] : memref<2000x128xf32, #tpu.memory_space<vmem>>, vector<2000x128xf32>
    %mul3A_48 = arith.mulf %logistic3A_38, %get3A_47 : vector<2000x128xf32>
    %add3A_49 = arith.addf %mul3A_44, %mul3A_48 : vector<2000x128xf32>
    %get3A_50 = arith.constant 0 : index
    %get3A_51 = arith.constant 0 : index
    %get3A_52 = vector.load %arg7[%get3A_50, %get3A_51] : memref<128x128xf32, #tpu.memory_space<vmem>>, vector<128x128xf32>
    %dot_general3A_53 = arith.constant dense<0.000000e+00> : vector<2000x128xf32>
    %dot_general3A_54 = tpu.matmul %add3A_49, %get3A_52, %dot_general3A_53 {dimension_numbers = #tpu.dot_dimension_numbers<[1], [0], [0], [1], [0, 0, 1, 1], [], []>, transpose_lhs_hint = false} : vector<2000x128xf32>, vector<128x128xf32>, vector<2000x128xf32> -> vector<2000x128xf32>
    %get3A_55 = arith.constant 0 : index
    %get3A_56 = arith.constant 0 : index
    %get3A_57 = vector.load %arg8[%get3A_55, %get3A_56] : memref<1x128xf32, #tpu.memory_space<vmem>>, vector<1x128xf32>
    %add3A_58 = vector.broadcast %get3A_57 : vector<1x128xf32> to vector<2000x128xf32>
    %add3A_59 = arith.addf %dot_general3A_54, %add3A_58 : vector<2000x128xf32>
    %max3A = arith.constant 0.000000e+00 : f32
    %max3A_60 = vector.broadcast %max3A : f32 to vector<2000x128xf32>
    %max3A_61 = arith.maximumf %add3A_59, %max3A_60 : vector<2000x128xf32>
    %get3A_62 = arith.constant 0 : index
    %get3A_63 = arith.constant 0 : index
    %get3A_64 = vector.load %arg9[%get3A_62, %get3A_63] : memref<128x128xf32, #tpu.memory_space<vmem>>, vector<128x128xf32>
    %dot_general3A_65 = arith.constant dense<0.000000e+00> : vector<2000x128xf32>
    %dot_general3A_66 = tpu.matmul %max3A_61, %get3A_64, %dot_general3A_65 {dimension_numbers = #tpu.dot_dimension_numbers<[1], [0], [0], [1], [0, 0, 1, 1], [], []>, transpose_lhs_hint = false} : vector<2000x128xf32>, vector<128x128xf32>, vector<2000x128xf32> -> vector<2000x128xf32>
    %get3A_67 = arith.constant 0 : index
    %get3A_68 = arith.constant 0 : index
    %get3A_69 = vector.load %arg10[%get3A_67, %get3A_68] : memref<1x128xf32, #tpu.memory_space<vmem>>, vector<1x128xf32>
    %add3A_70 = vector.broadcast %get3A_69 : vector<1x128xf32> to vector<2000x128xf32>
    %add3A_71 = arith.addf %dot_general3A_66, %add3A_70 : vector<2000x128xf32>
    %max3A_72 = arith.constant 0.000000e+00 : f32
    %max3A_73 = vector.broadcast %max3A_72 : f32 to vector<2000x128xf32>
    %max3A_74 = arith.maximumf %add3A_71, %max3A_73 : vector<2000x128xf32>
    %get3A_75 = arith.constant 0 : index
    %get3A_76 = arith.constant 0 : index
    %get3A_77 = vector.load %arg11[%get3A_75, %get3A_76] : memref<128x3xf32, #tpu.memory_space<vmem>>, vector<128x3xf32>
    %dot_general3A_78 = arith.constant dense<0.000000e+00> : vector<2000x3xf32>
    %dot_general3A_79 = tpu.matmul %max3A_74, %get3A_77, %dot_general3A_78 {dimension_numbers = #tpu.dot_dimension_numbers<[1], [0], [0], [1], [0, 0, 1, 1], [], []>, transpose_lhs_hint = false} : vector<2000x128xf32>, vector<128x3xf32>, vector<2000x3xf32> -> vector<2000x3xf32>
    %get3A_80 = arith.constant 0 : index
    %get3A_81 = arith.constant 0 : index
    %get3A_82 = vector.load %arg12[%get3A_80, %get3A_81] : memref<1x3xf32, #tpu.memory_space<vmem>>, vector<1x3xf32>
    %add3A_83 = vector.broadcast %get3A_82 : vector<1x3xf32> to vector<2000x3xf32>
    %add3A_84 = arith.addf %dot_general3A_79, %add3A_83 : vector<2000x3xf32>
    %swap3A = arith.constant 0 : index
    %swap3A_85 = arith.constant 0 : index
    %swap3A_86 = vector.load %arg13[%swap3A, %swap3A_85] : memref<2000x3xf32, #tpu.memory_space<vmem>>, vector<2000x3xf32>
    tpu.vector_store %arg13[%swap3A, %swap3A_85], %add3A_84 {strides = array<i32>} : memref<2000x3xf32, #tpu.memory_space<vmem>>, vector<2000x3xf32>,
    %swap3A_87 = arith.constant 0 : index
    %swap3A_88 = arith.constant 0 : index
    %swap3A_89 = vector.load %arg14[%swap3A_87, %swap3A_88] : memref<2000x128xf32, #tpu.memory_space<vmem>>, vector<2000x128xf32>
    tpu.vector_store %arg14[%swap3A_87, %swap3A_88], %add3A_49 {strides = array<i32>} : memref<2000x128xf32, #tpu.memory_space<vmem>>, vector<2000x128xf32>,
    return
  }
  func.func @transform_0(%arg0: i32) -> (i32, i32) {
    %c0_i32 = arith.constant 0 : i32
    %c0_i32_0 = arith.constant 0 : i32
    return %arg0, %c0_i32 : i32, i32
  }
  func.func @transform_1(%arg0: i32) -> (i32, i32) {
    %c0_i32 = arith.constant 0 : i32
    %c0_i32_0 = arith.constant 0 : i32
    return %arg0, %c0_i32 : i32, i32
  }
  func.func @transform_2(%arg0: i32) -> (i32, i32) {
    %c0_i32 = arith.constant 0 : i32
    %c0_i32_0 = arith.constant 0 : i32
    %c0_i32_1 = arith.constant 0 : i32
    return %c0_i32, %c0_i32_0 : i32, i32
  }
  func.func @transform_3(%arg0: i32) -> (i32, i32) {
    %c0_i32 = arith.constant 0 : i32
    %c0_i32_0 = arith.constant 0 : i32
    %c0_i32_1 = arith.constant 0 : i32
    return %c0_i32, %c0_i32_0 : i32, i32
  }
  func.func @transform_4(%arg0: i32) -> (i32, i32) {
    %c0_i32 = arith.constant 0 : i32
    %c0_i32_0 = arith.constant 0 : i32
    %c0_i32_1 = arith.constant 0 : i32
    return %c0_i32, %c0_i32_0 : i32, i32
  }
  func.func @transform_5(%arg0: i32) -> (i32, i32) {
    %c0_i32 = arith.constant 0 : i32
    %c0_i32_0 = arith.constant 0 : i32
    %c0_i32_1 = arith.constant 0 : i32
    return %c0_i32, %c0_i32_0 : i32, i32
  }
  func.func @transform_6(%arg0: i32) -> (i32, i32) {
    %c0_i32 = arith.constant 0 : i32
    %c0_i32_0 = arith.constant 0 : i32
    %c0_i32_1 = arith.constant 0 : i32
    return %c0_i32, %c0_i32_0 : i32, i32
  }
  func.func @transform_7(%arg0: i32) -> (i32, i32) {
    %c0_i32 = arith.constant 0 : i32
    %c0_i32_0 = arith.constant 0 : i32
    %c0_i32_1 = arith.constant 0 : i32
    return %c0_i32, %c0_i32_0 : i32, i32
  }
  func.func @transform_8(%arg0: i32) -> (i32, i32) {
    %c0_i32 = arith.constant 0 : i32
    %c0_i32_0 = arith.constant 0 : i32
    %c0_i32_1 = arith.constant 0 : i32
    return %c0_i32, %c0_i32_0 : i32, i32
  }
  func.func @transform_9(%arg0: i32) -> (i32, i32) {
    %c0_i32 = arith.constant 0 : i32
    %c0_i32_0 = arith.constant 0 : i32
    %c0_i32_1 = arith.constant 0 : i32
    return %c0_i32, %c0_i32_0 : i32, i32
  }
  func.func @transform_10(%arg0: i32) -> (i32, i32) {
    %c0_i32 = arith.constant 0 : i32
    %c0_i32_0 = arith.constant 0 : i32
    %c0_i32_1 = arith.constant 0 : i32
    return %c0_i32, %c0_i32_0 : i32, i32
  }
  func.func @transform_11(%arg0: i32) -> (i32, i32) {
    %c0_i32 = arith.constant 0 : i32
    %c0_i32_0 = arith.constant 0 : i32
    %c0_i32_1 = arith.constant 0 : i32
    return %c0_i32, %c0_i32_0 : i32, i32
  }
  func.func @transform_12(%arg0: i32) -> (i32, i32) {
    %c0_i32 = arith.constant 0 : i32
    %c0_i32_0 = arith.constant 0 : i32
    return %arg0, %c0_i32 : i32, i32
  }
  func.func @transform_13(%arg0: i32) -> (i32, i32) {
    %c0_i32 = arith.constant 0 : i32
    %c0_i32_0 = arith.constant 0 : i32
    return %arg0, %c0_i32 : i32, i32
  }
}

</mosaic_0001>

<sc_bundles>
// kernel: kernel.17.cloned.1.call-start
scs
__scs_entry_jumppad:
0x0: {  	(pc) =	sbr.rel $0x88, $3  }
0x1: {  	(tag) =	ssettag $0x0;
	lr =	simm.s32 $0x1  }
0x2: {  	[smem:$0x3F7E] =	sst lr;
	_ =	strace $0xD0000000  }
0x3: {  	_ = 	snop  }
0x4: {  	_ = 	snop  }
0x5: {  	_ = 	snop  }
0x6: {  	_ = 	snop  }
0x7: {  	_ = 	snop  }
__scs_overlays_trampoline_lowered:
0x8: {  	[smem:$0x3F8D] =	sst s0  }
0x9: {  	[smem:$0x3F8E] =	sst s1  }
0xa: {  	[smem:$0x3F8F] =	sst s2  }
0xb: {  	[smem:$0x3F90] =	sst s3  }
0xc: {  	[smem:$0x3F91] =	sst s4  }
0xd: {  	[smem:$0x3F92] =	sst s5  }
0xe: {  	[smem:$0x3F93] =	sst s6  }
0xf: {  	[smem:$0x3F94] =	sst s7  }
0x10: {  	[smem:$0x3F95] =	sst s8  }
0x11: {  	[smem:$0x3F96] =	sst s9;
	s0 =	simm.s32 @!p0 $0x0  }
0x12: {  	s1 =	sld [smem:$0x3F7C];
	s0 =	simm.s32 @p0 $0x1  }
0x13: {  	[smem:$0x3F97] =	sst s0;
	s0 =	simm.s32 @!p1 $0x0  }
0x14: {  	s2 =	sld [smem:$0x3F7B];
	s0 =	simm.s32 @p1 $0x1  }
0x15: {  	[smem:$0x3F98] =	sst s0;
	s0 =	simm.s32 @!p2 $0x0  }
0x16: {  	s3 =	sld [smem:$0x3FDB];
	s0 =	simm.s32 @p2 $0x1  }
0x17: {  	s4 =	simm.s32 $0x1BF5;
	[smem:$0x3F9A] =	sst s0  }
0x18: {  	s0 =	sld [smem:$0x3F7D];
	_ =	swait.ge [sflag:s4], $0x0  }
0x19: {  	s7 =	sld [smem:$0x3F7E]  }
0x1a: {  	s8 =	sadd.s32 $0xFFFFE003, lr  }
0x1b: {  	s9 =	sadd.s32 $0xFFFFFEF7, lr;
	s5 =	simm.s32 $0xFFFFFFFF;
	p2 =	slt.u32 s8, $0xFFFFF086  }
0x1c: {  	p1 =	slt.u32 s9, $0xF7A;
	s5 =	simm.s32 @!p2 $0x0  }
0x1d: {  	s5 =	simm.s32 @p1 $0x1;
	p0 =	seq.s32 s7, s2  }
0x1e: {  	s7 =	smul.u32 @!p0 $0xF7A, s2;
	p2 =	seq.s32 @!p0 s5, $0x0  }
0x1f: {  	s9 =	smul.u32 $0xF7A, s1;
	s8 =	simm.s32 @!p0 $0x1BF5;
	p2 =	por !p2, p0  }
0x20: {  	[sflag:s8] =	ssyncset.s32 @!p0 $0xFFFFF086;
	s6 =	sadd.s32 @!p0 s3, s7;
	s7 =	simm.s32 @!p0 $0x108  }
0x21: {  	s3 =	sadd.s32 s3, s9;
	s6 =	sadd.s32 @!p0 $0x88, s6;
	s7 =	simm.s32 @p2 $0x1082  }
0x22: {  	[simem:s7], [sflag:s8] =	dma.local @!p0 [hbm:s6], $0xF7A  }
0x23: {  	s9 =	sor.u32 $0xD0000000, s2;
	s6 =	simm.s32 $0x108;
	_ =	swait.ge @!p0 [sflag:s8], $0x0  }
0x24: {  	s3 =	sadd.s32 $0x88, s3;
	s6 =	simm.s32 @!p1 $0x1082;
	[sflag:s4] =	ssyncset.s32 $0xFFFFF086  }
0x25: {  	[simem:s6], [sflag:s4] =	dma.local [hbm:s3], $0xF7A  }
0x26: {  	[smem:$0x3F7E] =	sst s1;
	(tag) =	ssettag s2;
	_ =	strace s9  }
0x27: {  	s1 =	sld [smem:$0x3F8E]  }
0x28: {  	s2 =	sld [smem:$0x3F8F]  }
0x29: {  	s4 =	sld [smem:$0x3F91]  }
0x2a: {  	p0 =	seq.s32 s5, $0x0;
	s5 =	sld [smem:$0x3F92]  }
0x2b: {  	s6 =	sld [smem:$0x3F93]  }
0x2c: {  	s7 =	sld [smem:$0x3F94]  }
0x2d: {  	s3 =	simm.s32 $0x108;
	s8 =	sld [smem:$0x3F95]  }
0x2e: {  	s3 =	simm.s32 @!p0 $0x1082;
	s9 =	sld [smem:$0x3F96]  }
0x2f: {  	lr =	sadd.s32 s0, s3;
	s0 =	sld [smem:$0x3F8D]  }
0x30: {  	s3 =	sld [smem:$0x3F90]  }
0x31: {  	[smem:$0x3F99] =	sst s10  }
0x32: {  	s10 =	sld [smem:$0x3F97];
	_ =	sdelay $0x3  }
0x33: {  	p0 =	seq.s32 s10, $0x1;
	s10 =	sld [smem:$0x3F99];
	_ =	sdelay $0x3  }
0x34: {  	[smem:$0x3F99] =	sst s10  }
0x35: {  	s10 =	sld [smem:$0x3F98];
	_ =	sdelay $0x3  }
0x36: {  	p1 =	seq.s32 s10, $0x1;
	s10 =	sld [smem:$0x3F99];
	_ =	sdelay $0x3  }
0x37: {  	[smem:$0x3F99] =	sst s10  }
0x38: {  	s10 =	sld [smem:$0x3F9A]  }
0x39: {  	_ = 	snop;
	(pc) =	sbr.ind lr, $3  }
0x3a: {  	_ = 	snop  }
0x3b: {  	_ = 	snop  }
0x3c: {  	p2 =	seq.s32 s10, $0x1;
	s10 =	sld [smem:$0x3F99]  }
0x3d: {  	_ =	shalt  }
0x3e: {  	_ =	shalt  }
0x3f: {  	_ =	shalt  }
0x40: {  	_ =	shalt  }
0x41: {  	_ =	shalt  }
0x42: {  	_ =	shalt  }
0x43: {  	_ =	shalt  }
0x44: {  	_ =	shalt  }
0x45: {  	_ =	shalt  }
0x46: {  	_ =	shalt  }
0x47: {  	_ =	shalt  }
0x48: {  	_ =	shalt  }
0x49: {  	_ =	shalt  }
0x4a: {  	_ =	shalt  }
0x4b: {  	_ =	shalt  }
0x4c: {  	_ =	shalt  }
0x4d: {  	_ =	shalt  }
0x4e: {  	_ =	shalt  }
0x4f: {  	_ =	shalt  }
0x50: {  	_ =	shalt  }
0x51: {  	_ =	shalt  }
0x52: {  	_ =	shalt  }
0x53: {  	_ =	shalt  }
0x54: {  	_ =	shalt  }
0x55: {  	_ =	shalt  }
0x56: {  	_ =	shalt  }
0x57: {  	_ =	shalt  }
0x58: {  	_ =	shalt  }
0x59: {  	_ =	shalt  }
0x5a: {  	_ =	shalt  }
0x5b: {  	_ =	shalt  }
0x5c: {  	_ =	shalt  }
0x5d: {  	_ =	shalt  }
0x5e: {  	_ =	shalt  }
0x5f: {  	_ =	shalt  }
0x60: {  	_ =	shalt  }
0x61: {  	_ =	shalt  }
0x62: {  	_ =	shalt  }
0x63: {  	_ =	shalt  }
0x64: {  	_ =	shalt  }
0x65: {  	_ =	shalt  }
0x66: {  	_ =	shalt  }
0x67: {  	_ =	shalt  }
0x68: {  	_ =	shalt  }
0x69: {  	_ =	shalt  }
0x6a: {  	_ =	shalt  }
0x6b: {  	_ =	shalt  }
0x6c: {  	_ =	shalt  }
0x6d: {  	_ =	shalt  }
0x6e: {  	_ =	shalt  }
0x6f: {  	_ =	shalt  }
0x70: {  	_ =	shalt  }
0x71: {  	_ =	shalt  }
0x72: {  	_ =	shalt  }
0x73: {  	_ =	shalt  }
0x74: {  	_ =	shalt  }
0x75: {  	_ =	shalt  }
0x76: {  	_ =	shalt  }
0x77: {  	_ =	shalt  }
0x78: {  	_ =	shalt  }
0x79: {  	_ =	shalt  }
0x7a: {  	_ =	shalt  }
0x7b: {  	_ =	shalt  }
0x7c: {  	_ =	shalt  }
0x7d: {  	_ =	shalt  }
0x7e: {  	_ =	shalt  }
0x7f: {  	_ =	shalt  }
0x80: {  	_ =	shalt  }
0x81: {  	_ =	shalt  }
0x82: {  	_ =	shalt  }
0x83: {  	_ =	shalt  }
0x84: {  	_ =	shalt  }
0x85: {  	_ =	shalt  }
0x86: {  	_ =	shalt  }
0x87: {  	_ =	shalt  }
.Lfunc_end0:
.L_simem_size_0:
called_computation_lowered:
.L_overlay_start_0:
0x88: {  	s2 =	sld [smem:$0x3FD9]  }
0x89: {  	s3 =	sld [smem:$0x3FFE];
	_ =	sdelay $0x1  }
0x8a: {  	s1 =	srdreg.scid  }
0x8b: {  	s0 =	sand.u32 $0x1, s1  }
0x8c: {  	s14 =	sshll.u32 s0, $0xA;
	s2 =	sadd.s32 s3, s2  }
0x8d: {  	s2 =	sadd.s32 s2, s14  }
0x8e: {  	[smem:$0x3FA5] =	sst s2  }
0x8f: {  	_ = 	snop  }
0x90: {  	s2 =	sld [smem:$0x3FD0];
	_ =	sdelay $0x2  }
0x91: {  	s15 =	simm.s32 $0xA;
	s4 =	simm.s32 $0x10  }
0x92: {  	[smem:s4], [sflag:s15] =	dma.local [hbm:s2], $0x1  }
0x93: {  	_ =	swait.eq [sflag:s15], $0x1  }
0x94: {  	[sflag:s15] =	ssyncset.done $0x0  }
0x95: {  	[sflag:s15] =	ssyncadd.s32 $0xFFFFFFFF  }
0x96: {  	s16 =	sld [smem:$0x11];
	(tm) =	ssettm $0x1  }
0x97: {  	s17 =	sld [smem:$0x3FFB];
	_ =	sdelay $0x3  }
0x98: {  	_ =	strace s17  }
0x99: {  	s3 =	sld [smem:$0x3FFC];
	_ =	sdelay $0x3  }
0x9a: {  	_ =	strace s3  }
0x9b: {  	s3 =	sld [smem:$0x3FFD];
	_ =	sdelay $0x3  }
0x9c: {  	_ =	strace s3  }
0x9d: {  	_ =	strace $0x8FFFFFFF  }
0x9e: {  	s18 =	sld [smem:$0x3FDB];
	_ =	sdelay $0x1  }
0x9f: {  	s19 =	simm.s32 $_scs_section_size  }
0xa0: {  	s5 =	simm.s32 $_size__tile_overlayer_lowered;
	s6 =	simm.s32 $_tile_overlayer_lowered  }
0xa1: {  	s22 =	simm.s32 $0x1BFF;
	s21 =	sshll.u32 s6, $0x1;
	s3 =	sadd.s32 s19, s18  }
0xa2: {  	s7 =	simm.s32 $0x0;
	s20 =	sshll.u32 s5, $0x1;
	s5 =	sadd.s32 s21, s3  }
0xa3: {  	[timem:s7], [sflag:s22] =	dma.local [hbm:s5], s20  }
0xa4: {  	_ =	swait.ge [sflag:s22], s20  }
0xa5: {  	s4 =	ssub.s32 $0x0, s20;
	[sflag:s22] =	ssyncset.done $0x0  }
0xa6: {  	[sflag:s22] =	ssyncadd.s32 s4;
	_ =	sdelay $0x1  }
0xa7: {  	s23 =	simm.s32 $0x1B8B  }
0xa8: {  	_ =	swait.ge [sflag:s23], $0x1  }
0xa9: {  	[sflag:s23] =	ssyncset.done $0x0  }
0xaa: {  	s25 =	simm.s32 $0x1B8E;
	s24 =	sld [smem:$0x3FFE];
	[sflag:s23] =	ssyncadd.s32 $0xFFFFFFFF  }
0xab: {  	s26 =	simm.s32 $execute0_lowered;
	[smem:$0x3FD2] =	sst s25  }
0xac: {  	s5 =	sshll.u32 s26, $0x1;
	_ =	strace $0x80000046;
	[dreg:$0x1] =	wrdreg $0xFFFFFFFF  }
0xad: {  	s28 =	simm.s32 $_size_execute0_lowered;
	s3 =	sadd.s32 s3, s5;
	[dreg:$0x0] =	wrdreg $0x0  }
0xae: {  	s5 =	sshll.u32 s28, $0x1;
	[dreg:$0x2] =	wrdreg s3  }
0xaf: {  	[dreg:$0x3] =	wrdreg s5  }
0xb0: {  	[dreg:$0x4] =	wrdreg $0xC0  }
0xb1: {  	_ =	task [dreg:s7], $0x5FFFF  }
0xb2: {  	[dreg:$0x1] =	wrdreg $0xFFFFFFFF  }
0xb3: {  	[dreg:$0x0] =	wrdreg $0x60  }
0xb4: {  	[dreg:$0x2] =	wrdreg s16  }
0xb5: {  	[dreg:$0x3] =	wrdreg s24  }
0xb6: {  	[dreg:$0x4] =	wrdreg $0x9  }
0xb7: {  	_ =	task.clear_ibuf [dreg:s7], $0x5FFFF;
	_ =	strace $0x90000046  }
0xb8: {  	s29 =	simm.s32 $0x9;
	_ =	strace $0x80000048  }
0xb9: {  	_ =	swait.ge [sflag:s29], $0x1  }
0xba: {  	[sflag:s29] =	ssyncadd.s32 $0xFFFFFFFF  }
0xbb: {  	_ =	strace $0x90000048  }
0xbc: {  	_ =	sfence  }
0xbd: {  	s30 =	sld [smem:$0x0];
	_ =	sdelay $0x2  }
0xbe: {  	s31 =	sshll.u32 s1, $0xD;
	s1 =	sshrl.u32 s1, $0x2  }
0xbf: {  	s3 =	sand.u32 $0x4000, s31;
	s1 =	sadd.s32 s1, s30  }
0xc0: {  	s0 =	sor.u32 s3, s0;
	s1 =	sshll.u32 s1, $0x11  }
0xc1: {  	s0 =	sor.u32 s1, s0  }
0xc2: {  	s0 =	sadd.s32 $0x8F2B, s0  }
0xc3: {  	[sflag:s0] =	ssyncadd.remote.s32 $0x1  }
0xc4: {  	_ =	sfence.sel $0xFFFF  }
0xc5: {  	[dreg:$0x0] =	wrdreg $0xFFFFFFFF;
	(pc) =	sbr.abs _section_cstart, $3  }
0xc6: {  	[dreg:$0x1] =	wrdreg $0xFFFFFFFF  }
0xc7: {  	_ =	task.clear_ibuf [dreg:s7], $0x2FFFF;
	_ =	strace $0x9FFFFFFF  }
0xc8: {  	(tm) =	ssettm $0x7FFFFFFF  }
0xc9: {  	_ =	shalt  }
tec
execute0_lowered:
.L_overlay_start_1:
0x0: {  	(tag) =	ssettag $0x1  }
0x1: {  	s1 =	rddreg [dreg:$0x0]  }
0x2: {  	s5 =	rddreg [dreg:$0x1]  }
0x3: {  	s2 =	srdreg.scid;
	s0 =	rddreg [dreg:$0x2]  }
0x4: {  	s3 =	simm.s32 $0x0;
	s11 =	simm.s32 $0xA800;
	s12 =	simm.s32 $0xE800  }
0x5: {  	s13 =	simm.s32 $0x1;
	s14 =	simm.s32 $0x2;
	s4 =	sand.u32 $0x1, s2  }
0x6: {  	s15 =	simm.s32 $0x0;
	s2 =	stileid.u32;
	s7 =	smul.u32 $0x1400000, s4  }
0x7: {  	[smem:$0x7FF] =	sst s3;
	s6 =	sshll.u32 s4, $0x4;
	s28 =	smul.u32 $0x140000, s2  }
0x8: {  	_ =	strace $0x80000047;
	s4 =	ssub.s32 $0x2, s4;
	s8 =	sor.u32 s2, s6  }
0x9: {  	s30 =	sshrl.u32 s4, $0x1;
	s9 =	smul.u32 $0x500, s8;
	s6 =	sadd.s32 s28, s7  }
0xa: {  	s31 =	ssub.s32 s4, s30;
	p0 =	seq.s32 s8, $0x1F;
	s6 =	sshrl.u32 s6, $0x3  }
0xb: {  	s8 =	simm.s32 $0x80;
	s29 =	sadd.s32 s9, s5;
	s10 =	sadd.s32 s6, s5  }
0xc: {  	s5 =	sadd.s32 $0x14700, s5;
	s6 =	smax.u32 s31, $0x1;
	s9 =	simm.s32 $0x2800  }
0xd: {  	s4 =	sadd.s32 $0xAC00, s29;
	s7 =	sadd.s32 $0x1E800, s10;
	s10 =	simm.s32 $0x6800  }
.LBB2_1:
0xe: {  	s16 =	simm.s32 @p0 $0x0  }
0xf: {  	[tilespmem:s16], [sflag:$0x2] =	stream.linear.gather @p0 [hbm4b:s5+s16], $0xA00, $0x38;
	[tilespmem:$0x12800] =	vst v63  }
0x10: {  	s16 =	simm.s32 @p0 $0x2  }
0x11: {  	s17 =	simm.s32 @!p0 $0x14;
	_ =	swait.ge @p0 [sflag:s16], $0xA00  }
0x12: {  	s17 =	simm.s32 @p0 $0x5;
	[sflag:s16] =	ssyncset.done @p0 $0x0  }
0x13: {  	p2 =	sne.s32 s17, $0x1;
	[sflag:s16] =	ssyncadd.s32 @p0 $0xFFFFF600;
	s16 =	simm.s32 @!p0 $0x0  }
0x14: {  	[tilespmem:s16], [sflag:$0x2] =	stream.linear.gather @!p0 [hbm4b:s4+s16], $0x2800, $0x38;
	[tilespmem:$0x12800] =	vst v63  }
.Ltmp0:
0x15: {  	_ = 	snop;
	(pc) =	sbr.rel @!p2 .LBB2_2-.Ltmp0, $4  }
0x16: {  	s16 =	simm.s32 @!p0 $0x2  }
0x17: {  	_ =	swait.ge @!p0 [sflag:s16], $0x2800  }
0x18: {  	p1 =	por $0x0, $0x0;
	[sflag:s16] =	ssyncset.done @!p0 $0x0  }
0x19: {  	s17 =	sadd.s32 $0xFFFFFFFF, s17;
	[sflag:s16] =	ssyncadd.s32 @!p0 $0xFFFFD800;
	s16 =	simm.s32 $0x180  }
0x1a: {  	s18 =	simm.s32 $0x0  }
0x1b: {  	[tilespmem:s9], [sflag:$0x1] =	stream.indirect.gather [hbm4b:s1+s8], $0x80, s18, s8, $0xb8;
	[tilespmem:$0x12800] =	vst v63  }
0x1c: {  	s30 =	simm.s32 $0x80  }
0x1d: {  	[tilespmem:s10], [sflag:$0x1] =	stream.indirect.gather [hbm4b:s1+s8], $0x80, s30, s8, $0xb8;
	[tilespmem:$0x12800] =	vst v63  }
0x1e: {  	s31 =	simm.s32 $0x100  }
0x1f: {  	[tilespmem:s11], [sflag:$0x1] =	stream.indirect.gather [hbm4b:s1+s8], $0x80, s31, s8, $0xb8;
	[tilespmem:$0x12800] =	vst v63  }
0x20: {  	_ = 	snop  }
0x21: {  	[tilespmem:s12], [sflag:$0x1] =	stream.indirect.gather [hbm4b:s1+s8], $0x80, s16, s8, $0xb8;
	[tilespmem:$0x12800] =	vst v63  }
0x22: {  	_ =	swait.ge [sflag:s13], $0x4000  }
0x23: {  	[sflag:s13] =	ssyncset.done $0x0  }
0x24: {  	[sflag:s13] =	ssyncadd.s32 $0xFFFFC000  }
0x25: {  	_ =	swait.ge [sflag:s13], $0x4000  }
0x26: {  	[sflag:s13] =	ssyncset.done $0x0  }
0x27: {  	[sflag:s13] =	ssyncadd.s32 $0xFFFFC000  }
0x28: {  	_ =	swait.ge [sflag:s13], $0x4000  }
0x29: {  	[sflag:s13] =	ssyncset.done $0x0  }
0x2a: {  	[sflag:s13] =	ssyncadd.s32 $0xFFFFC000  }
0x2b: {  	p2 =	sne.s32 s17, $0x1;
	_ =	swait.ge [sflag:s13], $0x4000  }
.Ltmp1:
0x2c: {  	[sflag:s13] =	ssyncset.done $0x0;
	(pc) =	sbr.rel @!p2 .LBB2_4-.Ltmp1, $4  }
0x2d: {  	[sflag:s13] =	ssyncadd.s32 $0xFFFFC000  }
0x2e: {  	[hbm4b:s7+s3] =	stream.linear.scatter [tilespmem:s9], [sflag:$0x2], $0x10000, $0x38;
	[tilespmem:$0x12800] =	vst v63  }
0x2f: {  	p1 =	por $0x1, $0x1;
	s18 =	sadd.s32 $0xFFFFFFFF, s17;
	_ =	swait.ge [sflag:s14], $0x10000  }
0x30: {  	s17 =	smov.u32 s7;
	s16 =	simm.s32 $0x380;
	[sflag:s14] =	ssyncset.done $0x0  }
.LBB2_5:
0x31: {  	s19 =	sadd.s32 $0xFFFFFE80, s16;
	[sflag:s14] =	ssyncadd.s32 $0xFFFF0000;
	s17 =	sadd.s32 $0x2000, s17  }
0x32: {  	[tilespmem:s9], [sflag:$0x1] =	stream.indirect.gather [hbm4b:s1+s8], $0x80, s19, s8, $0xb8;
	[tilespmem:$0x12800] =	vst v63  }
0x33: {  	p2 =	sne.s32 s18, $0x1;
	s18 =	sadd.s32 $0xFFFFFFFF, s18;
	s19 =	sadd.s32 $0xFFFFFF00, s16  }
0x34: {  	[tilespmem:s10], [sflag:$0x1] =	stream.indirect.gather [hbm4b:s1+s8], $0x80, s19, s8, $0xb8;
	[tilespmem:$0x12800] =	vst v63  }
0x35: {  	s19 =	sadd.s32 $0xFFFFFF80, s16  }
0x36: {  	[tilespmem:s11], [sflag:$0x1] =	stream.indirect.gather [hbm4b:s1+s8], $0x80, s19, s8, $0xb8;
	[tilespmem:$0x12800] =	vst v63  }
0x37: {  	_ = 	snop  }
0x38: {  	[tilespmem:s12], [sflag:$0x1] =	stream.indirect.gather [hbm4b:s1+s8], $0x80, s16, s8, $0xb8;
	[tilespmem:$0x12800] =	vst v63  }
0x39: {  	_ =	swait.ge [sflag:s13], $0x4000  }
0x3a: {  	[sflag:s13] =	ssyncset.done $0x0  }
0x3b: {  	[sflag:s13] =	ssyncadd.s32 $0xFFFFC000  }
0x3c: {  	_ =	swait.ge [sflag:s13], $0x4000  }
0x3d: {  	[sflag:s13] =	ssyncset.done $0x0  }
0x3e: {  	[sflag:s13] =	ssyncadd.s32 $0xFFFFC000  }
0x3f: {  	_ =	swait.ge [sflag:s13], $0x4000  }
0x40: {  	[sflag:s13] =	ssyncset.done $0x0  }
0x41: {  	[sflag:s13] =	ssyncadd.s32 $0xFFFFC000  }
0x42: {  	_ =	swait.ge [sflag:s13], $0x4000  }
.Ltmp2:
0x43: {  	[sflag:s13] =	ssyncset.done $0x0;
	(pc) =	sbr.rel @p2 .LBB2_5-.Ltmp2, $4  }
0x44: {  	[sflag:s13] =	ssyncadd.s32 $0xFFFFC000  }
0x45: {  	[hbm4b:s17+s3] =	stream.linear.scatter [tilespmem:s9], [sflag:$0x2], $0x10000, $0x38;
	[tilespmem:$0x12800] =	vst v63  }
0x46: {  	_ =	swait.ge [sflag:s14], $0x10000  }
0x47: {  	s16 =	sadd.s32 $0x200, s16;
	[sflag:s14] =	ssyncset.done $0x0  }
.LBB2_6:
0x48: {  	s18 =	sadd.s32 $0xFFFFFE80, s16;
	[sflag:s14] =	ssyncadd.s32 @p1 $0xFFFF0000  }
0x49: {  	[tilespmem:s9], [sflag:$0x1] =	stream.indirect.gather [hbm4b:s1+s8], $0x80, s18, s8, $0xb8;
	[tilespmem:$0x12800] =	vst v63  }
0x4a: {  	s30 =	sadd.s32 $0xFFFFFF00, s16  }
0x4b: {  	[tilespmem:s10], [sflag:$0x1] =	stream.indirect.gather [hbm4b:s1+s8], $0x80, s30, s8, $0xb8;
	[tilespmem:$0x12800] =	vst v63  }
0x4c: {  	s31 =	sadd.s32 $0xFFFFFF80, s16  }
0x4d: {  	[tilespmem:s11], [sflag:$0x1] =	stream.indirect.gather [hbm4b:s1+s8], $0x80, s31, s8, $0xb8;
	[tilespmem:$0x12800] =	vst v63  }
0x4e: {  	_ = 	snop  }
0x4f: {  	[tilespmem:s12], [sflag:$0x1] =	stream.indirect.gather [hbm4b:s1+s8], $0x80, s16, s8, $0xb8;
	[tilespmem:$0x12800] =	vst v63  }
0x50: {  	_ =	swait.ge [sflag:s13], $0x4000  }
0x51: {  	[sflag:s13] =	ssyncset.done $0x0  }
0x52: {  	[sflag:s13] =	ssyncadd.s32 $0xFFFFC000  }
0x53: {  	_ =	swait.ge [sflag:s13], $0x4000  }
0x54: {  	[sflag:s13] =	ssyncset.done $0x0  }
0x55: {  	[sflag:s13] =	ssyncadd.s32 $0xFFFFC000  }
0x56: {  	_ =	swait.ge [sflag:s13], $0x4000  }
0x57: {  	[sflag:s13] =	ssyncset.done $0x0  }
0x58: {  	[sflag:s13] =	ssyncadd.s32 $0xFFFFC000  }
0x59: {  	s15 =	sadd.s32 $0x1, s15;
	_ =	swait.ge [sflag:s13], $0x4000  }
0x5a: {  	s16 =	sadd.s32 @p1 $0x2000, s17;
	s17 =	smov.u32 s7;
	[sflag:s13] =	ssyncset.done $0x0  }
0x5b: {  	s17 =	smov.u32 @p1 s16;
	p1 =	sne.s32 s15, s6;
	[sflag:s13] =	ssyncadd.s32 $0xFFFFC000  }
0x5c: {  	[hbm4b:s17+s3] =	stream.linear.scatter [tilespmem:s9], [sflag:$0x2], $0x10000, $0x38;
	[tilespmem:$0x12800] =	vst v63  }
.Ltmp3:
0x5d: {  	_ = 	snop;
	(pc) =	sbr.rel @p1 .LBB2_1-.Ltmp3, $4  }
.Ltmp4:
0x5e: {  	_ = 	snop;
	(pc) =	sbr.rel @!p1 .LBB2_7-.Ltmp4, $4  }
0x5f: {  	_ =	swait.ge [sflag:s14], $0x10000  }
0x60: {  	[sflag:s14] =	ssyncset.done $0x0  }
0x61: {  	[sflag:s14] =	ssyncadd.s32 $0xFFFF0000  }
0x62: {  	_ = 	snop  }
.LBB2_2:
.Ltmp5:
0x63: {  	(pc) =	sbr.rel .LBB2_6-.Ltmp5, $2  }
0x64: {  	_ =	sdelay $0x2  }
0x65: {  	s17 =	smov.u32 s7  }
.LBB2_4:
.Ltmp6:
0x66: {  	(pc) =	sbr.rel .LBB2_6-.Ltmp6, $2  }
0x67: {  	_ =	sdelay $0x2  }
0x68: {  	s17 =	smov.u32 s7  }
.LBB2_7:
0x69: {  	_ =	sfence.sel $0x180000  }
0x6a: {  	[bflag:$0x0] =	sbarrier.arrive $0xFFFF  }
0x6b: {  	p0 =	sne.s32 s2, $0x0;
	_ =	strace $0x90000047  }
0x6c: {  	s0 =	sadd.s32 @!p0 $0x100000, s0;
	[bflag:$0x2] =	sbarrier.arrive $0xFFFF  }
0x6d: {  	[sflag:s0] =	ssyncadd.tile.s32 @!p0 $0x1;
	_ =	shalt  }
.Lfunc_end2:
_tile_overlayer_lowered:
.L_overlay_start_2:
0x6e: {  	(tag) =	ssettag $0x2  }
0x6f: {  	s0 =	rddreg [dreg:$0x0];
	s2 =	stileid.u32  }
0x70: {  	s1 =	rddreg [dreg:$0x1];
	p0 =	sne.s32 s2, $0x0  }
0x71: {  	s3 =	rddreg [dreg:$0x2];
	[bflag:$0x3] =	sbarrier.arrive $0xFFFF;
	s2 =	simm.s32 @!p0 $0x1C02  }
0x72: {  	[timem:s3], [sflag:s2] =	dma.local @!p0 [hbm:s0], s1  }
0x73: {  	s0 =	simm.s32 @!p0 $0x2  }
0x74: {  	_ =	swait.ge @!p0 [sflag:s0], s1  }
0x75: {  	s1 =	ssub.s32 @!p0 $0x0, s1;
	[sflag:s0] =	ssyncset.done @!p0 $0x0  }
0x76: {  	[sflag:s0] =	ssyncadd.s32 @!p0 s1  }
0x77: {  	[bflag:$0x3] =	sbarrier.arrive $0xFFFF  }
0x78: {  	_ =	shalt  }

// kernel: kernel.20.cloned.1.call-start
scs
__scs_entry_jumppad:
0x0: {  	(pc) =	sbr.rel $0x88, $3  }
0x1: {  	(tag) =	ssettag $0x0;
	lr =	simm.s32 $0x1  }
0x2: {  	[smem:$0x3F7E] =	sst lr;
	_ =	strace $0xD0000000  }
0x3: {  	_ = 	snop  }
0x4: {  	_ = 	snop  }
0x5: {  	_ = 	snop  }
0x6: {  	_ = 	snop  }
0x7: {  	_ = 	snop  }
__scs_overlays_trampoline_lowered:
0x8: {  	[smem:$0x3F8D] =	sst s0  }
0x9: {  	[smem:$0x3F8E] =	sst s1  }
0xa: {  	[smem:$0x3F8F] =	sst s2  }
0xb: {  	[smem:$0x3F90] =	sst s3  }
0xc: {  	[smem:$0x3F91] =	sst s4  }
0xd: {  	[smem:$0x3F92] =	sst s5  }
0xe: {  	[smem:$0x3F93] =	sst s6  }
0xf: {  	[smem:$0x3F94] =	sst s7  }
0x10: {  	[smem:$0x3F95] =	sst s8  }
0x11: {  	[smem:$0x3F96] =	sst s9;
	s0 =	simm.s32 @!p0 $0x0  }
0x12: {  	s1 =	sld [smem:$0x3F7C];
	s0 =	simm.s32 @p0 $0x1  }
0x13: {  	[smem:$0x3F97] =	sst s0;
	s0 =	simm.s32 @!p1 $0x0  }
0x14: {  	s2 =	sld [smem:$0x3F7B];
	s0 =	simm.s32 @p1 $0x1  }
0x15: {  	[smem:$0x3F98] =	sst s0;
	s0 =	simm.s32 @!p2 $0x0  }
0x16: {  	s3 =	sld [smem:$0x3FDB];
	s0 =	simm.s32 @p2 $0x1  }
0x17: {  	s4 =	simm.s32 $0x1BF5;
	[smem:$0x3F9A] =	sst s0  }
0x18: {  	s0 =	sld [smem:$0x3F7D];
	_ =	swait.ge [sflag:s4], $0x0  }
0x19: {  	s7 =	sld [smem:$0x3F7E]  }
0x1a: {  	s8 =	sadd.s32 $0xFFFFE003, lr  }
0x1b: {  	s9 =	sadd.s32 $0xFFFFFEF7, lr;
	s5 =	simm.s32 $0xFFFFFFFF;
	p2 =	slt.u32 s8, $0xFFFFF086  }
0x1c: {  	p1 =	slt.u32 s9, $0xF7A;
	s5 =	simm.s32 @!p2 $0x0  }
0x1d: {  	s5 =	simm.s32 @p1 $0x1;
	p0 =	seq.s32 s7, s2  }
0x1e: {  	s7 =	smul.u32 @!p0 $0xF7A, s2;
	p2 =	seq.s32 @!p0 s5, $0x0  }
0x1f: {  	s9 =	smul.u32 $0xF7A, s1;
	s8 =	simm.s32 @!p0 $0x1BF5;
	p2 =	por !p2, p0  }
0x20: {  	[sflag:s8] =	ssyncset.s32 @!p0 $0xFFFFF086;
	s6 =	sadd.s32 @!p0 s3, s7;
	s7 =	simm.s32 @!p0 $0x108  }
0x21: {  	s3 =	sadd.s32 s3, s9;
	s6 =	sadd.s32 @!p0 $0x88, s6;
	s7 =	simm.s32 @p2 $0x1082  }
0x22: {  	[simem:s7], [sflag:s8] =	dma.local @!p0 [hbm:s6], $0xF7A  }
0x23: {  	s9 =	sor.u32 $0xD0000000, s2;
	s6 =	simm.s32 $0x108;
	_ =	swait.ge @!p0 [sflag:s8], $0x0  }
0x24: {  	s3 =	sadd.s32 $0x88, s3;
	s6 =	simm.s32 @!p1 $0x1082;
	[sflag:s4] =	ssyncset.s32 $0xFFFFF086  }
0x25: {  	[simem:s6], [sflag:s4] =	dma.local [hbm:s3], $0xF7A  }
0x26: {  	[smem:$0x3F7E] =	sst s1;
	(tag) =	ssettag s2;
	_ =	strace s9  }
0x27: {  	s1 =	sld [smem:$0x3F8E]  }
0x28: {  	s2 =	sld [smem:$0x3F8F]  }
0x29: {  	s4 =	sld [smem:$0x3F91]  }
0x2a: {  	p0 =	seq.s32 s5, $0x0;
	s5 =	sld [smem:$0x3F92]  }
0x2b: {  	s6 =	sld [smem:$0x3F93]  }
0x2c: {  	s7 =	sld [smem:$0x3F94]  }
0x2d: {  	s3 =	simm.s32 $0x108;
	s8 =	sld [smem:$0x3F95]  }
0x2e: {  	s3 =	simm.s32 @!p0 $0x1082;
	s9 =	sld [smem:$0x3F96]  }
0x2f: {  	lr =	sadd.s32 s0, s3;
	s0 =	sld [smem:$0x3F8D]  }
0x30: {  	s3 =	sld [smem:$0x3F90]  }
0x31: {  	[smem:$0x3F99] =	sst s10  }
0x32: {  	s10 =	sld [smem:$0x3F97];
	_ =	sdelay $0x3  }
0x33: {  	p0 =	seq.s32 s10, $0x1;
	s10 =	sld [smem:$0x3F99];
	_ =	sdelay $0x3  }
0x34: {  	[smem:$0x3F99] =	sst s10  }
0x35: {  	s10 =	sld [smem:$0x3F98];
	_ =	sdelay $0x3  }
0x36: {  	p1 =	seq.s32 s10, $0x1;
	s10 =	sld [smem:$0x3F99];
	_ =	sdelay $0x3  }
0x37: {  	[smem:$0x3F99] =	sst s10  }
0x38: {  	s10 =	sld [smem:$0x3F9A]  }
0x39: {  	_ = 	snop;
	(pc) =	sbr.ind lr, $3  }
0x3a: {  	_ = 	snop  }
0x3b: {  	_ = 	snop  }
0x3c: {  	p2 =	seq.s32 s10, $0x1;
	s10 =	sld [smem:$0x3F99]  }
0x3d: {  	_ =	shalt  }
0x3e: {  	_ =	shalt  }
0x3f: {  	_ =	shalt  }
0x40: {  	_ =	shalt  }
0x41: {  	_ =	shalt  }
0x42: {  	_ =	shalt  }
0x43: {  	_ =	shalt  }
0x44: {  	_ =	shalt  }
0x45: {  	_ =	shalt  }
0x46: {  	_ =	shalt  }
0x47: {  	_ =	shalt  }
0x48: {  	_ =	shalt  }
0x49: {  	_ =	shalt  }
0x4a: {  	_ =	shalt  }
0x4b: {  	_ =	shalt  }
0x4c: {  	_ =	shalt  }
0x4d: {  	_ =	shalt  }
0x4e: {  	_ =	shalt  }
0x4f: {  	_ =	shalt  }
0x50: {  	_ =	shalt  }
0x51: {  	_ =	shalt  }
0x52: {  	_ =	shalt  }
0x53: {  	_ =	shalt  }
0x54: {  	_ =	shalt  }
0x55: {  	_ =	shalt  }
0x56: {  	_ =	shalt  }
0x57: {  	_ =	shalt  }
0x58: {  	_ =	shalt  }
0x59: {  	_ =	shalt  }
0x5a: {  	_ =	shalt  }
0x5b: {  	_ =	shalt  }
0x5c: {  	_ =	shalt  }
0x5d: {  	_ =	shalt  }
0x5e: {  	_ =	shalt  }
0x5f: {  	_ =	shalt  }
0x60: {  	_ =	shalt  }
0x61: {  	_ =	shalt  }
0x62: {  	_ =	shalt  }
0x63: {  	_ =	shalt  }
0x64: {  	_ =	shalt  }
0x65: {  	_ =	shalt  }
0x66: {  	_ =	shalt  }
0x67: {  	_ =	shalt  }
0x68: {  	_ =	shalt  }
0x69: {  	_ =	shalt  }
0x6a: {  	_ =	shalt  }
0x6b: {  	_ =	shalt  }
0x6c: {  	_ =	shalt  }
0x6d: {  	_ =	shalt  }
0x6e: {  	_ =	shalt  }
0x6f: {  	_ =	shalt  }
0x70: {  	_ =	shalt  }
0x71: {  	_ =	shalt  }
0x72: {  	_ =	shalt  }
0x73: {  	_ =	shalt  }
0x74: {  	_ =	shalt  }
0x75: {  	_ =	shalt  }
0x76: {  	_ =	shalt  }
0x77: {  	_ =	shalt  }
0x78: {  	_ =	shalt  }
0x79: {  	_ =	shalt  }
0x7a: {  	_ =	shalt  }
0x7b: {  	_ =	shalt  }
0x7c: {  	_ =	shalt  }
0x7d: {  	_ =	shalt  }
0x7e: {  	_ =	shalt  }
0x7f: {  	_ =	shalt  }
0x80: {  	_ =	shalt  }
0x81: {  	_ =	shalt  }
0x82: {  	_ =	shalt  }
0x83: {  	_ =	shalt  }
0x84: {  	_ =	shalt  }
0x85: {  	_ =	shalt  }
0x86: {  	_ =	shalt  }
0x87: {  	_ =	shalt  }
.Lfunc_end0:
.L_simem_size_0:
called_computation.1_lowered:
.L_overlay_start_0:
0x88: {  	s2 =	sld [smem:$0x3FD9]  }
0x89: {  	s3 =	sld [smem:$0x3FFE];
	_ =	sdelay $0x1  }
0x8a: {  	s1 =	srdreg.scid  }
0x8b: {  	s0 =	sand.u32 $0x1, s1  }
0x8c: {  	s16 =	sshll.u32 s0, $0xA;
	s2 =	sadd.s32 s3, s2  }
0x8d: {  	s2 =	sadd.s32 s2, s16  }
0x8e: {  	[smem:$0x3FA5] =	sst s2  }
0x8f: {  	_ = 	snop  }
0x90: {  	(tm) =	ssettm $0x1  }
0x91: {  	s17 =	sld [smem:$0x3FFB];
	_ =	sdelay $0x3  }
0x92: {  	_ =	strace s17  }
0x93: {  	s2 =	sld [smem:$0x3FFC];
	_ =	sdelay $0x3  }
0x94: {  	_ =	strace s2  }
0x95: {  	s2 =	sld [smem:$0x3FFD];
	_ =	sdelay $0x3  }
0x96: {  	_ =	strace s2  }
0x97: {  	_ =	strace $0x8FFFFFFF  }
0x98: {  	s18 =	sld [smem:$0x3FDB];
	_ =	sdelay $0x1  }
0x99: {  	s19 =	simm.s32 $_scs_section_size  }
0x9a: {  	s4 =	simm.s32 $_size__tile_overlayer_lowered;
	s5 =	simm.s32 $_tile_overlayer_lowered  }
0x9b: {  	s22 =	simm.s32 $0x1BFF;
	s21 =	sshll.u32 s5, $0x1;
	s2 =	sadd.s32 s19, s18  }
0x9c: {  	s6 =	simm.s32 $0x0;
	s20 =	sshll.u32 s4, $0x1;
	s4 =	sadd.s32 s21, s2  }
0x9d: {  	[timem:s6], [sflag:s22] =	dma.local [hbm:s4], s20  }
0x9e: {  	_ =	swait.ge [sflag:s22], s20  }
0x9f: {  	s3 =	ssub.s32 $0x0, s20;
	[sflag:s22] =	ssyncset.done $0x0  }
0xa0: {  	[sflag:s22] =	ssyncadd.s32 s3;
	_ =	sdelay $0x1  }
0xa1: {  	s23 =	simm.s32 $0x1B8B  }
0xa2: {  	_ =	swait.ge [sflag:s23], $0x1  }
0xa3: {  	[sflag:s23] =	ssyncset.done $0x0  }
0xa4: {  	s25 =	simm.s32 $0x1B8E;
	s24 =	sld [smem:$0x3FFE];
	[sflag:s23] =	ssyncadd.s32 $0xFFFFFFFF  }
0xa5: {  	s26 =	simm.s32 $execute0_lowered;
	[smem:$0x3FD2] =	sst s25  }
0xa6: {  	s4 =	sshll.u32 s26, $0x1;
	_ =	strace $0x80000049;
	[dreg:$0x1] =	wrdreg $0xFFFFFFFF  }
0xa7: {  	s28 =	simm.s32 $_size_execute0_lowered;
	s2 =	sadd.s32 s2, s4;
	[dreg:$0x0] =	wrdreg $0x0  }
0xa8: {  	s4 =	sshll.u32 s28, $0x1;
	[dreg:$0x2] =	wrdreg s2  }
0xa9: {  	[dreg:$0x3] =	wrdreg s4  }
0xaa: {  	[dreg:$0x4] =	wrdreg $0xC0  }
0xab: {  	_ =	task [dreg:s6], $0x5FFFF  }
0xac: {  	[dreg:$0x1] =	wrdreg $0xFFFFFFFF  }
0xad: {  	[dreg:$0x0] =	wrdreg $0x60  }
0xae: {  	[dreg:$0x2] =	wrdreg s24  }
0xaf: {  	[dreg:$0x3] =	wrdreg $0x0  }
0xb0: {  	[dreg:$0x4] =	wrdreg $0x9  }
0xb1: {  	_ =	task.clear_ibuf [dreg:s6], $0x5FFFF;
	_ =	strace $0x90000049  }
0xb2: {  	s29 =	simm.s32 $0x9;
	_ =	strace $0x8000004B  }
0xb3: {  	_ =	swait.ge [sflag:s29], $0x1  }
0xb4: {  	[sflag:s29] =	ssyncadd.s32 $0xFFFFFFFF  }
0xb5: {  	_ =	strace $0x9000004B  }
0xb6: {  	_ =	sfence  }
0xb7: {  	s30 =	sld [smem:$0x0];
	_ =	sdelay $0x2  }
0xb8: {  	s31 =	sshll.u32 s1, $0xD;
	s1 =	sshrl.u32 s1, $0x2  }
0xb9: {  	s3 =	sand.u32 $0x4000, s31;
	s1 =	sadd.s32 s1, s30  }
0xba: {  	s0 =	sor.u32 s3, s0;
	s1 =	sshll.u32 s1, $0x11  }
0xbb: {  	s0 =	sor.u32 s1, s0  }
0xbc: {  	s0 =	sadd.s32 $0x8F2B, s0  }
0xbd: {  	[sflag:s0] =	ssyncadd.remote.s32 $0x1  }
0xbe: {  	_ =	sfence.sel $0xFFFF  }
0xbf: {  	[dreg:$0x0] =	wrdreg $0xFFFFFFFF;
	(pc) =	sbr.abs _section_cstart, $3  }
0xc0: {  	[dreg:$0x1] =	wrdreg $0xFFFFFFFF  }
0xc1: {  	_ =	task.clear_ibuf [dreg:s6], $0x2FFFF;
	_ =	strace $0x9FFFFFFF  }
0xc2: {  	(tm) =	ssettm $0x7FFFFFFF  }
0xc3: {  	_ =	shalt  }
tec
execute0_lowered:
.L_overlay_start_1:
0x0: {  	(tag) =	ssettag $0x1  }
0x1: {  	s0 =	srdreg.scid  }
0x2: {  	s8 =	rddreg [dreg:$0x0];
	s5 =	sand.u32 $0x1, s0  }
0x3: {  	s0 =	stileid.u32;
	s4 =	smul.u32 $0x1400000, s5  }
0x4: {  	s2 =	rddreg [dreg:$0x1];
	s6 =	smul.u32 $0x140000, s0  }
0x5: {  	s1 =	rddreg [dreg:$0x2];
	s18 =	simm.s32 $0x1A080;
	s9 =	smul.u32 $0x2700, s0  }
0x6: {  	s19 =	simm.s32 $0x0;
	s11 =	sadd.s32 $0x52A200, s8;
	s26 =	smul.u32 $0x4E000, s0  }
0x7: {  	s17 =	sadd.s32 $0x138000, s2;
	s3 =	sshll.u32 s5, $0x4;
	s29 =	smul.u32 $0x27100, s5  }
0x8: {  	s10 =	ssub.s32 $0x2, s5;
	s30 =	sshll.u32 s0, $0x6;
	s15 =	smul.u32 $0x138800, s5  }
0x9: {  	p0 =	sne.s32 s0, $0xF;
	s16 =	sor.u32 s0, s3;
	s3 =	simm.s32 $0x0  }
0xa: {  	s13 =	sshrl.u32 s10, $0x1;
	s5 =	sor.u32 $0x1C01, s30;
	s4 =	sadd.s32 s6, s4  }
0xb: {  	s25 =	smul.u32 $0x500, s16;
	[smem:$0x7FF] =	sst s3;
	s28 =	sadd.s32 s9, s8  }
0xc: {  	s13 =	ssub.s32 s10, s13;
	s6 =	sadd.s32 $0x52A000, s8;
	s9 =	sadd.s32 s9, s29  }
0xd: {  	s31 =	sshrl.u32 s15, $0x3;
	s15 =	sshrl.u32 @!p0 s17, $0x3;
	p1 =	seq.s32 s16, $0x1F  }
0xe: {  	s16 =	simm.s32 $0x16080;
	s17 =	simm.s32 $0x80;
	s4 =	sshrl.u32 s4, $0x3  }
0xf: {  	_ =	strace $0x8000004A;
	s9 =	sadd.s32 s11, s9;
	s10 =	sadd.s32 s11, s31  }
0x10: {  	s11 =	smax.u32 s13, $0x1;
	s12 =	sadd.s32 s4, s8;
	s7 =	sadd.s32 s25, s8  }
0x11: {  	s4 =	sshrl.u32 s26, $0x2;
	s8 =	sadd.s32 $0x1E500, s8;
	s10 =	sadd.s32 $0x27000, s10  }
0x12: {  	s14 =	sadd.s32 s4, s2;
	s4 =	sadd.s32 $0x503000, s28;
	s7 =	sadd.s32 $0x14A00, s7  }
0x13: {  	s12 =	sadd.s32 $0xEC4800, s12;
	s13 =	sshrl.u32 s14, $0x3;
	s14 =	simm.s32 $0x1  }
.LBB2_1:
0x14: {  	[spmem:s13], [sflag:s5] =	dma.local [hbm:s4], $0x2700  }
0x15: {  	_ =	swait.ge [sflag:s14], $0x2700  }
0x16: {  	[sflag:s14] =	ssyncset.done $0x0  }
0x17: {  	s20 =	simm.s32 @!p0 $0x1;
	[sflag:s14] =	ssyncadd.s32 $0xFFFFD900  }
0x18: {  	[spmem:s15], [sflag:s5] =	dma.local @!p0 [hbm:s6], $0x100  }
0x19: {  	_ =	swait.ge @!p0 [sflag:s20], $0x100  }
0x1a: {  	[sflag:s20] =	ssyncset.done @!p0 $0x0  }
0x1b: {  	[sflag:s20] =	ssyncadd.s32 @!p0 $0xFFFFFF00  }
0x1c: {  	s21 =	simm.s32 @p1 $0x0;
	s22 =	simm.s32 @p1 $0x13880;
	[bflag:$0x0] =	sbarrier.arrive $0xFFFF  }
0x1d: {  	[tilespmem:s22], [sflag:$0x1] =	stream.linear.gather @p1 [hbm4b:s8+s21], $0xA00, $0x38;
	[tilespmem:$0x1E080] =	vst v63  }
0x1e: {  	s21 =	simm.s32 @p1 $0x1  }
0x1f: {  	_ =	swait.ge @p1 [sflag:s21], $0xA00  }
0x20: {  	[sflag:s21] =	ssyncset.done @p1 $0x0  }
0x21: {  	s22 =	simm.s32 @!p1 $0x13880;
	[sflag:s21] =	ssyncadd.s32 @p1 $0xFFFFF600;
	s21 =	simm.s32 @!p1 $0x0  }
0x22: {  	[tilespmem:s22], [sflag:$0x1] =	stream.linear.gather @!p1 [hbm4b:s7+s21], $0x2800, $0x38;
	[tilespmem:$0x1E080] =	vst v63  }
0x23: {  	s21 =	simm.s32 @!p1 $0x1  }
0x24: {  	_ =	swait.ge @!p1 [sflag:s21], $0x2800  }
0x25: {  	[sflag:s21] =	ssyncset.done @!p1 $0x0  }
0x26: {  	[sflag:s21] =	ssyncadd.s32 @!p1 $0xFFFFD800  }
0x27: {  	[tilespmem:s16], [sflag:$0x1] =	stream.linear.gather [hbm4b:s12+s3], $0x8000, $0x38;
	[tilespmem:$0x1E080] =	vst v63  }
0x28: {  	_ =	swait.ge [sflag:s14], $0x8000  }
0x29: {  	s22 =	simm.s32 @!p1 $0x28;
	[sflag:s14] =	ssyncset.done $0x0  }
0x2a: {  	s31 =	simm.s32 $0x13880;
	s22 =	simm.s32 @p1 $0xA;
	[sflag:s14] =	ssyncadd.s32 $0xFFFF8000  }
0x2b: {  	[spmem:s2] =	stream.indirect.scatter.add.f32 [tilespmem:s16], [sflag:$0x1], $0x80, s31, s17, $0xb8;
	[tilespmem:$0x1E080] =	vst v63  }
0x2c: {  	p2 =	sne.s32 s22, $0x1;
	_ =	swait.ge [sflag:s14], $0x4000  }
.Ltmp0:
0x2d: {  	[sflag:s14] =	ssyncset.done $0x0;
	(pc) =	sbr.rel @!p2 .LBB2_3-.Ltmp0, $4  }
0x2e: {  	s21 =	simm.s32 $0x13900;
	[sflag:s14] =	ssyncadd.s32 $0xFFFFC000  }
0x2f: {  	[spmem:s2] =	stream.indirect.scatter.add.f32 [tilespmem:s18], [sflag:$0x1], $0x80, s21, s17, $0xb8;
	[tilespmem:$0x1E080] =	vst v63  }
0x30: {  	_ =	swait.ge [sflag:s14], $0x4000  }
0x31: {  	s23 =	smov.u32 s12;
	s22 =	sadd.s32 $0xFFFFFFFF, s22;
	[sflag:s14] =	ssyncset.done $0x0  }
.LBB2_2:
0x32: {  	[sflag:s14] =	ssyncadd.s32 $0xFFFFC000;
	s23 =	sadd.s32 $0x1000, s23;
	s21 =	sadd.s32 $0x100, s21  }
0x33: {  	[tilespmem:s16], [sflag:$0x1] =	stream.linear.gather [hbm4b:s23+s3], $0x8000, $0x38;
	[tilespmem:$0x1E080] =	vst v63  }
0x34: {  	p2 =	sne.s32 s22, $0x1;
	s22 =	sadd.s32 $0xFFFFFFFF, s22;
	_ =	swait.ge [sflag:s14], $0x8000  }
0x35: {  	[sflag:s14] =	ssyncset.done $0x0  }
0x36: {  	s24 =	sadd.s32 $0xFFFFFF80, s21;
	[sflag:s14] =	ssyncadd.s32 $0xFFFF8000  }
0x37: {  	[spmem:s2] =	stream.indirect.scatter.add.f32 [tilespmem:s16], [sflag:$0x1], $0x80, s24, s17, $0xb8;
	[tilespmem:$0x1E080] =	vst v63  }
0x38: {  	_ =	swait.ge [sflag:s14], $0x4000  }
.Ltmp1:
0x39: {  	[sflag:s14] =	ssyncset.done $0x0;
	(pc) =	sbr.rel @p2 .LBB2_2-.Ltmp1, $4  }
0x3a: {  	[sflag:s14] =	ssyncadd.s32 $0xFFFFC000  }
0x3b: {  	[spmem:s2] =	stream.indirect.scatter.add.f32 [tilespmem:s18], [sflag:$0x1], $0x80, s21, s17, $0xb8;
	[tilespmem:$0x1E080] =	vst v63  }
0x3c: {  	_ =	swait.ge [sflag:s14], $0x4000  }
0x3d: {  	[sflag:s14] =	ssyncset.done $0x0  }
.LBB2_3:
0x3e: {  	[sflag:s14] =	ssyncadd.s32 $0xFFFFC000  }
0x3f: {  	[bflag:$0x0] =	sbarrier.arrive $0xFFFF  }
0x40: {  	[hbm:s9], [sflag:s5] =	dma.local [spmem:s13], $0x2700  }
0x41: {  	s19 =	sadd.s32 $0x1, s19;
	_ =	swait.ge [sflag:s14], $0x2700  }
0x42: {  	p2 =	sne.s32 s19, s11;
	[sflag:s14] =	ssyncset.done $0x0  }
.Ltmp2:
0x43: {  	[sflag:s14] =	ssyncadd.s32 $0xFFFFD900;
	(pc) =	sbr.rel @p2 .LBB2_1-.Ltmp2, $4  }
0x44: {  	[hbm:s10], [sflag:s5] =	dma.local @!p0 [spmem:s15], $0x100  }
0x45: {  	_ =	swait.ge @!p0 [sflag:s20], $0x100  }
0x46: {  	[sflag:s20] =	ssyncset.done @!p0 $0x0  }
0x47: {  	[sflag:s20] =	ssyncadd.s32 @!p0 $0xFFFFFF00  }
0x48: {  	_ =	sfence.sel $0x180000  }
0x49: {  	[bflag:$0x0] =	sbarrier.arrive $0xFFFF  }
0x4a: {  	p0 =	sne.s32 s0, $0x0;
	_ =	strace $0x9000004A  }
0x4b: {  	s0 =	sadd.s32 @!p0 $0x100000, s1;
	[bflag:$0x2] =	sbarrier.arrive $0xFFFF  }
0x4c: {  	[sflag:s0] =	ssyncadd.tile.s32 @!p0 $0x1;
	_ =	shalt  }
.Lfunc_end2:
_tile_overlayer_lowered:
.L_overlay_start_2:
0x4d: {  	(tag) =	ssettag $0x2  }
0x4e: {  	s0 =	rddreg [dreg:$0x0];
	s2 =	stileid.u32  }
0x4f: {  	s1 =	rddreg [dreg:$0x1];
	p0 =	sne.s32 s2, $0x0  }
0x50: {  	s3 =	rddreg [dreg:$0x2];
	[bflag:$0x3] =	sbarrier.arrive $0xFFFF;
	s2 =	simm.s32 @!p0 $0x1C01  }
0x51: {  	[timem:s3], [sflag:s2] =	dma.local @!p0 [hbm:s0], s1  }
0x52: {  	s0 =	simm.s32 @!p0 $0x1  }
0x53: {  	_ =	swait.ge @!p0 [sflag:s0], s1  }
0x54: {  	s1 =	ssub.s32 @!p0 $0x0, s1;
	[sflag:s0] =	ssyncset.done @!p0 $0x0  }
0x55: {  	[sflag:s0] =	ssyncadd.s32 @!p0 s1  }
0x56: {  	[bflag:$0x3] =	sbarrier.arrive $0xFFFF  }
0x57: {  	_ =	shalt  }

// kernel: kernel.23.cloned.1.call-start
scs
__scs_entry_jumppad:
0x0: {  	(pc) =	sbr.rel $0x88, $3  }
0x1: {  	(tag) =	ssettag $0x0;
	lr =	simm.s32 $0x1  }
0x2: {  	[smem:$0x3F7E] =	sst lr;
	_ =	strace $0xD0000000  }
0x3: {  	_ = 	snop  }
0x4: {  	_ = 	snop  }
0x5: {  	_ = 	snop  }
0x6: {  	_ = 	snop  }
0x7: {  	_ = 	snop  }
__scs_overlays_trampoline_lowered:
0x8: {  	[smem:$0x3F8D] =	sst s0  }
0x9: {  	[smem:$0x3F8E] =	sst s1  }
0xa: {  	[smem:$0x3F8F] =	sst s2  }
0xb: {  	[smem:$0x3F90] =	sst s3  }
0xc: {  	[smem:$0x3F91] =	sst s4  }
0xd: {  	[smem:$0x3F92] =	sst s5  }
0xe: {  	[smem:$0x3F93] =	sst s6  }
0xf: {  	[smem:$0x3F94] =	sst s7  }
0x10: {  	[smem:$0x3F95] =	sst s8  }
0x11: {  	[smem:$0x3F96] =	sst s9;
	s0 =	simm.s32 @!p0 $0x0  }
0x12: {  	s1 =	sld [smem:$0x3F7C];
	s0 =	simm.s32 @p0 $0x1  }
0x13: {  	[smem:$0x3F97] =	sst s0;
	s0 =	simm.s32 @!p1 $0x0  }
0x14: {  	s2 =	sld [smem:$0x3F7B];
	s0 =	simm.s32 @p1 $0x1  }
0x15: {  	[smem:$0x3F98] =	sst s0;
	s0 =	simm.s32 @!p2 $0x0  }
0x16: {  	s3 =	sld [smem:$0x3FDB];
	s0 =	simm.s32 @p2 $0x1  }
0x17: {  	s4 =	simm.s32 $0x1BF5;
	[smem:$0x3F9A] =	sst s0  }
0x18: {  	s0 =	sld [smem:$0x3F7D];
	_ =	swait.ge [sflag:s4], $0x0  }
0x19: {  	s7 =	sld [smem:$0x3F7E]  }
0x1a: {  	s8 =	sadd.s32 $0xFFFFE003, lr  }
0x1b: {  	s9 =	sadd.s32 $0xFFFFFEF7, lr;
	s5 =	simm.s32 $0xFFFFFFFF;
	p2 =	slt.u32 s8, $0xFFFFF086  }
0x1c: {  	p1 =	slt.u32 s9, $0xF7A;
	s5 =	simm.s32 @!p2 $0x0  }
0x1d: {  	s5 =	simm.s32 @p1 $0x1;
	p0 =	seq.s32 s7, s2  }
0x1e: {  	s7 =	smul.u32 @!p0 $0xF7A, s2;
	p2 =	seq.s32 @!p0 s5, $0x0  }
0x1f: {  	s9 =	smul.u32 $0xF7A, s1;
	s8 =	simm.s32 @!p0 $0x1BF5;
	p2 =	por !p2, p0  }
0x20: {  	[sflag:s8] =	ssyncset.s32 @!p0 $0xFFFFF086;
	s6 =	sadd.s32 @!p0 s3, s7;
	s7 =	simm.s32 @!p0 $0x108  }
0x21: {  	s3 =	sadd.s32 s3, s9;
	s6 =	sadd.s32 @!p0 $0x88, s6;
	s7 =	simm.s32 @p2 $0x1082  }
0x22: {  	[simem:s7], [sflag:s8] =	dma.local @!p0 [hbm:s6], $0xF7A  }
0x23: {  	s9 =	sor.u32 $0xD0000000, s2;
	s6 =	simm.s32 $0x108;
	_ =	swait.ge @!p0 [sflag:s8], $0x0  }
0x24: {  	s3 =	sadd.s32 $0x88, s3;
	s6 =	simm.s32 @!p1 $0x1082;
	[sflag:s4] =	ssyncset.s32 $0xFFFFF086  }
0x25: {  	[simem:s6], [sflag:s4] =	dma.local [hbm:s3], $0xF7A  }
0x26: {  	[smem:$0x3F7E] =	sst s1;
	(tag) =	ssettag s2;
	_ =	strace s9  }
0x27: {  	s1 =	sld [smem:$0x3F8E]  }
0x28: {  	s2 =	sld [smem:$0x3F8F]  }
0x29: {  	s4 =	sld [smem:$0x3F91]  }
0x2a: {  	p0 =	seq.s32 s5, $0x0;
	s5 =	sld [smem:$0x3F92]  }
0x2b: {  	s6 =	sld [smem:$0x3F93]  }
0x2c: {  	s7 =	sld [smem:$0x3F94]  }
0x2d: {  	s3 =	simm.s32 $0x108;
	s8 =	sld [smem:$0x3F95]  }
0x2e: {  	s3 =	simm.s32 @!p0 $0x1082;
	s9 =	sld [smem:$0x3F96]  }
0x2f: {  	lr =	sadd.s32 s0, s3;
	s0 =	sld [smem:$0x3F8D]  }
0x30: {  	s3 =	sld [smem:$0x3F90]  }
0x31: {  	[smem:$0x3F99] =	sst s10  }
0x32: {  	s10 =	sld [smem:$0x3F97];
	_ =	sdelay $0x3  }
0x33: {  	p0 =	seq.s32 s10, $0x1;
	s10 =	sld [smem:$0x3F99];
	_ =	sdelay $0x3  }
0x34: {  	[smem:$0x3F99] =	sst s10  }
0x35: {  	s10 =	sld [smem:$0x3F98];
	_ =	sdelay $0x3  }
0x36: {  	p1 =	seq.s32 s10, $0x1;
	s10 =	sld [smem:$0x3F99];
	_ =	sdelay $0x3  }
0x37: {  	[smem:$0x3F99] =	sst s10  }
0x38: {  	s10 =	sld [smem:$0x3F9A]  }
0x39: {  	_ = 	snop;
	(pc) =	sbr.ind lr, $3  }
0x3a: {  	_ = 	snop  }
0x3b: {  	_ = 	snop  }
0x3c: {  	p2 =	seq.s32 s10, $0x1;
	s10 =	sld [smem:$0x3F99]  }
0x3d: {  	_ =	shalt  }
0x3e: {  	_ =	shalt  }
0x3f: {  	_ =	shalt  }
0x40: {  	_ =	shalt  }
0x41: {  	_ =	shalt  }
0x42: {  	_ =	shalt  }
0x43: {  	_ =	shalt  }
0x44: {  	_ =	shalt  }
0x45: {  	_ =	shalt  }
0x46: {  	_ =	shalt  }
0x47: {  	_ =	shalt  }
0x48: {  	_ =	shalt  }
0x49: {  	_ =	shalt  }
0x4a: {  	_ =	shalt  }
0x4b: {  	_ =	shalt  }
0x4c: {  	_ =	shalt  }
0x4d: {  	_ =	shalt  }
0x4e: {  	_ =	shalt  }
0x4f: {  	_ =	shalt  }
0x50: {  	_ =	shalt  }
0x51: {  	_ =	shalt  }
0x52: {  	_ =	shalt  }
0x53: {  	_ =	shalt  }
0x54: {  	_ =	shalt  }
0x55: {  	_ =	shalt  }
0x56: {  	_ =	shalt  }
0x57: {  	_ =	shalt  }
0x58: {  	_ =	shalt  }
0x59: {  	_ =	shalt  }
0x5a: {  	_ =	shalt  }
0x5b: {  	_ =	shalt  }
0x5c: {  	_ =	shalt  }
0x5d: {  	_ =	shalt  }
0x5e: {  	_ =	shalt  }
0x5f: {  	_ =	shalt  }
0x60: {  	_ =	shalt  }
0x61: {  	_ =	shalt  }
0x62: {  	_ =	shalt  }
0x63: {  	_ =	shalt  }
0x64: {  	_ =	shalt  }
0x65: {  	_ =	shalt  }
0x66: {  	_ =	shalt  }
0x67: {  	_ =	shalt  }
0x68: {  	_ =	shalt  }
0x69: {  	_ =	shalt  }
0x6a: {  	_ =	shalt  }
0x6b: {  	_ =	shalt  }
0x6c: {  	_ =	shalt  }
0x6d: {  	_ =	shalt  }
0x6e: {  	_ =	shalt  }
0x6f: {  	_ =	shalt  }
0x70: {  	_ =	shalt  }
0x71: {  	_ =	shalt  }
0x72: {  	_ =	shalt  }
0x73: {  	_ =	shalt  }
0x74: {  	_ =	shalt  }
0x75: {  	_ =	shalt  }
0x76: {  	_ =	shalt  }
0x77: {  	_ =	shalt  }
0x78: {  	_ =	shalt  }
0x79: {  	_ =	shalt  }
0x7a: {  	_ =	shalt  }
0x7b: {  	_ =	shalt  }
0x7c: {  	_ =	shalt  }
0x7d: {  	_ =	shalt  }
0x7e: {  	_ =	shalt  }
0x7f: {  	_ =	shalt  }
0x80: {  	_ =	shalt  }
0x81: {  	_ =	shalt  }
0x82: {  	_ =	shalt  }
0x83: {  	_ =	shalt  }
0x84: {  	_ =	shalt  }
0x85: {  	_ =	shalt  }
0x86: {  	_ =	shalt  }
0x87: {  	_ =	shalt  }
.Lfunc_end0:
.L_simem_size_0:
called_computation.2_lowered:
.L_overlay_start_0:
0x88: {  	s2 =	sld [smem:$0x3FD9]  }
0x89: {  	s3 =	sld [smem:$0x3FFE];
	_ =	sdelay $0x1  }
0x8a: {  	s1 =	srdreg.scid  }
0x8b: {  	s0 =	sand.u32 $0x1, s1  }
0x8c: {  	s14 =	sshll.u32 s0, $0xA;
	s2 =	sadd.s32 s3, s2  }
0x8d: {  	s2 =	sadd.s32 s2, s14  }
0x8e: {  	[smem:$0x3FA5] =	sst s2  }
0x8f: {  	_ = 	snop  }
0x90: {  	s2 =	sld [smem:$0x3FD0];
	_ =	sdelay $0x2  }
0x91: {  	s15 =	simm.s32 $0xA;
	s4 =	simm.s32 $0x10  }
0x92: {  	[smem:s4], [sflag:s15] =	dma.local [hbm:s2], $0x1  }
0x93: {  	_ =	swait.eq [sflag:s15], $0x1  }
0x94: {  	[sflag:s15] =	ssyncset.done $0x0  }
0x95: {  	[sflag:s15] =	ssyncadd.s32 $0xFFFFFFFF  }
0x96: {  	s16 =	sld [smem:$0x11];
	(tm) =	ssettm $0x1  }
0x97: {  	s17 =	sld [smem:$0x3FFB];
	_ =	sdelay $0x3  }
0x98: {  	_ =	strace s17  }
0x99: {  	s3 =	sld [smem:$0x3FFC];
	_ =	sdelay $0x3  }
0x9a: {  	_ =	strace s3  }
0x9b: {  	s3 =	sld [smem:$0x3FFD];
	_ =	sdelay $0x3  }
0x9c: {  	_ =	strace s3  }
0x9d: {  	_ =	strace $0x8FFFFFFF  }
0x9e: {  	s18 =	sld [smem:$0x3FDB];
	_ =	sdelay $0x1  }
0x9f: {  	s19 =	simm.s32 $_scs_section_size  }
0xa0: {  	s5 =	simm.s32 $_size__tile_overlayer_lowered;
	s6 =	simm.s32 $_tile_overlayer_lowered  }
0xa1: {  	s22 =	simm.s32 $0x1BFF;
	s21 =	sshll.u32 s6, $0x1;
	s3 =	sadd.s32 s19, s18  }
0xa2: {  	s7 =	simm.s32 $0x0;
	s20 =	sshll.u32 s5, $0x1;
	s5 =	sadd.s32 s21, s3  }
0xa3: {  	[timem:s7], [sflag:s22] =	dma.local [hbm:s5], s20  }
0xa4: {  	_ =	swait.ge [sflag:s22], s20  }
0xa5: {  	s4 =	ssub.s32 $0x0, s20;
	[sflag:s22] =	ssyncset.done $0x0  }
0xa6: {  	[sflag:s22] =	ssyncadd.s32 s4;
	_ =	sdelay $0x1  }
0xa7: {  	s23 =	simm.s32 $0x1B8B  }
0xa8: {  	_ =	swait.ge [sflag:s23], $0x1  }
0xa9: {  	[sflag:s23] =	ssyncset.done $0x0  }
0xaa: {  	s25 =	simm.s32 $0x1B8E;
	s24 =	sld [smem:$0x3FFE];
	[sflag:s23] =	ssyncadd.s32 $0xFFFFFFFF  }
0xab: {  	s26 =	simm.s32 $execute0_lowered;
	[smem:$0x3FD2] =	sst s25  }
0xac: {  	s5 =	sshll.u32 s26, $0x1;
	_ =	strace $0x8000004C;
	[dreg:$0x1] =	wrdreg $0xFFFFFFFF  }
0xad: {  	s28 =	simm.s32 $_size_execute0_lowered;
	s3 =	sadd.s32 s3, s5;
	[dreg:$0x0] =	wrdreg $0x0  }
0xae: {  	s5 =	sshll.u32 s28, $0x1;
	[dreg:$0x2] =	wrdreg s3  }
0xaf: {  	[dreg:$0x3] =	wrdreg s5  }
0xb0: {  	[dreg:$0x4] =	wrdreg $0xC0  }
0xb1: {  	_ =	task [dreg:s7], $0x5FFFF  }
0xb2: {  	[dreg:$0x1] =	wrdreg $0xFFFFFFFF  }
0xb3: {  	[dreg:$0x0] =	wrdreg $0x60  }
0xb4: {  	[dreg:$0x2] =	wrdreg s16  }
0xb5: {  	[dreg:$0x3] =	wrdreg s24  }
0xb6: {  	[dreg:$0x4] =	wrdreg $0x9  }
0xb7: {  	_ =	task.clear_ibuf [dreg:s7], $0x5FFFF;
	_ =	strace $0x9000004C  }
0xb8: {  	s29 =	simm.s32 $0x9;
	_ =	strace $0x8000004E  }
0xb9: {  	_ =	swait.ge [sflag:s29], $0x1  }
0xba: {  	[sflag:s29] =	ssyncadd.s32 $0xFFFFFFFF  }
0xbb: {  	_ =	strace $0x9000004E  }
0xbc: {  	_ =	sfence  }
0xbd: {  	s30 =	sld [smem:$0x0];
	_ =	sdelay $0x2  }
0xbe: {  	s31 =	sshll.u32 s1, $0xD;
	s1 =	sshrl.u32 s1, $0x2  }
0xbf: {  	s3 =	sand.u32 $0x4000, s31;
	s1 =	sadd.s32 s1, s30  }
0xc0: {  	s0 =	sor.u32 s3, s0;
	s1 =	sshll.u32 s1, $0x11  }
0xc1: {  	s0 =	sor.u32 s1, s0  }
0xc2: {  	s0 =	sadd.s32 $0x8F2B, s0  }
0xc3: {  	[sflag:s0] =	ssyncadd.remote.s32 $0x1  }
0xc4: {  	_ =	sfence.sel $0xFFFF  }
0xc5: {  	[dreg:$0x0] =	wrdreg $0xFFFFFFFF;
	(pc) =	sbr.abs _section_cstart, $3  }
0xc6: {  	[dreg:$0x1] =	wrdreg $0xFFFFFFFF  }
0xc7: {  	_ =	task.clear_ibuf [dreg:s7], $0x2FFFF;
	_ =	strace $0x9FFFFFFF  }
0xc8: {  	(tm) =	ssettm $0x7FFFFFFF  }
0xc9: {  	_ =	shalt  }
tec
execute0_lowered:
.L_overlay_start_1:
0x0: {  	(tag) =	ssettag $0x1  }
0x1: {  	s1 =	rddreg [dreg:$0x0]  }
0x2: {  	s5 =	rddreg [dreg:$0x1]  }
0x3: {  	s2 =	srdreg.scid;
	s0 =	rddreg [dreg:$0x2]  }
0x4: {  	s3 =	simm.s32 $0x0;
	s11 =	simm.s32 $0xA800;
	s12 =	simm.s32 $0xE800  }
0x5: {  	s13 =	simm.s32 $0x1;
	s14 =	simm.s32 $0x2;
	s4 =	sand.u32 $0x1, s2  }
0x6: {  	s15 =	simm.s32 $0x0;
	s2 =	stileid.u32;
	s7 =	smul.u32 $0x1400000, s4  }
0x7: {  	[smem:$0x7FF] =	sst s3;
	s6 =	sshll.u32 s4, $0x4;
	s28 =	smul.u32 $0x140000, s2  }
0x8: {  	_ =	strace $0x8000004D;
	s4 =	ssub.s32 $0x2, s4;
	s8 =	sor.u32 s2, s6  }
0x9: {  	s30 =	sshrl.u32 s4, $0x1;
	s9 =	smul.u32 $0x500, s8;
	s6 =	sadd.s32 s28, s7  }
0xa: {  	s31 =	ssub.s32 s4, s30;
	p0 =	seq.s32 s8, $0x1F;
	s6 =	sshrl.u32 s6, $0x3  }
0xb: {  	s8 =	simm.s32 $0x80;
	s29 =	sadd.s32 s9, s5;
	s10 =	sadd.s32 s6, s5  }
0xc: {  	s5 =	sadd.s32 $0x14700, s5;
	s6 =	smax.u32 s31, $0x1;
	s9 =	simm.s32 $0x2800  }
0xd: {  	s4 =	sadd.s32 $0xAC00, s29;
	s7 =	sadd.s32 $0x1E800, s10;
	s10 =	simm.s32 $0x6800  }
.LBB2_1:
0xe: {  	s16 =	simm.s32 @p0 $0x0  }
0xf: {  	[tilespmem:s16], [sflag:$0x2] =	stream.linear.gather @p0 [hbm4b:s5+s16], $0xA00, $0x38;
	[tilespmem:$0x12800] =	vst v63  }
0x10: {  	s16 =	simm.s32 @p0 $0x2  }
0x11: {  	s17 =	simm.s32 @!p0 $0x14;
	_ =	swait.ge @p0 [sflag:s16], $0xA00  }
0x12: {  	s17 =	simm.s32 @p0 $0x5;
	[sflag:s16] =	ssyncset.done @p0 $0x0  }
0x13: {  	p2 =	sne.s32 s17, $0x1;
	[sflag:s16] =	ssyncadd.s32 @p0 $0xFFFFF600;
	s16 =	simm.s32 @!p0 $0x0  }
0x14: {  	[tilespmem:s16], [sflag:$0x2] =	stream.linear.gather @!p0 [hbm4b:s4+s16], $0x2800, $0x38;
	[tilespmem:$0x12800] =	vst v63  }
.Ltmp0:
0x15: {  	_ = 	snop;
	(pc) =	sbr.rel @!p2 .LBB2_2-.Ltmp0, $4  }
0x16: {  	s16 =	simm.s32 @!p0 $0x2  }
0x17: {  	_ =	swait.ge @!p0 [sflag:s16], $0x2800  }
0x18: {  	p1 =	por $0x0, $0x0;
	[sflag:s16] =	ssyncset.done @!p0 $0x0  }
0x19: {  	s17 =	sadd.s32 $0xFFFFFFFF, s17;
	[sflag:s16] =	ssyncadd.s32 @!p0 $0xFFFFD800;
	s16 =	simm.s32 $0x180  }
0x1a: {  	s18 =	simm.s32 $0x0  }
0x1b: {  	[tilespmem:s9], [sflag:$0x1] =	stream.indirect.gather [hbm4b:s1+s8], $0x80, s18, s8, $0xb8;
	[tilespmem:$0x12800] =	vst v63  }
0x1c: {  	s30 =	simm.s32 $0x80  }
0x1d: {  	[tilespmem:s10], [sflag:$0x1] =	stream.indirect.gather [hbm4b:s1+s8], $0x80, s30, s8, $0xb8;
	[tilespmem:$0x12800] =	vst v63  }
0x1e: {  	s31 =	simm.s32 $0x100  }
0x1f: {  	[tilespmem:s11], [sflag:$0x1] =	stream.indirect.gather [hbm4b:s1+s8], $0x80, s31, s8, $0xb8;
	[tilespmem:$0x12800] =	vst v63  }
0x20: {  	_ = 	snop  }
0x21: {  	[tilespmem:s12], [sflag:$0x1] =	stream.indirect.gather [hbm4b:s1+s8], $0x80, s16, s8, $0xb8;
	[tilespmem:$0x12800] =	vst v63  }
0x22: {  	_ =	swait.ge [sflag:s13], $0x4000  }
0x23: {  	[sflag:s13] =	ssyncset.done $0x0  }
0x24: {  	[sflag:s13] =	ssyncadd.s32 $0xFFFFC000  }
0x25: {  	_ =	swait.ge [sflag:s13], $0x4000  }
0x26: {  	[sflag:s13] =	ssyncset.done $0x0  }
0x27: {  	[sflag:s13] =	ssyncadd.s32 $0xFFFFC000  }
0x28: {  	_ =	swait.ge [sflag:s13], $0x4000  }
0x29: {  	[sflag:s13] =	ssyncset.done $0x0  }
0x2a: {  	[sflag:s13] =	ssyncadd.s32 $0xFFFFC000  }
0x2b: {  	p2 =	sne.s32 s17, $0x1;
	_ =	swait.ge [sflag:s13], $0x4000  }
.Ltmp1:
0x2c: {  	[sflag:s13] =	ssyncset.done $0x0;
	(pc) =	sbr.rel @!p2 .LBB2_4-.Ltmp1, $4  }
0x2d: {  	[sflag:s13] =	ssyncadd.s32 $0xFFFFC000  }
0x2e: {  	[hbm4b:s7+s3] =	stream.linear.scatter [tilespmem:s9], [sflag:$0x2], $0x10000, $0x38;
	[tilespmem:$0x12800] =	vst v63  }
0x2f: {  	p1 =	por $0x1, $0x1;
	s18 =	sadd.s32 $0xFFFFFFFF, s17;
	_ =	swait.ge [sflag:s14], $0x10000  }
0x30: {  	s17 =	smov.u32 s7;
	s16 =	simm.s32 $0x380;
	[sflag:s14] =	ssyncset.done $0x0  }
.LBB2_5:
0x31: {  	s19 =	sadd.s32 $0xFFFFFE80, s16;
	[sflag:s14] =	ssyncadd.s32 $0xFFFF0000;
	s17 =	sadd.s32 $0x2000, s17  }
0x32: {  	[tilespmem:s9], [sflag:$0x1] =	stream.indirect.gather [hbm4b:s1+s8], $0x80, s19, s8, $0xb8;
	[tilespmem:$0x12800] =	vst v63  }
0x33: {  	p2 =	sne.s32 s18, $0x1;
	s18 =	sadd.s32 $0xFFFFFFFF, s18;
	s19 =	sadd.s32 $0xFFFFFF00, s16  }
0x34: {  	[tilespmem:s10], [sflag:$0x1] =	stream.indirect.gather [hbm4b:s1+s8], $0x80, s19, s8, $0xb8;
	[tilespmem:$0x12800] =	vst v63  }
0x35: {  	s19 =	sadd.s32 $0xFFFFFF80, s16  }
0x36: {  	[tilespmem:s11], [sflag:$0x1] =	stream.indirect.gather [hbm4b:s1+s8], $0x80, s19, s8, $0xb8;
	[tilespmem:$0x12800] =	vst v63  }
0x37: {  	_ = 	snop  }
0x38: {  	[tilespmem:s12], [sflag:$0x1] =	stream.indirect.gather [hbm4b:s1+s8], $0x80, s16, s8, $0xb8;
	[tilespmem:$0x12800] =	vst v63  }
0x39: {  	_ =	swait.ge [sflag:s13], $0x4000  }
0x3a: {  	[sflag:s13] =	ssyncset.done $0x0  }
0x3b: {  	[sflag:s13] =	ssyncadd.s32 $0xFFFFC000  }
0x3c: {  	_ =	swait.ge [sflag:s13], $0x4000  }
0x3d: {  	[sflag:s13] =	ssyncset.done $0x0  }
0x3e: {  	[sflag:s13] =	ssyncadd.s32 $0xFFFFC000  }
0x3f: {  	_ =	swait.ge [sflag:s13], $0x4000  }
0x40: {  	[sflag:s13] =	ssyncset.done $0x0  }
0x41: {  	[sflag:s13] =	ssyncadd.s32 $0xFFFFC000  }
0x42: {  	_ =	swait.ge [sflag:s13], $0x4000  }
.Ltmp2:
0x43: {  	[sflag:s13] =	ssyncset.done $0x0;
	(pc) =	sbr.rel @p2 .LBB2_5-.Ltmp2, $4  }
0x44: {  	[sflag:s13] =	ssyncadd.s32 $0xFFFFC000  }
0x45: {  	[hbm4b:s17+s3] =	stream.linear.scatter [tilespmem:s9], [sflag:$0x2], $0x10000, $0x38;
	[tilespmem:$0x12800] =	vst v63  }
0x46: {  	_ =	swait.ge [sflag:s14], $0x10000  }
0x47: {  	s16 =	sadd.s32 $0x200, s16;
	[sflag:s14] =	ssyncset.done $0x0  }
.LBB2_6:
0x48: {  	s18 =	sadd.s32 $0xFFFFFE80, s16;
	[sflag:s14] =	ssyncadd.s32 @p1 $0xFFFF0000  }
0x49: {  	[tilespmem:s9], [sflag:$0x1] =	stream.indirect.gather [hbm4b:s1+s8], $0x80, s18, s8, $0xb8;
	[tilespmem:$0x12800] =	vst v63  }
0x4a: {  	s30 =	sadd.s32 $0xFFFFFF00, s16  }
0x4b: {  	[tilespmem:s10], [sflag:$0x1] =	stream.indirect.gather [hbm4b:s1+s8], $0x80, s30, s8, $0xb8;
	[tilespmem:$0x12800] =	vst v63  }
0x4c: {  	s31 =	sadd.s32 $0xFFFFFF80, s16  }
0x4d: {  	[tilespmem:s11], [sflag:$0x1] =	stream.indirect.gather [hbm4b:s1+s8], $0x80, s31, s8, $0xb8;
	[tilespmem:$0x12800] =	vst v63  }
0x4e: {  	_ = 	snop  }
0x4f: {  	[tilespmem:s12], [sflag:$0x1] =	stream.indirect.gather [hbm4b:s1+s8], $0x80, s16, s8, $0xb8;
	[tilespmem:$0x12800] =	vst v63  }
0x50: {  	_ =	swait.ge [sflag:s13], $0x4000  }
0x51: {  	[sflag:s13] =	ssyncset.done $0x0  }
0x52: {  	[sflag:s13] =	ssyncadd.s32 $0xFFFFC000  }
0x53: {  	_ =	swait.ge [sflag:s13], $0x4000  }
0x54: {  	[sflag:s13] =	ssyncset.done $0x0  }
0x55: {  	[sflag:s13] =	ssyncadd.s32 $0xFFFFC000  }
0x56: {  	_ =	swait.ge [sflag:s13], $0x4000  }
0x57: {  	[sflag:s13] =	ssyncset.done $0x0  }
0x58: {  	[sflag:s13] =	ssyncadd.s32 $0xFFFFC000  }
0x59: {  	s15 =	sadd.s32 $0x1, s15;
	_ =	swait.ge [sflag:s13], $0x4000  }
0x5a: {  	s16 =	sadd.s32 @p1 $0x2000, s17;
	s17 =	smov.u32 s7;
	[sflag:s13] =	ssyncset.done $0x0  }
0x5b: {  	s17 =	smov.u32 @p1 s16;
	p1 =	sne.s32 s15, s6;
	[sflag:s13] =	ssyncadd.s32 $0xFFFFC000  }
0x5c: {  	[hbm4b:s17+s3] =	stream.linear.scatter [tilespmem:s9], [sflag:$0x2], $0x10000, $0x38;
	[tilespmem:$0x12800] =	vst v63  }
.Ltmp3:
0x5d: {  	_ = 	snop;
	(pc) =	sbr.rel @p1 .LBB2_1-.Ltmp3, $4  }
.Ltmp4:
0x5e: {  	_ = 	snop;
	(pc) =	sbr.rel @!p1 .LBB2_7-.Ltmp4, $4  }
0x5f: {  	_ =	swait.ge [sflag:s14], $0x10000  }
0x60: {  	[sflag:s14] =	ssyncset.done $0x0  }
0x61: {  	[sflag:s14] =	ssyncadd.s32 $0xFFFF0000  }
0x62: {  	_ = 	snop  }
.LBB2_2:
.Ltmp5:
0x63: {  	(pc) =	sbr.rel .LBB2_6-.Ltmp5, $2  }
0x64: {  	_ =	sdelay $0x2  }
0x65: {  	s17 =	smov.u32 s7  }
.LBB2_4:
.Ltmp6:
0x66: {  	(pc) =	sbr.rel .LBB2_6-.Ltmp6, $2  }
0x67: {  	_ =	sdelay $0x2  }
0x68: {  	s17 =	smov.u32 s7  }
.LBB2_7:
0x69: {  	_ =	sfence.sel $0x180000  }
0x6a: {  	[bflag:$0x0] =	sbarrier.arrive $0xFFFF  }
0x6b: {  	p0 =	sne.s32 s2, $0x0;
	_ =	strace $0x9000004D  }
0x6c: {  	s0 =	sadd.s32 @!p0 $0x100000, s0;
	[bflag:$0x2] =	sbarrier.arrive $0xFFFF  }
0x6d: {  	[sflag:s0] =	ssyncadd.tile.s32 @!p0 $0x1;
	_ =	shalt  }
.Lfunc_end2:
_tile_overlayer_lowered:
.L_overlay_start_2:
0x6e: {  	(tag) =	ssettag $0x2  }
0x6f: {  	s0 =	rddreg [dreg:$0x0];
	s2 =	stileid.u32  }
0x70: {  	s1 =	rddreg [dreg:$0x1];
	p0 =	sne.s32 s2, $0x0  }
0x71: {  	s3 =	rddreg [dreg:$0x2];
	[bflag:$0x3] =	sbarrier.arrive $0xFFFF;
	s2 =	simm.s32 @!p0 $0x1C02  }
0x72: {  	[timem:s3], [sflag:s2] =	dma.local @!p0 [hbm:s0], s1  }
0x73: {  	s0 =	simm.s32 @!p0 $0x2  }
0x74: {  	_ =	swait.ge @!p0 [sflag:s0], s1  }
0x75: {  	s1 =	ssub.s32 @!p0 $0x0, s1;
	[sflag:s0] =	ssyncset.done @!p0 $0x0  }
0x76: {  	[sflag:s0] =	ssyncadd.s32 @!p0 s1  }
0x77: {  	[bflag:$0x3] =	sbarrier.arrive $0xFFFF  }
0x78: {  	_ =	shalt  }

// kernel: kernel.26.cloned.1.call-start
scs
__scs_entry_jumppad:
0x0: {  	(pc) =	sbr.rel $0x88, $3  }
0x1: {  	(tag) =	ssettag $0x0;
	lr =	simm.s32 $0x1  }
0x2: {  	[smem:$0x3F7E] =	sst lr;
	_ =	strace $0xD0000000  }
0x3: {  	_ = 	snop  }
0x4: {  	_ = 	snop  }
0x5: {  	_ = 	snop  }
0x6: {  	_ = 	snop  }
0x7: {  	_ = 	snop  }
__scs_overlays_trampoline_lowered:
0x8: {  	[smem:$0x3F8D] =	sst s0  }
0x9: {  	[smem:$0x3F8E] =	sst s1  }
0xa: {  	[smem:$0x3F8F] =	sst s2  }
0xb: {  	[smem:$0x3F90] =	sst s3  }
0xc: {  	[smem:$0x3F91] =	sst s4  }
0xd: {  	[smem:$0x3F92] =	sst s5  }
0xe: {  	[smem:$0x3F93] =	sst s6  }
0xf: {  	[smem:$0x3F94] =	sst s7  }
0x10: {  	[smem:$0x3F95] =	sst s8  }
0x11: {  	[smem:$0x3F96] =	sst s9;
	s0 =	simm.s32 @!p0 $0x0  }
0x12: {  	s1 =	sld [smem:$0x3F7C];
	s0 =	simm.s32 @p0 $0x1  }
0x13: {  	[smem:$0x3F97] =	sst s0;
	s0 =	simm.s32 @!p1 $0x0  }
0x14: {  	s2 =	sld [smem:$0x3F7B];
	s0 =	simm.s32 @p1 $0x1  }
0x15: {  	[smem:$0x3F98] =	sst s0;
	s0 =	simm.s32 @!p2 $0x0  }
0x16: {  	s3 =	sld [smem:$0x3FDB];
	s0 =	simm.s32 @p2 $0x1  }
0x17: {  	s4 =	simm.s32 $0x1BF5;
	[smem:$0x3F9A] =	sst s0  }
0x18: {  	s0 =	sld [smem:$0x3F7D];
	_ =	swait.ge [sflag:s4], $0x0  }
0x19: {  	s7 =	sld [smem:$0x3F7E]  }
0x1a: {  	s8 =	sadd.s32 $0xFFFFE003, lr  }
0x1b: {  	s9 =	sadd.s32 $0xFFFFFEF7, lr;
	s5 =	simm.s32 $0xFFFFFFFF;
	p2 =	slt.u32 s8, $0xFFFFF086  }
0x1c: {  	p1 =	slt.u32 s9, $0xF7A;
	s5 =	simm.s32 @!p2 $0x0  }
0x1d: {  	s5 =	simm.s32 @p1 $0x1;
	p0 =	seq.s32 s7, s2  }
0x1e: {  	s7 =	smul.u32 @!p0 $0xF7A, s2;
	p2 =	seq.s32 @!p0 s5, $0x0  }
0x1f: {  	s9 =	smul.u32 $0xF7A, s1;
	s8 =	simm.s32 @!p0 $0x1BF5;
	p2 =	por !p2, p0  }
0x20: {  	[sflag:s8] =	ssyncset.s32 @!p0 $0xFFFFF086;
	s6 =	sadd.s32 @!p0 s3, s7;
	s7 =	simm.s32 @!p0 $0x108  }
0x21: {  	s3 =	sadd.s32 s3, s9;
	s6 =	sadd.s32 @!p0 $0x88, s6;
	s7 =	simm.s32 @p2 $0x1082  }
0x22: {  	[simem:s7], [sflag:s8] =	dma.local @!p0 [hbm:s6], $0xF7A  }
0x23: {  	s9 =	sor.u32 $0xD0000000, s2;
	s6 =	simm.s32 $0x108;
	_ =	swait.ge @!p0 [sflag:s8], $0x0  }
0x24: {  	s3 =	sadd.s32 $0x88, s3;
	s6 =	simm.s32 @!p1 $0x1082;
	[sflag:s4] =	ssyncset.s32 $0xFFFFF086  }
0x25: {  	[simem:s6], [sflag:s4] =	dma.local [hbm:s3], $0xF7A  }
0x26: {  	[smem:$0x3F7E] =	sst s1;
	(tag) =	ssettag s2;
	_ =	strace s9  }
0x27: {  	s1 =	sld [smem:$0x3F8E]  }
0x28: {  	s2 =	sld [smem:$0x3F8F]  }
0x29: {  	s4 =	sld [smem:$0x3F91]  }
0x2a: {  	p0 =	seq.s32 s5, $0x0;
	s5 =	sld [smem:$0x3F92]  }
0x2b: {  	s6 =	sld [smem:$0x3F93]  }
0x2c: {  	s7 =	sld [smem:$0x3F94]  }
0x2d: {  	s3 =	simm.s32 $0x108;
	s8 =	sld [smem:$0x3F95]  }
0x2e: {  	s3 =	simm.s32 @!p0 $0x1082;
	s9 =	sld [smem:$0x3F96]  }
0x2f: {  	lr =	sadd.s32 s0, s3;
	s0 =	sld [smem:$0x3F8D]  }
0x30: {  	s3 =	sld [smem:$0x3F90]  }
0x31: {  	[smem:$0x3F99] =	sst s10  }
0x32: {  	s10 =	sld [smem:$0x3F97];
	_ =	sdelay $0x3  }
0x33: {  	p0 =	seq.s32 s10, $0x1;
	s10 =	sld [smem:$0x3F99];
	_ =	sdelay $0x3  }
0x34: {  	[smem:$0x3F99] =	sst s10  }
0x35: {  	s10 =	sld [smem:$0x3F98];
	_ =	sdelay $0x3  }
0x36: {  	p1 =	seq.s32 s10, $0x1;
	s10 =	sld [smem:$0x3F99];
	_ =	sdelay $0x3  }
0x37: {  	[smem:$0x3F99] =	sst s10  }
0x38: {  	s10 =	sld [smem:$0x3F9A]  }
0x39: {  	_ = 	snop;
	(pc) =	sbr.ind lr, $3  }
0x3a: {  	_ = 	snop  }
0x3b: {  	_ = 	snop  }
0x3c: {  	p2 =	seq.s32 s10, $0x1;
	s10 =	sld [smem:$0x3F99]  }
0x3d: {  	_ =	shalt  }
0x3e: {  	_ =	shalt  }
0x3f: {  	_ =	shalt  }
0x40: {  	_ =	shalt  }
0x41: {  	_ =	shalt  }
0x42: {  	_ =	shalt  }
0x43: {  	_ =	shalt  }
0x44: {  	_ =	shalt  }
0x45: {  	_ =	shalt  }
0x46: {  	_ =	shalt  }
0x47: {  	_ =	shalt  }
0x48: {  	_ =	shalt  }
0x49: {  	_ =	shalt  }
0x4a: {  	_ =	shalt  }
0x4b: {  	_ =	shalt  }
0x4c: {  	_ =	shalt  }
0x4d: {  	_ =	shalt  }
0x4e: {  	_ =	shalt  }
0x4f: {  	_ =	shalt  }
0x50: {  	_ =	shalt  }
0x51: {  	_ =	shalt  }
0x52: {  	_ =	shalt  }
0x53: {  	_ =	shalt  }
0x54: {  	_ =	shalt  }
0x55: {  	_ =	shalt  }
0x56: {  	_ =	shalt  }
0x57: {  	_ =	shalt  }
0x58: {  	_ =	shalt  }
0x59: {  	_ =	shalt  }
0x5a: {  	_ =	shalt  }
0x5b: {  	_ =	shalt  }
0x5c: {  	_ =	shalt  }
0x5d: {  	_ =	shalt  }
0x5e: {  	_ =	shalt  }
0x5f: {  	_ =	shalt  }
0x60: {  	_ =	shalt  }
0x61: {  	_ =	shalt  }
0x62: {  	_ =	shalt  }
0x63: {  	_ =	shalt  }
0x64: {  	_ =	shalt  }
0x65: {  	_ =	shalt  }
0x66: {  	_ =	shalt  }
0x67: {  	_ =	shalt  }
0x68: {  	_ =	shalt  }
0x69: {  	_ =	shalt  }
0x6a: {  	_ =	shalt  }
0x6b: {  	_ =	shalt  }
0x6c: {  	_ =	shalt  }
0x6d: {  	_ =	shalt  }
0x6e: {  	_ =	shalt  }
0x6f: {  	_ =	shalt  }
0x70: {  	_ =	shalt  }
0x71: {  	_ =	shalt  }
0x72: {  	_ =	shalt  }
0x73: {  	_ =	shalt  }
0x74: {  	_ =	shalt  }
0x75: {  	_ =	shalt  }
0x76: {  	_ =	shalt  }
0x77: {  	_ =	shalt  }
0x78: {  	_ =	shalt  }
0x79: {  	_ =	shalt  }
0x7a: {  	_ =	shalt  }
0x7b: {  	_ =	shalt  }
0x7c: {  	_ =	shalt  }
0x7d: {  	_ =	shalt  }
0x7e: {  	_ =	shalt  }
0x7f: {  	_ =	shalt  }
0x80: {  	_ =	shalt  }
0x81: {  	_ =	shalt  }
0x82: {  	_ =	shalt  }
0x83: {  	_ =	shalt  }
0x84: {  	_ =	shalt  }
0x85: {  	_ =	shalt  }
0x86: {  	_ =	shalt  }
0x87: {  	_ =	shalt  }
.Lfunc_end0:
.L_simem_size_0:
called_computation.3_lowered:
.L_overlay_start_0:
0x88: {  	s2 =	sld [smem:$0x3FD9]  }
0x89: {  	s3 =	sld [smem:$0x3FFE];
	_ =	sdelay $0x1  }
0x8a: {  	s1 =	srdreg.scid  }
0x8b: {  	s0 =	sand.u32 $0x1, s1  }
0x8c: {  	s16 =	sshll.u32 s0, $0xA;
	s2 =	sadd.s32 s3, s2  }
0x8d: {  	s2 =	sadd.s32 s2, s16  }
0x8e: {  	[smem:$0x3FA5] =	sst s2  }
0x8f: {  	_ = 	snop  }
0x90: {  	(tm) =	ssettm $0x1  }
0x91: {  	s17 =	sld [smem:$0x3FFB];
	_ =	sdelay $0x3  }
0x92: {  	_ =	strace s17  }
0x93: {  	s2 =	sld [smem:$0x3FFC];
	_ =	sdelay $0x3  }
0x94: {  	_ =	strace s2  }
0x95: {  	s2 =	sld [smem:$0x3FFD];
	_ =	sdelay $0x3  }
0x96: {  	_ =	strace s2  }
0x97: {  	_ =	strace $0x8FFFFFFF  }
0x98: {  	s18 =	sld [smem:$0x3FDB];
	_ =	sdelay $0x1  }
0x99: {  	s19 =	simm.s32 $_scs_section_size  }
0x9a: {  	s4 =	simm.s32 $_size__tile_overlayer_lowered;
	s5 =	simm.s32 $_tile_overlayer_lowered  }
0x9b: {  	s22 =	simm.s32 $0x1BFF;
	s21 =	sshll.u32 s5, $0x1;
	s2 =	sadd.s32 s19, s18  }
0x9c: {  	s6 =	simm.s32 $0x0;
	s20 =	sshll.u32 s4, $0x1;
	s4 =	sadd.s32 s21, s2  }
0x9d: {  	[timem:s6], [sflag:s22] =	dma.local [hbm:s4], s20  }
0x9e: {  	_ =	swait.ge [sflag:s22], s20  }
0x9f: {  	s3 =	ssub.s32 $0x0, s20;
	[sflag:s22] =	ssyncset.done $0x0  }
0xa0: {  	[sflag:s22] =	ssyncadd.s32 s3;
	_ =	sdelay $0x1  }
0xa1: {  	s23 =	simm.s32 $0x1B8B  }
0xa2: {  	_ =	swait.ge [sflag:s23], $0x1  }
0xa3: {  	[sflag:s23] =	ssyncset.done $0x0  }
0xa4: {  	s25 =	simm.s32 $0x1B8E;
	s24 =	sld [smem:$0x3FFE];
	[sflag:s23] =	ssyncadd.s32 $0xFFFFFFFF  }
0xa5: {  	s26 =	simm.s32 $execute0_lowered;
	[smem:$0x3FD2] =	sst s25  }
0xa6: {  	s4 =	sshll.u32 s26, $0x1;
	_ =	strace $0x8000004F;
	[dreg:$0x1] =	wrdreg $0xFFFFFFFF  }
0xa7: {  	s28 =	simm.s32 $_size_execute0_lowered;
	s2 =	sadd.s32 s2, s4;
	[dreg:$0x0] =	wrdreg $0x0  }
0xa8: {  	s4 =	sshll.u32 s28, $0x1;
	[dreg:$0x2] =	wrdreg s2  }
0xa9: {  	[dreg:$0x3] =	wrdreg s4  }
0xaa: {  	[dreg:$0x4] =	wrdreg $0xC0  }
0xab: {  	_ =	task [dreg:s6], $0x5FFFF  }
0xac: {  	[dreg:$0x1] =	wrdreg $0xFFFFFFFF  }
0xad: {  	[dreg:$0x0] =	wrdreg $0x60  }
0xae: {  	[dreg:$0x2] =	wrdreg s24  }
0xaf: {  	[dreg:$0x3] =	wrdreg $0x0  }
0xb0: {  	[dreg:$0x4] =	wrdreg $0x9  }
0xb1: {  	_ =	task.clear_ibuf [dreg:s6], $0x5FFFF;
	_ =	strace $0x9000004F  }
0xb2: {  	s29 =	simm.s32 $0x9;
	_ =	strace $0x80000051  }
0xb3: {  	_ =	swait.ge [sflag:s29], $0x1  }
0xb4: {  	[sflag:s29] =	ssyncadd.s32 $0xFFFFFFFF  }
0xb5: {  	_ =	strace $0x90000051  }
0xb6: {  	_ =	sfence  }
0xb7: {  	s30 =	sld [smem:$0x0];
	_ =	sdelay $0x2  }
0xb8: {  	s31 =	sshll.u32 s1, $0xD;
	s1 =	sshrl.u32 s1, $0x2  }
0xb9: {  	s3 =	sand.u32 $0x4000, s31;
	s1 =	sadd.s32 s1, s30  }
0xba: {  	s0 =	sor.u32 s3, s0;
	s1 =	sshll.u32 s1, $0x11  }
0xbb: {  	s0 =	sor.u32 s1, s0  }
0xbc: {  	s0 =	sadd.s32 $0x8F2B, s0  }
0xbd: {  	[sflag:s0] =	ssyncadd.remote.s32 $0x1  }
0xbe: {  	_ =	sfence.sel $0xFFFF  }
0xbf: {  	[dreg:$0x0] =	wrdreg $0xFFFFFFFF;
	(pc) =	sbr.abs _section_cstart, $3  }
0xc0: {  	[dreg:$0x1] =	wrdreg $0xFFFFFFFF  }
0xc1: {  	_ =	task.clear_ibuf [dreg:s6], $0x2FFFF;
	_ =	strace $0x9FFFFFFF  }
0xc2: {  	(tm) =	ssettm $0x7FFFFFFF  }
0xc3: {  	_ =	shalt  }
tec
execute0_lowered:
.L_overlay_start_1:
0x0: {  	(tag) =	ssettag $0x1  }
0x1: {  	s0 =	srdreg.scid  }
0x2: {  	s8 =	rddreg [dreg:$0x0];
	s5 =	sand.u32 $0x1, s0  }
0x3: {  	s0 =	stileid.u32;
	s4 =	smul.u32 $0x1400000, s5  }
0x4: {  	s2 =	rddreg [dreg:$0x1];
	s6 =	smul.u32 $0x140000, s0  }
0x5: {  	s1 =	rddreg [dreg:$0x2];
	s18 =	simm.s32 $0x1A080;
	s9 =	smul.u32 $0x2700, s0  }
0x6: {  	s19 =	simm.s32 $0x0;
	s11 =	sadd.s32 $0x52A200, s8;
	s26 =	smul.u32 $0x4E000, s0  }
0x7: {  	s17 =	sadd.s32 $0x138000, s2;
	s3 =	sshll.u32 s5, $0x4;
	s29 =	smul.u32 $0x27100, s5  }
0x8: {  	s10 =	ssub.s32 $0x2, s5;
	s30 =	sshll.u32 s0, $0x6;
	s15 =	smul.u32 $0x138800, s5  }
0x9: {  	p0 =	sne.s32 s0, $0xF;
	s16 =	sor.u32 s0, s3;
	s3 =	simm.s32 $0x0  }
0xa: {  	s13 =	sshrl.u32 s10, $0x1;
	s5 =	sor.u32 $0x1C01, s30;
	s4 =	sadd.s32 s6, s4  }
0xb: {  	s25 =	smul.u32 $0x500, s16;
	[smem:$0x7FF] =	sst s3;
	s28 =	sadd.s32 s9, s8  }
0xc: {  	s13 =	ssub.s32 s10, s13;
	s6 =	sadd.s32 $0x52A000, s8;
	s9 =	sadd.s32 s9, s29  }
0xd: {  	s31 =	sshrl.u32 s15, $0x3;
	s15 =	sshrl.u32 @!p0 s17, $0x3;
	p1 =	seq.s32 s16, $0x1F  }
0xe: {  	s16 =	simm.s32 $0x16080;
	s17 =	simm.s32 $0x80;
	s4 =	sshrl.u32 s4, $0x3  }
0xf: {  	_ =	strace $0x80000050;
	s9 =	sadd.s32 s11, s9;
	s10 =	sadd.s32 s11, s31  }
0x10: {  	s11 =	smax.u32 s13, $0x1;
	s12 =	sadd.s32 s4, s8;
	s7 =	sadd.s32 s25, s8  }
0x11: {  	s4 =	sshrl.u32 s26, $0x2;
	s8 =	sadd.s32 $0x1E500, s8;
	s10 =	sadd.s32 $0x27000, s10  }
0x12: {  	s14 =	sadd.s32 s4, s2;
	s4 =	sadd.s32 $0x503000, s28;
	s7 =	sadd.s32 $0x14A00, s7  }
0x13: {  	s12 =	sadd.s32 $0xEC4800, s12;
	s13 =	sshrl.u32 s14, $0x3;
	s14 =	simm.s32 $0x1  }
.LBB2_1:
0x14: {  	[spmem:s13], [sflag:s5] =	dma.local [hbm:s4], $0x2700  }
0x15: {  	_ =	swait.ge [sflag:s14], $0x2700  }
0x16: {  	[sflag:s14] =	ssyncset.done $0x0  }
0x17: {  	s20 =	simm.s32 @!p0 $0x1;
	[sflag:s14] =	ssyncadd.s32 $0xFFFFD900  }
0x18: {  	[spmem:s15], [sflag:s5] =	dma.local @!p0 [hbm:s6], $0x100  }
0x19: {  	_ =	swait.ge @!p0 [sflag:s20], $0x100  }
0x1a: {  	[sflag:s20] =	ssyncset.done @!p0 $0x0  }
0x1b: {  	[sflag:s20] =	ssyncadd.s32 @!p0 $0xFFFFFF00  }
0x1c: {  	s21 =	simm.s32 @p1 $0x0;
	s22 =	simm.s32 @p1 $0x13880;
	[bflag:$0x0] =	sbarrier.arrive $0xFFFF  }
0x1d: {  	[tilespmem:s22], [sflag:$0x1] =	stream.linear.gather @p1 [hbm4b:s8+s21], $0xA00, $0x38;
	[tilespmem:$0x1E080] =	vst v63  }
0x1e: {  	s21 =	simm.s32 @p1 $0x1  }
0x1f: {  	_ =	swait.ge @p1 [sflag:s21], $0xA00  }
0x20: {  	[sflag:s21] =	ssyncset.done @p1 $0x0  }
0x21: {  	s22 =	simm.s32 @!p1 $0x13880;
	[sflag:s21] =	ssyncadd.s32 @p1 $0xFFFFF600;
	s21 =	simm.s32 @!p1 $0x0  }
0x22: {  	[tilespmem:s22], [sflag:$0x1] =	stream.linear.gather @!p1 [hbm4b:s7+s21], $0x2800, $0x38;
	[tilespmem:$0x1E080] =	vst v63  }
0x23: {  	s21 =	simm.s32 @!p1 $0x1  }
0x24: {  	_ =	swait.ge @!p1 [sflag:s21], $0x2800  }
0x25: {  	[sflag:s21] =	ssyncset.done @!p1 $0x0  }
0x26: {  	[sflag:s21] =	ssyncadd.s32 @!p1 $0xFFFFD800  }
0x27: {  	[tilespmem:s16], [sflag:$0x1] =	stream.linear.gather [hbm4b:s12+s3], $0x8000, $0x38;
	[tilespmem:$0x1E080] =	vst v63  }
0x28: {  	_ =	swait.ge [sflag:s14], $0x8000  }
0x29: {  	s22 =	simm.s32 @!p1 $0x28;
	[sflag:s14] =	ssyncset.done $0x0  }
0x2a: {  	s31 =	simm.s32 $0x13880;
	s22 =	simm.s32 @p1 $0xA;
	[sflag:s14] =	ssyncadd.s32 $0xFFFF8000  }
0x2b: {  	[spmem:s2] =	stream.indirect.scatter.add.f32 [tilespmem:s16], [sflag:$0x1], $0x80, s31, s17, $0xb8;
	[tilespmem:$0x1E080] =	vst v63  }
0x2c: {  	p2 =	sne.s32 s22, $0x1;
	_ =	swait.ge [sflag:s14], $0x4000  }
.Ltmp0:
0x2d: {  	[sflag:s14] =	ssyncset.done $0x0;
	(pc) =	sbr.rel @!p2 .LBB2_3-.Ltmp0, $4  }
0x2e: {  	s21 =	simm.s32 $0x13900;
	[sflag:s14] =	ssyncadd.s32 $0xFFFFC000  }
0x2f: {  	[spmem:s2] =	stream.indirect.scatter.add.f32 [tilespmem:s18], [sflag:$0x1], $0x80, s21, s17, $0xb8;
	[tilespmem:$0x1E080] =	vst v63  }
0x30: {  	_ =	swait.ge [sflag:s14], $0x4000  }
0x31: {  	s23 =	smov.u32 s12;
	s22 =	sadd.s32 $0xFFFFFFFF, s22;
	[sflag:s14] =	ssyncset.done $0x0  }
.LBB2_2:
0x32: {  	[sflag:s14] =	ssyncadd.s32 $0xFFFFC000;
	s23 =	sadd.s32 $0x1000, s23;
	s21 =	sadd.s32 $0x100, s21  }
0x33: {  	[tilespmem:s16], [sflag:$0x1] =	stream.linear.gather [hbm4b:s23+s3], $0x8000, $0x38;
	[tilespmem:$0x1E080] =	vst v63  }
0x34: {  	p2 =	sne.s32 s22, $0x1;
	s22 =	sadd.s32 $0xFFFFFFFF, s22;
	_ =	swait.ge [sflag:s14], $0x8000  }
0x35: {  	[sflag:s14] =	ssyncset.done $0x0  }
0x36: {  	s24 =	sadd.s32 $0xFFFFFF80, s21;
	[sflag:s14] =	ssyncadd.s32 $0xFFFF8000  }
0x37: {  	[spmem:s2] =	stream.indirect.scatter.add.f32 [tilespmem:s16], [sflag:$0x1], $0x80, s24, s17, $0xb8;
	[tilespmem:$0x1E080] =	vst v63  }
0x38: {  	_ =	swait.ge [sflag:s14], $0x4000  }
.Ltmp1:
0x39: {  	[sflag:s14] =	ssyncset.done $0x0;
	(pc) =	sbr.rel @p2 .LBB2_2-.Ltmp1, $4  }
0x3a: {  	[sflag:s14] =	ssyncadd.s32 $0xFFFFC000  }
0x3b: {  	[spmem:s2] =	stream.indirect.scatter.add.f32 [tilespmem:s18], [sflag:$0x1], $0x80, s21, s17, $0xb8;
	[tilespmem:$0x1E080] =	vst v63  }
0x3c: {  	_ =	swait.ge [sflag:s14], $0x4000  }
0x3d: {  	[sflag:s14] =	ssyncset.done $0x0  }
.LBB2_3:
0x3e: {  	[sflag:s14] =	ssyncadd.s32 $0xFFFFC000  }
0x3f: {  	[bflag:$0x0] =	sbarrier.arrive $0xFFFF  }
0x40: {  	[hbm:s9], [sflag:s5] =	dma.local [spmem:s13], $0x2700  }
0x41: {  	s19 =	sadd.s32 $0x1, s19;
	_ =	swait.ge [sflag:s14], $0x2700  }
0x42: {  	p2 =	sne.s32 s19, s11;
	[sflag:s14] =	ssyncset.done $0x0  }
.Ltmp2:
0x43: {  	[sflag:s14] =	ssyncadd.s32 $0xFFFFD900;
	(pc) =	sbr.rel @p2 .LBB2_1-.Ltmp2, $4  }
0x44: {  	[hbm:s10], [sflag:s5] =	dma.local @!p0 [spmem:s15], $0x100  }
0x45: {  	_ =	swait.ge @!p0 [sflag:s20], $0x100  }
0x46: {  	[sflag:s20] =	ssyncset.done @!p0 $0x0  }
0x47: {  	[sflag:s20] =	ssyncadd.s32 @!p0 $0xFFFFFF00  }
0x48: {  	_ =	sfence.sel $0x180000  }
0x49: {  	[bflag:$0x0] =	sbarrier.arrive $0xFFFF  }
0x4a: {  	p0 =	sne.s32 s0, $0x0;
	_ =	strace $0x90000050  }
0x4b: {  	s0 =	sadd.s32 @!p0 $0x100000, s1;
	[bflag:$0x2] =	sbarrier.arrive $0xFFFF  }
0x4c: {  	[sflag:s0] =	ssyncadd.tile.s32 @!p0 $0x1;
	_ =	shalt  }
.Lfunc_end2:
_tile_overlayer_lowered:
.L_overlay_start_2:
0x4d: {  	(tag) =	ssettag $0x2  }
0x4e: {  	s0 =	rddreg [dreg:$0x0];
	s2 =	stileid.u32  }
0x4f: {  	s1 =	rddreg [dreg:$0x1];
	p0 =	sne.s32 s2, $0x0  }
0x50: {  	s3 =	rddreg [dreg:$0x2];
	[bflag:$0x3] =	sbarrier.arrive $0xFFFF;
	s2 =	simm.s32 @!p0 $0x1C01  }
0x51: {  	[timem:s3], [sflag:s2] =	dma.local @!p0 [hbm:s0], s1  }
0x52: {  	s0 =	simm.s32 @!p0 $0x1  }
0x53: {  	_ =	swait.ge @!p0 [sflag:s0], s1  }
0x54: {  	s1 =	ssub.s32 @!p0 $0x0, s1;
	[sflag:s0] =	ssyncset.done @!p0 $0x0  }
0x55: {  	[sflag:s0] =	ssyncadd.s32 @!p0 s1  }
0x56: {  	[bflag:$0x3] =	sbarrier.arrive $0xFFFF  }
0x57: {  	_ =	shalt  }

// kernel: kernel.29.cloned.1.call-start
scs
__scs_entry_jumppad:
0x0: {  	(pc) =	sbr.rel $0x88, $3  }
0x1: {  	(tag) =	ssettag $0x0;
	lr =	simm.s32 $0x1  }
0x2: {  	[smem:$0x3F7E] =	sst lr;
	_ =	strace $0xD0000000  }
0x3: {  	_ = 	snop  }
0x4: {  	_ = 	snop  }
0x5: {  	_ = 	snop  }
0x6: {  	_ = 	snop  }
0x7: {  	_ = 	snop  }
__scs_overlays_trampoline_lowered:
0x8: {  	[smem:$0x3F8D] =	sst s0  }
0x9: {  	[smem:$0x3F8E] =	sst s1  }
0xa: {  	[smem:$0x3F8F] =	sst s2  }
0xb: {  	[smem:$0x3F90] =	sst s3  }
0xc: {  	[smem:$0x3F91] =	sst s4  }
0xd: {  	[smem:$0x3F92] =	sst s5  }
0xe: {  	[smem:$0x3F93] =	sst s6  }
0xf: {  	[smem:$0x3F94] =	sst s7  }
0x10: {  	[smem:$0x3F95] =	sst s8  }
0x11: {  	[smem:$0x3F96] =	sst s9;
	s0 =	simm.s32 @!p0 $0x0  }
0x12: {  	s1 =	sld [smem:$0x3F7C];
	s0 =	simm.s32 @p0 $0x1  }
0x13: {  	[smem:$0x3F97] =	sst s0;
	s0 =	simm.s32 @!p1 $0x0  }
0x14: {  	s2 =	sld [smem:$0x3F7B];
	s0 =	simm.s32 @p1 $0x1  }
0x15: {  	[smem:$0x3F98] =	sst s0;
	s0 =	simm.s32 @!p2 $0x0  }
0x16: {  	s3 =	sld [smem:$0x3FDB];
	s0 =	simm.s32 @p2 $0x1  }
0x17: {  	s4 =	simm.s32 $0x1BF5;
	[smem:$0x3F9A] =	sst s0  }
0x18: {  	s0 =	sld [smem:$0x3F7D];
	_ =	swait.ge [sflag:s4], $0x0  }
0x19: {  	s7 =	sld [smem:$0x3F7E]  }
0x1a: {  	s8 =	sadd.s32 $0xFFFFE003, lr  }
0x1b: {  	s9 =	sadd.s32 $0xFFFFFEF7, lr;
	s5 =	simm.s32 $0xFFFFFFFF;
	p2 =	slt.u32 s8, $0xFFFFF086  }
0x1c: {  	p1 =	slt.u32 s9, $0xF7A;
	s5 =	simm.s32 @!p2 $0x0  }
0x1d: {  	s5 =	simm.s32 @p1 $0x1;
	p0 =	seq.s32 s7, s2  }
0x1e: {  	s7 =	smul.u32 @!p0 $0xF7A, s2;
	p2 =	seq.s32 @!p0 s5, $0x0  }
0x1f: {  	s9 =	smul.u32 $0xF7A, s1;
	s8 =	simm.s32 @!p0 $0x1BF5;
	p2 =	por !p2, p0  }
0x20: {  	[sflag:s8] =	ssyncset.s32 @!p0 $0xFFFFF086;
	s6 =	sadd.s32 @!p0 s3, s7;
	s7 =	simm.s32 @!p0 $0x108  }
0x21: {  	s3 =	sadd.s32 s3, s9;
	s6 =	sadd.s32 @!p0 $0x88, s6;
	s7 =	simm.s32 @p2 $0x1082  }
0x22: {  	[simem:s7], [sflag:s8] =	dma.local @!p0 [hbm:s6], $0xF7A  }
0x23: {  	s9 =	sor.u32 $0xD0000000, s2;
	s6 =	simm.s32 $0x108;
	_ =	swait.ge @!p0 [sflag:s8], $0x0  }
0x24: {  	s3 =	sadd.s32 $0x88, s3;
	s6 =	simm.s32 @!p1 $0x1082;
	[sflag:s4] =	ssyncset.s32 $0xFFFFF086  }
0x25: {  	[simem:s6], [sflag:s4] =	dma.local [hbm:s3], $0xF7A  }
0x26: {  	[smem:$0x3F7E] =	sst s1;
	(tag) =	ssettag s2;
	_ =	strace s9  }
0x27: {  	s1 =	sld [smem:$0x3F8E]  }
0x28: {  	s2 =	sld [smem:$0x3F8F]  }
0x29: {  	s4 =	sld [smem:$0x3F91]  }
0x2a: {  	p0 =	seq.s32 s5, $0x0;
	s5 =	sld [smem:$0x3F92]  }
0x2b: {  	s6 =	sld [smem:$0x3F93]  }
0x2c: {  	s7 =	sld [smem:$0x3F94]  }
0x2d: {  	s3 =	simm.s32 $0x108;
	s8 =	sld [smem:$0x3F95]  }
0x2e: {  	s3 =	simm.s32 @!p0 $0x1082;
	s9 =	sld [smem:$0x3F96]  }
0x2f: {  	lr =	sadd.s32 s0, s3;
	s0 =	sld [smem:$0x3F8D]  }
0x30: {  	s3 =	sld [smem:$0x3F90]  }
0x31: {  	[smem:$0x3F99] =	sst s10  }
0x32: {  	s10 =	sld [smem:$0x3F97];
	_ =	sdelay $0x3  }
0x33: {  	p0 =	seq.s32 s10, $0x1;
	s10 =	sld [smem:$0x3F99];
	_ =	sdelay $0x3  }
0x34: {  	[smem:$0x3F99] =	sst s10  }
0x35: {  	s10 =	sld [smem:$0x3F98];
	_ =	sdelay $0x3  }
0x36: {  	p1 =	seq.s32 s10, $0x1;
	s10 =	sld [smem:$0x3F99];
	_ =	sdelay $0x3  }
0x37: {  	[smem:$0x3F99] =	sst s10  }
0x38: {  	s10 =	sld [smem:$0x3F9A]  }
0x39: {  	_ = 	snop;
	(pc) =	sbr.ind lr, $3  }
0x3a: {  	_ = 	snop  }
0x3b: {  	_ = 	snop  }
0x3c: {  	p2 =	seq.s32 s10, $0x1;
	s10 =	sld [smem:$0x3F99]  }
0x3d: {  	_ =	shalt  }
0x3e: {  	_ =	shalt  }
0x3f: {  	_ =	shalt  }
0x40: {  	_ =	shalt  }
0x41: {  	_ =	shalt  }
0x42: {  	_ =	shalt  }
0x43: {  	_ =	shalt  }
0x44: {  	_ =	shalt  }
0x45: {  	_ =	shalt  }
0x46: {  	_ =	shalt  }
0x47: {  	_ =	shalt  }
0x48: {  	_ =	shalt  }
0x49: {  	_ =	shalt  }
0x4a: {  	_ =	shalt  }
0x4b: {  	_ =	shalt  }
0x4c: {  	_ =	shalt  }
0x4d: {  	_ =	shalt  }
0x4e: {  	_ =	shalt  }
0x4f: {  	_ =	shalt  }
0x50: {  	_ =	shalt  }
0x51: {  	_ =	shalt  }
0x52: {  	_ =	shalt  }
0x53: {  	_ =	shalt  }
0x54: {  	_ =	shalt  }
0x55: {  	_ =	shalt  }
0x56: {  	_ =	shalt  }
0x57: {  	_ =	shalt  }
0x58: {  	_ =	shalt  }
0x59: {  	_ =	shalt  }
0x5a: {  	_ =	shalt  }
0x5b: {  	_ =	shalt  }
0x5c: {  	_ =	shalt  }
0x5d: {  	_ =	shalt  }
0x5e: {  	_ =	shalt  }
0x5f: {  	_ =	shalt  }
0x60: {  	_ =	shalt  }
0x61: {  	_ =	shalt  }
0x62: {  	_ =	shalt  }
0x63: {  	_ =	shalt  }
0x64: {  	_ =	shalt  }
0x65: {  	_ =	shalt  }
0x66: {  	_ =	shalt  }
0x67: {  	_ =	shalt  }
0x68: {  	_ =	shalt  }
0x69: {  	_ =	shalt  }
0x6a: {  	_ =	shalt  }
0x6b: {  	_ =	shalt  }
0x6c: {  	_ =	shalt  }
0x6d: {  	_ =	shalt  }
0x6e: {  	_ =	shalt  }
0x6f: {  	_ =	shalt  }
0x70: {  	_ =	shalt  }
0x71: {  	_ =	shalt  }
0x72: {  	_ =	shalt  }
0x73: {  	_ =	shalt  }
0x74: {  	_ =	shalt  }
0x75: {  	_ =	shalt  }
0x76: {  	_ =	shalt  }
0x77: {  	_ =	shalt  }
0x78: {  	_ =	shalt  }
0x79: {  	_ =	shalt  }
0x7a: {  	_ =	shalt  }
0x7b: {  	_ =	shalt  }
0x7c: {  	_ =	shalt  }
0x7d: {  	_ =	shalt  }
0x7e: {  	_ =	shalt  }
0x7f: {  	_ =	shalt  }
0x80: {  	_ =	shalt  }
0x81: {  	_ =	shalt  }
0x82: {  	_ =	shalt  }
0x83: {  	_ =	shalt  }
0x84: {  	_ =	shalt  }
0x85: {  	_ =	shalt  }
0x86: {  	_ =	shalt  }
0x87: {  	_ =	shalt  }
.Lfunc_end0:
.L_simem_size_0:
called_computation.4_lowered:
.L_overlay_start_0:
0x88: {  	s2 =	sld [smem:$0x3FD9]  }
0x89: {  	s3 =	sld [smem:$0x3FFE];
	_ =	sdelay $0x1  }
0x8a: {  	s1 =	srdreg.scid  }
0x8b: {  	s0 =	sand.u32 $0x1, s1  }
0x8c: {  	s14 =	sshll.u32 s0, $0xA;
	s2 =	sadd.s32 s3, s2  }
0x8d: {  	s2 =	sadd.s32 s2, s14  }
0x8e: {  	[smem:$0x3FA5] =	sst s2  }
0x8f: {  	_ = 	snop  }
0x90: {  	s2 =	sld [smem:$0x3FD0];
	_ =	sdelay $0x2  }
0x91: {  	s15 =	simm.s32 $0xA;
	s4 =	simm.s32 $0x10  }
0x92: {  	[smem:s4], [sflag:s15] =	dma.local [hbm:s2], $0x1  }
0x93: {  	_ =	swait.eq [sflag:s15], $0x1  }
0x94: {  	[sflag:s15] =	ssyncset.done $0x0  }
0x95: {  	[sflag:s15] =	ssyncadd.s32 $0xFFFFFFFF  }
0x96: {  	s16 =	sld [smem:$0x11];
	(tm) =	ssettm $0x1  }
0x97: {  	s17 =	sld [smem:$0x3FFB];
	_ =	sdelay $0x3  }
0x98: {  	_ =	strace s17  }
0x99: {  	s3 =	sld [smem:$0x3FFC];
	_ =	sdelay $0x3  }
0x9a: {  	_ =	strace s3  }
0x9b: {  	s3 =	sld [smem:$0x3FFD];
	_ =	sdelay $0x3  }
0x9c: {  	_ =	strace s3  }
0x9d: {  	_ =	strace $0x8FFFFFFF  }
0x9e: {  	s18 =	sld [smem:$0x3FDB];
	_ =	sdelay $0x1  }
0x9f: {  	s19 =	simm.s32 $_scs_section_size  }
0xa0: {  	s5 =	simm.s32 $_size__tile_overlayer_lowered;
	s6 =	simm.s32 $_tile_overlayer_lowered  }
0xa1: {  	s22 =	simm.s32 $0x1BFF;
	s21 =	sshll.u32 s6, $0x1;
	s3 =	sadd.s32 s19, s18  }
0xa2: {  	s7 =	simm.s32 $0x0;
	s20 =	sshll.u32 s5, $0x1;
	s5 =	sadd.s32 s21, s3  }
0xa3: {  	[timem:s7], [sflag:s22] =	dma.local [hbm:s5], s20  }
0xa4: {  	_ =	swait.ge [sflag:s22], s20  }
0xa5: {  	s4 =	ssub.s32 $0x0, s20;
	[sflag:s22] =	ssyncset.done $0x0  }
0xa6: {  	[sflag:s22] =	ssyncadd.s32 s4;
	_ =	sdelay $0x1  }
0xa7: {  	s23 =	simm.s32 $0x1B8B  }
0xa8: {  	_ =	swait.ge [sflag:s23], $0x1  }
0xa9: {  	[sflag:s23] =	ssyncset.done $0x0  }
0xaa: {  	s25 =	simm.s32 $0x1B8E;
	s24 =	sld [smem:$0x3FFE];
	[sflag:s23] =	ssyncadd.s32 $0xFFFFFFFF  }
0xab: {  	s26 =	simm.s32 $execute0_lowered;
	[smem:$0x3FD2] =	sst s25  }
0xac: {  	s5 =	sshll.u32 s26, $0x1;
	_ =	strace $0x80000052;
	[dreg:$0x1] =	wrdreg $0xFFFFFFFF  }
0xad: {  	s28 =	simm.s32 $_size_execute0_lowered;
	s3 =	sadd.s32 s3, s5;
	[dreg:$0x0] =	wrdreg $0x0  }
0xae: {  	s5 =	sshll.u32 s28, $0x1;
	[dreg:$0x2] =	wrdreg s3  }
0xaf: {  	[dreg:$0x3] =	wrdreg s5  }
0xb0: {  	[dreg:$0x4] =	wrdreg $0xC0  }
0xb1: {  	_ =	task [dreg:s7], $0x5FFFF  }
0xb2: {  	[dreg:$0x1] =	wrdreg $0xFFFFFFFF  }
0xb3: {  	[dreg:$0x0] =	wrdreg $0x60  }
0xb4: {  	[dreg:$0x2] =	wrdreg s16  }
0xb5: {  	[dreg:$0x3] =	wrdreg s24  }
0xb6: {  	[dreg:$0x4] =	wrdreg $0x9  }
0xb7: {  	_ =	task.clear_ibuf [dreg:s7], $0x5FFFF;
	_ =	strace $0x90000052  }
0xb8: {  	s29 =	simm.s32 $0x9;
	_ =	strace $0x80000054  }
0xb9: {  	_ =	swait.ge [sflag:s29], $0x1  }
0xba: {  	[sflag:s29] =	ssyncadd.s32 $0xFFFFFFFF  }
0xbb: {  	_ =	strace $0x90000054  }
0xbc: {  	_ =	sfence  }
0xbd: {  	s30 =	sld [smem:$0x0];
	_ =	sdelay $0x2  }
0xbe: {  	s31 =	sshll.u32 s1, $0xD;
	s1 =	sshrl.u32 s1, $0x2  }
0xbf: {  	s3 =	sand.u32 $0x4000, s31;
	s1 =	sadd.s32 s1, s30  }
0xc0: {  	s0 =	sor.u32 s3, s0;
	s1 =	sshll.u32 s1, $0x11  }
0xc1: {  	s0 =	sor.u32 s1, s0  }
0xc2: {  	s0 =	sadd.s32 $0x8F2B, s0  }
0xc3: {  	[sflag:s0] =	ssyncadd.remote.s32 $0x1  }
0xc4: {  	_ =	sfence.sel $0xFFFF  }
0xc5: {  	[dreg:$0x0] =	wrdreg $0xFFFFFFFF;
	(pc) =	sbr.abs _section_cstart, $3  }
0xc6: {  	[dreg:$0x1] =	wrdreg $0xFFFFFFFF  }
0xc7: {  	_ =	task.clear_ibuf [dreg:s7], $0x2FFFF;
	_ =	strace $0x9FFFFFFF  }
0xc8: {  	(tm) =	ssettm $0x7FFFFFFF  }
0xc9: {  	_ =	shalt  }
tec
execute0_lowered:
.L_overlay_start_1:
0x0: {  	(tag) =	ssettag $0x1  }
0x1: {  	s1 =	rddreg [dreg:$0x0]  }
0x2: {  	s5 =	rddreg [dreg:$0x1]  }
0x3: {  	s2 =	srdreg.scid;
	s0 =	rddreg [dreg:$0x2]  }
0x4: {  	s3 =	simm.s32 $0x0;
	s11 =	simm.s32 $0xA800;
	s12 =	simm.s32 $0xE800  }
0x5: {  	s13 =	simm.s32 $0x1;
	s14 =	simm.s32 $0x2;
	s4 =	sand.u32 $0x1, s2  }
0x6: {  	s15 =	simm.s32 $0x0;
	s2 =	stileid.u32;
	s7 =	smul.u32 $0x1400000, s4  }
0x7: {  	[smem:$0x7FF] =	sst s3;
	s6 =	sshll.u32 s4, $0x4;
	s28 =	smul.u32 $0x140000, s2  }
0x8: {  	_ =	strace $0x80000053;
	s4 =	ssub.s32 $0x2, s4;
	s8 =	sor.u32 s2, s6  }
0x9: {  	s30 =	sshrl.u32 s4, $0x1;
	s9 =	smul.u32 $0x500, s8;
	s6 =	sadd.s32 s28, s7  }
0xa: {  	s31 =	ssub.s32 s4, s30;
	p0 =	seq.s32 s8, $0x1F;
	s6 =	sshrl.u32 s6, $0x3  }
0xb: {  	s8 =	simm.s32 $0x80;
	s29 =	sadd.s32 s9, s5;
	s10 =	sadd.s32 s6, s5  }
0xc: {  	s5 =	sadd.s32 $0x14700, s5;
	s6 =	smax.u32 s31, $0x1;
	s9 =	simm.s32 $0x2800  }
0xd: {  	s4 =	sadd.s32 $0xAC00, s29;
	s7 =	sadd.s32 $0x1E800, s10;
	s10 =	simm.s32 $0x6800  }
.LBB2_1:
0xe: {  	s16 =	simm.s32 @p0 $0x0  }
0xf: {  	[tilespmem:s16], [sflag:$0x2] =	stream.linear.gather @p0 [hbm4b:s5+s16], $0xA00, $0x38;
	[tilespmem:$0x12800] =	vst v63  }
0x10: {  	s16 =	simm.s32 @p0 $0x2  }
0x11: {  	s17 =	simm.s32 @!p0 $0x14;
	_ =	swait.ge @p0 [sflag:s16], $0xA00  }
0x12: {  	s17 =	simm.s32 @p0 $0x5;
	[sflag:s16] =	ssyncset.done @p0 $0x0  }
0x13: {  	p2 =	sne.s32 s17, $0x1;
	[sflag:s16] =	ssyncadd.s32 @p0 $0xFFFFF600;
	s16 =	simm.s32 @!p0 $0x0  }
0x14: {  	[tilespmem:s16], [sflag:$0x2] =	stream.linear.gather @!p0 [hbm4b:s4+s16], $0x2800, $0x38;
	[tilespmem:$0x12800] =	vst v63  }
.Ltmp0:
0x15: {  	_ = 	snop;
	(pc) =	sbr.rel @!p2 .LBB2_2-.Ltmp0, $4  }
0x16: {  	s16 =	simm.s32 @!p0 $0x2  }
0x17: {  	_ =	swait.ge @!p0 [sflag:s16], $0x2800  }
0x18: {  	p1 =	por $0x0, $0x0;
	[sflag:s16] =	ssyncset.done @!p0 $0x0  }
0x19: {  	s17 =	sadd.s32 $0xFFFFFFFF, s17;
	[sflag:s16] =	ssyncadd.s32 @!p0 $0xFFFFD800;
	s16 =	simm.s32 $0x180  }
0x1a: {  	s18 =	simm.s32 $0x0  }
0x1b: {  	[tilespmem:s9], [sflag:$0x1] =	stream.indirect.gather [hbm4b:s1+s8], $0x80, s18, s8, $0xb8;
	[tilespmem:$0x12800] =	vst v63  }
0x1c: {  	s30 =	simm.s32 $0x80  }
0x1d: {  	[tilespmem:s10], [sflag:$0x1] =	stream.indirect.gather [hbm4b:s1+s8], $0x80, s30, s8, $0xb8;
	[tilespmem:$0x12800] =	vst v63  }
0x1e: {  	s31 =	simm.s32 $0x100  }
0x1f: {  	[tilespmem:s11], [sflag:$0x1] =	stream.indirect.gather [hbm4b:s1+s8], $0x80, s31, s8, $0xb8;
	[tilespmem:$0x12800] =	vst v63  }
0x20: {  	_ = 	snop  }
0x21: {  	[tilespmem:s12], [sflag:$0x1] =	stream.indirect.gather [hbm4b:s1+s8], $0x80, s16, s8, $0xb8;
	[tilespmem:$0x12800] =	vst v63  }
0x22: {  	_ =	swait.ge [sflag:s13], $0x4000  }
0x23: {  	[sflag:s13] =	ssyncset.done $0x0  }
0x24: {  	[sflag:s13] =	ssyncadd.s32 $0xFFFFC000  }
0x25: {  	_ =	swait.ge [sflag:s13], $0x4000  }
0x26: {  	[sflag:s13] =	ssyncset.done $0x0  }
0x27: {  	[sflag:s13] =	ssyncadd.s32 $0xFFFFC000  }
0x28: {  	_ =	swait.ge [sflag:s13], $0x4000  }
0x29: {  	[sflag:s13] =	ssyncset.done $0x0  }
0x2a: {  	[sflag:s13] =	ssyncadd.s32 $0xFFFFC000  }
0x2b: {  	p2 =	sne.s32 s17, $0x1;
	_ =	swait.ge [sflag:s13], $0x4000  }
.Ltmp1:
0x2c: {  	[sflag:s13] =	ssyncset.done $0x0;
	(pc) =	sbr.rel @!p2 .LBB2_4-.Ltmp1, $4  }
0x2d: {  	[sflag:s13] =	ssyncadd.s32 $0xFFFFC000  }
0x2e: {  	[hbm4b:s7+s3] =	stream.linear.scatter [tilespmem:s9], [sflag:$0x2], $0x10000, $0x38;
	[tilespmem:$0x12800] =	vst v63  }
0x2f: {  	p1 =	por $0x1, $0x1;
	s18 =	sadd.s32 $0xFFFFFFFF, s17;
	_ =	swait.ge [sflag:s14], $0x10000  }
0x30: {  	s17 =	smov.u32 s7;
	s16 =	simm.s32 $0x380;
	[sflag:s14] =	ssyncset.done $0x0  }
.LBB2_5:
0x31: {  	s19 =	sadd.s32 $0xFFFFFE80, s16;
	[sflag:s14] =	ssyncadd.s32 $0xFFFF0000;
	s17 =	sadd.s32 $0x2000, s17  }
0x32: {  	[tilespmem:s9], [sflag:$0x1] =	stream.indirect.gather [hbm4b:s1+s8], $0x80, s19, s8, $0xb8;
	[tilespmem:$0x12800] =	vst v63  }
0x33: {  	p2 =	sne.s32 s18, $0x1;
	s18 =	sadd.s32 $0xFFFFFFFF, s18;
	s19 =	sadd.s32 $0xFFFFFF00, s16  }
0x34: {  	[tilespmem:s10], [sflag:$0x1] =	stream.indirect.gather [hbm4b:s1+s8], $0x80, s19, s8, $0xb8;
	[tilespmem:$0x12800] =	vst v63  }
0x35: {  	s19 =	sadd.s32 $0xFFFFFF80, s16  }
0x36: {  	[tilespmem:s11], [sflag:$0x1] =	stream.indirect.gather [hbm4b:s1+s8], $0x80, s19, s8, $0xb8;
	[tilespmem:$0x12800] =	vst v63  }
0x37: {  	_ = 	snop  }
0x38: {  	[tilespmem:s12], [sflag:$0x1] =	stream.indirect.gather [hbm4b:s1+s8], $0x80, s16, s8, $0xb8;
	[tilespmem:$0x12800] =	vst v63  }
0x39: {  	_ =	swait.ge [sflag:s13], $0x4000  }
0x3a: {  	[sflag:s13] =	ssyncset.done $0x0  }
0x3b: {  	[sflag:s13] =	ssyncadd.s32 $0xFFFFC000  }
0x3c: {  	_ =	swait.ge [sflag:s13], $0x4000  }
0x3d: {  	[sflag:s13] =	ssyncset.done $0x0  }
0x3e: {  	[sflag:s13] =	ssyncadd.s32 $0xFFFFC000  }
0x3f: {  	_ =	swait.ge [sflag:s13], $0x4000  }
0x40: {  	[sflag:s13] =	ssyncset.done $0x0  }
0x41: {  	[sflag:s13] =	ssyncadd.s32 $0xFFFFC000  }
0x42: {  	_ =	swait.ge [sflag:s13], $0x4000  }
.Ltmp2:
0x43: {  	[sflag:s13] =	ssyncset.done $0x0;
	(pc) =	sbr.rel @p2 .LBB2_5-.Ltmp2, $4  }
0x44: {  	[sflag:s13] =	ssyncadd.s32 $0xFFFFC000  }
0x45: {  	[hbm4b:s17+s3] =	stream.linear.scatter [tilespmem:s9], [sflag:$0x2], $0x10000, $0x38;
	[tilespmem:$0x12800] =	vst v63  }
0x46: {  	_ =	swait.ge [sflag:s14], $0x10000  }
0x47: {  	s16 =	sadd.s32 $0x200, s16;
	[sflag:s14] =	ssyncset.done $0x0  }
.LBB2_6:
0x48: {  	s18 =	sadd.s32 $0xFFFFFE80, s16;
	[sflag:s14] =	ssyncadd.s32 @p1 $0xFFFF0000  }
0x49: {  	[tilespmem:s9], [sflag:$0x1] =	stream.indirect.gather [hbm4b:s1+s8], $0x80, s18, s8, $0xb8;
	[tilespmem:$0x12800] =	vst v63  }
0x4a: {  	s30 =	sadd.s32 $0xFFFFFF00, s16  }
0x4b: {  	[tilespmem:s10], [sflag:$0x1] =	stream.indirect.gather [hbm4b:s1+s8], $0x80, s30, s8, $0xb8;
	[tilespmem:$0x12800] =	vst v63  }
0x4c: {  	s31 =	sadd.s32 $0xFFFFFF80, s16  }
0x4d: {  	[tilespmem:s11], [sflag:$0x1] =	stream.indirect.gather [hbm4b:s1+s8], $0x80, s31, s8, $0xb8;
	[tilespmem:$0x12800] =	vst v63  }
0x4e: {  	_ = 	snop  }
0x4f: {  	[tilespmem:s12], [sflag:$0x1] =	stream.indirect.gather [hbm4b:s1+s8], $0x80, s16, s8, $0xb8;
	[tilespmem:$0x12800] =	vst v63  }
0x50: {  	_ =	swait.ge [sflag:s13], $0x4000  }
0x51: {  	[sflag:s13] =	ssyncset.done $0x0  }
0x52: {  	[sflag:s13] =	ssyncadd.s32 $0xFFFFC000  }
0x53: {  	_ =	swait.ge [sflag:s13], $0x4000  }
0x54: {  	[sflag:s13] =	ssyncset.done $0x0  }
0x55: {  	[sflag:s13] =	ssyncadd.s32 $0xFFFFC000  }
0x56: {  	_ =	swait.ge [sflag:s13], $0x4000  }
0x57: {  	[sflag:s13] =	ssyncset.done $0x0  }
0x58: {  	[sflag:s13] =	ssyncadd.s32 $0xFFFFC000  }
0x59: {  	s15 =	sadd.s32 $0x1, s15;
	_ =	swait.ge [sflag:s13], $0x4000  }
0x5a: {  	s16 =	sadd.s32 @p1 $0x2000, s17;
	s17 =	smov.u32 s7;
	[sflag:s13] =	ssyncset.done $0x0  }
0x5b: {  	s17 =	smov.u32 @p1 s16;
	p1 =	sne.s32 s15, s6;
	[sflag:s13] =	ssyncadd.s32 $0xFFFFC000  }
0x5c: {  	[hbm4b:s17+s3] =	stream.linear.scatter [tilespmem:s9], [sflag:$0x2], $0x10000, $0x38;
	[tilespmem:$0x12800] =	vst v63  }
.Ltmp3:
0x5d: {  	_ = 	snop;
	(pc) =	sbr.rel @p1 .LBB2_1-.Ltmp3, $4  }
.Ltmp4:
0x5e: {  	_ = 	snop;
	(pc) =	sbr.rel @!p1 .LBB2_7-.Ltmp4, $4  }
0x5f: {  	_ =	swait.ge [sflag:s14], $0x10000  }
0x60: {  	[sflag:s14] =	ssyncset.done $0x0  }
0x61: {  	[sflag:s14] =	ssyncadd.s32 $0xFFFF0000  }
0x62: {  	_ = 	snop  }
.LBB2_2:
.Ltmp5:
0x63: {  	(pc) =	sbr.rel .LBB2_6-.Ltmp5, $2  }
0x64: {  	_ =	sdelay $0x2  }
0x65: {  	s17 =	smov.u32 s7  }
.LBB2_4:
.Ltmp6:
0x66: {  	(pc) =	sbr.rel .LBB2_6-.Ltmp6, $2  }
0x67: {  	_ =	sdelay $0x2  }
0x68: {  	s17 =	smov.u32 s7  }
.LBB2_7:
0x69: {  	_ =	sfence.sel $0x180000  }
0x6a: {  	[bflag:$0x0] =	sbarrier.arrive $0xFFFF  }
0x6b: {  	p0 =	sne.s32 s2, $0x0;
	_ =	strace $0x90000053  }
0x6c: {  	s0 =	sadd.s32 @!p0 $0x100000, s0;
	[bflag:$0x2] =	sbarrier.arrive $0xFFFF  }
0x6d: {  	[sflag:s0] =	ssyncadd.tile.s32 @!p0 $0x1;
	_ =	shalt  }
.Lfunc_end2:
_tile_overlayer_lowered:
.L_overlay_start_2:
0x6e: {  	(tag) =	ssettag $0x2  }
0x6f: {  	s0 =	rddreg [dreg:$0x0];
	s2 =	stileid.u32  }
0x70: {  	s1 =	rddreg [dreg:$0x1];
	p0 =	sne.s32 s2, $0x0  }
0x71: {  	s3 =	rddreg [dreg:$0x2];
	[bflag:$0x3] =	sbarrier.arrive $0xFFFF;
	s2 =	simm.s32 @!p0 $0x1C02  }
0x72: {  	[timem:s3], [sflag:s2] =	dma.local @!p0 [hbm:s0], s1  }
0x73: {  	s0 =	simm.s32 @!p0 $0x2  }
0x74: {  	_ =	swait.ge @!p0 [sflag:s0], s1  }
0x75: {  	s1 =	ssub.s32 @!p0 $0x0, s1;
	[sflag:s0] =	ssyncset.done @!p0 $0x0  }
0x76: {  	[sflag:s0] =	ssyncadd.s32 @!p0 s1  }
0x77: {  	[bflag:$0x3] =	sbarrier.arrive $0xFFFF  }
0x78: {  	_ =	shalt  }

// kernel: kernel.32.cloned.1.call-start
scs
__scs_entry_jumppad:
0x0: {  	(pc) =	sbr.rel $0x88, $3  }
0x1: {  	(tag) =	ssettag $0x0;
	lr =	simm.s32 $0x1  }
0x2: {  	[smem:$0x3F7E] =	sst lr;
	_ =	strace $0xD0000000  }
0x3: {  	_ = 	snop  }
0x4: {  	_ = 	snop  }
0x5: {  	_ = 	snop  }
0x6: {  	_ = 	snop  }
0x7: {  	_ = 	snop  }
__scs_overlays_trampoline_lowered:
0x8: {  	[smem:$0x3F8D] =	sst s0  }
0x9: {  	[smem:$0x3F8E] =	sst s1  }
0xa: {  	[smem:$0x3F8F] =	sst s2  }
0xb: {  	[smem:$0x3F90] =	sst s3  }
0xc: {  	[smem:$0x3F91] =	sst s4  }
0xd: {  	[smem:$0x3F92] =	sst s5  }
0xe: {  	[smem:$0x3F93] =	sst s6  }
0xf: {  	[smem:$0x3F94] =	sst s7  }
0x10: {  	[smem:$0x3F95] =	sst s8  }
0x11: {  	[smem:$0x3F96] =	sst s9;
	s0 =	simm.s32 @!p0 $0x0  }
0x12: {  	s1 =	sld [smem:$0x3F7C];
	s0 =	simm.s32 @p0 $0x1  }
0x13: {  	[smem:$0x3F97] =	sst s0;
	s0 =	simm.s32 @!p1 $0x0  }
0x14: {  	s2 =	sld [smem:$0x3F7B];
	s0 =	simm.s32 @p1 $0x1  }
0x15: {  	[smem:$0x3F98] =	sst s0;
	s0 =	simm.s32 @!p2 $0x0  }
0x16: {  	s3 =	sld [smem:$0x3FDB];
	s0 =	simm.s32 @p2 $0x1  }
0x17: {  	s4 =	simm.s32 $0x1BF5;
	[smem:$0x3F9A] =	sst s0  }
0x18: {  	s0 =	sld [smem:$0x3F7D];
	_ =	swait.ge [sflag:s4], $0x0  }
0x19: {  	s7 =	sld [smem:$0x3F7E]  }
0x1a: {  	s8 =	sadd.s32 $0xFFFFE003, lr  }
0x1b: {  	s9 =	sadd.s32 $0xFFFFFEF7, lr;
	s5 =	simm.s32 $0xFFFFFFFF;
	p2 =	slt.u32 s8, $0xFFFFF086  }
0x1c: {  	p1 =	slt.u32 s9, $0xF7A;
	s5 =	simm.s32 @!p2 $0x0  }
0x1d: {  	s5 =	simm.s32 @p1 $0x1;
	p0 =	seq.s32 s7, s2  }
0x1e: {  	s7 =	smul.u32 @!p0 $0xF7A, s2;
	p2 =	seq.s32 @!p0 s5, $0x0  }
0x1f: {  	s9 =	smul.u32 $0xF7A, s1;
	s8 =	simm.s32 @!p0 $0x1BF5;
	p2 =	por !p2, p0  }
0x20: {  	[sflag:s8] =	ssyncset.s32 @!p0 $0xFFFFF086;
	s6 =	sadd.s32 @!p0 s3, s7;
	s7 =	simm.s32 @!p0 $0x108  }
0x21: {  	s3 =	sadd.s32 s3, s9;
	s6 =	sadd.s32 @!p0 $0x88, s6;
	s7 =	simm.s32 @p2 $0x1082  }
0x22: {  	[simem:s7], [sflag:s8] =	dma.local @!p0 [hbm:s6], $0xF7A  }
0x23: {  	s9 =	sor.u32 $0xD0000000, s2;
	s6 =	simm.s32 $0x108;
	_ =	swait.ge @!p0 [sflag:s8], $0x0  }
0x24: {  	s3 =	sadd.s32 $0x88, s3;
	s6 =	simm.s32 @!p1 $0x1082;
	[sflag:s4] =	ssyncset.s32 $0xFFFFF086  }
0x25: {  	[simem:s6], [sflag:s4] =	dma.local [hbm:s3], $0xF7A  }
0x26: {  	[smem:$0x3F7E] =	sst s1;
	(tag) =	ssettag s2;
	_ =	strace s9  }
0x27: {  	s1 =	sld [smem:$0x3F8E]  }
0x28: {  	s2 =	sld [smem:$0x3F8F]  }
0x29: {  	s4 =	sld [smem:$0x3F91]  }
0x2a: {  	p0 =	seq.s32 s5, $0x0;
	s5 =	sld [smem:$0x3F92]  }
0x2b: {  	s6 =	sld [smem:$0x3F93]  }
0x2c: {  	s7 =	sld [smem:$0x3F94]  }
0x2d: {  	s3 =	simm.s32 $0x108;
	s8 =	sld [smem:$0x3F95]  }
0x2e: {  	s3 =	simm.s32 @!p0 $0x1082;
	s9 =	sld [smem:$0x3F96]  }
0x2f: {  	lr =	sadd.s32 s0, s3;
	s0 =	sld [smem:$0x3F8D]  }
0x30: {  	s3 =	sld [smem:$0x3F90]  }
0x31: {  	[smem:$0x3F99] =	sst s10  }
0x32: {  	s10 =	sld [smem:$0x3F97];
	_ =	sdelay $0x3  }
0x33: {  	p0 =	seq.s32 s10, $0x1;
	s10 =	sld [smem:$0x3F99];
	_ =	sdelay $0x3  }
0x34: {  	[smem:$0x3F99] =	sst s10  }
0x35: {  	s10 =	sld [smem:$0x3F98];
	_ =	sdelay $0x3  }
0x36: {  	p1 =	seq.s32 s10, $0x1;
	s10 =	sld [smem:$0x3F99];
	_ =	sdelay $0x3  }
0x37: {  	[smem:$0x3F99] =	sst s10  }
0x38: {  	s10 =	sld [smem:$0x3F9A]  }
0x39: {  	_ = 	snop;
	(pc) =	sbr.ind lr, $3  }
0x3a: {  	_ = 	snop  }
0x3b: {  	_ = 	snop  }
0x3c: {  	p2 =	seq.s32 s10, $0x1;
	s10 =	sld [smem:$0x3F99]  }
0x3d: {  	_ =	shalt  }
0x3e: {  	_ =	shalt  }
0x3f: {  	_ =	shalt  }
0x40: {  	_ =	shalt  }
0x41: {  	_ =	shalt  }
0x42: {  	_ =	shalt  }
0x43: {  	_ =	shalt  }
0x44: {  	_ =	shalt  }
0x45: {  	_ =	shalt  }
0x46: {  	_ =	shalt  }
0x47: {  	_ =	shalt  }
0x48: {  	_ =	shalt  }
0x49: {  	_ =	shalt  }
0x4a: {  	_ =	shalt  }
0x4b: {  	_ =	shalt  }
0x4c: {  	_ =	shalt  }
0x4d: {  	_ =	shalt  }
0x4e: {  	_ =	shalt  }
0x4f: {  	_ =	shalt  }
0x50: {  	_ =	shalt  }
0x51: {  	_ =	shalt  }
0x52: {  	_ =	shalt  }
0x53: {  	_ =	shalt  }
0x54: {  	_ =	shalt  }
0x55: {  	_ =	shalt  }
0x56: {  	_ =	shalt  }
0x57: {  	_ =	shalt  }
0x58: {  	_ =	shalt  }
0x59: {  	_ =	shalt  }
0x5a: {  	_ =	shalt  }
0x5b: {  	_ =	shalt  }
0x5c: {  	_ =	shalt  }
0x5d: {  	_ =	shalt  }
0x5e: {  	_ =	shalt  }
0x5f: {  	_ =	shalt  }
0x60: {  	_ =	shalt  }
0x61: {  	_ =	shalt  }
0x62: {  	_ =	shalt  }
0x63: {  	_ =	shalt  }
0x64: {  	_ =	shalt  }
0x65: {  	_ =	shalt  }
0x66: {  	_ =	shalt  }
0x67: {  	_ =	shalt  }
0x68: {  	_ =	shalt  }
0x69: {  	_ =	shalt  }
0x6a: {  	_ =	shalt  }
0x6b: {  	_ =	shalt  }
0x6c: {  	_ =	shalt  }
0x6d: {  	_ =	shalt  }
0x6e: {  	_ =	shalt  }
0x6f: {  	_ =	shalt  }
0x70: {  	_ =	shalt  }
0x71: {  	_ =	shalt  }
0x72: {  	_ =	shalt  }
0x73: {  	_ =	shalt  }
0x74: {  	_ =	shalt  }
0x75: {  	_ =	shalt  }
0x76: {  	_ =	shalt  }
0x77: {  	_ =	shalt  }
0x78: {  	_ =	shalt  }
0x79: {  	_ =	shalt  }
0x7a: {  	_ =	shalt  }
0x7b: {  	_ =	shalt  }
0x7c: {  	_ =	shalt  }
0x7d: {  	_ =	shalt  }
0x7e: {  	_ =	shalt  }
0x7f: {  	_ =	shalt  }
0x80: {  	_ =	shalt  }
0x81: {  	_ =	shalt  }
0x82: {  	_ =	shalt  }
0x83: {  	_ =	shalt  }
0x84: {  	_ =	shalt  }
0x85: {  	_ =	shalt  }
0x86: {  	_ =	shalt  }
0x87: {  	_ =	shalt  }
.Lfunc_end0:
.L_simem_size_0:
called_computation.5_lowered:
.L_overlay_start_0:
0x88: {  	s2 =	sld [smem:$0x3FD9]  }
0x89: {  	s3 =	sld [smem:$0x3FFE];
	_ =	sdelay $0x1  }
0x8a: {  	s1 =	srdreg.scid  }
0x8b: {  	s0 =	sand.u32 $0x1, s1  }
0x8c: {  	s16 =	sshll.u32 s0, $0xA;
	s2 =	sadd.s32 s3, s2  }
0x8d: {  	s2 =	sadd.s32 s2, s16  }
0x8e: {  	[smem:$0x3FA5] =	sst s2  }
0x8f: {  	_ = 	snop  }
0x90: {  	(tm) =	ssettm $0x1  }
0x91: {  	s17 =	sld [smem:$0x3FFB];
	_ =	sdelay $0x3  }
0x92: {  	_ =	strace s17  }
0x93: {  	s2 =	sld [smem:$0x3FFC];
	_ =	sdelay $0x3  }
0x94: {  	_ =	strace s2  }
0x95: {  	s2 =	sld [smem:$0x3FFD];
	_ =	sdelay $0x3  }
0x96: {  	_ =	strace s2  }
0x97: {  	_ =	strace $0x8FFFFFFF  }
0x98: {  	s18 =	sld [smem:$0x3FDB];
	_ =	sdelay $0x1  }
0x99: {  	s19 =	simm.s32 $_scs_section_size  }
0x9a: {  	s4 =	simm.s32 $_size__tile_overlayer_lowered;
	s5 =	simm.s32 $_tile_overlayer_lowered  }
0x9b: {  	s22 =	simm.s32 $0x1BFF;
	s21 =	sshll.u32 s5, $0x1;
	s2 =	sadd.s32 s19, s18  }
0x9c: {  	s6 =	simm.s32 $0x0;
	s20 =	sshll.u32 s4, $0x1;
	s4 =	sadd.s32 s21, s2  }
0x9d: {  	[timem:s6], [sflag:s22] =	dma.local [hbm:s4], s20  }
0x9e: {  	_ =	swait.ge [sflag:s22], s20  }
0x9f: {  	s3 =	ssub.s32 $0x0, s20;
	[sflag:s22] =	ssyncset.done $0x0  }
0xa0: {  	[sflag:s22] =	ssyncadd.s32 s3;
	_ =	sdelay $0x1  }
0xa1: {  	s23 =	simm.s32 $0x1B8B  }
0xa2: {  	_ =	swait.ge [sflag:s23], $0x1  }
0xa3: {  	[sflag:s23] =	ssyncset.done $0x0  }
0xa4: {  	s25 =	simm.s32 $0x1B8E;
	s24 =	sld [smem:$0x3FFE];
	[sflag:s23] =	ssyncadd.s32 $0xFFFFFFFF  }
0xa5: {  	s26 =	simm.s32 $execute0_lowered;
	[smem:$0x3FD2] =	sst s25  }
0xa6: {  	s4 =	sshll.u32 s26, $0x1;
	_ =	strace $0x80000055;
	[dreg:$0x1] =	wrdreg $0xFFFFFFFF  }
0xa7: {  	s28 =	simm.s32 $_size_execute0_lowered;
	s2 =	sadd.s32 s2, s4;
	[dreg:$0x0] =	wrdreg $0x0  }
0xa8: {  	s4 =	sshll.u32 s28, $0x1;
	[dreg:$0x2] =	wrdreg s2  }
0xa9: {  	[dreg:$0x3] =	wrdreg s4  }
0xaa: {  	[dreg:$0x4] =	wrdreg $0xC0  }
0xab: {  	_ =	task [dreg:s6], $0x5FFFF  }
0xac: {  	[dreg:$0x1] =	wrdreg $0xFFFFFFFF  }
0xad: {  	[dreg:$0x0] =	wrdreg $0x60  }
0xae: {  	[dreg:$0x2] =	wrdreg s24  }
0xaf: {  	[dreg:$0x3] =	wrdreg $0x0  }
0xb0: {  	[dreg:$0x4] =	wrdreg $0x9  }
0xb1: {  	_ =	task.clear_ibuf [dreg:s6], $0x5FFFF;
	_ =	strace $0x90000055  }
0xb2: {  	s29 =	simm.s32 $0x9;
	_ =	strace $0x80000057  }
0xb3: {  	_ =	swait.ge [sflag:s29], $0x1  }
0xb4: {  	[sflag:s29] =	ssyncadd.s32 $0xFFFFFFFF  }
0xb5: {  	_ =	strace $0x90000057  }
0xb6: {  	_ =	sfence  }
0xb7: {  	s30 =	sld [smem:$0x0];
	_ =	sdelay $0x2  }
0xb8: {  	s31 =	sshll.u32 s1, $0xD;
	s1 =	sshrl.u32 s1, $0x2  }
0xb9: {  	s3 =	sand.u32 $0x4000, s31;
	s1 =	sadd.s32 s1, s30  }
0xba: {  	s0 =	sor.u32 s3, s0;
	s1 =	sshll.u32 s1, $0x11  }
0xbb: {  	s0 =	sor.u32 s1, s0  }
0xbc: {  	s0 =	sadd.s32 $0x8F2B, s0  }
0xbd: {  	[sflag:s0] =	ssyncadd.remote.s32 $0x1  }
0xbe: {  	_ =	sfence.sel $0xFFFF  }
0xbf: {  	[dreg:$0x0] =	wrdreg $0xFFFFFFFF;
	(pc) =	sbr.abs _section_cstart, $3  }
0xc0: {  	[dreg:$0x1] =	wrdreg $0xFFFFFFFF  }
0xc1: {  	_ =	task.clear_ibuf [dreg:s6], $0x2FFFF;
	_ =	strace $0x9FFFFFFF  }
0xc2: {  	(tm) =	ssettm $0x7FFFFFFF  }
0xc3: {  	_ =	shalt  }
tec
execute0_lowered:
.L_overlay_start_1:
0x0: {  	(tag) =	ssettag $0x1  }
0x1: {  	s0 =	srdreg.scid  }
0x2: {  	s8 =	rddreg [dreg:$0x0];
	s5 =	sand.u32 $0x1, s0  }
0x3: {  	s0 =	stileid.u32;
	s4 =	smul.u32 $0x1400000, s5  }
0x4: {  	s2 =	rddreg [dreg:$0x1];
	s6 =	smul.u32 $0x140000, s0  }
0x5: {  	s1 =	rddreg [dreg:$0x2];
	s18 =	simm.s32 $0x1A080;
	s9 =	smul.u32 $0x2700, s0  }
0x6: {  	s19 =	simm.s32 $0x0;
	s11 =	sadd.s32 $0x52A200, s8;
	s26 =	smul.u32 $0x4E000, s0  }
0x7: {  	s17 =	sadd.s32 $0x138000, s2;
	s3 =	sshll.u32 s5, $0x4;
	s29 =	smul.u32 $0x27100, s5  }
0x8: {  	s10 =	ssub.s32 $0x2, s5;
	s30 =	sshll.u32 s0, $0x6;
	s15 =	smul.u32 $0x138800, s5  }
0x9: {  	p0 =	sne.s32 s0, $0xF;
	s16 =	sor.u32 s0, s3;
	s3 =	simm.s32 $0x0  }
0xa: {  	s13 =	sshrl.u32 s10, $0x1;
	s5 =	sor.u32 $0x1C01, s30;
	s4 =	sadd.s32 s6, s4  }
0xb: {  	s25 =	smul.u32 $0x500, s16;
	[smem:$0x7FF] =	sst s3;
	s28 =	sadd.s32 s9, s8  }
0xc: {  	s13 =	ssub.s32 s10, s13;
	s6 =	sadd.s32 $0x52A000, s8;
	s9 =	sadd.s32 s9, s29  }
0xd: {  	s31 =	sshrl.u32 s15, $0x3;
	s15 =	sshrl.u32 @!p0 s17, $0x3;
	p1 =	seq.s32 s16, $0x1F  }
0xe: {  	s16 =	simm.s32 $0x16080;
	s17 =	simm.s32 $0x80;
	s4 =	sshrl.u32 s4, $0x3  }
0xf: {  	_ =	strace $0x80000056;
	s9 =	sadd.s32 s11, s9;
	s10 =	sadd.s32 s11, s31  }
0x10: {  	s11 =	smax.u32 s13, $0x1;
	s12 =	sadd.s32 s4, s8;
	s7 =	sadd.s32 s25, s8  }
0x11: {  	s4 =	sshrl.u32 s26, $0x2;
	s8 =	sadd.s32 $0x1E500, s8;
	s10 =	sadd.s32 $0x27000, s10  }
0x12: {  	s14 =	sadd.s32 s4, s2;
	s4 =	sadd.s32 $0x503000, s28;
	s7 =	sadd.s32 $0x14A00, s7  }
0x13: {  	s12 =	sadd.s32 $0xEC4800, s12;
	s13 =	sshrl.u32 s14, $0x3;
	s14 =	simm.s32 $0x1  }
.LBB2_1:
0x14: {  	[spmem:s13], [sflag:s5] =	dma.local [hbm:s4], $0x2700  }
0x15: {  	_ =	swait.ge [sflag:s14], $0x2700  }
0x16: {  	[sflag:s14] =	ssyncset.done $0x0  }
0x17: {  	s20 =	simm.s32 @!p0 $0x1;
	[sflag:s14] =	ssyncadd.s32 $0xFFFFD900  }
0x18: {  	[spmem:s15], [sflag:s5] =	dma.local @!p0 [hbm:s6], $0x100  }
0x19: {  	_ =	swait.ge @!p0 [sflag:s20], $0x100  }
0x1a: {  	[sflag:s20] =	ssyncset.done @!p0 $0x0  }
0x1b: {  	[sflag:s20] =	ssyncadd.s32 @!p0 $0xFFFFFF00  }
0x1c: {  	s21 =	simm.s32 @p1 $0x0;
	s22 =	simm.s32 @p1 $0x13880;
	[bflag:$0x0] =	sbarrier.arrive $0xFFFF  }
0x1d: {  	[tilespmem:s22], [sflag:$0x1] =	stream.linear.gather @p1 [hbm4b:s8+s21], $0xA00, $0x38;
	[tilespmem:$0x1E080] =	vst v63  }
0x1e: {  	s21 =	simm.s32 @p1 $0x1  }
0x1f: {  	_ =	swait.ge @p1 [sflag:s21], $0xA00  }
0x20: {  	[sflag:s21] =	ssyncset.done @p1 $0x0  }
0x21: {  	s22 =	simm.s32 @!p1 $0x13880;
	[sflag:s21] =	ssyncadd.s32 @p1 $0xFFFFF600;
	s21 =	simm.s32 @!p1 $0x0  }
0x22: {  	[tilespmem:s22], [sflag:$0x1] =	stream.linear.gather @!p1 [hbm4b:s7+s21], $0x2800, $0x38;
	[tilespmem:$0x1E080] =	vst v63  }
0x23: {  	s21 =	simm.s32 @!p1 $0x1  }
0x24: {  	_ =	swait.ge @!p1 [sflag:s21], $0x2800  }
0x25: {  	[sflag:s21] =	ssyncset.done @!p1 $0x0  }
0x26: {  	[sflag:s21] =	ssyncadd.s32 @!p1 $0xFFFFD800  }
0x27: {  	[tilespmem:s16], [sflag:$0x1] =	stream.linear.gather [hbm4b:s12+s3], $0x8000, $0x38;
	[tilespmem:$0x1E080] =	vst v63  }
0x28: {  	_ =	swait.ge [sflag:s14], $0x8000  }
0x29: {  	s22 =	simm.s32 @!p1 $0x28;
	[sflag:s14] =	ssyncset.done $0x0  }
0x2a: {  	s31 =	simm.s32 $0x13880;
	s22 =	simm.s32 @p1 $0xA;
	[sflag:s14] =	ssyncadd.s32 $0xFFFF8000  }
0x2b: {  	[spmem:s2] =	stream.indirect.scatter.add.f32 [tilespmem:s16], [sflag:$0x1], $0x80, s31, s17, $0xb8;
	[tilespmem:$0x1E080] =	vst v63  }
0x2c: {  	p2 =	sne.s32 s22, $0x1;
	_ =	swait.ge [sflag:s14], $0x4000  }
.Ltmp0:
0x2d: {  	[sflag:s14] =	ssyncset.done $0x0;
	(pc) =	sbr.rel @!p2 .LBB2_3-.Ltmp0, $4  }
0x2e: {  	s21 =	simm.s32 $0x13900;
	[sflag:s14] =	ssyncadd.s32 $0xFFFFC000  }
0x2f: {  	[spmem:s2] =	stream.indirect.scatter.add.f32 [tilespmem:s18], [sflag:$0x1], $0x80, s21, s17, $0xb8;
	[tilespmem:$0x1E080] =	vst v63  }
0x30: {  	_ =	swait.ge [sflag:s14], $0x4000  }
0x31: {  	s23 =	smov.u32 s12;
	s22 =	sadd.s32 $0xFFFFFFFF, s22;
	[sflag:s14] =	ssyncset.done $0x0  }
.LBB2_2:
0x32: {  	[sflag:s14] =	ssyncadd.s32 $0xFFFFC000;
	s23 =	sadd.s32 $0x1000, s23;
	s21 =	sadd.s32 $0x100, s21  }
0x33: {  	[tilespmem:s16], [sflag:$0x1] =	stream.linear.gather [hbm4b:s23+s3], $0x8000, $0x38;
	[tilespmem:$0x1E080] =	vst v63  }
0x34: {  	p2 =	sne.s32 s22, $0x1;
	s22 =	sadd.s32 $0xFFFFFFFF, s22;
	_ =	swait.ge [sflag:s14], $0x8000  }
0x35: {  	[sflag:s14] =	ssyncset.done $0x0  }
0x36: {  	s24 =	sadd.s32 $0xFFFFFF80, s21;
	[sflag:s14] =	ssyncadd.s32 $0xFFFF8000  }
0x37: {  	[spmem:s2] =	stream.indirect.scatter.add.f32 [tilespmem:s16], [sflag:$0x1], $0x80, s24, s17, $0xb8;
	[tilespmem:$0x1E080] =	vst v63  }
0x38: {  	_ =	swait.ge [sflag:s14], $0x4000  }
.Ltmp1:
0x39: {  	[sflag:s14] =	ssyncset.done $0x0;
	(pc) =	sbr.rel @p2 .LBB2_2-.Ltmp1, $4  }
0x3a: {  	[sflag:s14] =	ssyncadd.s32 $0xFFFFC000  }
0x3b: {  	[spmem:s2] =	stream.indirect.scatter.add.f32 [tilespmem:s18], [sflag:$0x1], $0x80, s21, s17, $0xb8;
	[tilespmem:$0x1E080] =	vst v63  }
0x3c: {  	_ =	swait.ge [sflag:s14], $0x4000  }
0x3d: {  	[sflag:s14] =	ssyncset.done $0x0  }
.LBB2_3:
0x3e: {  	[sflag:s14] =	ssyncadd.s32 $0xFFFFC000  }
0x3f: {  	[bflag:$0x0] =	sbarrier.arrive $0xFFFF  }
0x40: {  	[hbm:s9], [sflag:s5] =	dma.local [spmem:s13], $0x2700  }
0x41: {  	s19 =	sadd.s32 $0x1, s19;
	_ =	swait.ge [sflag:s14], $0x2700  }
0x42: {  	p2 =	sne.s32 s19, s11;
	[sflag:s14] =	ssyncset.done $0x0  }
.Ltmp2:
0x43: {  	[sflag:s14] =	ssyncadd.s32 $0xFFFFD900;
	(pc) =	sbr.rel @p2 .LBB2_1-.Ltmp2, $4  }
0x44: {  	[hbm:s10], [sflag:s5] =	dma.local @!p0 [spmem:s15], $0x100  }
0x45: {  	_ =	swait.ge @!p0 [sflag:s20], $0x100  }
0x46: {  	[sflag:s20] =	ssyncset.done @!p0 $0x0  }
0x47: {  	[sflag:s20] =	ssyncadd.s32 @!p0 $0xFFFFFF00  }
0x48: {  	_ =	sfence.sel $0x180000  }
0x49: {  	[bflag:$0x0] =	sbarrier.arrive $0xFFFF  }
0x4a: {  	p0 =	sne.s32 s0, $0x0;
	_ =	strace $0x90000056  }
0x4b: {  	s0 =	sadd.s32 @!p0 $0x100000, s1;
	[bflag:$0x2] =	sbarrier.arrive $0xFFFF  }
0x4c: {  	[sflag:s0] =	ssyncadd.tile.s32 @!p0 $0x1;
	_ =	shalt  }
.Lfunc_end2:
_tile_overlayer_lowered:
.L_overlay_start_2:
0x4d: {  	(tag) =	ssettag $0x2  }
0x4e: {  	s0 =	rddreg [dreg:$0x0];
	s2 =	stileid.u32  }
0x4f: {  	s1 =	rddreg [dreg:$0x1];
	p0 =	sne.s32 s2, $0x0  }
0x50: {  	s3 =	rddreg [dreg:$0x2];
	[bflag:$0x3] =	sbarrier.arrive $0xFFFF;
	s2 =	simm.s32 @!p0 $0x1C01  }
0x51: {  	[timem:s3], [sflag:s2] =	dma.local @!p0 [hbm:s0], s1  }
0x52: {  	s0 =	simm.s32 @!p0 $0x1  }
0x53: {  	_ =	swait.ge @!p0 [sflag:s0], s1  }
0x54: {  	s1 =	ssub.s32 @!p0 $0x0, s1;
	[sflag:s0] =	ssyncset.done @!p0 $0x0  }
0x55: {  	[sflag:s0] =	ssyncadd.s32 @!p0 s1  }
0x56: {  	[bflag:$0x3] =	sbarrier.arrive $0xFFFF  }
0x57: {  	_ =	shalt  }

</sc_bundles>
